<compile_context>
chip_gen: v7x
topology: tpu7x:2x2x1
jax: 0.10.2.dev20260603
libtpu: 0.0.44.dev20260713+nightly
codegen_flags: <defaults>
</compile_context>

<pallas_src>
import functools

import jax
import jax.numpy as jnp
from jax import lax
from jax.experimental import pallas as pl
from jax.experimental.pallas import tpu as pltpu
from jax.experimental.pallas import tpu_sc as plsc

EMBED_DIM = 64
SCALE = 8.0
NUM_WORKERS = 32
BW = 128
NBUF = 4
LOOKAHEAD = 2
LANES = 16


def _emb_kernel(n_seq, n_batch):
    assert n_batch == NUM_WORKERS * BW
    assert n_seq % NBUF == 0 and n_seq >= 2 * NBUF
    mesh = plsc.VectorSubcoreMesh(core_axis_name="c", subcore_axis_name="s")

    @functools.partial(
        pl.kernel,
        mesh=mesh,
        out_type=jax.ShapeDtypeStruct((n_seq, EMBED_DIM, n_batch), jnp.float32),
        scratch_types=[
            pltpu.VMEM((NBUF, BW), jnp.int32),
            pltpu.VMEM((NBUF, BW), jnp.int32),
            pltpu.VMEM((NBUF, BW, 128), jnp.float32),
            pltpu.VMEM((NBUF, EMBED_DIM, BW), jnp.float32),
            pltpu.SemaphoreType.DMA((NBUF,)),
            pltpu.SemaphoreType.DMA((NBUF,)),
        ],
        compiler_params=pltpu.CompilerParams(needs_layout_passes=False),
    )
    def emb(xt_hbm, pairs_hbm, out_hbm, idxr, idxh, gbuf, sbuf, sem_g, sem_o):
        wid = lax.axis_index("s") * 2 + lax.axis_index("c")
        b0 = wid * BW

        lane = lax.iota(jnp.int32, LANES)
        rot = [(lane + cc) & (LANES - 1) for cc in range(LANES)]

        def fire_gather(g, sp):
            pltpu.sync_copy(xt_hbm.at[g, pl.ds(b0, BW)], idxr.at[sp])
            for k in range(BW // LANES):
                sl = pl.ds(k * LANES, LANES)
                idxh[sp, sl] = lax.shift_right_logical(idxr[sp, sl], 1)
            pltpu.async_copy(
                pairs_hbm.at[idxh.at[sp]], gbuf.at[sp], sem_g.at[sp]
            )

        def wait_gather(sp):
            pltpu.make_async_copy(
                pairs_hbm.at[idxh.at[sp]], gbuf.at[sp], sem_g.at[sp]
            ).wait()

        def store_chunk(g, sp):
            pltpu.async_copy(
                sbuf.at[sp], out_hbm.at[g, :, pl.ds(b0, BW)], sem_o.at[sp]
            )

        def wait_store(g, sp):
            pltpu.make_async_copy(
                sbuf.at[sp], out_hbm.at[g, :, pl.ds(b0, BW)], sem_o.at[sp]
            ).wait()

        def compact(sp):
            n_quanta = (BW // LANES) * (EMBED_DIM // LANES) * LANES

            @plsc.parallel_loop(0, n_quanta, unroll=4)
            def _(q):
                l0 = q >> 6
                dd = (q >> 4) & 3
                cc = q & (LANES - 1)
                iv = idxr[sp, pl.ds(l0 * LANES, LANES)]
                half = (iv & 1) * EMBED_DIM
                rowv = lane + l0 * LANES
                cdv = ((lane + cc) & (LANES - 1)) + dd * LANES
                colv = cdv + half
                v = plsc.load_gather(gbuf.at[sp], [rowv, colv])
                plsc.store_scatter(sbuf.at[sp], [cdv, rowv], v * SCALE)

        for k in range(LOOKAHEAD):
            fire_gather(k, k)

        def group_body(g0, carry):
            for sp in range(NBUF):
                g = g0 * NBUF + sp
                pf = g + LOOKAHEAD
                sp_pf = (sp + LOOKAHEAD) % NBUF

                @pl.when(pf < n_seq)
                def _():
                    @pl.when(pf >= NBUF)
                    def _():
                        wait_store(pf - NBUF, sp_pf)

                    fire_gather(pf, sp_pf)

                wait_gather(sp)
                compact(sp)
                store_chunk(g, sp)
            return carry

        lax.fori_loop(0, n_seq // NBUF, group_body, 0)

        for sp in range(NBUF):
            wait_store(n_seq - NBUF + sp, sp)

    return emb


TCH = 128
RNB = 4


def _repack_kernel(vocab):
    n_chunks = vocab // TCH
    mesh = plsc.VectorSubcoreMesh(core_axis_name="c", subcore_axis_name="s")
    n_iter = (n_chunks + NUM_WORKERS - 1) // NUM_WORKERS

    @functools.partial(
        pl.kernel,
        mesh=mesh,
        out_type=jax.ShapeDtypeStruct((vocab // 2, 128), jnp.float32),
        scratch_types=[
            pltpu.VMEM((RNB, EMBED_DIM, TCH), jnp.float32),
            pltpu.VMEM((RNB, TCH // 2, 128), jnp.float32),
            pltpu.VMEM((128, LANES), jnp.int32),
            pltpu.VMEM((128, LANES), jnp.int32),
            pltpu.SemaphoreType.DMA((RNB,)),
            pltpu.SemaphoreType.DMA((RNB,)),
        ],
        compiler_params=pltpu.CompilerParams(needs_layout_passes=False),
    )
    def rep(tt_hbm, tail_hbm, pairs_hbm, tin, tout, prow, pbit, sem_i, sem_o):
        wid = lax.axis_index("s") * 2 + lax.axis_index("c")
        lane = lax.iota(jnp.int32, LANES)

        @plsc.parallel_loop(0, 128, unroll=4)
        def _(p):
            dj = p >> 4
            cc = p & (LANES - 1)
            jp = ((lane + cc) & (LANES - 1)) + dj * LANES
            prow[p, pl.ds(0, LANES)] = jp & (EMBED_DIM - 1)
            pbit[p, pl.ds(0, LANES)] = (jp >= EMBED_DIM).astype(jnp.int32)

        k2 = [lane * 2 + (kg * LANES * 2) for kg in range(TCH // 2 // LANES)]
        krow = [lane + (kg * LANES) for kg in range(TCH // 2 // LANES)]

        def _in_off(ci):
            return pl.multiple_of((wid + NUM_WORKERS * ci) * TCH, TCH)

        def _out_off(ci):
            return pl.multiple_of((wid + NUM_WORKERS * ci) * (TCH // 2), TCH // 2)

        def fire_in(ci, sl):
            pltpu.async_copy(
                tt_hbm.at[:, pl.ds(_in_off(ci), TCH)], tin.at[sl], sem_i.at[sl]
            )

        def wait_in(ci, sl):
            pltpu.make_async_copy(
                tt_hbm.at[:, pl.ds(_in_off(ci), TCH)], tin.at[sl], sem_i.at[sl]
            ).wait()

        def fire_out(ci, sl):
            pltpu.async_copy(
                tout.at[sl], pairs_hbm.at[pl.ds(_out_off(ci), TCH // 2)],
                sem_o.at[sl],
            )

        def wait_out(ci, sl):
            pltpu.make_async_copy(
                tout.at[sl], pairs_hbm.at[pl.ds(_out_off(ci), TCH // 2)],
                sem_o.at[sl],
            ).wait()

        @pl.when(wid == 0)
        def _():
            tail_rows = (vocab - n_chunks * TCH) // 2
            pltpu.sync_copy(tail_hbm, tout.at[0].at[pl.ds(0, tail_rows)])
            pltpu.sync_copy(
                tout.at[0].at[pl.ds(0, tail_rows)],
                pairs_hbm.at[pl.ds(n_chunks * TCH // 2, tail_rows)],
            )

        for k in range(2):
            @pl.when(wid + NUM_WORKERS * k < n_chunks)
            def _():
                fire_in(k, k)

        def one_step(ci, sl):
            gid = wid + NUM_WORKERS * ci

            @pl.when(gid < n_chunks)
            def _():
                pf = ci + 2
                sl_pf = (sl + 2) % RNB

                @pl.when(gid + 2 * NUM_WORKERS < n_chunks)
                def _():
                    @pl.when(gid >= 2 * NUM_WORKERS)
                    def _():
                        wait_out(pf - RNB, sl_pf)

                    fire_in(pf, sl_pf)

                wait_in(ci, sl)

                for kg in range(TCH // 2 // LANES):
                    @plsc.parallel_loop(0, 128, unroll=4)
                    def _(p):
                        rowv = prow[p, pl.ds(0, LANES)]
                        bitv = pbit[p, pl.ds(0, LANES)]
                        colv = k2[kg] + bitv
                        v = plsc.load_gather(tin.at[sl], [rowv, colv])
                        plsc.store_scatter(
                            tout.at[sl],
                            [krow[kg], rowv + bitv * EMBED_DIM],
                            v,
                        )

                fire_out(ci, sl)

        def body(c2, carry):
            for sls in range(RNB):
                one_step(c2 * RNB + sls, sls)
            return carry

        lax.fori_loop(0, (n_iter + RNB - 1) // RNB, body, 0)

        tot = (n_iter + RNB - 1) // RNB * RNB
        for back in range(2 * RNB, 0, -1):
            ci = tot - back
            if ci < 0:
                continue
            gid = wid + NUM_WORKERS * ci

            @pl.when((gid < n_chunks) & (gid + 4 * NUM_WORKERS >= n_chunks))
            def _():
                wait_out(ci, ci % RNB)

    return rep


def kernel(x, table):
    b, s = x.shape
    v, _ = table.shape
    xt = jnp.swapaxes(x, 0, 1).astype(jnp.int32)
    tt = jnp.swapaxes(table, 0, 1)
    n_full = v // TCH * TCH
    tail = table[n_full:].reshape(-1, 128)
    pairs = _repack_kernel(v)(tt, tail)
    out = _emb_kernel(s, b)(xt, pairs)
    return jnp.transpose(out, (2, 0, 1))

# --- scband reference (transcript-rebuilt; emitter-appended) ---
"""Pipeline reference for scband-embeddings-25718264169258 (READ-ONLY COPY).

The authoritative reference and input builder live on the scoring server;
editing this copy changes nothing except your own understanding.
"""

import jax, jax.numpy as jnp
import numpy as np
import math

VOCAB_SIZE = 1000000
EMBED_DIM = 64

def setup_inputs(seed: int = 0) -> dict:
    key = jax.random.key(seed)
    k1, k2 = jax.random.split(key)
    x = jax.random.randint(k1, (4096, 200), 0, VOCAB_SIZE, dtype=jnp.int64 if jax.config.jax_enable_x64 else jnp.int32)
    table = jax.random.normal(k2, (VOCAB_SIZE, EMBED_DIM), dtype=jnp.float32)
    return {"x": x, "table": table}

def reference(x, table):
    # nn.Embedding lookup followed by scaling by sqrt(embed_dim)
    out = jnp.take(table, x, axis=0) * math.sqrt(EMBED_DIM)
    return out

if __name__ == "__main__":
    import jax
    _d = setup_inputs()
    print(jax.jit(kernel)(*tuple(_d.values())))

</pallas_src>

<mosaic_0001>
#map = affine_map<(d0, d1) -> (0, 0)>
module attributes {stable_mosaic.version = 14 : i64} {
  func.func @rep(%arg0: i32, %arg1: i32, %arg2: memref<64x1000000xf32, #tpu.memory_space<hbm>>, %arg3: memref<32x128xf32, #tpu.memory_space<hbm>>, %arg4: memref<500000x128xf32, #tpu.memory_space<hbm>>, %arg5: memref<4x64x128xf32, #tpu.memory_space<vmem>>, %arg6: memref<4x64x128xf32, #tpu.memory_space<vmem>>, %arg7: memref<128x16xi32, #tpu.memory_space<vmem>>, %arg8: memref<128x16xi32, #tpu.memory_space<vmem>>, %arg9: memref<4x!tpu.dma_semaphore, #tpu.memory_space<semaphore_mem>>, %arg10: memref<4x!tpu.dma_semaphore, #tpu.memory_space<semaphore_mem>>) attributes {dimension_semantics = [#tpu.dimension_semantics<core_parallel>, #tpu.dimension_semantics<subcore_parallel>], iteration_bounds = array<i64: 2, 16>, scalar_prefetch = 0 : i64, scratch_operands = 6 : i64, tpu.core_type = #tpu.core_type<sc_vector_subcore>, window_params = [{transform_indices = #map}, {transform_indices = #map}, {transform_indices = #map}]} {
    %mul3A = arith.constant 2 : i32
    %mul3A_0 = arith.muli %arg1, %mul3A : i32
    %add3A = arith.addi %mul3A_0, %arg0 : i32
    %iota3A = tpu.iota {dimensions = array<i32: 0>} : vector<16xi32>
    %parallel_loop3A = arith.constant 0 : i32
    %parallel_loop3A_1 = arith.constant 128 : i32
    %parallel_loop3A_2 = arith.constant 1 : i32
    scf.for %parallel_loop3A_153 = %parallel_loop3A to %parallel_loop3A_1 step %parallel_loop3A_2  : i32 {
      %parallel_loop3A_154 = arith.constant 4 : i32
      %parallel_loop3A_155 = arith.shrsi %parallel_loop3A_153, %parallel_loop3A_154 : i32
      %parallel_loop3A_156 = arith.constant 15 : i32
      %parallel_loop3A_157 = arith.andi %parallel_loop3A_153, %parallel_loop3A_156 : i32
      %parallel_loop3A_158 = vector.broadcast %parallel_loop3A_157 : i32 to vector<16xi32>
      %parallel_loop3A_159 = arith.addi %iota3A, %parallel_loop3A_158 : vector<16xi32>
      %parallel_loop3A_160 = arith.constant 15 : i32
      %parallel_loop3A_161 = vector.broadcast %parallel_loop3A_160 : i32 to vector<16xi32>
      %parallel_loop3A_162 = arith.andi %parallel_loop3A_159, %parallel_loop3A_161 : vector<16xi32>
      %parallel_loop3A_163 = arith.constant 16 : i32
      %parallel_loop3A_164 = arith.muli %parallel_loop3A_155, %parallel_loop3A_163 : i32
      %parallel_loop3A_165 = vector.broadcast %parallel_loop3A_164 : i32 to vector<16xi32>
      %parallel_loop3A_166 = arith.addi %parallel_loop3A_162, %parallel_loop3A_165 : vector<16xi32>
      %parallel_loop3A_167 = arith.constant 63 : i32
      %parallel_loop3A_168 = vector.broadcast %parallel_loop3A_167 : i32 to vector<16xi32>
      %parallel_loop3A_169 = arith.andi %parallel_loop3A_166, %parallel_loop3A_168 : vector<16xi32>
      %parallel_loop3A_170 = arith.index_cast %parallel_loop3A_153 : i32 to index
      %parallel_loop3A_171 = arith.constant 0 : index
      %parallel_loop3A_172 = tpu.vector_load %arg7[%parallel_loop3A_170, %parallel_loop3A_171] {strides = array<i32>} : memref<128x16xi32, #tpu.memory_space<vmem>>, vector<16xi32>,
      tpu.vector_store %arg7[%parallel_loop3A_170, %parallel_loop3A_171], %parallel_loop3A_169 {strides = array<i32>} : memref<128x16xi32, #tpu.memory_space<vmem>>, vector<16xi32>,
      %parallel_loop3A_173 = arith.constant 64 : i32
      %parallel_loop3A_174 = vector.broadcast %parallel_loop3A_173 : i32 to vector<16xi32>
      %parallel_loop3A_175 = arith.cmpi sge, %parallel_loop3A_166, %parallel_loop3A_174 : vector<16xi32>
      %parallel_loop3A_176 = arith.extui %parallel_loop3A_175 : vector<16xi1> to vector<16xi32>
      %parallel_loop3A_177 = arith.index_cast %parallel_loop3A_153 : i32 to index
      %parallel_loop3A_178 = arith.constant 0 : index
      %parallel_loop3A_179 = tpu.vector_load %arg8[%parallel_loop3A_177, %parallel_loop3A_178] {strides = array<i32>} : memref<128x16xi32, #tpu.memory_space<vmem>>, vector<16xi32>,
      tpu.vector_store %arg8[%parallel_loop3A_177, %parallel_loop3A_178], %parallel_loop3A_176 {strides = array<i32>} : memref<128x16xi32, #tpu.memory_space<vmem>>, vector<16xi32>,
    } {sc.loop_unroll_factor = 4 : i64, sc.parallel_access}
    %mul3A_3 = arith.constant 2 : i32
    %mul3A_4 = vector.broadcast %mul3A_3 : i32 to vector<16xi32>
    %mul3A_5 = arith.muli %iota3A, %mul3A_4 : vector<16xi32>
    %add3A_6 = arith.constant 0 : i32
    %add3A_7 = vector.broadcast %add3A_6 : i32 to vector<16xi32>
    %add3A_8 = arith.addi %mul3A_5, %add3A_7 : vector<16xi32>
    %mul3A_9 = arith.constant 2 : i32
    %mul3A_10 = vector.broadcast %mul3A_9 : i32 to vector<16xi32>
    %mul3A_11 = arith.muli %iota3A, %mul3A_10 : vector<16xi32>
    %add3A_12 = arith.constant 32 : i32
    %add3A_13 = vector.broadcast %add3A_12 : i32 to vector<16xi32>
    %add3A_14 = arith.addi %mul3A_11, %add3A_13 : vector<16xi32>
    %mul3A_15 = arith.constant 2 : i32
    %mul3A_16 = vector.broadcast %mul3A_15 : i32 to vector<16xi32>
    %mul3A_17 = arith.muli %iota3A, %mul3A_16 : vector<16xi32>
    %add3A_18 = arith.constant 64 : i32
    %add3A_19 = vector.broadcast %add3A_18 : i32 to vector<16xi32>
    %add3A_20 = arith.addi %mul3A_17, %add3A_19 : vector<16xi32>
    %mul3A_21 = arith.constant 2 : i32
    %mul3A_22 = vector.broadcast %mul3A_21 : i32 to vector<16xi32>
    %mul3A_23 = arith.muli %iota3A, %mul3A_22 : vector<16xi32>
    %add3A_24 = arith.constant 96 : i32
    %add3A_25 = vector.broadcast %add3A_24 : i32 to vector<16xi32>
    %add3A_26 = arith.addi %mul3A_23, %add3A_25 : vector<16xi32>
    %add3A_27 = arith.constant 0 : i32
    %add3A_28 = vector.broadcast %add3A_27 : i32 to vector<16xi32>
    %add3A_29 = arith.addi %iota3A, %add3A_28 : vector<16xi32>
    %add3A_30 = arith.constant 16 : i32
    %add3A_31 = vector.broadcast %add3A_30 : i32 to vector<16xi32>
    %add3A_32 = arith.addi %iota3A, %add3A_31 : vector<16xi32>
    %add3A_33 = arith.constant 32 : i32
    %add3A_34 = vector.broadcast %add3A_33 : i32 to vector<16xi32>
    %add3A_35 = arith.addi %iota3A, %add3A_34 : vector<16xi32>
    %add3A_36 = arith.constant 48 : i32
    %add3A_37 = vector.broadcast %add3A_36 : i32 to vector<16xi32>
    %add3A_38 = arith.addi %iota3A, %add3A_37 : vector<16xi32>
    %eq3A = arith.constant 0 : i32
    %eq3A_39 = arith.cmpi eq, %add3A, %eq3A : i32
    %convert_element_type3A = arith.extui %eq3A_39 : i1 to i32
    %cond3A = arith.constant 0 : i32
    %cond3A_40 = arith.cmpi ne, %convert_element_type3A, %cond3A : i32
    scf.if %cond3A_40 {
      %run_scoped3A = arith.constant 0 : i32
      "tpu.region"() ({
        %run_scoped3A_154 = tpu.sem_alloc : memref<!tpu.dma_semaphore, #tpu.memory_space<semaphore_mem>>
        %dma_start3A = arith.constant 0 : i32
        %dma_start3A_155 = arith.constant 0 : i32
        %dma_start3A_156 = tpu.memref_slice %arg6[%run_scoped3A, %dma_start3A, %dma_start3A_155] : memref<4x64x128xf32, #tpu.memory_space<vmem>> -> memref<1x64x128xf32, #tpu.memory_space<vmem>>
        %dma_start3A_157 = tpu.memref_squeeze %dma_start3A_156 : memref<1x64x128xf32, #tpu.memory_space<vmem>> -> memref<64x128xf32, #tpu.memory_space<vmem>>
        %dma_start3A_158 = arith.constant 0 : i32
        %dma_start3A_159 = arith.constant 0 : i32
        %dma_start3A_160 = tpu.memref_slice %dma_start3A_157[%dma_start3A_158, %dma_start3A_159] : memref<64x128xf32, #tpu.memory_space<vmem>> -> memref<32x128xf32, #tpu.memory_space<vmem>>
        %dma_start3A_161 = arith.constant 0 : i32
        %dma_start3A_162 = arith.constant 0 : i32
        %dma_start3A_163 = tpu.memref_slice %arg6[%run_scoped3A, %dma_start3A_161, %dma_start3A_162] : memref<4x64x128xf32, #tpu.memory_space<vmem>> -> memref<1x64x128xf32, #tpu.memory_space<vmem>>
        %dma_start3A_164 = tpu.memref_squeeze %dma_start3A_163 : memref<1x64x128xf32, #tpu.memory_space<vmem>> -> memref<64x128xf32, #tpu.memory_space<vmem>>
        %dma_start3A_165 = arith.constant 0 : i32
        %dma_start3A_166 = arith.constant 0 : i32
        %dma_start3A_167 = tpu.memref_slice %dma_start3A_164[%dma_start3A_165, %dma_start3A_166] : memref<64x128xf32, #tpu.memory_space<vmem>> -> memref<32x128xf32, #tpu.memory_space<vmem>>
        tpu.enqueue_dma source(%arg3 : memref<32x128xf32, #tpu.memory_space<hbm>>) target(%dma_start3A_167 : memref<32x128xf32, #tpu.memory_space<vmem>>) target_semaphore(%run_scoped3A_154 : memref<!tpu.dma_semaphore, #tpu.memory_space<semaphore_mem>>)
        %dma_wait3A = arith.constant 0 : i32
        %dma_wait3A_168 = arith.constant 0 : i32
        %dma_wait3A_169 = tpu.memref_slice %arg6[%run_scoped3A, %dma_wait3A, %dma_wait3A_168] : memref<4x64x128xf32, #tpu.memory_space<vmem>> -> memref<1x64x128xf32, #tpu.memory_space<vmem>>
        %dma_wait3A_170 = tpu.memref_squeeze %dma_wait3A_169 : memref<1x64x128xf32, #tpu.memory_space<vmem>> -> memref<64x128xf32, #tpu.memory_space<vmem>>
        %dma_wait3A_171 = arith.constant 0 : i32
        %dma_wait3A_172 = arith.constant 0 : i32
        %dma_wait3A_173 = tpu.memref_slice %dma_wait3A_170[%dma_wait3A_171, %dma_wait3A_172] : memref<64x128xf32, #tpu.memory_space<vmem>> -> memref<32x128xf32, #tpu.memory_space<vmem>>
        %dma_wait3A_174 = arith.constant 0 : i32
        %dma_wait3A_175 = arith.constant 0 : i32
        %dma_wait3A_176 = tpu.memref_slice %arg6[%run_scoped3A, %dma_wait3A_174, %dma_wait3A_175] : memref<4x64x128xf32, #tpu.memory_space<vmem>> -> memref<1x64x128xf32, #tpu.memory_space<vmem>>
        %dma_wait3A_177 = tpu.memref_squeeze %dma_wait3A_176 : memref<1x64x128xf32, #tpu.memory_space<vmem>> -> memref<64x128xf32, #tpu.memory_space<vmem>>
        %dma_wait3A_178 = arith.constant 0 : i32
        %dma_wait3A_179 = arith.constant 0 : i32
        %dma_wait3A_180 = tpu.memref_slice %dma_wait3A_177[%dma_wait3A_178, %dma_wait3A_179] : memref<64x128xf32, #tpu.memory_space<vmem>> -> memref<32x128xf32, #tpu.memory_space<vmem>>
        tpu.wait_dma2 semaphore(%run_scoped3A_154 : memref<!tpu.dma_semaphore, #tpu.memory_space<semaphore_mem>>) src(%arg3 : memref<32x128xf32, #tpu.memory_space<hbm>>) dst(%dma_wait3A_180 : memref<32x128xf32, #tpu.memory_space<vmem>>)
        tpu.yield
      }) : () -> ()
      %run_scoped3A_153 = arith.constant 0 : i32
      "tpu.region"() ({
        %run_scoped3A_154 = tpu.sem_alloc : memref<!tpu.dma_semaphore, #tpu.memory_space<semaphore_mem>>
        %dma_start3A = arith.constant 0 : i32
        %dma_start3A_155 = arith.constant 0 : i32
        %dma_start3A_156 = tpu.memref_slice %arg6[%run_scoped3A_153, %dma_start3A, %dma_start3A_155] : memref<4x64x128xf32, #tpu.memory_space<vmem>> -> memref<1x64x128xf32, #tpu.memory_space<vmem>>
        %dma_start3A_157 = tpu.memref_squeeze %dma_start3A_156 : memref<1x64x128xf32, #tpu.memory_space<vmem>> -> memref<64x128xf32, #tpu.memory_space<vmem>>
        %dma_start3A_158 = arith.constant 0 : i32
        %dma_start3A_159 = arith.constant 0 : i32
        %dma_start3A_160 = tpu.memref_slice %dma_start3A_157[%dma_start3A_158, %dma_start3A_159] : memref<64x128xf32, #tpu.memory_space<vmem>> -> memref<32x128xf32, #tpu.memory_space<vmem>>
        %dma_start3A_161 = arith.constant 499968 : i32
        %dma_start3A_162 = arith.constant 0 : i32
        %dma_start3A_163 = tpu.memref_slice %arg4[%dma_start3A_161, %dma_start3A_162] : memref<500000x128xf32, #tpu.memory_space<hbm>> -> memref<32x128xf32, #tpu.memory_space<hbm>>
        %dma_start3A_164 = arith.constant 499968 : i32
        %dma_start3A_165 = arith.constant 0 : i32
        %dma_start3A_166 = tpu.memref_slice %arg4[%dma_start3A_164, %dma_start3A_165] : memref<500000x128xf32, #tpu.memory_space<hbm>> -> memref<32x128xf32, #tpu.memory_space<hbm>>
        %dma_start3A_167 = arith.constant 0 : i32
        %dma_start3A_168 = arith.constant 0 : i32
        %dma_start3A_169 = tpu.memref_slice %arg6[%run_scoped3A_153, %dma_start3A_167, %dma_start3A_168] : memref<4x64x128xf32, #tpu.memory_space<vmem>> -> memref<1x64x128xf32, #tpu.memory_space<vmem>>
        %dma_start3A_170 = tpu.memref_squeeze %dma_start3A_169 : memref<1x64x128xf32, #tpu.memory_space<vmem>> -> memref<64x128xf32, #tpu.memory_space<vmem>>
        %dma_start3A_171 = arith.constant 0 : i32
        %dma_start3A_172 = arith.constant 0 : i32
        %dma_start3A_173 = tpu.memref_slice %dma_start3A_170[%dma_start3A_171, %dma_start3A_172] : memref<64x128xf32, #tpu.memory_space<vmem>> -> memref<32x128xf32, #tpu.memory_space<vmem>>
        tpu.enqueue_dma source(%dma_start3A_173 : memref<32x128xf32, #tpu.memory_space<vmem>>) target(%dma_start3A_166 : memref<32x128xf32, #tpu.memory_space<hbm>>) target_semaphore(%run_scoped3A_154 : memref<!tpu.dma_semaphore, #tpu.memory_space<semaphore_mem>>)
        %dma_wait3A = arith.constant 0 : i32
        %dma_wait3A_174 = arith.constant 0 : i32
        %dma_wait3A_175 = tpu.memref_slice %arg6[%run_scoped3A_153, %dma_wait3A, %dma_wait3A_174] : memref<4x64x128xf32, #tpu.memory_space<vmem>> -> memref<1x64x128xf32, #tpu.memory_space<vmem>>
        %dma_wait3A_176 = tpu.memref_squeeze %dma_wait3A_175 : memref<1x64x128xf32, #tpu.memory_space<vmem>> -> memref<64x128xf32, #tpu.memory_space<vmem>>
        %dma_wait3A_177 = arith.constant 0 : i32
        %dma_wait3A_178 = arith.constant 0 : i32
        %dma_wait3A_179 = tpu.memref_slice %dma_wait3A_176[%dma_wait3A_177, %dma_wait3A_178] : memref<64x128xf32, #tpu.memory_space<vmem>> -> memref<32x128xf32, #tpu.memory_space<vmem>>
        %dma_wait3A_180 = arith.constant 499968 : i32
        %dma_wait3A_181 = arith.constant 0 : i32
        %dma_wait3A_182 = tpu.memref_slice %arg4[%dma_wait3A_180, %dma_wait3A_181] : memref<500000x128xf32, #tpu.memory_space<hbm>> -> memref<32x128xf32, #tpu.memory_space<hbm>>
        %dma_wait3A_183 = arith.constant 499968 : i32
        %dma_wait3A_184 = arith.constant 0 : i32
        %dma_wait3A_185 = tpu.memref_slice %arg4[%dma_wait3A_183, %dma_wait3A_184] : memref<500000x128xf32, #tpu.memory_space<hbm>> -> memref<32x128xf32, #tpu.memory_space<hbm>>
        %dma_wait3A_186 = arith.constant 0 : i32
        %dma_wait3A_187 = arith.constant 0 : i32
        %dma_wait3A_188 = tpu.memref_slice %arg6[%run_scoped3A_153, %dma_wait3A_186, %dma_wait3A_187] : memref<4x64x128xf32, #tpu.memory_space<vmem>> -> memref<1x64x128xf32, #tpu.memory_space<vmem>>
        %dma_wait3A_189 = tpu.memref_squeeze %dma_wait3A_188 : memref<1x64x128xf32, #tpu.memory_space<vmem>> -> memref<64x128xf32, #tpu.memory_space<vmem>>
        %dma_wait3A_190 = arith.constant 0 : i32
        %dma_wait3A_191 = arith.constant 0 : i32
        %dma_wait3A_192 = tpu.memref_slice %dma_wait3A_189[%dma_wait3A_190, %dma_wait3A_191] : memref<64x128xf32, #tpu.memory_space<vmem>> -> memref<32x128xf32, #tpu.memory_space<vmem>>
        tpu.wait_dma2 semaphore(%run_scoped3A_154 : memref<!tpu.dma_semaphore, #tpu.memory_space<semaphore_mem>>) src(%dma_wait3A_192 : memref<32x128xf32, #tpu.memory_space<vmem>>) dst(%dma_wait3A_185 : memref<32x128xf32, #tpu.memory_space<hbm>>)
        tpu.yield
      }) : () -> ()
    } else {
    }
    %add3A_41 = arith.constant 0 : i32
    %add3A_42 = arith.addi %add3A, %add3A_41 : i32
    %lt3A = arith.constant 7812 : i32
    %lt3A_43 = arith.cmpi slt, %add3A_42, %lt3A : i32
    %convert_element_type3A_44 = arith.extui %lt3A_43 : i1 to i32
    %cond3A_45 = arith.constant 0 : i32
    %cond3A_46 = arith.cmpi ne, %convert_element_type3A_44, %cond3A_45 : i32
    scf.if %cond3A_46 {
      %add3A_153 = arith.constant 0 : i32
      %add3A_154 = arith.addi %add3A, %add3A_153 : i32
      %mul3A_155 = arith.constant 128 : i32
      %mul3A_156 = arith.muli %add3A_154, %mul3A_155 : i32
      %multiple_of3A = tpu.assume_multiple %mul3A_156, 128 : i32
      %dma_start3A = arith.constant 0 : i32
      %dma_start3A_157 = arith.constant 0 : i32
      %dma_start3A_158 = arith.constant 0 : i32
      %dma_start3A_159 = arith.constant 0 : i32
      %dma_start3A_160 = tpu.memref_slice %arg5[%dma_start3A, %dma_start3A_158, %dma_start3A_159] : memref<4x64x128xf32, #tpu.memory_space<vmem>> -> memref<1x64x128xf32, #tpu.memory_space<vmem>>
      %dma_start3A_161 = tpu.memref_squeeze %dma_start3A_160 : memref<1x64x128xf32, #tpu.memory_space<vmem>> -> memref<64x128xf32, #tpu.memory_space<vmem>>
      %dma_start3A_162 = arith.constant 0 : i32
      %dma_start3A_163 = tpu.memref_slice %arg2[%dma_start3A_162, %multiple_of3A] : memref<64x1000000xf32, #tpu.memory_space<hbm>> -> memref<64x128xf32, #tpu.memory_space<hbm>>
      %dma_start3A_164 = tpu.memref_slice %arg9[%dma_start3A_157] : memref<4x!tpu.dma_semaphore, #tpu.memory_space<semaphore_mem>> -> memref<1x!tpu.dma_semaphore, #tpu.memory_space<semaphore_mem>>
      %dma_start3A_165 = tpu.memref_squeeze %dma_start3A_164 : memref<1x!tpu.dma_semaphore, #tpu.memory_space<semaphore_mem>> -> memref<!tpu.dma_semaphore, #tpu.memory_space<semaphore_mem>>
      %dma_start3A_166 = arith.constant 0 : i32
      %dma_start3A_167 = arith.constant 0 : i32
      %dma_start3A_168 = tpu.memref_slice %arg5[%dma_start3A, %dma_start3A_166, %dma_start3A_167] : memref<4x64x128xf32, #tpu.memory_space<vmem>> -> memref<1x64x128xf32, #tpu.memory_space<vmem>>
      %dma_start3A_169 = tpu.memref_squeeze %dma_start3A_168 : memref<1x64x128xf32, #tpu.memory_space<vmem>> -> memref<64x128xf32, #tpu.memory_space<vmem>>
      %dma_start3A_170 = arith.constant 0 : i32
      %dma_start3A_171 = tpu.memref_slice %arg2[%dma_start3A_170, %multiple_of3A] : memref<64x1000000xf32, #tpu.memory_space<hbm>> -> memref<64x128xf32, #tpu.memory_space<hbm>>
      tpu.enqueue_dma source(%dma_start3A_171 : memref<64x128xf32, #tpu.memory_space<hbm>>) target(%dma_start3A_169 : memref<64x128xf32, #tpu.memory_space<vmem>>) target_semaphore(%dma_start3A_165 : memref<!tpu.dma_semaphore, #tpu.memory_space<semaphore_mem>>)
    } else {
    }
    %add3A_47 = arith.constant 32 : i32
    %add3A_48 = arith.addi %add3A, %add3A_47 : i32
    %lt3A_49 = arith.constant 7812 : i32
    %lt3A_50 = arith.cmpi slt, %add3A_48, %lt3A_49 : i32
    %convert_element_type3A_51 = arith.extui %lt3A_50 : i1 to i32
    %cond3A_52 = arith.constant 0 : i32
    %cond3A_53 = arith.cmpi ne, %convert_element_type3A_51, %cond3A_52 : i32
    scf.if %cond3A_53 {
      %add3A_153 = arith.constant 32 : i32
      %add3A_154 = arith.addi %add3A, %add3A_153 : i32
      %mul3A_155 = arith.constant 128 : i32
      %mul3A_156 = arith.muli %add3A_154, %mul3A_155 : i32
      %multiple_of3A = tpu.assume_multiple %mul3A_156, 128 : i32
      %dma_start3A = arith.constant 1 : i32
      %dma_start3A_157 = arith.constant 1 : i32
      %dma_start3A_158 = arith.constant 0 : i32
      %dma_start3A_159 = arith.constant 0 : i32
      %dma_start3A_160 = tpu.memref_slice %arg5[%dma_start3A, %dma_start3A_158, %dma_start3A_159] : memref<4x64x128xf32, #tpu.memory_space<vmem>> -> memref<1x64x128xf32, #tpu.memory_space<vmem>>
      %dma_start3A_161 = tpu.memref_squeeze %dma_start3A_160 : memref<1x64x128xf32, #tpu.memory_space<vmem>> -> memref<64x128xf32, #tpu.memory_space<vmem>>
      %dma_start3A_162 = arith.constant 0 : i32
      %dma_start3A_163 = tpu.memref_slice %arg2[%dma_start3A_162, %multiple_of3A] : memref<64x1000000xf32, #tpu.memory_space<hbm>> -> memref<64x128xf32, #tpu.memory_space<hbm>>
      %dma_start3A_164 = tpu.memref_slice %arg9[%dma_start3A_157] : memref<4x!tpu.dma_semaphore, #tpu.memory_space<semaphore_mem>> -> memref<1x!tpu.dma_semaphore, #tpu.memory_space<semaphore_mem>>
      %dma_start3A_165 = tpu.memref_squeeze %dma_start3A_164 : memref<1x!tpu.dma_semaphore, #tpu.memory_space<semaphore_mem>> -> memref<!tpu.dma_semaphore, #tpu.memory_space<semaphore_mem>>
      %dma_start3A_166 = arith.constant 0 : i32
      %dma_start3A_167 = arith.constant 0 : i32
      %dma_start3A_168 = tpu.memref_slice %arg5[%dma_start3A, %dma_start3A_166, %dma_start3A_167] : memref<4x64x128xf32, #tpu.memory_space<vmem>> -> memref<1x64x128xf32, #tpu.memory_space<vmem>>
      %dma_start3A_169 = tpu.memref_squeeze %dma_start3A_168 : memref<1x64x128xf32, #tpu.memory_space<vmem>> -> memref<64x128xf32, #tpu.memory_space<vmem>>
      %dma_start3A_170 = arith.constant 0 : i32
      %dma_start3A_171 = tpu.memref_slice %arg2[%dma_start3A_170, %multiple_of3A] : memref<64x1000000xf32, #tpu.memory_space<hbm>> -> memref<64x128xf32, #tpu.memory_space<hbm>>
      tpu.enqueue_dma source(%dma_start3A_171 : memref<64x128xf32, #tpu.memory_space<hbm>>) target(%dma_start3A_169 : memref<64x128xf32, #tpu.memory_space<vmem>>) target_semaphore(%dma_start3A_165 : memref<!tpu.dma_semaphore, #tpu.memory_space<semaphore_mem>>)
    } else {
    }
    %scan3A = arith.constant 0 : i32
    %scan3A_54 = arith.constant 0 : i32
    %scan3A_55 = arith.constant 62 : i32
    %scan3A_56 = arith.addi %scan3A_54, %scan3A_55 : i32
    %scan3A_57 = arith.constant 1 : i32
    scf.for %scan3A_153 = %scan3A_54 to %scan3A_56 step %scan3A_57  : i32 {
      %mul3A_154 = arith.constant 4 : i32
      %mul3A_155 = arith.muli %scan3A_153, %mul3A_154 : i32
      %add3A_156 = arith.constant 0 : i32
      %add3A_157 = arith.addi %mul3A_155, %add3A_156 : i32
      %mul3A_158 = arith.constant 32 : i32
      %mul3A_159 = arith.muli %mul3A_158, %add3A_157 : i32
      %add3A_160 = arith.addi %add3A, %mul3A_159 : i32
      %lt3A_161 = arith.constant 7812 : i32
      %lt3A_162 = arith.cmpi slt, %add3A_160, %lt3A_161 : i32
      %convert_element_type3A_163 = arith.extui %lt3A_162 : i1 to i32
      %cond3A_164 = arith.constant 0 : i32
      %cond3A_165 = arith.cmpi ne, %convert_element_type3A_163, %cond3A_164 : i32
      scf.if %cond3A_165 {
        %add3A_202 = arith.constant 2 : i32
        %add3A_203 = arith.addi %add3A_157, %add3A_202 : i32
        %add3A_204 = arith.constant 64 : i32
        %add3A_205 = arith.addi %add3A_160, %add3A_204 : i32
        %lt3A_206 = arith.constant 7812 : i32
        %lt3A_207 = arith.cmpi slt, %add3A_205, %lt3A_206 : i32
        %convert_element_type3A_208 = arith.extui %lt3A_207 : i1 to i32
        %cond3A_209 = arith.constant 0 : i32
        %cond3A_210 = arith.cmpi ne, %convert_element_type3A_208, %cond3A_209 : i32
        scf.if %cond3A_210 {
          %ge3A_264 = arith.constant 64 : i32
          %ge3A_265 = arith.cmpi sge, %add3A_160, %ge3A_264 : i32
          %convert_element_type3A_266 = arith.extui %ge3A_265 : i1 to i32
          %cond3A_267 = arith.constant 0 : i32
          %cond3A_268 = arith.cmpi ne, %convert_element_type3A_266, %cond3A_267 : i32
          scf.if %cond3A_268 {
            %sub3A = arith.constant 4 : i32
            %sub3A_291 = arith.subi %add3A_203, %sub3A : i32
            %mul3A_292 = arith.constant 32 : i32
            %mul3A_293 = arith.muli %mul3A_292, %sub3A_291 : i32
            %add3A_294 = arith.addi %add3A, %mul3A_293 : i32
            %mul3A_295 = arith.constant 64 : i32
            %mul3A_296 = arith.muli %add3A_294, %mul3A_295 : i32
            %multiple_of3A_297 = tpu.assume_multiple %mul3A_296, 64 : i32
            %dma_wait3A_298 = arith.constant 2 : i32
            %dma_wait3A_299 = arith.constant 2 : i32
            %dma_wait3A_300 = arith.constant 0 : i32
            %dma_wait3A_301 = arith.constant 0 : i32
            %dma_wait3A_302 = tpu.memref_slice %arg6[%dma_wait3A_298, %dma_wait3A_300, %dma_wait3A_301] : memref<4x64x128xf32, #tpu.memory_space<vmem>> -> memref<1x64x128xf32, #tpu.memory_space<vmem>>
            %dma_wait3A_303 = tpu.memref_squeeze %dma_wait3A_302 : memref<1x64x128xf32, #tpu.memory_space<vmem>> -> memref<64x128xf32, #tpu.memory_space<vmem>>
            %dma_wait3A_304 = arith.constant 0 : i32
            %dma_wait3A_305 = tpu.memref_slice %arg4[%multiple_of3A_297, %dma_wait3A_304] : memref<500000x128xf32, #tpu.memory_space<hbm>> -> memref<64x128xf32, #tpu.memory_space<hbm>>
            %dma_wait3A_306 = tpu.memref_slice %arg10[%dma_wait3A_299] : memref<4x!tpu.dma_semaphore, #tpu.memory_space<semaphore_mem>> -> memref<1x!tpu.dma_semaphore, #tpu.memory_space<semaphore_mem>>
            %dma_wait3A_307 = tpu.memref_squeeze %dma_wait3A_306 : memref<1x!tpu.dma_semaphore, #tpu.memory_space<semaphore_mem>> -> memref<!tpu.dma_semaphore, #tpu.memory_space<semaphore_mem>>
            %dma_wait3A_308 = arith.constant 0 : i32
            %dma_wait3A_309 = tpu.memref_slice %arg4[%multiple_of3A_297, %dma_wait3A_308] : memref<500000x128xf32, #tpu.memory_space<hbm>> -> memref<64x128xf32, #tpu.memory_space<hbm>>
            %dma_wait3A_310 = arith.constant 0 : i32
            %dma_wait3A_311 = arith.constant 0 : i32
            %dma_wait3A_312 = tpu.memref_slice %arg6[%dma_wait3A_298, %dma_wait3A_310, %dma_wait3A_311] : memref<4x64x128xf32, #tpu.memory_space<vmem>> -> memref<1x64x128xf32, #tpu.memory_space<vmem>>
            %dma_wait3A_313 = tpu.memref_squeeze %dma_wait3A_312 : memref<1x64x128xf32, #tpu.memory_space<vmem>> -> memref<64x128xf32, #tpu.memory_space<vmem>>
            tpu.wait_dma2 semaphore(%dma_wait3A_307 : memref<!tpu.dma_semaphore, #tpu.memory_space<semaphore_mem>>) src(%dma_wait3A_313 : memref<64x128xf32, #tpu.memory_space<vmem>>) dst(%dma_wait3A_309 : memref<64x128xf32, #tpu.memory_space<hbm>>)
          } else {
          }
          %mul3A_269 = arith.constant 32 : i32
          %mul3A_270 = arith.muli %mul3A_269, %add3A_203 : i32
          %add3A_271 = arith.addi %add3A, %mul3A_270 : i32
          %mul3A_272 = arith.constant 128 : i32
          %mul3A_273 = arith.muli %add3A_271, %mul3A_272 : i32
          %multiple_of3A_274 = tpu.assume_multiple %mul3A_273, 128 : i32
          %dma_start3A_275 = arith.constant 2 : i32
          %dma_start3A_276 = arith.constant 2 : i32
          %dma_start3A_277 = arith.constant 0 : i32
          %dma_start3A_278 = arith.constant 0 : i32
          %dma_start3A_279 = tpu.memref_slice %arg5[%dma_start3A_275, %dma_start3A_277, %dma_start3A_278] : memref<4x64x128xf32, #tpu.memory_space<vmem>> -> memref<1x64x128xf32, #tpu.memory_space<vmem>>
          %dma_start3A_280 = tpu.memref_squeeze %dma_start3A_279 : memref<1x64x128xf32, #tpu.memory_space<vmem>> -> memref<64x128xf32, #tpu.memory_space<vmem>>
          %dma_start3A_281 = arith.constant 0 : i32
          %dma_start3A_282 = tpu.memref_slice %arg2[%dma_start3A_281, %multiple_of3A_274] : memref<64x1000000xf32, #tpu.memory_space<hbm>> -> memref<64x128xf32, #tpu.memory_space<hbm>>
          %dma_start3A_283 = tpu.memref_slice %arg9[%dma_start3A_276] : memref<4x!tpu.dma_semaphore, #tpu.memory_space<semaphore_mem>> -> memref<1x!tpu.dma_semaphore, #tpu.memory_space<semaphore_mem>>
          %dma_start3A_284 = tpu.memref_squeeze %dma_start3A_283 : memref<1x!tpu.dma_semaphore, #tpu.memory_space<semaphore_mem>> -> memref<!tpu.dma_semaphore, #tpu.memory_space<semaphore_mem>>
          %dma_start3A_285 = arith.constant 0 : i32
          %dma_start3A_286 = arith.constant 0 : i32
          %dma_start3A_287 = tpu.memref_slice %arg5[%dma_start3A_275, %dma_start3A_285, %dma_start3A_286] : memref<4x64x128xf32, #tpu.memory_space<vmem>> -> memref<1x64x128xf32, #tpu.memory_space<vmem>>
          %dma_start3A_288 = tpu.memref_squeeze %dma_start3A_287 : memref<1x64x128xf32, #tpu.memory_space<vmem>> -> memref<64x128xf32, #tpu.memory_space<vmem>>
          %dma_start3A_289 = arith.constant 0 : i32
          %dma_start3A_290 = tpu.memref_slice %arg2[%dma_start3A_289, %multiple_of3A_274] : memref<64x1000000xf32, #tpu.memory_space<hbm>> -> memref<64x128xf32, #tpu.memory_space<hbm>>
          tpu.enqueue_dma source(%dma_start3A_290 : memref<64x128xf32, #tpu.memory_space<hbm>>) target(%dma_start3A_288 : memref<64x128xf32, #tpu.memory_space<vmem>>) target_semaphore(%dma_start3A_284 : memref<!tpu.dma_semaphore, #tpu.memory_space<semaphore_mem>>)
        } else {
        }
        %mul3A_211 = arith.constant 32 : i32
        %mul3A_212 = arith.muli %mul3A_211, %add3A_157 : i32
        %add3A_213 = arith.addi %add3A, %mul3A_212 : i32
        %mul3A_214 = arith.constant 128 : i32
        %mul3A_215 = arith.muli %add3A_213, %mul3A_214 : i32
        %multiple_of3A = tpu.assume_multiple %mul3A_215, 128 : i32
        %dma_wait3A = arith.constant 0 : i32
        %dma_wait3A_216 = arith.constant 0 : i32
        %dma_wait3A_217 = arith.constant 0 : i32
        %dma_wait3A_218 = arith.constant 0 : i32
        %dma_wait3A_219 = tpu.memref_slice %arg5[%dma_wait3A, %dma_wait3A_217, %dma_wait3A_218] : memref<4x64x128xf32, #tpu.memory_space<vmem>> -> memref<1x64x128xf32, #tpu.memory_space<vmem>>
        %dma_wait3A_220 = tpu.memref_squeeze %dma_wait3A_219 : memref<1x64x128xf32, #tpu.memory_space<vmem>> -> memref<64x128xf32, #tpu.memory_space<vmem>>
        %dma_wait3A_221 = arith.constant 0 : i32
        %dma_wait3A_222 = tpu.memref_slice %arg2[%dma_wait3A_221, %multiple_of3A] : memref<64x1000000xf32, #tpu.memory_space<hbm>> -> memref<64x128xf32, #tpu.memory_space<hbm>>
        %dma_wait3A_223 = tpu.memref_slice %arg9[%dma_wait3A_216] : memref<4x!tpu.dma_semaphore, #tpu.memory_space<semaphore_mem>> -> memref<1x!tpu.dma_semaphore, #tpu.memory_space<semaphore_mem>>
        %dma_wait3A_224 = tpu.memref_squeeze %dma_wait3A_223 : memref<1x!tpu.dma_semaphore, #tpu.memory_space<semaphore_mem>> -> memref<!tpu.dma_semaphore, #tpu.memory_space<semaphore_mem>>
        %dma_wait3A_225 = arith.constant 0 : i32
        %dma_wait3A_226 = arith.constant 0 : i32
        %dma_wait3A_227 = tpu.memref_slice %arg5[%dma_wait3A, %dma_wait3A_225, %dma_wait3A_226] : memref<4x64x128xf32, #tpu.memory_space<vmem>> -> memref<1x64x128xf32, #tpu.memory_space<vmem>>
        %dma_wait3A_228 = tpu.memref_squeeze %dma_wait3A_227 : memref<1x64x128xf32, #tpu.memory_space<vmem>> -> memref<64x128xf32, #tpu.memory_space<vmem>>
        %dma_wait3A_229 = arith.constant 0 : i32
        %dma_wait3A_230 = tpu.memref_slice %arg2[%dma_wait3A_229, %multiple_of3A] : memref<64x1000000xf32, #tpu.memory_space<hbm>> -> memref<64x128xf32, #tpu.memory_space<hbm>>
        tpu.wait_dma2 semaphore(%dma_wait3A_224 : memref<!tpu.dma_semaphore, #tpu.memory_space<semaphore_mem>>) src(%dma_wait3A_230 : memref<64x128xf32, #tpu.memory_space<hbm>>) dst(%dma_wait3A_228 : memref<64x128xf32, #tpu.memory_space<vmem>>)
        %parallel_loop3A_231 = arith.constant 0 : i32
        %parallel_loop3A_232 = arith.constant 128 : i32
        %parallel_loop3A_233 = arith.constant 1 : i32
        scf.for %parallel_loop3A_264 = %parallel_loop3A_231 to %parallel_loop3A_232 step %parallel_loop3A_233  : i32 {
          %parallel_loop3A_265 = arith.index_cast %parallel_loop3A_264 : i32 to index
          %parallel_loop3A_266 = arith.constant 0 : index
          %parallel_loop3A_267 = tpu.vector_load %arg7[%parallel_loop3A_265, %parallel_loop3A_266] {strides = array<i32>} : memref<128x16xi32, #tpu.memory_space<vmem>>, vector<16xi32>,
          %parallel_loop3A_268 = arith.index_cast %parallel_loop3A_264 : i32 to index
          %parallel_loop3A_269 = arith.constant 0 : index
          %parallel_loop3A_270 = tpu.vector_load %arg8[%parallel_loop3A_268, %parallel_loop3A_269] {strides = array<i32>} : memref<128x16xi32, #tpu.memory_space<vmem>>, vector<16xi32>,
          %parallel_loop3A_271 = arith.addi %add3A_8, %parallel_loop3A_270 : vector<16xi32>
          %parallel_loop3A_272 = arith.constant 0 : i32
          %parallel_loop3A_273 = arith.constant 0 : i32
          %parallel_loop3A_274 = arith.constant 0 : i32
          %parallel_loop3A_275 = tpu.memref_slice %arg5[%parallel_loop3A_272, %parallel_loop3A_273, %parallel_loop3A_274] : memref<4x64x128xf32, #tpu.memory_space<vmem>> -> memref<1x64x128xf32, #tpu.memory_space<vmem>>
          %parallel_loop3A_276 = tpu.memref_squeeze %parallel_loop3A_275 : memref<1x64x128xf32, #tpu.memory_space<vmem>> -> memref<64x128xf32, #tpu.memory_space<vmem>>
          %parallel_loop3A_277 = tpu.vector_load_idx %parallel_loop3A_276[%parallel_loop3A_267, %parallel_loop3A_271] : memref<64x128xf32, #tpu.memory_space<vmem>>[vector<16xi32>, vector<16xi32>], vector<16xf32>,
          %parallel_loop3A_278 = arith.constant 64 : i32
          %parallel_loop3A_279 = vector.broadcast %parallel_loop3A_278 : i32 to vector<16xi32>
          %parallel_loop3A_280 = arith.muli %parallel_loop3A_270, %parallel_loop3A_279 : vector<16xi32>
          %parallel_loop3A_281 = arith.addi %parallel_loop3A_267, %parallel_loop3A_280 : vector<16xi32>
          %parallel_loop3A_282 = arith.constant 0 : i32
          %parallel_loop3A_283 = arith.constant 0 : i32
          %parallel_loop3A_284 = arith.constant 0 : i32
          %parallel_loop3A_285 = tpu.memref_slice %arg6[%parallel_loop3A_282, %parallel_loop3A_283, %parallel_loop3A_284] : memref<4x64x128xf32, #tpu.memory_space<vmem>> -> memref<1x64x128xf32, #tpu.memory_space<vmem>>
          %parallel_loop3A_286 = tpu.memref_squeeze %parallel_loop3A_285 : memref<1x64x128xf32, #tpu.memory_space<vmem>> -> memref<64x128xf32, #tpu.memory_space<vmem>>
          tpu.vector_store_idx %parallel_loop3A_286[%add3A_29, %parallel_loop3A_281], %parallel_loop3A_277 : memref<64x128xf32, #tpu.memory_space<vmem>>[vector<16xi32>, vector<16xi32>], vector<16xf32>,
        } {sc.loop_unroll_factor = 4 : i64, sc.parallel_access}
        %parallel_loop3A_234 = arith.constant 0 : i32
        %parallel_loop3A_235 = arith.constant 128 : i32
        %parallel_loop3A_236 = arith.constant 1 : i32
        scf.for %parallel_loop3A_264 = %parallel_loop3A_234 to %parallel_loop3A_235 step %parallel_loop3A_236  : i32 {
          %parallel_loop3A_265 = arith.index_cast %parallel_loop3A_264 : i32 to index
          %parallel_loop3A_266 = arith.constant 0 : index
          %parallel_loop3A_267 = tpu.vector_load %arg7[%parallel_loop3A_265, %parallel_loop3A_266] {strides = array<i32>} : memref<128x16xi32, #tpu.memory_space<vmem>>, vector<16xi32>,
          %parallel_loop3A_268 = arith.index_cast %parallel_loop3A_264 : i32 to index
          %parallel_loop3A_269 = arith.constant 0 : index
          %parallel_loop3A_270 = tpu.vector_load %arg8[%parallel_loop3A_268, %parallel_loop3A_269] {strides = array<i32>} : memref<128x16xi32, #tpu.memory_space<vmem>>, vector<16xi32>,
          %parallel_loop3A_271 = arith.addi %add3A_14, %parallel_loop3A_270 : vector<16xi32>
          %parallel_loop3A_272 = arith.constant 0 : i32
          %parallel_loop3A_273 = arith.constant 0 : i32
          %parallel_loop3A_274 = arith.constant 0 : i32
          %parallel_loop3A_275 = tpu.memref_slice %arg5[%parallel_loop3A_272, %parallel_loop3A_273, %parallel_loop3A_274] : memref<4x64x128xf32, #tpu.memory_space<vmem>> -> memref<1x64x128xf32, #tpu.memory_space<vmem>>
          %parallel_loop3A_276 = tpu.memref_squeeze %parallel_loop3A_275 : memref<1x64x128xf32, #tpu.memory_space<vmem>> -> memref<64x128xf32, #tpu.memory_space<vmem>>
          %parallel_loop3A_277 = tpu.vector_load_idx %parallel_loop3A_276[%parallel_loop3A_267, %parallel_loop3A_271] : memref<64x128xf32, #tpu.memory_space<vmem>>[vector<16xi32>, vector<16xi32>], vector<16xf32>,
          %parallel_loop3A_278 = arith.constant 64 : i32
          %parallel_loop3A_279 = vector.broadcast %parallel_loop3A_278 : i32 to vector<16xi32>
          %parallel_loop3A_280 = arith.muli %parallel_loop3A_270, %parallel_loop3A_279 : vector<16xi32>
          %parallel_loop3A_281 = arith.addi %parallel_loop3A_267, %parallel_loop3A_280 : vector<16xi32>
          %parallel_loop3A_282 = arith.constant 0 : i32
          %parallel_loop3A_283 = arith.constant 0 : i32
          %parallel_loop3A_284 = arith.constant 0 : i32
          %parallel_loop3A_285 = tpu.memref_slice %arg6[%parallel_loop3A_282, %parallel_loop3A_283, %parallel_loop3A_284] : memref<4x64x128xf32, #tpu.memory_space<vmem>> -> memref<1x64x128xf32, #tpu.memory_space<vmem>>
          %parallel_loop3A_286 = tpu.memref_squeeze %parallel_loop3A_285 : memref<1x64x128xf32, #tpu.memory_space<vmem>> -> memref<64x128xf32, #tpu.memory_space<vmem>>
          tpu.vector_store_idx %parallel_loop3A_286[%add3A_32, %parallel_loop3A_281], %parallel_loop3A_277 : memref<64x128xf32, #tpu.memory_space<vmem>>[vector<16xi32>, vector<16xi32>], vector<16xf32>,
        } {sc.loop_unroll_factor = 4 : i64, sc.parallel_access}
        %parallel_loop3A_237 = arith.constant 0 : i32
        %parallel_loop3A_238 = arith.constant 128 : i32
        %parallel_loop3A_239 = arith.constant 1 : i32
        scf.for %parallel_loop3A_264 = %parallel_loop3A_237 to %parallel_loop3A_238 step %parallel_loop3A_239  : i32 {
          %parallel_loop3A_265 = arith.index_cast %parallel_loop3A_264 : i32 to index
          %parallel_loop3A_266 = arith.constant 0 : index
          %parallel_loop3A_267 = tpu.vector_load %arg7[%parallel_loop3A_265, %parallel_loop3A_266] {strides = array<i32>} : memref<128x16xi32, #tpu.memory_space<vmem>>, vector<16xi32>,
          %parallel_loop3A_268 = arith.index_cast %parallel_loop3A_264 : i32 to index
          %parallel_loop3A_269 = arith.constant 0 : index
          %parallel_loop3A_270 = tpu.vector_load %arg8[%parallel_loop3A_268, %parallel_loop3A_269] {strides = array<i32>} : memref<128x16xi32, #tpu.memory_space<vmem>>, vector<16xi32>,
          %parallel_loop3A_271 = arith.addi %add3A_20, %parallel_loop3A_270 : vector<16xi32>
          %parallel_loop3A_272 = arith.constant 0 : i32
          %parallel_loop3A_273 = arith.constant 0 : i32
          %parallel_loop3A_274 = arith.constant 0 : i32
          %parallel_loop3A_275 = tpu.memref_slice %arg5[%parallel_loop3A_272, %parallel_loop3A_273, %parallel_loop3A_274] : memref<4x64x128xf32, #tpu.memory_space<vmem>> -> memref<1x64x128xf32, #tpu.memory_space<vmem>>
          %parallel_loop3A_276 = tpu.memref_squeeze %parallel_loop3A_275 : memref<1x64x128xf32, #tpu.memory_space<vmem>> -> memref<64x128xf32, #tpu.memory_space<vmem>>
          %parallel_loop3A_277 = tpu.vector_load_idx %parallel_loop3A_276[%parallel_loop3A_267, %parallel_loop3A_271] : memref<64x128xf32, #tpu.memory_space<vmem>>[vector<16xi32>, vector<16xi32>], vector<16xf32>,
          %parallel_loop3A_278 = arith.constant 64 : i32
          %parallel_loop3A_279 = vector.broadcast %parallel_loop3A_278 : i32 to vector<16xi32>
          %parallel_loop3A_280 = arith.muli %parallel_loop3A_270, %parallel_loop3A_279 : vector<16xi32>
          %parallel_loop3A_281 = arith.addi %parallel_loop3A_267, %parallel_loop3A_280 : vector<16xi32>
          %parallel_loop3A_282 = arith.constant 0 : i32
          %parallel_loop3A_283 = arith.constant 0 : i32
          %parallel_loop3A_284 = arith.constant 0 : i32
          %parallel_loop3A_285 = tpu.memref_slice %arg6[%parallel_loop3A_282, %parallel_loop3A_283, %parallel_loop3A_284] : memref<4x64x128xf32, #tpu.memory_space<vmem>> -> memref<1x64x128xf32, #tpu.memory_space<vmem>>
          %parallel_loop3A_286 = tpu.memref_squeeze %parallel_loop3A_285 : memref<1x64x128xf32, #tpu.memory_space<vmem>> -> memref<64x128xf32, #tpu.memory_space<vmem>>
          tpu.vector_store_idx %parallel_loop3A_286[%add3A_35, %parallel_loop3A_281], %parallel_loop3A_277 : memref<64x128xf32, #tpu.memory_space<vmem>>[vector<16xi32>, vector<16xi32>], vector<16xf32>,
        } {sc.loop_unroll_factor = 4 : i64, sc.parallel_access}
        %parallel_loop3A_240 = arith.constant 0 : i32
        %parallel_loop3A_241 = arith.constant 128 : i32
        %parallel_loop3A_242 = arith.constant 1 : i32
        scf.for %parallel_loop3A_264 = %parallel_loop3A_240 to %parallel_loop3A_241 step %parallel_loop3A_242  : i32 {
          %parallel_loop3A_265 = arith.index_cast %parallel_loop3A_264 : i32 to index
          %parallel_loop3A_266 = arith.constant 0 : index
          %parallel_loop3A_267 = tpu.vector_load %arg7[%parallel_loop3A_265, %parallel_loop3A_266] {strides = array<i32>} : memref<128x16xi32, #tpu.memory_space<vmem>>, vector<16xi32>,
          %parallel_loop3A_268 = arith.index_cast %parallel_loop3A_264 : i32 to index
          %parallel_loop3A_269 = arith.constant 0 : index
          %parallel_loop3A_270 = tpu.vector_load %arg8[%parallel_loop3A_268, %parallel_loop3A_269] {strides = array<i32>} : memref<128x16xi32, #tpu.memory_space<vmem>>, vector<16xi32>,
          %parallel_loop3A_271 = arith.addi %add3A_26, %parallel_loop3A_270 : vector<16xi32>
          %parallel_loop3A_272 = arith.constant 0 : i32
          %parallel_loop3A_273 = arith.constant 0 : i32
          %parallel_loop3A_274 = arith.constant 0 : i32
          %parallel_loop3A_275 = tpu.memref_slice %arg5[%parallel_loop3A_272, %parallel_loop3A_273, %parallel_loop3A_274] : memref<4x64x128xf32, #tpu.memory_space<vmem>> -> memref<1x64x128xf32, #tpu.memory_space<vmem>>
          %parallel_loop3A_276 = tpu.memref_squeeze %parallel_loop3A_275 : memref<1x64x128xf32, #tpu.memory_space<vmem>> -> memref<64x128xf32, #tpu.memory_space<vmem>>
          %parallel_loop3A_277 = tpu.vector_load_idx %parallel_loop3A_276[%parallel_loop3A_267, %parallel_loop3A_271] : memref<64x128xf32, #tpu.memory_space<vmem>>[vector<16xi32>, vector<16xi32>], vector<16xf32>,
          %parallel_loop3A_278 = arith.constant 64 : i32
          %parallel_loop3A_279 = vector.broadcast %parallel_loop3A_278 : i32 to vector<16xi32>
          %parallel_loop3A_280 = arith.muli %parallel_loop3A_270, %parallel_loop3A_279 : vector<16xi32>
          %parallel_loop3A_281 = arith.addi %parallel_loop3A_267, %parallel_loop3A_280 : vector<16xi32>
          %parallel_loop3A_282 = arith.constant 0 : i32
          %parallel_loop3A_283 = arith.constant 0 : i32
          %parallel_loop3A_284 = arith.constant 0 : i32
          %parallel_loop3A_285 = tpu.memref_slice %arg6[%parallel_loop3A_282, %parallel_loop3A_283, %parallel_loop3A_284] : memref<4x64x128xf32, #tpu.memory_space<vmem>> -> memref<1x64x128xf32, #tpu.memory_space<vmem>>
          %parallel_loop3A_286 = tpu.memref_squeeze %parallel_loop3A_285 : memref<1x64x128xf32, #tpu.memory_space<vmem>> -> memref<64x128xf32, #tpu.memory_space<vmem>>
          tpu.vector_store_idx %parallel_loop3A_286[%add3A_38, %parallel_loop3A_281], %parallel_loop3A_277 : memref<64x128xf32, #tpu.memory_space<vmem>>[vector<16xi32>, vector<16xi32>], vector<16xf32>,
        } {sc.loop_unroll_factor = 4 : i64, sc.parallel_access}
        %mul3A_243 = arith.constant 32 : i32
        %mul3A_244 = arith.muli %mul3A_243, %add3A_157 : i32
        %add3A_245 = arith.addi %add3A, %mul3A_244 : i32
        %mul3A_246 = arith.constant 64 : i32
        %mul3A_247 = arith.muli %add3A_245, %mul3A_246 : i32
        %multiple_of3A_248 = tpu.assume_multiple %mul3A_247, 64 : i32
        %dma_start3A = arith.constant 0 : i32
        %dma_start3A_249 = arith.constant 0 : i32
        %dma_start3A_250 = arith.constant 0 : i32
        %dma_start3A_251 = arith.constant 0 : i32
        %dma_start3A_252 = tpu.memref_slice %arg6[%dma_start3A, %dma_start3A_250, %dma_start3A_251] : memref<4x64x128xf32, #tpu.memory_space<vmem>> -> memref<1x64x128xf32, #tpu.memory_space<vmem>>
        %dma_start3A_253 = tpu.memref_squeeze %dma_start3A_252 : memref<1x64x128xf32, #tpu.memory_space<vmem>> -> memref<64x128xf32, #tpu.memory_space<vmem>>
        %dma_start3A_254 = arith.constant 0 : i32
        %dma_start3A_255 = tpu.memref_slice %arg4[%multiple_of3A_248, %dma_start3A_254] : memref<500000x128xf32, #tpu.memory_space<hbm>> -> memref<64x128xf32, #tpu.memory_space<hbm>>
        %dma_start3A_256 = tpu.memref_slice %arg10[%dma_start3A_249] : memref<4x!tpu.dma_semaphore, #tpu.memory_space<semaphore_mem>> -> memref<1x!tpu.dma_semaphore, #tpu.memory_space<semaphore_mem>>
        %dma_start3A_257 = tpu.memref_squeeze %dma_start3A_256 : memref<1x!tpu.dma_semaphore, #tpu.memory_space<semaphore_mem>> -> memref<!tpu.dma_semaphore, #tpu.memory_space<semaphore_mem>>
        %dma_start3A_258 = arith.constant 0 : i32
        %dma_start3A_259 = tpu.memref_slice %arg4[%multiple_of3A_248, %dma_start3A_258] : memref<500000x128xf32, #tpu.memory_space<hbm>> -> memref<64x128xf32, #tpu.memory_space<hbm>>
        %dma_start3A_260 = arith.constant 0 : i32
        %dma_start3A_261 = arith.constant 0 : i32
        %dma_start3A_262 = tpu.memref_slice %arg6[%dma_start3A, %dma_start3A_260, %dma_start3A_261] : memref<4x64x128xf32, #tpu.memory_space<vmem>> -> memref<1x64x128xf32, #tpu.memory_space<vmem>>
        %dma_start3A_263 = tpu.memref_squeeze %dma_start3A_262 : memref<1x64x128xf32, #tpu.memory_space<vmem>> -> memref<64x128xf32, #tpu.memory_space<vmem>>
        tpu.enqueue_dma source(%dma_start3A_263 : memref<64x128xf32, #tpu.memory_space<vmem>>) target(%dma_start3A_259 : memref<64x128xf32, #tpu.memory_space<hbm>>) target_semaphore(%dma_start3A_257 : memref<!tpu.dma_semaphore, #tpu.memory_space<semaphore_mem>>)
      } else {
      }
      %mul3A_166 = arith.constant 4 : i32
      %mul3A_167 = arith.muli %scan3A_153, %mul3A_166 : i32
      %add3A_168 = arith.constant 1 : i32
      %add3A_169 = arith.addi %mul3A_167, %add3A_168 : i32
      %mul3A_170 = arith.constant 32 : i32
      %mul3A_171 = arith.muli %mul3A_170, %add3A_169 : i32
      %add3A_172 = arith.addi %add3A, %mul3A_171 : i32
      %lt3A_173 = arith.constant 7812 : i32
      %lt3A_174 = arith.cmpi slt, %add3A_172, %lt3A_173 : i32
      %convert_element_type3A_175 = arith.extui %lt3A_174 : i1 to i32
      %cond3A_176 = arith.constant 0 : i32
      %cond3A_177 = arith.cmpi ne, %convert_element_type3A_175, %cond3A_176 : i32
      scf.if %cond3A_177 {
        %add3A_202 = arith.constant 2 : i32
        %add3A_203 = arith.addi %add3A_169, %add3A_202 : i32
        %add3A_204 = arith.constant 64 : i32
        %add3A_205 = arith.addi %add3A_172, %add3A_204 : i32
        %lt3A_206 = arith.constant 7812 : i32
        %lt3A_207 = arith.cmpi slt, %add3A_205, %lt3A_206 : i32
        %convert_element_type3A_208 = arith.extui %lt3A_207 : i1 to i32
        %cond3A_209 = arith.constant 0 : i32
        %cond3A_210 = arith.cmpi ne, %convert_element_type3A_208, %cond3A_209 : i32
        scf.if %cond3A_210 {
          %ge3A_264 = arith.constant 64 : i32
          %ge3A_265 = arith.cmpi sge, %add3A_172, %ge3A_264 : i32
          %convert_element_type3A_266 = arith.extui %ge3A_265 : i1 to i32
          %cond3A_267 = arith.constant 0 : i32
          %cond3A_268 = arith.cmpi ne, %convert_element_type3A_266, %cond3A_267 : i32
          scf.if %cond3A_268 {
            %sub3A = arith.constant 4 : i32
            %sub3A_291 = arith.subi %add3A_203, %sub3A : i32
            %mul3A_292 = arith.constant 32 : i32
            %mul3A_293 = arith.muli %mul3A_292, %sub3A_291 : i32
            %add3A_294 = arith.addi %add3A, %mul3A_293 : i32
            %mul3A_295 = arith.constant 64 : i32
            %mul3A_296 = arith.muli %add3A_294, %mul3A_295 : i32
            %multiple_of3A_297 = tpu.assume_multiple %mul3A_296, 64 : i32
            %dma_wait3A_298 = arith.constant 3 : i32
            %dma_wait3A_299 = arith.constant 3 : i32
            %dma_wait3A_300 = arith.constant 0 : i32
            %dma_wait3A_301 = arith.constant 0 : i32
            %dma_wait3A_302 = tpu.memref_slice %arg6[%dma_wait3A_298, %dma_wait3A_300, %dma_wait3A_301] : memref<4x64x128xf32, #tpu.memory_space<vmem>> -> memref<1x64x128xf32, #tpu.memory_space<vmem>>
            %dma_wait3A_303 = tpu.memref_squeeze %dma_wait3A_302 : memref<1x64x128xf32, #tpu.memory_space<vmem>> -> memref<64x128xf32, #tpu.memory_space<vmem>>
            %dma_wait3A_304 = arith.constant 0 : i32
            %dma_wait3A_305 = tpu.memref_slice %arg4[%multiple_of3A_297, %dma_wait3A_304] : memref<500000x128xf32, #tpu.memory_space<hbm>> -> memref<64x128xf32, #tpu.memory_space<hbm>>
            %dma_wait3A_306 = tpu.memref_slice %arg10[%dma_wait3A_299] : memref<4x!tpu.dma_semaphore, #tpu.memory_space<semaphore_mem>> -> memref<1x!tpu.dma_semaphore, #tpu.memory_space<semaphore_mem>>
            %dma_wait3A_307 = tpu.memref_squeeze %dma_wait3A_306 : memref<1x!tpu.dma_semaphore, #tpu.memory_space<semaphore_mem>> -> memref<!tpu.dma_semaphore, #tpu.memory_space<semaphore_mem>>
            %dma_wait3A_308 = arith.constant 0 : i32
            %dma_wait3A_309 = tpu.memref_slice %arg4[%multiple_of3A_297, %dma_wait3A_308] : memref<500000x128xf32, #tpu.memory_space<hbm>> -> memref<64x128xf32, #tpu.memory_space<hbm>>
            %dma_wait3A_310 = arith.constant 0 : i32
            %dma_wait3A_311 = arith.constant 0 : i32
            %dma_wait3A_312 = tpu.memref_slice %arg6[%dma_wait3A_298, %dma_wait3A_310, %dma_wait3A_311] : memref<4x64x128xf32, #tpu.memory_space<vmem>> -> memref<1x64x128xf32, #tpu.memory_space<vmem>>
            %dma_wait3A_313 = tpu.memref_squeeze %dma_wait3A_312 : memref<1x64x128xf32, #tpu.memory_space<vmem>> -> memref<64x128xf32, #tpu.memory_space<vmem>>
            tpu.wait_dma2 semaphore(%dma_wait3A_307 : memref<!tpu.dma_semaphore, #tpu.memory_space<semaphore_mem>>) src(%dma_wait3A_313 : memref<64x128xf32, #tpu.memory_space<vmem>>) dst(%dma_wait3A_309 : memref<64x128xf32, #tpu.memory_space<hbm>>)
          } else {
          }
          %mul3A_269 = arith.constant 32 : i32
          %mul3A_270 = arith.muli %mul3A_269, %add3A_203 : i32
          %add3A_271 = arith.addi %add3A, %mul3A_270 : i32
          %mul3A_272 = arith.constant 128 : i32
          %mul3A_273 = arith.muli %add3A_271, %mul3A_272 : i32
          %multiple_of3A_274 = tpu.assume_multiple %mul3A_273, 128 : i32
          %dma_start3A_275 = arith.constant 3 : i32
          %dma_start3A_276 = arith.constant 3 : i32
          %dma_start3A_277 = arith.constant 0 : i32
          %dma_start3A_278 = arith.constant 0 : i32
          %dma_start3A_279 = tpu.memref_slice %arg5[%dma_start3A_275, %dma_start3A_277, %dma_start3A_278] : memref<4x64x128xf32, #tpu.memory_space<vmem>> -> memref<1x64x128xf32, #tpu.memory_space<vmem>>
          %dma_start3A_280 = tpu.memref_squeeze %dma_start3A_279 : memref<1x64x128xf32, #tpu.memory_space<vmem>> -> memref<64x128xf32, #tpu.memory_space<vmem>>
          %dma_start3A_281 = arith.constant 0 : i32
          %dma_start3A_282 = tpu.memref_slice %arg2[%dma_start3A_281, %multiple_of3A_274] : memref<64x1000000xf32, #tpu.memory_space<hbm>> -> memref<64x128xf32, #tpu.memory_space<hbm>>
          %dma_start3A_283 = tpu.memref_slice %arg9[%dma_start3A_276] : memref<4x!tpu.dma_semaphore, #tpu.memory_space<semaphore_mem>> -> memref<1x!tpu.dma_semaphore, #tpu.memory_space<semaphore_mem>>
          %dma_start3A_284 = tpu.memref_squeeze %dma_start3A_283 : memref<1x!tpu.dma_semaphore, #tpu.memory_space<semaphore_mem>> -> memref<!tpu.dma_semaphore, #tpu.memory_space<semaphore_mem>>
          %dma_start3A_285 = arith.constant 0 : i32
          %dma_start3A_286 = arith.constant 0 : i32
          %dma_start3A_287 = tpu.memref_slice %arg5[%dma_start3A_275, %dma_start3A_285, %dma_start3A_286] : memref<4x64x128xf32, #tpu.memory_space<vmem>> -> memref<1x64x128xf32, #tpu.memory_space<vmem>>
          %dma_start3A_288 = tpu.memref_squeeze %dma_start3A_287 : memref<1x64x128xf32, #tpu.memory_space<vmem>> -> memref<64x128xf32, #tpu.memory_space<vmem>>
          %dma_start3A_289 = arith.constant 0 : i32
          %dma_start3A_290 = tpu.memref_slice %arg2[%dma_start3A_289, %multiple_of3A_274] : memref<64x1000000xf32, #tpu.memory_space<hbm>> -> memref<64x128xf32, #tpu.memory_space<hbm>>
          tpu.enqueue_dma source(%dma_start3A_290 : memref<64x128xf32, #tpu.memory_space<hbm>>) target(%dma_start3A_288 : memref<64x128xf32, #tpu.memory_space<vmem>>) target_semaphore(%dma_start3A_284 : memref<!tpu.dma_semaphore, #tpu.memory_space<semaphore_mem>>)
        } else {
        }
        %mul3A_211 = arith.constant 32 : i32
        %mul3A_212 = arith.muli %mul3A_211, %add3A_169 : i32
        %add3A_213 = arith.addi %add3A, %mul3A_212 : i32
        %mul3A_214 = arith.constant 128 : i32
        %mul3A_215 = arith.muli %add3A_213, %mul3A_214 : i32
        %multiple_of3A = tpu.assume_multiple %mul3A_215, 128 : i32
        %dma_wait3A = arith.constant 1 : i32
        %dma_wait3A_216 = arith.constant 1 : i32
        %dma_wait3A_217 = arith.constant 0 : i32
        %dma_wait3A_218 = arith.constant 0 : i32
        %dma_wait3A_219 = tpu.memref_slice %arg5[%dma_wait3A, %dma_wait3A_217, %dma_wait3A_218] : memref<4x64x128xf32, #tpu.memory_space<vmem>> -> memref<1x64x128xf32, #tpu.memory_space<vmem>>
        %dma_wait3A_220 = tpu.memref_squeeze %dma_wait3A_219 : memref<1x64x128xf32, #tpu.memory_space<vmem>> -> memref<64x128xf32, #tpu.memory_space<vmem>>
        %dma_wait3A_221 = arith.constant 0 : i32
        %dma_wait3A_222 = tpu.memref_slice %arg2[%dma_wait3A_221, %multiple_of3A] : memref<64x1000000xf32, #tpu.memory_space<hbm>> -> memref<64x128xf32, #tpu.memory_space<hbm>>
        %dma_wait3A_223 = tpu.memref_slice %arg9[%dma_wait3A_216] : memref<4x!tpu.dma_semaphore, #tpu.memory_space<semaphore_mem>> -> memref<1x!tpu.dma_semaphore, #tpu.memory_space<semaphore_mem>>
        %dma_wait3A_224 = tpu.memref_squeeze %dma_wait3A_223 : memref<1x!tpu.dma_semaphore, #tpu.memory_space<semaphore_mem>> -> memref<!tpu.dma_semaphore, #tpu.memory_space<semaphore_mem>>
        %dma_wait3A_225 = arith.constant 0 : i32
        %dma_wait3A_226 = arith.constant 0 : i32
        %dma_wait3A_227 = tpu.memref_slice %arg5[%dma_wait3A, %dma_wait3A_225, %dma_wait3A_226] : memref<4x64x128xf32, #tpu.memory_space<vmem>> -> memref<1x64x128xf32, #tpu.memory_space<vmem>>
        %dma_wait3A_228 = tpu.memref_squeeze %dma_wait3A_227 : memref<1x64x128xf32, #tpu.memory_space<vmem>> -> memref<64x128xf32, #tpu.memory_space<vmem>>
        %dma_wait3A_229 = arith.constant 0 : i32
        %dma_wait3A_230 = tpu.memref_slice %arg2[%dma_wait3A_229, %multiple_of3A] : memref<64x1000000xf32, #tpu.memory_space<hbm>> -> memref<64x128xf32, #tpu.memory_space<hbm>>
        tpu.wait_dma2 semaphore(%dma_wait3A_224 : memref<!tpu.dma_semaphore, #tpu.memory_space<semaphore_mem>>) src(%dma_wait3A_230 : memref<64x128xf32, #tpu.memory_space<hbm>>) dst(%dma_wait3A_228 : memref<64x128xf32, #tpu.memory_space<vmem>>)
        %parallel_loop3A_231 = arith.constant 0 : i32
        %parallel_loop3A_232 = arith.constant 128 : i32
        %parallel_loop3A_233 = arith.constant 1 : i32
        scf.for %parallel_loop3A_264 = %parallel_loop3A_231 to %parallel_loop3A_232 step %parallel_loop3A_233  : i32 {
          %parallel_loop3A_265 = arith.index_cast %parallel_loop3A_264 : i32 to index
          %parallel_loop3A_266 = arith.constant 0 : index
          %parallel_loop3A_267 = tpu.vector_load %arg7[%parallel_loop3A_265, %parallel_loop3A_266] {strides = array<i32>} : memref<128x16xi32, #tpu.memory_space<vmem>>, vector<16xi32>,
          %parallel_loop3A_268 = arith.index_cast %parallel_loop3A_264 : i32 to index
          %parallel_loop3A_269 = arith.constant 0 : index
          %parallel_loop3A_270 = tpu.vector_load %arg8[%parallel_loop3A_268, %parallel_loop3A_269] {strides = array<i32>} : memref<128x16xi32, #tpu.memory_space<vmem>>, vector<16xi32>,
          %parallel_loop3A_271 = arith.addi %add3A_8, %parallel_loop3A_270 : vector<16xi32>
          %parallel_loop3A_272 = arith.constant 1 : i32
          %parallel_loop3A_273 = arith.constant 0 : i32
          %parallel_loop3A_274 = arith.constant 0 : i32
          %parallel_loop3A_275 = tpu.memref_slice %arg5[%parallel_loop3A_272, %parallel_loop3A_273, %parallel_loop3A_274] : memref<4x64x128xf32, #tpu.memory_space<vmem>> -> memref<1x64x128xf32, #tpu.memory_space<vmem>>
          %parallel_loop3A_276 = tpu.memref_squeeze %parallel_loop3A_275 : memref<1x64x128xf32, #tpu.memory_space<vmem>> -> memref<64x128xf32, #tpu.memory_space<vmem>>
          %parallel_loop3A_277 = tpu.vector_load_idx %parallel_loop3A_276[%parallel_loop3A_267, %parallel_loop3A_271] : memref<64x128xf32, #tpu.memory_space<vmem>>[vector<16xi32>, vector<16xi32>], vector<16xf32>,
          %parallel_loop3A_278 = arith.constant 64 : i32
          %parallel_loop3A_279 = vector.broadcast %parallel_loop3A_278 : i32 to vector<16xi32>
          %parallel_loop3A_280 = arith.muli %parallel_loop3A_270, %parallel_loop3A_279 : vector<16xi32>
          %parallel_loop3A_281 = arith.addi %parallel_loop3A_267, %parallel_loop3A_280 : vector<16xi32>
          %parallel_loop3A_282 = arith.constant 1 : i32
          %parallel_loop3A_283 = arith.constant 0 : i32
          %parallel_loop3A_284 = arith.constant 0 : i32
          %parallel_loop3A_285 = tpu.memref_slice %arg6[%parallel_loop3A_282, %parallel_loop3A_283, %parallel_loop3A_284] : memref<4x64x128xf32, #tpu.memory_space<vmem>> -> memref<1x64x128xf32, #tpu.memory_space<vmem>>
          %parallel_loop3A_286 = tpu.memref_squeeze %parallel_loop3A_285 : memref<1x64x128xf32, #tpu.memory_space<vmem>> -> memref<64x128xf32, #tpu.memory_space<vmem>>
          tpu.vector_store_idx %parallel_loop3A_286[%add3A_29, %parallel_loop3A_281], %parallel_loop3A_277 : memref<64x128xf32, #tpu.memory_space<vmem>>[vector<16xi32>, vector<16xi32>], vector<16xf32>,
        } {sc.loop_unroll_factor = 4 : i64, sc.parallel_access}
        %parallel_loop3A_234 = arith.constant 0 : i32
        %parallel_loop3A_235 = arith.constant 128 : i32
        %parallel_loop3A_236 = arith.constant 1 : i32
        scf.for %parallel_loop3A_264 = %parallel_loop3A_234 to %parallel_loop3A_235 step %parallel_loop3A_236  : i32 {
          %parallel_loop3A_265 = arith.index_cast %parallel_loop3A_264 : i32 to index
          %parallel_loop3A_266 = arith.constant 0 : index
          %parallel_loop3A_267 = tpu.vector_load %arg7[%parallel_loop3A_265, %parallel_loop3A_266] {strides = array<i32>} : memref<128x16xi32, #tpu.memory_space<vmem>>, vector<16xi32>,
          %parallel_loop3A_268 = arith.index_cast %parallel_loop3A_264 : i32 to index
          %parallel_loop3A_269 = arith.constant 0 : index
          %parallel_loop3A_270 = tpu.vector_load %arg8[%parallel_loop3A_268, %parallel_loop3A_269] {strides = array<i32>} : memref<128x16xi32, #tpu.memory_space<vmem>>, vector<16xi32>,
          %parallel_loop3A_271 = arith.addi %add3A_14, %parallel_loop3A_270 : vector<16xi32>
          %parallel_loop3A_272 = arith.constant 1 : i32
          %parallel_loop3A_273 = arith.constant 0 : i32
          %parallel_loop3A_274 = arith.constant 0 : i32
          %parallel_loop3A_275 = tpu.memref_slice %arg5[%parallel_loop3A_272, %parallel_loop3A_273, %parallel_loop3A_274] : memref<4x64x128xf32, #tpu.memory_space<vmem>> -> memref<1x64x128xf32, #tpu.memory_space<vmem>>
          %parallel_loop3A_276 = tpu.memref_squeeze %parallel_loop3A_275 : memref<1x64x128xf32, #tpu.memory_space<vmem>> -> memref<64x128xf32, #tpu.memory_space<vmem>>
          %parallel_loop3A_277 = tpu.vector_load_idx %parallel_loop3A_276[%parallel_loop3A_267, %parallel_loop3A_271] : memref<64x128xf32, #tpu.memory_space<vmem>>[vector<16xi32>, vector<16xi32>], vector<16xf32>,
          %parallel_loop3A_278 = arith.constant 64 : i32
          %parallel_loop3A_279 = vector.broadcast %parallel_loop3A_278 : i32 to vector<16xi32>
          %parallel_loop3A_280 = arith.muli %parallel_loop3A_270, %parallel_loop3A_279 : vector<16xi32>
          %parallel_loop3A_281 = arith.addi %parallel_loop3A_267, %parallel_loop3A_280 : vector<16xi32>
          %parallel_loop3A_282 = arith.constant 1 : i32
          %parallel_loop3A_283 = arith.constant 0 : i32
          %parallel_loop3A_284 = arith.constant 0 : i32
          %parallel_loop3A_285 = tpu.memref_slice %arg6[%parallel_loop3A_282, %parallel_loop3A_283, %parallel_loop3A_284] : memref<4x64x128xf32, #tpu.memory_space<vmem>> -> memref<1x64x128xf32, #tpu.memory_space<vmem>>
          %parallel_loop3A_286 = tpu.memref_squeeze %parallel_loop3A_285 : memref<1x64x128xf32, #tpu.memory_space<vmem>> -> memref<64x128xf32, #tpu.memory_space<vmem>>
          tpu.vector_store_idx %parallel_loop3A_286[%add3A_32, %parallel_loop3A_281], %parallel_loop3A_277 : memref<64x128xf32, #tpu.memory_space<vmem>>[vector<16xi32>, vector<16xi32>], vector<16xf32>,
        } {sc.loop_unroll_factor = 4 : i64, sc.parallel_access}
        %parallel_loop3A_237 = arith.constant 0 : i32
        %parallel_loop3A_238 = arith.constant 128 : i32
        %parallel_loop3A_239 = arith.constant 1 : i32
        scf.for %parallel_loop3A_264 = %parallel_loop3A_237 to %parallel_loop3A_238 step %parallel_loop3A_239  : i32 {
          %parallel_loop3A_265 = arith.index_cast %parallel_loop3A_264 : i32 to index
          %parallel_loop3A_266 = arith.constant 0 : index
          %parallel_loop3A_267 = tpu.vector_load %arg7[%parallel_loop3A_265, %parallel_loop3A_266] {strides = array<i32>} : memref<128x16xi32, #tpu.memory_space<vmem>>, vector<16xi32>,
          %parallel_loop3A_268 = arith.index_cast %parallel_loop3A_264 : i32 to index
          %parallel_loop3A_269 = arith.constant 0 : index
          %parallel_loop3A_270 = tpu.vector_load %arg8[%parallel_loop3A_268, %parallel_loop3A_269] {strides = array<i32>} : memref<128x16xi32, #tpu.memory_space<vmem>>, vector<16xi32>,
          %parallel_loop3A_271 = arith.addi %add3A_20, %parallel_loop3A_270 : vector<16xi32>
          %parallel_loop3A_272 = arith.constant 1 : i32
          %parallel_loop3A_273 = arith.constant 0 : i32
          %parallel_loop3A_274 = arith.constant 0 : i32
          %parallel_loop3A_275 = tpu.memref_slice %arg5[%parallel_loop3A_272, %parallel_loop3A_273, %parallel_loop3A_274] : memref<4x64x128xf32, #tpu.memory_space<vmem>> -> memref<1x64x128xf32, #tpu.memory_space<vmem>>
          %parallel_loop3A_276 = tpu.memref_squeeze %parallel_loop3A_275 : memref<1x64x128xf32, #tpu.memory_space<vmem>> -> memref<64x128xf32, #tpu.memory_space<vmem>>
          %parallel_loop3A_277 = tpu.vector_load_idx %parallel_loop3A_276[%parallel_loop3A_267, %parallel_loop3A_271] : memref<64x128xf32, #tpu.memory_space<vmem>>[vector<16xi32>, vector<16xi32>], vector<16xf32>,
          %parallel_loop3A_278 = arith.constant 64 : i32
          %parallel_loop3A_279 = vector.broadcast %parallel_loop3A_278 : i32 to vector<16xi32>
          %parallel_loop3A_280 = arith.muli %parallel_loop3A_270, %parallel_loop3A_279 : vector<16xi32>
          %parallel_loop3A_281 = arith.addi %parallel_loop3A_267, %parallel_loop3A_280 : vector<16xi32>
          %parallel_loop3A_282 = arith.constant 1 : i32
          %parallel_loop3A_283 = arith.constant 0 : i32
          %parallel_loop3A_284 = arith.constant 0 : i32
          %parallel_loop3A_285 = tpu.memref_slice %arg6[%parallel_loop3A_282, %parallel_loop3A_283, %parallel_loop3A_284] : memref<4x64x128xf32, #tpu.memory_space<vmem>> -> memref<1x64x128xf32, #tpu.memory_space<vmem>>
          %parallel_loop3A_286 = tpu.memref_squeeze %parallel_loop3A_285 : memref<1x64x128xf32, #tpu.memory_space<vmem>> -> memref<64x128xf32, #tpu.memory_space<vmem>>
          tpu.vector_store_idx %parallel_loop3A_286[%add3A_35, %parallel_loop3A_281], %parallel_loop3A_277 : memref<64x128xf32, #tpu.memory_space<vmem>>[vector<16xi32>, vector<16xi32>], vector<16xf32>,
        } {sc.loop_unroll_factor = 4 : i64, sc.parallel_access}
        %parallel_loop3A_240 = arith.constant 0 : i32
        %parallel_loop3A_241 = arith.constant 128 : i32
        %parallel_loop3A_242 = arith.constant 1 : i32
        scf.for %parallel_loop3A_264 = %parallel_loop3A_240 to %parallel_loop3A_241 step %parallel_loop3A_242  : i32 {
          %parallel_loop3A_265 = arith.index_cast %parallel_loop3A_264 : i32 to index
          %parallel_loop3A_266 = arith.constant 0 : index
          %parallel_loop3A_267 = tpu.vector_load %arg7[%parallel_loop3A_265, %parallel_loop3A_266] {strides = array<i32>} : memref<128x16xi32, #tpu.memory_space<vmem>>, vector<16xi32>,
          %parallel_loop3A_268 = arith.index_cast %parallel_loop3A_264 : i32 to index
          %parallel_loop3A_269 = arith.constant 0 : index
          %parallel_loop3A_270 = tpu.vector_load %arg8[%parallel_loop3A_268, %parallel_loop3A_269] {strides = array<i32>} : memref<128x16xi32, #tpu.memory_space<vmem>>, vector<16xi32>,
          %parallel_loop3A_271 = arith.addi %add3A_26, %parallel_loop3A_270 : vector<16xi32>
          %parallel_loop3A_272 = arith.constant 1 : i32
          %parallel_loop3A_273 = arith.constant 0 : i32
          %parallel_loop3A_274 = arith.constant 0 : i32
          %parallel_loop3A_275 = tpu.memref_slice %arg5[%parallel_loop3A_272, %parallel_loop3A_273, %parallel_loop3A_274] : memref<4x64x128xf32, #tpu.memory_space<vmem>> -> memref<1x64x128xf32, #tpu.memory_space<vmem>>
          %parallel_loop3A_276 = tpu.memref_squeeze %parallel_loop3A_275 : memref<1x64x128xf32, #tpu.memory_space<vmem>> -> memref<64x128xf32, #tpu.memory_space<vmem>>
          %parallel_loop3A_277 = tpu.vector_load_idx %parallel_loop3A_276[%parallel_loop3A_267, %parallel_loop3A_271] : memref<64x128xf32, #tpu.memory_space<vmem>>[vector<16xi32>, vector<16xi32>], vector<16xf32>,
          %parallel_loop3A_278 = arith.constant 64 : i32
          %parallel_loop3A_279 = vector.broadcast %parallel_loop3A_278 : i32 to vector<16xi32>
          %parallel_loop3A_280 = arith.muli %parallel_loop3A_270, %parallel_loop3A_279 : vector<16xi32>
          %parallel_loop3A_281 = arith.addi %parallel_loop3A_267, %parallel_loop3A_280 : vector<16xi32>
          %parallel_loop3A_282 = arith.constant 1 : i32
          %parallel_loop3A_283 = arith.constant 0 : i32
          %parallel_loop3A_284 = arith.constant 0 : i32
          %parallel_loop3A_285 = tpu.memref_slice %arg6[%parallel_loop3A_282, %parallel_loop3A_283, %parallel_loop3A_284] : memref<4x64x128xf32, #tpu.memory_space<vmem>> -> memref<1x64x128xf32, #tpu.memory_space<vmem>>
          %parallel_loop3A_286 = tpu.memref_squeeze %parallel_loop3A_285 : memref<1x64x128xf32, #tpu.memory_space<vmem>> -> memref<64x128xf32, #tpu.memory_space<vmem>>
          tpu.vector_store_idx %parallel_loop3A_286[%add3A_38, %parallel_loop3A_281], %parallel_loop3A_277 : memref<64x128xf32, #tpu.memory_space<vmem>>[vector<16xi32>, vector<16xi32>], vector<16xf32>,
        } {sc.loop_unroll_factor = 4 : i64, sc.parallel_access}
        %mul3A_243 = arith.constant 32 : i32
        %mul3A_244 = arith.muli %mul3A_243, %add3A_169 : i32
        %add3A_245 = arith.addi %add3A, %mul3A_244 : i32
        %mul3A_246 = arith.constant 64 : i32
        %mul3A_247 = arith.muli %add3A_245, %mul3A_246 : i32
        %multiple_of3A_248 = tpu.assume_multiple %mul3A_247, 64 : i32
        %dma_start3A = arith.constant 1 : i32
        %dma_start3A_249 = arith.constant 1 : i32
        %dma_start3A_250 = arith.constant 0 : i32
        %dma_start3A_251 = arith.constant 0 : i32
        %dma_start3A_252 = tpu.memref_slice %arg6[%dma_start3A, %dma_start3A_250, %dma_start3A_251] : memref<4x64x128xf32, #tpu.memory_space<vmem>> -> memref<1x64x128xf32, #tpu.memory_space<vmem>>
        %dma_start3A_253 = tpu.memref_squeeze %dma_start3A_252 : memref<1x64x128xf32, #tpu.memory_space<vmem>> -> memref<64x128xf32, #tpu.memory_space<vmem>>
        %dma_start3A_254 = arith.constant 0 : i32
        %dma_start3A_255 = tpu.memref_slice %arg4[%multiple_of3A_248, %dma_start3A_254] : memref<500000x128xf32, #tpu.memory_space<hbm>> -> memref<64x128xf32, #tpu.memory_space<hbm>>
        %dma_start3A_256 = tpu.memref_slice %arg10[%dma_start3A_249] : memref<4x!tpu.dma_semaphore, #tpu.memory_space<semaphore_mem>> -> memref<1x!tpu.dma_semaphore, #tpu.memory_space<semaphore_mem>>
        %dma_start3A_257 = tpu.memref_squeeze %dma_start3A_256 : memref<1x!tpu.dma_semaphore, #tpu.memory_space<semaphore_mem>> -> memref<!tpu.dma_semaphore, #tpu.memory_space<semaphore_mem>>
        %dma_start3A_258 = arith.constant 0 : i32
        %dma_start3A_259 = tpu.memref_slice %arg4[%multiple_of3A_248, %dma_start3A_258] : memref<500000x128xf32, #tpu.memory_space<hbm>> -> memref<64x128xf32, #tpu.memory_space<hbm>>
        %dma_start3A_260 = arith.constant 0 : i32
        %dma_start3A_261 = arith.constant 0 : i32
        %dma_start3A_262 = tpu.memref_slice %arg6[%dma_start3A, %dma_start3A_260, %dma_start3A_261] : memref<4x64x128xf32, #tpu.memory_space<vmem>> -> memref<1x64x128xf32, #tpu.memory_space<vmem>>
        %dma_start3A_263 = tpu.memref_squeeze %dma_start3A_262 : memref<1x64x128xf32, #tpu.memory_space<vmem>> -> memref<64x128xf32, #tpu.memory_space<vmem>>
        tpu.enqueue_dma source(%dma_start3A_263 : memref<64x128xf32, #tpu.memory_space<vmem>>) target(%dma_start3A_259 : memref<64x128xf32, #tpu.memory_space<hbm>>) target_semaphore(%dma_start3A_257 : memref<!tpu.dma_semaphore, #tpu.memory_space<semaphore_mem>>)
      } else {
      }
      %mul3A_178 = arith.constant 4 : i32
      %mul3A_179 = arith.muli %scan3A_153, %mul3A_178 : i32
      %add3A_180 = arith.constant 2 : i32
      %add3A_181 = arith.addi %mul3A_179, %add3A_180 : i32
      %mul3A_182 = arith.constant 32 : i32
      %mul3A_183 = arith.muli %mul3A_182, %add3A_181 : i32
      %add3A_184 = arith.addi %add3A, %mul3A_183 : i32
      %lt3A_185 = arith.constant 7812 : i32
      %lt3A_186 = arith.cmpi slt, %add3A_184, %lt3A_185 : i32
      %convert_element_type3A_187 = arith.extui %lt3A_186 : i1 to i32
      %cond3A_188 = arith.constant 0 : i32
      %cond3A_189 = arith.cmpi ne, %convert_element_type3A_187, %cond3A_188 : i32
      scf.if %cond3A_189 {
        %add3A_202 = arith.constant 2 : i32
        %add3A_203 = arith.addi %add3A_181, %add3A_202 : i32
        %add3A_204 = arith.constant 64 : i32
        %add3A_205 = arith.addi %add3A_184, %add3A_204 : i32
        %lt3A_206 = arith.constant 7812 : i32
        %lt3A_207 = arith.cmpi slt, %add3A_205, %lt3A_206 : i32
        %convert_element_type3A_208 = arith.extui %lt3A_207 : i1 to i32
        %cond3A_209 = arith.constant 0 : i32
        %cond3A_210 = arith.cmpi ne, %convert_element_type3A_208, %cond3A_209 : i32
        scf.if %cond3A_210 {
          %ge3A_264 = arith.constant 64 : i32
          %ge3A_265 = arith.cmpi sge, %add3A_184, %ge3A_264 : i32
          %convert_element_type3A_266 = arith.extui %ge3A_265 : i1 to i32
          %cond3A_267 = arith.constant 0 : i32
          %cond3A_268 = arith.cmpi ne, %convert_element_type3A_266, %cond3A_267 : i32
          scf.if %cond3A_268 {
            %sub3A = arith.constant 4 : i32
            %sub3A_291 = arith.subi %add3A_203, %sub3A : i32
            %mul3A_292 = arith.constant 32 : i32
            %mul3A_293 = arith.muli %mul3A_292, %sub3A_291 : i32
            %add3A_294 = arith.addi %add3A, %mul3A_293 : i32
            %mul3A_295 = arith.constant 64 : i32
            %mul3A_296 = arith.muli %add3A_294, %mul3A_295 : i32
            %multiple_of3A_297 = tpu.assume_multiple %mul3A_296, 64 : i32
            %dma_wait3A_298 = arith.constant 0 : i32
            %dma_wait3A_299 = arith.constant 0 : i32
            %dma_wait3A_300 = arith.constant 0 : i32
            %dma_wait3A_301 = arith.constant 0 : i32
            %dma_wait3A_302 = tpu.memref_slice %arg6[%dma_wait3A_298, %dma_wait3A_300, %dma_wait3A_301] : memref<4x64x128xf32, #tpu.memory_space<vmem>> -> memref<1x64x128xf32, #tpu.memory_space<vmem>>
            %dma_wait3A_303 = tpu.memref_squeeze %dma_wait3A_302 : memref<1x64x128xf32, #tpu.memory_space<vmem>> -> memref<64x128xf32, #tpu.memory_space<vmem>>
            %dma_wait3A_304 = arith.constant 0 : i32
            %dma_wait3A_305 = tpu.memref_slice %arg4[%multiple_of3A_297, %dma_wait3A_304] : memref<500000x128xf32, #tpu.memory_space<hbm>> -> memref<64x128xf32, #tpu.memory_space<hbm>>
            %dma_wait3A_306 = tpu.memref_slice %arg10[%dma_wait3A_299] : memref<4x!tpu.dma_semaphore, #tpu.memory_space<semaphore_mem>> -> memref<1x!tpu.dma_semaphore, #tpu.memory_space<semaphore_mem>>
            %dma_wait3A_307 = tpu.memref_squeeze %dma_wait3A_306 : memref<1x!tpu.dma_semaphore, #tpu.memory_space<semaphore_mem>> -> memref<!tpu.dma_semaphore, #tpu.memory_space<semaphore_mem>>
            %dma_wait3A_308 = arith.constant 0 : i32
            %dma_wait3A_309 = tpu.memref_slice %arg4[%multiple_of3A_297, %dma_wait3A_308] : memref<500000x128xf32, #tpu.memory_space<hbm>> -> memref<64x128xf32, #tpu.memory_space<hbm>>
            %dma_wait3A_310 = arith.constant 0 : i32
            %dma_wait3A_311 = arith.constant 0 : i32
            %dma_wait3A_312 = tpu.memref_slice %arg6[%dma_wait3A_298, %dma_wait3A_310, %dma_wait3A_311] : memref<4x64x128xf32, #tpu.memory_space<vmem>> -> memref<1x64x128xf32, #tpu.memory_space<vmem>>
            %dma_wait3A_313 = tpu.memref_squeeze %dma_wait3A_312 : memref<1x64x128xf32, #tpu.memory_space<vmem>> -> memref<64x128xf32, #tpu.memory_space<vmem>>
            tpu.wait_dma2 semaphore(%dma_wait3A_307 : memref<!tpu.dma_semaphore, #tpu.memory_space<semaphore_mem>>) src(%dma_wait3A_313 : memref<64x128xf32, #tpu.memory_space<vmem>>) dst(%dma_wait3A_309 : memref<64x128xf32, #tpu.memory_space<hbm>>)
          } else {
          }
          %mul3A_269 = arith.constant 32 : i32
          %mul3A_270 = arith.muli %mul3A_269, %add3A_203 : i32
          %add3A_271 = arith.addi %add3A, %mul3A_270 : i32
          %mul3A_272 = arith.constant 128 : i32
          %mul3A_273 = arith.muli %add3A_271, %mul3A_272 : i32
          %multiple_of3A_274 = tpu.assume_multiple %mul3A_273, 128 : i32
          %dma_start3A_275 = arith.constant 0 : i32
          %dma_start3A_276 = arith.constant 0 : i32
          %dma_start3A_277 = arith.constant 0 : i32
          %dma_start3A_278 = arith.constant 0 : i32
          %dma_start3A_279 = tpu.memref_slice %arg5[%dma_start3A_275, %dma_start3A_277, %dma_start3A_278] : memref<4x64x128xf32, #tpu.memory_space<vmem>> -> memref<1x64x128xf32, #tpu.memory_space<vmem>>
          %dma_start3A_280 = tpu.memref_squeeze %dma_start3A_279 : memref<1x64x128xf32, #tpu.memory_space<vmem>> -> memref<64x128xf32, #tpu.memory_space<vmem>>
          %dma_start3A_281 = arith.constant 0 : i32
          %dma_start3A_282 = tpu.memref_slice %arg2[%dma_start3A_281, %multiple_of3A_274] : memref<64x1000000xf32, #tpu.memory_space<hbm>> -> memref<64x128xf32, #tpu.memory_space<hbm>>
          %dma_start3A_283 = tpu.memref_slice %arg9[%dma_start3A_276] : memref<4x!tpu.dma_semaphore, #tpu.memory_space<semaphore_mem>> -> memref<1x!tpu.dma_semaphore, #tpu.memory_space<semaphore_mem>>
          %dma_start3A_284 = tpu.memref_squeeze %dma_start3A_283 : memref<1x!tpu.dma_semaphore, #tpu.memory_space<semaphore_mem>> -> memref<!tpu.dma_semaphore, #tpu.memory_space<semaphore_mem>>
          %dma_start3A_285 = arith.constant 0 : i32
          %dma_start3A_286 = arith.constant 0 : i32
          %dma_start3A_287 = tpu.memref_slice %arg5[%dma_start3A_275, %dma_start3A_285, %dma_start3A_286] : memref<4x64x128xf32, #tpu.memory_space<vmem>> -> memref<1x64x128xf32, #tpu.memory_space<vmem>>
          %dma_start3A_288 = tpu.memref_squeeze %dma_start3A_287 : memref<1x64x128xf32, #tpu.memory_space<vmem>> -> memref<64x128xf32, #tpu.memory_space<vmem>>
          %dma_start3A_289 = arith.constant 0 : i32
          %dma_start3A_290 = tpu.memref_slice %arg2[%dma_start3A_289, %multiple_of3A_274] : memref<64x1000000xf32, #tpu.memory_space<hbm>> -> memref<64x128xf32, #tpu.memory_space<hbm>>
          tpu.enqueue_dma source(%dma_start3A_290 : memref<64x128xf32, #tpu.memory_space<hbm>>) target(%dma_start3A_288 : memref<64x128xf32, #tpu.memory_space<vmem>>) target_semaphore(%dma_start3A_284 : memref<!tpu.dma_semaphore, #tpu.memory_space<semaphore_mem>>)
        } else {
        }
        %mul3A_211 = arith.constant 32 : i32
        %mul3A_212 = arith.muli %mul3A_211, %add3A_181 : i32
        %add3A_213 = arith.addi %add3A, %mul3A_212 : i32
        %mul3A_214 = arith.constant 128 : i32
        %mul3A_215 = arith.muli %add3A_213, %mul3A_214 : i32
        %multiple_of3A = tpu.assume_multiple %mul3A_215, 128 : i32
        %dma_wait3A = arith.constant 2 : i32
        %dma_wait3A_216 = arith.constant 2 : i32
        %dma_wait3A_217 = arith.constant 0 : i32
        %dma_wait3A_218 = arith.constant 0 : i32
        %dma_wait3A_219 = tpu.memref_slice %arg5[%dma_wait3A, %dma_wait3A_217, %dma_wait3A_218] : memref<4x64x128xf32, #tpu.memory_space<vmem>> -> memref<1x64x128xf32, #tpu.memory_space<vmem>>
        %dma_wait3A_220 = tpu.memref_squeeze %dma_wait3A_219 : memref<1x64x128xf32, #tpu.memory_space<vmem>> -> memref<64x128xf32, #tpu.memory_space<vmem>>
        %dma_wait3A_221 = arith.constant 0 : i32
        %dma_wait3A_222 = tpu.memref_slice %arg2[%dma_wait3A_221, %multiple_of3A] : memref<64x1000000xf32, #tpu.memory_space<hbm>> -> memref<64x128xf32, #tpu.memory_space<hbm>>
        %dma_wait3A_223 = tpu.memref_slice %arg9[%dma_wait3A_216] : memref<4x!tpu.dma_semaphore, #tpu.memory_space<semaphore_mem>> -> memref<1x!tpu.dma_semaphore, #tpu.memory_space<semaphore_mem>>
        %dma_wait3A_224 = tpu.memref_squeeze %dma_wait3A_223 : memref<1x!tpu.dma_semaphore, #tpu.memory_space<semaphore_mem>> -> memref<!tpu.dma_semaphore, #tpu.memory_space<semaphore_mem>>
        %dma_wait3A_225 = arith.constant 0 : i32
        %dma_wait3A_226 = arith.constant 0 : i32
        %dma_wait3A_227 = tpu.memref_slice %arg5[%dma_wait3A, %dma_wait3A_225, %dma_wait3A_226] : memref<4x64x128xf32, #tpu.memory_space<vmem>> -> memref<1x64x128xf32, #tpu.memory_space<vmem>>
        %dma_wait3A_228 = tpu.memref_squeeze %dma_wait3A_227 : memref<1x64x128xf32, #tpu.memory_space<vmem>> -> memref<64x128xf32, #tpu.memory_space<vmem>>
        %dma_wait3A_229 = arith.constant 0 : i32
        %dma_wait3A_230 = tpu.memref_slice %arg2[%dma_wait3A_229, %multiple_of3A] : memref<64x1000000xf32, #tpu.memory_space<hbm>> -> memref<64x128xf32, #tpu.memory_space<hbm>>
        tpu.wait_dma2 semaphore(%dma_wait3A_224 : memref<!tpu.dma_semaphore, #tpu.memory_space<semaphore_mem>>) src(%dma_wait3A_230 : memref<64x128xf32, #tpu.memory_space<hbm>>) dst(%dma_wait3A_228 : memref<64x128xf32, #tpu.memory_space<vmem>>)
        %parallel_loop3A_231 = arith.constant 0 : i32
        %parallel_loop3A_232 = arith.constant 128 : i32
        %parallel_loop3A_233 = arith.constant 1 : i32
        scf.for %parallel_loop3A_264 = %parallel_loop3A_231 to %parallel_loop3A_232 step %parallel_loop3A_233  : i32 {
          %parallel_loop3A_265 = arith.index_cast %parallel_loop3A_264 : i32 to index
          %parallel_loop3A_266 = arith.constant 0 : index
          %parallel_loop3A_267 = tpu.vector_load %arg7[%parallel_loop3A_265, %parallel_loop3A_266] {strides = array<i32>} : memref<128x16xi32, #tpu.memory_space<vmem>>, vector<16xi32>,
          %parallel_loop3A_268 = arith.index_cast %parallel_loop3A_264 : i32 to index
          %parallel_loop3A_269 = arith.constant 0 : index
          %parallel_loop3A_270 = tpu.vector_load %arg8[%parallel_loop3A_268, %parallel_loop3A_269] {strides = array<i32>} : memref<128x16xi32, #tpu.memory_space<vmem>>, vector<16xi32>,
          %parallel_loop3A_271 = arith.addi %add3A_8, %parallel_loop3A_270 : vector<16xi32>
          %parallel_loop3A_272 = arith.constant 2 : i32
          %parallel_loop3A_273 = arith.constant 0 : i32
          %parallel_loop3A_274 = arith.constant 0 : i32
          %parallel_loop3A_275 = tpu.memref_slice %arg5[%parallel_loop3A_272, %parallel_loop3A_273, %parallel_loop3A_274] : memref<4x64x128xf32, #tpu.memory_space<vmem>> -> memref<1x64x128xf32, #tpu.memory_space<vmem>>
          %parallel_loop3A_276 = tpu.memref_squeeze %parallel_loop3A_275 : memref<1x64x128xf32, #tpu.memory_space<vmem>> -> memref<64x128xf32, #tpu.memory_space<vmem>>
          %parallel_loop3A_277 = tpu.vector_load_idx %parallel_loop3A_276[%parallel_loop3A_267, %parallel_loop3A_271] : memref<64x128xf32, #tpu.memory_space<vmem>>[vector<16xi32>, vector<16xi32>], vector<16xf32>,
          %parallel_loop3A_278 = arith.constant 64 : i32
          %parallel_loop3A_279 = vector.broadcast %parallel_loop3A_278 : i32 to vector<16xi32>
          %parallel_loop3A_280 = arith.muli %parallel_loop3A_270, %parallel_loop3A_279 : vector<16xi32>
          %parallel_loop3A_281 = arith.addi %parallel_loop3A_267, %parallel_loop3A_280 : vector<16xi32>
          %parallel_loop3A_282 = arith.constant 2 : i32
          %parallel_loop3A_283 = arith.constant 0 : i32
          %parallel_loop3A_284 = arith.constant 0 : i32
          %parallel_loop3A_285 = tpu.memref_slice %arg6[%parallel_loop3A_282, %parallel_loop3A_283, %parallel_loop3A_284] : memref<4x64x128xf32, #tpu.memory_space<vmem>> -> memref<1x64x128xf32, #tpu.memory_space<vmem>>
          %parallel_loop3A_286 = tpu.memref_squeeze %parallel_loop3A_285 : memref<1x64x128xf32, #tpu.memory_space<vmem>> -> memref<64x128xf32, #tpu.memory_space<vmem>>
          tpu.vector_store_idx %parallel_loop3A_286[%add3A_29, %parallel_loop3A_281], %parallel_loop3A_277 : memref<64x128xf32, #tpu.memory_space<vmem>>[vector<16xi32>, vector<16xi32>], vector<16xf32>,
        } {sc.loop_unroll_factor = 4 : i64, sc.parallel_access}
        %parallel_loop3A_234 = arith.constant 0 : i32
        %parallel_loop3A_235 = arith.constant 128 : i32
        %parallel_loop3A_236 = arith.constant 1 : i32
        scf.for %parallel_loop3A_264 = %parallel_loop3A_234 to %parallel_loop3A_235 step %parallel_loop3A_236  : i32 {
          %parallel_loop3A_265 = arith.index_cast %parallel_loop3A_264 : i32 to index
          %parallel_loop3A_266 = arith.constant 0 : index
          %parallel_loop3A_267 = tpu.vector_load %arg7[%parallel_loop3A_265, %parallel_loop3A_266] {strides = array<i32>} : memref<128x16xi32, #tpu.memory_space<vmem>>, vector<16xi32>,
          %parallel_loop3A_268 = arith.index_cast %parallel_loop3A_264 : i32 to index
          %parallel_loop3A_269 = arith.constant 0 : index
          %parallel_loop3A_270 = tpu.vector_load %arg8[%parallel_loop3A_268, %parallel_loop3A_269] {strides = array<i32>} : memref<128x16xi32, #tpu.memory_space<vmem>>, vector<16xi32>,
          %parallel_loop3A_271 = arith.addi %add3A_14, %parallel_loop3A_270 : vector<16xi32>
          %parallel_loop3A_272 = arith.constant 2 : i32
          %parallel_loop3A_273 = arith.constant 0 : i32
          %parallel_loop3A_274 = arith.constant 0 : i32
          %parallel_loop3A_275 = tpu.memref_slice %arg5[%parallel_loop3A_272, %parallel_loop3A_273, %parallel_loop3A_274] : memref<4x64x128xf32, #tpu.memory_space<vmem>> -> memref<1x64x128xf32, #tpu.memory_space<vmem>>
          %parallel_loop3A_276 = tpu.memref_squeeze %parallel_loop3A_275 : memref<1x64x128xf32, #tpu.memory_space<vmem>> -> memref<64x128xf32, #tpu.memory_space<vmem>>
          %parallel_loop3A_277 = tpu.vector_load_idx %parallel_loop3A_276[%parallel_loop3A_267, %parallel_loop3A_271] : memref<64x128xf32, #tpu.memory_space<vmem>>[vector<16xi32>, vector<16xi32>], vector<16xf32>,
          %parallel_loop3A_278 = arith.constant 64 : i32
          %parallel_loop3A_279 = vector.broadcast %parallel_loop3A_278 : i32 to vector<16xi32>
          %parallel_loop3A_280 = arith.muli %parallel_loop3A_270, %parallel_loop3A_279 : vector<16xi32>
          %parallel_loop3A_281 = arith.addi %parallel_loop3A_267, %parallel_loop3A_280 : vector<16xi32>
          %parallel_loop3A_282 = arith.constant 2 : i32
          %parallel_loop3A_283 = arith.constant 0 : i32
          %parallel_loop3A_284 = arith.constant 0 : i32
          %parallel_loop3A_285 = tpu.memref_slice %arg6[%parallel_loop3A_282, %parallel_loop3A_283, %parallel_loop3A_284] : memref<4x64x128xf32, #tpu.memory_space<vmem>> -> memref<1x64x128xf32, #tpu.memory_space<vmem>>
          %parallel_loop3A_286 = tpu.memref_squeeze %parallel_loop3A_285 : memref<1x64x128xf32, #tpu.memory_space<vmem>> -> memref<64x128xf32, #tpu.memory_space<vmem>>
          tpu.vector_store_idx %parallel_loop3A_286[%add3A_32, %parallel_loop3A_281], %parallel_loop3A_277 : memref<64x128xf32, #tpu.memory_space<vmem>>[vector<16xi32>, vector<16xi32>], vector<16xf32>,
        } {sc.loop_unroll_factor = 4 : i64, sc.parallel_access}
        %parallel_loop3A_237 = arith.constant 0 : i32
        %parallel_loop3A_238 = arith.constant 128 : i32
        %parallel_loop3A_239 = arith.constant 1 : i32
        scf.for %parallel_loop3A_264 = %parallel_loop3A_237 to %parallel_loop3A_238 step %parallel_loop3A_239  : i32 {
          %parallel_loop3A_265 = arith.index_cast %parallel_loop3A_264 : i32 to index
          %parallel_loop3A_266 = arith.constant 0 : index
          %parallel_loop3A_267 = tpu.vector_load %arg7[%parallel_loop3A_265, %parallel_loop3A_266] {strides = array<i32>} : memref<128x16xi32, #tpu.memory_space<vmem>>, vector<16xi32>,
          %parallel_loop3A_268 = arith.index_cast %parallel_loop3A_264 : i32 to index
          %parallel_loop3A_269 = arith.constant 0 : index
          %parallel_loop3A_270 = tpu.vector_load %arg8[%parallel_loop3A_268, %parallel_loop3A_269] {strides = array<i32>} : memref<128x16xi32, #tpu.memory_space<vmem>>, vector<16xi32>,
          %parallel_loop3A_271 = arith.addi %add3A_20, %parallel_loop3A_270 : vector<16xi32>
          %parallel_loop3A_272 = arith.constant 2 : i32
          %parallel_loop3A_273 = arith.constant 0 : i32
          %parallel_loop3A_274 = arith.constant 0 : i32
          %parallel_loop3A_275 = tpu.memref_slice %arg5[%parallel_loop3A_272, %parallel_loop3A_273, %parallel_loop3A_274] : memref<4x64x128xf32, #tpu.memory_space<vmem>> -> memref<1x64x128xf32, #tpu.memory_space<vmem>>
          %parallel_loop3A_276 = tpu.memref_squeeze %parallel_loop3A_275 : memref<1x64x128xf32, #tpu.memory_space<vmem>> -> memref<64x128xf32, #tpu.memory_space<vmem>>
          %parallel_loop3A_277 = tpu.vector_load_idx %parallel_loop3A_276[%parallel_loop3A_267, %parallel_loop3A_271] : memref<64x128xf32, #tpu.memory_space<vmem>>[vector<16xi32>, vector<16xi32>], vector<16xf32>,
          %parallel_loop3A_278 = arith.constant 64 : i32
          %parallel_loop3A_279 = vector.broadcast %parallel_loop3A_278 : i32 to vector<16xi32>
          %parallel_loop3A_280 = arith.muli %parallel_loop3A_270, %parallel_loop3A_279 : vector<16xi32>
          %parallel_loop3A_281 = arith.addi %parallel_loop3A_267, %parallel_loop3A_280 : vector<16xi32>
          %parallel_loop3A_282 = arith.constant 2 : i32
          %parallel_loop3A_283 = arith.constant 0 : i32
          %parallel_loop3A_284 = arith.constant 0 : i32
          %parallel_loop3A_285 = tpu.memref_slice %arg6[%parallel_loop3A_282, %parallel_loop3A_283, %parallel_loop3A_284] : memref<4x64x128xf32, #tpu.memory_space<vmem>> -> memref<1x64x128xf32, #tpu.memory_space<vmem>>
          %parallel_loop3A_286 = tpu.memref_squeeze %parallel_loop3A_285 : memref<1x64x128xf32, #tpu.memory_space<vmem>> -> memref<64x128xf32, #tpu.memory_space<vmem>>
          tpu.vector_store_idx %parallel_loop3A_286[%add3A_35, %parallel_loop3A_281], %parallel_loop3A_277 : memref<64x128xf32, #tpu.memory_space<vmem>>[vector<16xi32>, vector<16xi32>], vector<16xf32>,
        } {sc.loop_unroll_factor = 4 : i64, sc.parallel_access}
        %parallel_loop3A_240 = arith.constant 0 : i32
        %parallel_loop3A_241 = arith.constant 128 : i32
        %parallel_loop3A_242 = arith.constant 1 : i32
        scf.for %parallel_loop3A_264 = %parallel_loop3A_240 to %parallel_loop3A_241 step %parallel_loop3A_242  : i32 {
          %parallel_loop3A_265 = arith.index_cast %parallel_loop3A_264 : i32 to index
          %parallel_loop3A_266 = arith.constant 0 : index
          %parallel_loop3A_267 = tpu.vector_load %arg7[%parallel_loop3A_265, %parallel_loop3A_266] {strides = array<i32>} : memref<128x16xi32, #tpu.memory_space<vmem>>, vector<16xi32>,
          %parallel_loop3A_268 = arith.index_cast %parallel_loop3A_264 : i32 to index
          %parallel_loop3A_269 = arith.constant 0 : index
          %parallel_loop3A_270 = tpu.vector_load %arg8[%parallel_loop3A_268, %parallel_loop3A_269] {strides = array<i32>} : memref<128x16xi32, #tpu.memory_space<vmem>>, vector<16xi32>,
          %parallel_loop3A_271 = arith.addi %add3A_26, %parallel_loop3A_270 : vector<16xi32>
          %parallel_loop3A_272 = arith.constant 2 : i32
          %parallel_loop3A_273 = arith.constant 0 : i32
          %parallel_loop3A_274 = arith.constant 0 : i32
          %parallel_loop3A_275 = tpu.memref_slice %arg5[%parallel_loop3A_272, %parallel_loop3A_273, %parallel_loop3A_274] : memref<4x64x128xf32, #tpu.memory_space<vmem>> -> memref<1x64x128xf32, #tpu.memory_space<vmem>>
          %parallel_loop3A_276 = tpu.memref_squeeze %parallel_loop3A_275 : memref<1x64x128xf32, #tpu.memory_space<vmem>> -> memref<64x128xf32, #tpu.memory_space<vmem>>
          %parallel_loop3A_277 = tpu.vector_load_idx %parallel_loop3A_276[%parallel_loop3A_267, %parallel_loop3A_271] : memref<64x128xf32, #tpu.memory_space<vmem>>[vector<16xi32>, vector<16xi32>], vector<16xf32>,
          %parallel_loop3A_278 = arith.constant 64 : i32
          %parallel_loop3A_279 = vector.broadcast %parallel_loop3A_278 : i32 to vector<16xi32>
          %parallel_loop3A_280 = arith.muli %parallel_loop3A_270, %parallel_loop3A_279 : vector<16xi32>
          %parallel_loop3A_281 = arith.addi %parallel_loop3A_267, %parallel_loop3A_280 : vector<16xi32>
          %parallel_loop3A_282 = arith.constant 2 : i32
          %parallel_loop3A_283 = arith.constant 0 : i32
          %parallel_loop3A_284 = arith.constant 0 : i32
          %parallel_loop3A_285 = tpu.memref_slice %arg6[%parallel_loop3A_282, %parallel_loop3A_283, %parallel_loop3A_284] : memref<4x64x128xf32, #tpu.memory_space<vmem>> -> memref<1x64x128xf32, #tpu.memory_space<vmem>>
          %parallel_loop3A_286 = tpu.memref_squeeze %parallel_loop3A_285 : memref<1x64x128xf32, #tpu.memory_space<vmem>> -> memref<64x128xf32, #tpu.memory_space<vmem>>
          tpu.vector_store_idx %parallel_loop3A_286[%add3A_38, %parallel_loop3A_281], %parallel_loop3A_277 : memref<64x128xf32, #tpu.memory_space<vmem>>[vector<16xi32>, vector<16xi32>], vector<16xf32>,
        } {sc.loop_unroll_factor = 4 : i64, sc.parallel_access}
        %mul3A_243 = arith.constant 32 : i32
        %mul3A_244 = arith.muli %mul3A_243, %add3A_181 : i32
        %add3A_245 = arith.addi %add3A, %mul3A_244 : i32
        %mul3A_246 = arith.constant 64 : i32
        %mul3A_247 = arith.muli %add3A_245, %mul3A_246 : i32
        %multiple_of3A_248 = tpu.assume_multiple %mul3A_247, 64 : i32
        %dma_start3A = arith.constant 2 : i32
        %dma_start3A_249 = arith.constant 2 : i32
        %dma_start3A_250 = arith.constant 0 : i32
        %dma_start3A_251 = arith.constant 0 : i32
        %dma_start3A_252 = tpu.memref_slice %arg6[%dma_start3A, %dma_start3A_250, %dma_start3A_251] : memref<4x64x128xf32, #tpu.memory_space<vmem>> -> memref<1x64x128xf32, #tpu.memory_space<vmem>>
        %dma_start3A_253 = tpu.memref_squeeze %dma_start3A_252 : memref<1x64x128xf32, #tpu.memory_space<vmem>> -> memref<64x128xf32, #tpu.memory_space<vmem>>
        %dma_start3A_254 = arith.constant 0 : i32
        %dma_start3A_255 = tpu.memref_slice %arg4[%multiple_of3A_248, %dma_start3A_254] : memref<500000x128xf32, #tpu.memory_space<hbm>> -> memref<64x128xf32, #tpu.memory_space<hbm>>
        %dma_start3A_256 = tpu.memref_slice %arg10[%dma_start3A_249] : memref<4x!tpu.dma_semaphore, #tpu.memory_space<semaphore_mem>> -> memref<1x!tpu.dma_semaphore, #tpu.memory_space<semaphore_mem>>
        %dma_start3A_257 = tpu.memref_squeeze %dma_start3A_256 : memref<1x!tpu.dma_semaphore, #tpu.memory_space<semaphore_mem>> -> memref<!tpu.dma_semaphore, #tpu.memory_space<semaphore_mem>>
        %dma_start3A_258 = arith.constant 0 : i32
        %dma_start3A_259 = tpu.memref_slice %arg4[%multiple_of3A_248, %dma_start3A_258] : memref<500000x128xf32, #tpu.memory_space<hbm>> -> memref<64x128xf32, #tpu.memory_space<hbm>>
        %dma_start3A_260 = arith.constant 0 : i32
        %dma_start3A_261 = arith.constant 0 : i32
        %dma_start3A_262 = tpu.memref_slice %arg6[%dma_start3A, %dma_start3A_260, %dma_start3A_261] : memref<4x64x128xf32, #tpu.memory_space<vmem>> -> memref<1x64x128xf32, #tpu.memory_space<vmem>>
        %dma_start3A_263 = tpu.memref_squeeze %dma_start3A_262 : memref<1x64x128xf32, #tpu.memory_space<vmem>> -> memref<64x128xf32, #tpu.memory_space<vmem>>
        tpu.enqueue_dma source(%dma_start3A_263 : memref<64x128xf32, #tpu.memory_space<vmem>>) target(%dma_start3A_259 : memref<64x128xf32, #tpu.memory_space<hbm>>) target_semaphore(%dma_start3A_257 : memref<!tpu.dma_semaphore, #tpu.memory_space<semaphore_mem>>)
      } else {
      }
      %mul3A_190 = arith.constant 4 : i32
      %mul3A_191 = arith.muli %scan3A_153, %mul3A_190 : i32
      %add3A_192 = arith.constant 3 : i32
      %add3A_193 = arith.addi %mul3A_191, %add3A_192 : i32
      %mul3A_194 = arith.constant 32 : i32
      %mul3A_195 = arith.muli %mul3A_194, %add3A_193 : i32
      %add3A_196 = arith.addi %add3A, %mul3A_195 : i32
      %lt3A_197 = arith.constant 7812 : i32
      %lt3A_198 = arith.cmpi slt, %add3A_196, %lt3A_197 : i32
      %convert_element_type3A_199 = arith.extui %lt3A_198 : i1 to i32
      %cond3A_200 = arith.constant 0 : i32
      %cond3A_201 = arith.cmpi ne, %convert_element_type3A_199, %cond3A_200 : i32
      scf.if %cond3A_201 {
        %add3A_202 = arith.constant 2 : i32
        %add3A_203 = arith.addi %add3A_193, %add3A_202 : i32
        %add3A_204 = arith.constant 64 : i32
        %add3A_205 = arith.addi %add3A_196, %add3A_204 : i32
        %lt3A_206 = arith.constant 7812 : i32
        %lt3A_207 = arith.cmpi slt, %add3A_205, %lt3A_206 : i32
        %convert_element_type3A_208 = arith.extui %lt3A_207 : i1 to i32
        %cond3A_209 = arith.constant 0 : i32
        %cond3A_210 = arith.cmpi ne, %convert_element_type3A_208, %cond3A_209 : i32
        scf.if %cond3A_210 {
          %ge3A_264 = arith.constant 64 : i32
          %ge3A_265 = arith.cmpi sge, %add3A_196, %ge3A_264 : i32
          %convert_element_type3A_266 = arith.extui %ge3A_265 : i1 to i32
          %cond3A_267 = arith.constant 0 : i32
          %cond3A_268 = arith.cmpi ne, %convert_element_type3A_266, %cond3A_267 : i32
          scf.if %cond3A_268 {
            %sub3A = arith.constant 4 : i32
            %sub3A_291 = arith.subi %add3A_203, %sub3A : i32
            %mul3A_292 = arith.constant 32 : i32
            %mul3A_293 = arith.muli %mul3A_292, %sub3A_291 : i32
            %add3A_294 = arith.addi %add3A, %mul3A_293 : i32
            %mul3A_295 = arith.constant 64 : i32
            %mul3A_296 = arith.muli %add3A_294, %mul3A_295 : i32
            %multiple_of3A_297 = tpu.assume_multiple %mul3A_296, 64 : i32
            %dma_wait3A_298 = arith.constant 1 : i32
            %dma_wait3A_299 = arith.constant 1 : i32
            %dma_wait3A_300 = arith.constant 0 : i32
            %dma_wait3A_301 = arith.constant 0 : i32
            %dma_wait3A_302 = tpu.memref_slice %arg6[%dma_wait3A_298, %dma_wait3A_300, %dma_wait3A_301] : memref<4x64x128xf32, #tpu.memory_space<vmem>> -> memref<1x64x128xf32, #tpu.memory_space<vmem>>
            %dma_wait3A_303 = tpu.memref_squeeze %dma_wait3A_302 : memref<1x64x128xf32, #tpu.memory_space<vmem>> -> memref<64x128xf32, #tpu.memory_space<vmem>>
            %dma_wait3A_304 = arith.constant 0 : i32
            %dma_wait3A_305 = tpu.memref_slice %arg4[%multiple_of3A_297, %dma_wait3A_304] : memref<500000x128xf32, #tpu.memory_space<hbm>> -> memref<64x128xf32, #tpu.memory_space<hbm>>
            %dma_wait3A_306 = tpu.memref_slice %arg10[%dma_wait3A_299] : memref<4x!tpu.dma_semaphore, #tpu.memory_space<semaphore_mem>> -> memref<1x!tpu.dma_semaphore, #tpu.memory_space<semaphore_mem>>
            %dma_wait3A_307 = tpu.memref_squeeze %dma_wait3A_306 : memref<1x!tpu.dma_semaphore, #tpu.memory_space<semaphore_mem>> -> memref<!tpu.dma_semaphore, #tpu.memory_space<semaphore_mem>>
            %dma_wait3A_308 = arith.constant 0 : i32
            %dma_wait3A_309 = tpu.memref_slice %arg4[%multiple_of3A_297, %dma_wait3A_308] : memref<500000x128xf32, #tpu.memory_space<hbm>> -> memref<64x128xf32, #tpu.memory_space<hbm>>
            %dma_wait3A_310 = arith.constant 0 : i32
            %dma_wait3A_311 = arith.constant 0 : i32
            %dma_wait3A_312 = tpu.memref_slice %arg6[%dma_wait3A_298, %dma_wait3A_310, %dma_wait3A_311] : memref<4x64x128xf32, #tpu.memory_space<vmem>> -> memref<1x64x128xf32, #tpu.memory_space<vmem>>
            %dma_wait3A_313 = tpu.memref_squeeze %dma_wait3A_312 : memref<1x64x128xf32, #tpu.memory_space<vmem>> -> memref<64x128xf32, #tpu.memory_space<vmem>>
            tpu.wait_dma2 semaphore(%dma_wait3A_307 : memref<!tpu.dma_semaphore, #tpu.memory_space<semaphore_mem>>) src(%dma_wait3A_313 : memref<64x128xf32, #tpu.memory_space<vmem>>) dst(%dma_wait3A_309 : memref<64x128xf32, #tpu.memory_space<hbm>>)
          } else {
          }
          %mul3A_269 = arith.constant 32 : i32
          %mul3A_270 = arith.muli %mul3A_269, %add3A_203 : i32
          %add3A_271 = arith.addi %add3A, %mul3A_270 : i32
          %mul3A_272 = arith.constant 128 : i32
          %mul3A_273 = arith.muli %add3A_271, %mul3A_272 : i32
          %multiple_of3A_274 = tpu.assume_multiple %mul3A_273, 128 : i32
          %dma_start3A_275 = arith.constant 1 : i32
          %dma_start3A_276 = arith.constant 1 : i32
          %dma_start3A_277 = arith.constant 0 : i32
          %dma_start3A_278 = arith.constant 0 : i32
          %dma_start3A_279 = tpu.memref_slice %arg5[%dma_start3A_275, %dma_start3A_277, %dma_start3A_278] : memref<4x64x128xf32, #tpu.memory_space<vmem>> -> memref<1x64x128xf32, #tpu.memory_space<vmem>>
          %dma_start3A_280 = tpu.memref_squeeze %dma_start3A_279 : memref<1x64x128xf32, #tpu.memory_space<vmem>> -> memref<64x128xf32, #tpu.memory_space<vmem>>
          %dma_start3A_281 = arith.constant 0 : i32
          %dma_start3A_282 = tpu.memref_slice %arg2[%dma_start3A_281, %multiple_of3A_274] : memref<64x1000000xf32, #tpu.memory_space<hbm>> -> memref<64x128xf32, #tpu.memory_space<hbm>>
          %dma_start3A_283 = tpu.memref_slice %arg9[%dma_start3A_276] : memref<4x!tpu.dma_semaphore, #tpu.memory_space<semaphore_mem>> -> memref<1x!tpu.dma_semaphore, #tpu.memory_space<semaphore_mem>>
          %dma_start3A_284 = tpu.memref_squeeze %dma_start3A_283 : memref<1x!tpu.dma_semaphore, #tpu.memory_space<semaphore_mem>> -> memref<!tpu.dma_semaphore, #tpu.memory_space<semaphore_mem>>
          %dma_start3A_285 = arith.constant 0 : i32
          %dma_start3A_286 = arith.constant 0 : i32
          %dma_start3A_287 = tpu.memref_slice %arg5[%dma_start3A_275, %dma_start3A_285, %dma_start3A_286] : memref<4x64x128xf32, #tpu.memory_space<vmem>> -> memref<1x64x128xf32, #tpu.memory_space<vmem>>
          %dma_start3A_288 = tpu.memref_squeeze %dma_start3A_287 : memref<1x64x128xf32, #tpu.memory_space<vmem>> -> memref<64x128xf32, #tpu.memory_space<vmem>>
          %dma_start3A_289 = arith.constant 0 : i32
          %dma_start3A_290 = tpu.memref_slice %arg2[%dma_start3A_289, %multiple_of3A_274] : memref<64x1000000xf32, #tpu.memory_space<hbm>> -> memref<64x128xf32, #tpu.memory_space<hbm>>
          tpu.enqueue_dma source(%dma_start3A_290 : memref<64x128xf32, #tpu.memory_space<hbm>>) target(%dma_start3A_288 : memref<64x128xf32, #tpu.memory_space<vmem>>) target_semaphore(%dma_start3A_284 : memref<!tpu.dma_semaphore, #tpu.memory_space<semaphore_mem>>)
        } else {
        }
        %mul3A_211 = arith.constant 32 : i32
        %mul3A_212 = arith.muli %mul3A_211, %add3A_193 : i32
        %add3A_213 = arith.addi %add3A, %mul3A_212 : i32
        %mul3A_214 = arith.constant 128 : i32
        %mul3A_215 = arith.muli %add3A_213, %mul3A_214 : i32
        %multiple_of3A = tpu.assume_multiple %mul3A_215, 128 : i32
        %dma_wait3A = arith.constant 3 : i32
        %dma_wait3A_216 = arith.constant 3 : i32
        %dma_wait3A_217 = arith.constant 0 : i32
        %dma_wait3A_218 = arith.constant 0 : i32
        %dma_wait3A_219 = tpu.memref_slice %arg5[%dma_wait3A, %dma_wait3A_217, %dma_wait3A_218] : memref<4x64x128xf32, #tpu.memory_space<vmem>> -> memref<1x64x128xf32, #tpu.memory_space<vmem>>
        %dma_wait3A_220 = tpu.memref_squeeze %dma_wait3A_219 : memref<1x64x128xf32, #tpu.memory_space<vmem>> -> memref<64x128xf32, #tpu.memory_space<vmem>>
        %dma_wait3A_221 = arith.constant 0 : i32
        %dma_wait3A_222 = tpu.memref_slice %arg2[%dma_wait3A_221, %multiple_of3A] : memref<64x1000000xf32, #tpu.memory_space<hbm>> -> memref<64x128xf32, #tpu.memory_space<hbm>>
        %dma_wait3A_223 = tpu.memref_slice %arg9[%dma_wait3A_216] : memref<4x!tpu.dma_semaphore, #tpu.memory_space<semaphore_mem>> -> memref<1x!tpu.dma_semaphore, #tpu.memory_space<semaphore_mem>>
        %dma_wait3A_224 = tpu.memref_squeeze %dma_wait3A_223 : memref<1x!tpu.dma_semaphore, #tpu.memory_space<semaphore_mem>> -> memref<!tpu.dma_semaphore, #tpu.memory_space<semaphore_mem>>
        %dma_wait3A_225 = arith.constant 0 : i32
        %dma_wait3A_226 = arith.constant 0 : i32
        %dma_wait3A_227 = tpu.memref_slice %arg5[%dma_wait3A, %dma_wait3A_225, %dma_wait3A_226] : memref<4x64x128xf32, #tpu.memory_space<vmem>> -> memref<1x64x128xf32, #tpu.memory_space<vmem>>
        %dma_wait3A_228 = tpu.memref_squeeze %dma_wait3A_227 : memref<1x64x128xf32, #tpu.memory_space<vmem>> -> memref<64x128xf32, #tpu.memory_space<vmem>>
        %dma_wait3A_229 = arith.constant 0 : i32
        %dma_wait3A_230 = tpu.memref_slice %arg2[%dma_wait3A_229, %multiple_of3A] : memref<64x1000000xf32, #tpu.memory_space<hbm>> -> memref<64x128xf32, #tpu.memory_space<hbm>>
        tpu.wait_dma2 semaphore(%dma_wait3A_224 : memref<!tpu.dma_semaphore, #tpu.memory_space<semaphore_mem>>) src(%dma_wait3A_230 : memref<64x128xf32, #tpu.memory_space<hbm>>) dst(%dma_wait3A_228 : memref<64x128xf32, #tpu.memory_space<vmem>>)
        %parallel_loop3A_231 = arith.constant 0 : i32
        %parallel_loop3A_232 = arith.constant 128 : i32
        %parallel_loop3A_233 = arith.constant 1 : i32
        scf.for %parallel_loop3A_264 = %parallel_loop3A_231 to %parallel_loop3A_232 step %parallel_loop3A_233  : i32 {
          %parallel_loop3A_265 = arith.index_cast %parallel_loop3A_264 : i32 to index
          %parallel_loop3A_266 = arith.constant 0 : index
          %parallel_loop3A_267 = tpu.vector_load %arg7[%parallel_loop3A_265, %parallel_loop3A_266] {strides = array<i32>} : memref<128x16xi32, #tpu.memory_space<vmem>>, vector<16xi32>,
          %parallel_loop3A_268 = arith.index_cast %parallel_loop3A_264 : i32 to index
          %parallel_loop3A_269 = arith.constant 0 : index
          %parallel_loop3A_270 = tpu.vector_load %arg8[%parallel_loop3A_268, %parallel_loop3A_269] {strides = array<i32>} : memref<128x16xi32, #tpu.memory_space<vmem>>, vector<16xi32>,
          %parallel_loop3A_271 = arith.addi %add3A_8, %parallel_loop3A_270 : vector<16xi32>
          %parallel_loop3A_272 = arith.constant 3 : i32
          %parallel_loop3A_273 = arith.constant 0 : i32
          %parallel_loop3A_274 = arith.constant 0 : i32
          %parallel_loop3A_275 = tpu.memref_slice %arg5[%parallel_loop3A_272, %parallel_loop3A_273, %parallel_loop3A_274] : memref<4x64x128xf32, #tpu.memory_space<vmem>> -> memref<1x64x128xf32, #tpu.memory_space<vmem>>
          %parallel_loop3A_276 = tpu.memref_squeeze %parallel_loop3A_275 : memref<1x64x128xf32, #tpu.memory_space<vmem>> -> memref<64x128xf32, #tpu.memory_space<vmem>>
          %parallel_loop3A_277 = tpu.vector_load_idx %parallel_loop3A_276[%parallel_loop3A_267, %parallel_loop3A_271] : memref<64x128xf32, #tpu.memory_space<vmem>>[vector<16xi32>, vector<16xi32>], vector<16xf32>,
          %parallel_loop3A_278 = arith.constant 64 : i32
          %parallel_loop3A_279 = vector.broadcast %parallel_loop3A_278 : i32 to vector<16xi32>
          %parallel_loop3A_280 = arith.muli %parallel_loop3A_270, %parallel_loop3A_279 : vector<16xi32>
          %parallel_loop3A_281 = arith.addi %parallel_loop3A_267, %parallel_loop3A_280 : vector<16xi32>
          %parallel_loop3A_282 = arith.constant 3 : i32
          %parallel_loop3A_283 = arith.constant 0 : i32
          %parallel_loop3A_284 = arith.constant 0 : i32
          %parallel_loop3A_285 = tpu.memref_slice %arg6[%parallel_loop3A_282, %parallel_loop3A_283, %parallel_loop3A_284] : memref<4x64x128xf32, #tpu.memory_space<vmem>> -> memref<1x64x128xf32, #tpu.memory_space<vmem>>
          %parallel_loop3A_286 = tpu.memref_squeeze %parallel_loop3A_285 : memref<1x64x128xf32, #tpu.memory_space<vmem>> -> memref<64x128xf32, #tpu.memory_space<vmem>>
          tpu.vector_store_idx %parallel_loop3A_286[%add3A_29, %parallel_loop3A_281], %parallel_loop3A_277 : memref<64x128xf32, #tpu.memory_space<vmem>>[vector<16xi32>, vector<16xi32>], vector<16xf32>,
        } {sc.loop_unroll_factor = 4 : i64, sc.parallel_access}
        %parallel_loop3A_234 = arith.constant 0 : i32
        %parallel_loop3A_235 = arith.constant 128 : i32
        %parallel_loop3A_236 = arith.constant 1 : i32
        scf.for %parallel_loop3A_264 = %parallel_loop3A_234 to %parallel_loop3A_235 step %parallel_loop3A_236  : i32 {
          %parallel_loop3A_265 = arith.index_cast %parallel_loop3A_264 : i32 to index
          %parallel_loop3A_266 = arith.constant 0 : index
          %parallel_loop3A_267 = tpu.vector_load %arg7[%parallel_loop3A_265, %parallel_loop3A_266] {strides = array<i32>} : memref<128x16xi32, #tpu.memory_space<vmem>>, vector<16xi32>,
          %parallel_loop3A_268 = arith.index_cast %parallel_loop3A_264 : i32 to index
          %parallel_loop3A_269 = arith.constant 0 : index
          %parallel_loop3A_270 = tpu.vector_load %arg8[%parallel_loop3A_268, %parallel_loop3A_269] {strides = array<i32>} : memref<128x16xi32, #tpu.memory_space<vmem>>, vector<16xi32>,
          %parallel_loop3A_271 = arith.addi %add3A_14, %parallel_loop3A_270 : vector<16xi32>
          %parallel_loop3A_272 = arith.constant 3 : i32
          %parallel_loop3A_273 = arith.constant 0 : i32
          %parallel_loop3A_274 = arith.constant 0 : i32
          %parallel_loop3A_275 = tpu.memref_slice %arg5[%parallel_loop3A_272, %parallel_loop3A_273, %parallel_loop3A_274] : memref<4x64x128xf32, #tpu.memory_space<vmem>> -> memref<1x64x128xf32, #tpu.memory_space<vmem>>
          %parallel_loop3A_276 = tpu.memref_squeeze %parallel_loop3A_275 : memref<1x64x128xf32, #tpu.memory_space<vmem>> -> memref<64x128xf32, #tpu.memory_space<vmem>>
          %parallel_loop3A_277 = tpu.vector_load_idx %parallel_loop3A_276[%parallel_loop3A_267, %parallel_loop3A_271] : memref<64x128xf32, #tpu.memory_space<vmem>>[vector<16xi32>, vector<16xi32>], vector<16xf32>,
          %parallel_loop3A_278 = arith.constant 64 : i32
          %parallel_loop3A_279 = vector.broadcast %parallel_loop3A_278 : i32 to vector<16xi32>
          %parallel_loop3A_280 = arith.muli %parallel_loop3A_270, %parallel_loop3A_279 : vector<16xi32>
          %parallel_loop3A_281 = arith.addi %parallel_loop3A_267, %parallel_loop3A_280 : vector<16xi32>
          %parallel_loop3A_282 = arith.constant 3 : i32
          %parallel_loop3A_283 = arith.constant 0 : i32
          %parallel_loop3A_284 = arith.constant 0 : i32
          %parallel_loop3A_285 = tpu.memref_slice %arg6[%parallel_loop3A_282, %parallel_loop3A_283, %parallel_loop3A_284] : memref<4x64x128xf32, #tpu.memory_space<vmem>> -> memref<1x64x128xf32, #tpu.memory_space<vmem>>
          %parallel_loop3A_286 = tpu.memref_squeeze %parallel_loop3A_285 : memref<1x64x128xf32, #tpu.memory_space<vmem>> -> memref<64x128xf32, #tpu.memory_space<vmem>>
          tpu.vector_store_idx %parallel_loop3A_286[%add3A_32, %parallel_loop3A_281], %parallel_loop3A_277 : memref<64x128xf32, #tpu.memory_space<vmem>>[vector<16xi32>, vector<16xi32>], vector<16xf32>,
        } {sc.loop_unroll_factor = 4 : i64, sc.parallel_access}
        %parallel_loop3A_237 = arith.constant 0 : i32
        %parallel_loop3A_238 = arith.constant 128 : i32
        %parallel_loop3A_239 = arith.constant 1 : i32
        scf.for %parallel_loop3A_264 = %parallel_loop3A_237 to %parallel_loop3A_238 step %parallel_loop3A_239  : i32 {
          %parallel_loop3A_265 = arith.index_cast %parallel_loop3A_264 : i32 to index
          %parallel_loop3A_266 = arith.constant 0 : index
          %parallel_loop3A_267 = tpu.vector_load %arg7[%parallel_loop3A_265, %parallel_loop3A_266] {strides = array<i32>} : memref<128x16xi32, #tpu.memory_space<vmem>>, vector<16xi32>,
          %parallel_loop3A_268 = arith.index_cast %parallel_loop3A_264 : i32 to index
          %parallel_loop3A_269 = arith.constant 0 : index
          %parallel_loop3A_270 = tpu.vector_load %arg8[%parallel_loop3A_268, %parallel_loop3A_269] {strides = array<i32>} : memref<128x16xi32, #tpu.memory_space<vmem>>, vector<16xi32>,
          %parallel_loop3A_271 = arith.addi %add3A_20, %parallel_loop3A_270 : vector<16xi32>
          %parallel_loop3A_272 = arith.constant 3 : i32
          %parallel_loop3A_273 = arith.constant 0 : i32
          %parallel_loop3A_274 = arith.constant 0 : i32
          %parallel_loop3A_275 = tpu.memref_slice %arg5[%parallel_loop3A_272, %parallel_loop3A_273, %parallel_loop3A_274] : memref<4x64x128xf32, #tpu.memory_space<vmem>> -> memref<1x64x128xf32, #tpu.memory_space<vmem>>
          %parallel_loop3A_276 = tpu.memref_squeeze %parallel_loop3A_275 : memref<1x64x128xf32, #tpu.memory_space<vmem>> -> memref<64x128xf32, #tpu.memory_space<vmem>>
          %parallel_loop3A_277 = tpu.vector_load_idx %parallel_loop3A_276[%parallel_loop3A_267, %parallel_loop3A_271] : memref<64x128xf32, #tpu.memory_space<vmem>>[vector<16xi32>, vector<16xi32>], vector<16xf32>,
          %parallel_loop3A_278 = arith.constant 64 : i32
          %parallel_loop3A_279 = vector.broadcast %parallel_loop3A_278 : i32 to vector<16xi32>
          %parallel_loop3A_280 = arith.muli %parallel_loop3A_270, %parallel_loop3A_279 : vector<16xi32>
          %parallel_loop3A_281 = arith.addi %parallel_loop3A_267, %parallel_loop3A_280 : vector<16xi32>
          %parallel_loop3A_282 = arith.constant 3 : i32
          %parallel_loop3A_283 = arith.constant 0 : i32
          %parallel_loop3A_284 = arith.constant 0 : i32
          %parallel_loop3A_285 = tpu.memref_slice %arg6[%parallel_loop3A_282, %parallel_loop3A_283, %parallel_loop3A_284] : memref<4x64x128xf32, #tpu.memory_space<vmem>> -> memref<1x64x128xf32, #tpu.memory_space<vmem>>
          %parallel_loop3A_286 = tpu.memref_squeeze %parallel_loop3A_285 : memref<1x64x128xf32, #tpu.memory_space<vmem>> -> memref<64x128xf32, #tpu.memory_space<vmem>>
          tpu.vector_store_idx %parallel_loop3A_286[%add3A_35, %parallel_loop3A_281], %parallel_loop3A_277 : memref<64x128xf32, #tpu.memory_space<vmem>>[vector<16xi32>, vector<16xi32>], vector<16xf32>,
        } {sc.loop_unroll_factor = 4 : i64, sc.parallel_access}
        %parallel_loop3A_240 = arith.constant 0 : i32
        %parallel_loop3A_241 = arith.constant 128 : i32
        %parallel_loop3A_242 = arith.constant 1 : i32
        scf.for %parallel_loop3A_264 = %parallel_loop3A_240 to %parallel_loop3A_241 step %parallel_loop3A_242  : i32 {
          %parallel_loop3A_265 = arith.index_cast %parallel_loop3A_264 : i32 to index
          %parallel_loop3A_266 = arith.constant 0 : index
          %parallel_loop3A_267 = tpu.vector_load %arg7[%parallel_loop3A_265, %parallel_loop3A_266] {strides = array<i32>} : memref<128x16xi32, #tpu.memory_space<vmem>>, vector<16xi32>,
          %parallel_loop3A_268 = arith.index_cast %parallel_loop3A_264 : i32 to index
          %parallel_loop3A_269 = arith.constant 0 : index
          %parallel_loop3A_270 = tpu.vector_load %arg8[%parallel_loop3A_268, %parallel_loop3A_269] {strides = array<i32>} : memref<128x16xi32, #tpu.memory_space<vmem>>, vector<16xi32>,
          %parallel_loop3A_271 = arith.addi %add3A_26, %parallel_loop3A_270 : vector<16xi32>
          %parallel_loop3A_272 = arith.constant 3 : i32
          %parallel_loop3A_273 = arith.constant 0 : i32
          %parallel_loop3A_274 = arith.constant 0 : i32
          %parallel_loop3A_275 = tpu.memref_slice %arg5[%parallel_loop3A_272, %parallel_loop3A_273, %parallel_loop3A_274] : memref<4x64x128xf32, #tpu.memory_space<vmem>> -> memref<1x64x128xf32, #tpu.memory_space<vmem>>
          %parallel_loop3A_276 = tpu.memref_squeeze %parallel_loop3A_275 : memref<1x64x128xf32, #tpu.memory_space<vmem>> -> memref<64x128xf32, #tpu.memory_space<vmem>>
          %parallel_loop3A_277 = tpu.vector_load_idx %parallel_loop3A_276[%parallel_loop3A_267, %parallel_loop3A_271] : memref<64x128xf32, #tpu.memory_space<vmem>>[vector<16xi32>, vector<16xi32>], vector<16xf32>,
          %parallel_loop3A_278 = arith.constant 64 : i32
          %parallel_loop3A_279 = vector.broadcast %parallel_loop3A_278 : i32 to vector<16xi32>
          %parallel_loop3A_280 = arith.muli %parallel_loop3A_270, %parallel_loop3A_279 : vector<16xi32>
          %parallel_loop3A_281 = arith.addi %parallel_loop3A_267, %parallel_loop3A_280 : vector<16xi32>
          %parallel_loop3A_282 = arith.constant 3 : i32
          %parallel_loop3A_283 = arith.constant 0 : i32
          %parallel_loop3A_284 = arith.constant 0 : i32
          %parallel_loop3A_285 = tpu.memref_slice %arg6[%parallel_loop3A_282, %parallel_loop3A_283, %parallel_loop3A_284] : memref<4x64x128xf32, #tpu.memory_space<vmem>> -> memref<1x64x128xf32, #tpu.memory_space<vmem>>
          %parallel_loop3A_286 = tpu.memref_squeeze %parallel_loop3A_285 : memref<1x64x128xf32, #tpu.memory_space<vmem>> -> memref<64x128xf32, #tpu.memory_space<vmem>>
          tpu.vector_store_idx %parallel_loop3A_286[%add3A_38, %parallel_loop3A_281], %parallel_loop3A_277 : memref<64x128xf32, #tpu.memory_space<vmem>>[vector<16xi32>, vector<16xi32>], vector<16xf32>,
        } {sc.loop_unroll_factor = 4 : i64, sc.parallel_access}
        %mul3A_243 = arith.constant 32 : i32
        %mul3A_244 = arith.muli %mul3A_243, %add3A_193 : i32
        %add3A_245 = arith.addi %add3A, %mul3A_244 : i32
        %mul3A_246 = arith.constant 64 : i32
        %mul3A_247 = arith.muli %add3A_245, %mul3A_246 : i32
        %multiple_of3A_248 = tpu.assume_multiple %mul3A_247, 64 : i32
        %dma_start3A = arith.constant 3 : i32
        %dma_start3A_249 = arith.constant 3 : i32
        %dma_start3A_250 = arith.constant 0 : i32
        %dma_start3A_251 = arith.constant 0 : i32
        %dma_start3A_252 = tpu.memref_slice %arg6[%dma_start3A, %dma_start3A_250, %dma_start3A_251] : memref<4x64x128xf32, #tpu.memory_space<vmem>> -> memref<1x64x128xf32, #tpu.memory_space<vmem>>
        %dma_start3A_253 = tpu.memref_squeeze %dma_start3A_252 : memref<1x64x128xf32, #tpu.memory_space<vmem>> -> memref<64x128xf32, #tpu.memory_space<vmem>>
        %dma_start3A_254 = arith.constant 0 : i32
        %dma_start3A_255 = tpu.memref_slice %arg4[%multiple_of3A_248, %dma_start3A_254] : memref<500000x128xf32, #tpu.memory_space<hbm>> -> memref<64x128xf32, #tpu.memory_space<hbm>>
        %dma_start3A_256 = tpu.memref_slice %arg10[%dma_start3A_249] : memref<4x!tpu.dma_semaphore, #tpu.memory_space<semaphore_mem>> -> memref<1x!tpu.dma_semaphore, #tpu.memory_space<semaphore_mem>>
        %dma_start3A_257 = tpu.memref_squeeze %dma_start3A_256 : memref<1x!tpu.dma_semaphore, #tpu.memory_space<semaphore_mem>> -> memref<!tpu.dma_semaphore, #tpu.memory_space<semaphore_mem>>
        %dma_start3A_258 = arith.constant 0 : i32
        %dma_start3A_259 = tpu.memref_slice %arg4[%multiple_of3A_248, %dma_start3A_258] : memref<500000x128xf32, #tpu.memory_space<hbm>> -> memref<64x128xf32, #tpu.memory_space<hbm>>
        %dma_start3A_260 = arith.constant 0 : i32
        %dma_start3A_261 = arith.constant 0 : i32
        %dma_start3A_262 = tpu.memref_slice %arg6[%dma_start3A, %dma_start3A_260, %dma_start3A_261] : memref<4x64x128xf32, #tpu.memory_space<vmem>> -> memref<1x64x128xf32, #tpu.memory_space<vmem>>
        %dma_start3A_263 = tpu.memref_squeeze %dma_start3A_262 : memref<1x64x128xf32, #tpu.memory_space<vmem>> -> memref<64x128xf32, #tpu.memory_space<vmem>>
        tpu.enqueue_dma source(%dma_start3A_263 : memref<64x128xf32, #tpu.memory_space<vmem>>) target(%dma_start3A_259 : memref<64x128xf32, #tpu.memory_space<hbm>>) target_semaphore(%dma_start3A_257 : memref<!tpu.dma_semaphore, #tpu.memory_space<semaphore_mem>>)
      } else {
      }
    }
    %scan3A_58 = arith.constant 62 : i32
    %add3A_59 = arith.constant 7680 : i32
    %add3A_60 = arith.addi %add3A, %add3A_59 : i32
    %lt3A_61 = arith.constant 7812 : i32
    %lt3A_62 = arith.cmpi slt, %add3A_60, %lt3A_61 : i32
    %add3A_63 = arith.constant 128 : i32
    %add3A_64 = arith.addi %add3A_60, %add3A_63 : i32
    %ge3A = arith.constant 7812 : i32
    %ge3A_65 = arith.cmpi sge, %add3A_64, %ge3A : i32
    %and3A = arith.andi %lt3A_62, %ge3A_65 : i1
    %convert_element_type3A_66 = arith.extui %and3A : i1 to i32
    %cond3A_67 = arith.constant 0 : i32
    %cond3A_68 = arith.cmpi ne, %convert_element_type3A_66, %cond3A_67 : i32
    scf.if %cond3A_68 {
      %add3A_153 = arith.constant 7680 : i32
      %add3A_154 = arith.addi %add3A, %add3A_153 : i32
      %mul3A_155 = arith.constant 64 : i32
      %mul3A_156 = arith.muli %add3A_154, %mul3A_155 : i32
      %multiple_of3A = tpu.assume_multiple %mul3A_156, 64 : i32
      %dma_wait3A = arith.constant 0 : i32
      %dma_wait3A_157 = arith.constant 0 : i32
      %dma_wait3A_158 = arith.constant 0 : i32
      %dma_wait3A_159 = arith.constant 0 : i32
      %dma_wait3A_160 = tpu.memref_slice %arg6[%dma_wait3A, %dma_wait3A_158, %dma_wait3A_159] : memref<4x64x128xf32, #tpu.memory_space<vmem>> -> memref<1x64x128xf32, #tpu.memory_space<vmem>>
      %dma_wait3A_161 = tpu.memref_squeeze %dma_wait3A_160 : memref<1x64x128xf32, #tpu.memory_space<vmem>> -> memref<64x128xf32, #tpu.memory_space<vmem>>
      %dma_wait3A_162 = arith.constant 0 : i32
      %dma_wait3A_163 = tpu.memref_slice %arg4[%multiple_of3A, %dma_wait3A_162] : memref<500000x128xf32, #tpu.memory_space<hbm>> -> memref<64x128xf32, #tpu.memory_space<hbm>>
      %dma_wait3A_164 = tpu.memref_slice %arg10[%dma_wait3A_157] : memref<4x!tpu.dma_semaphore, #tpu.memory_space<semaphore_mem>> -> memref<1x!tpu.dma_semaphore, #tpu.memory_space<semaphore_mem>>
      %dma_wait3A_165 = tpu.memref_squeeze %dma_wait3A_164 : memref<1x!tpu.dma_semaphore, #tpu.memory_space<semaphore_mem>> -> memref<!tpu.dma_semaphore, #tpu.memory_space<semaphore_mem>>
      %dma_wait3A_166 = arith.constant 0 : i32
      %dma_wait3A_167 = tpu.memref_slice %arg4[%multiple_of3A, %dma_wait3A_166] : memref<500000x128xf32, #tpu.memory_space<hbm>> -> memref<64x128xf32, #tpu.memory_space<hbm>>
      %dma_wait3A_168 = arith.constant 0 : i32
      %dma_wait3A_169 = arith.constant 0 : i32
      %dma_wait3A_170 = tpu.memref_slice %arg6[%dma_wait3A, %dma_wait3A_168, %dma_wait3A_169] : memref<4x64x128xf32, #tpu.memory_space<vmem>> -> memref<1x64x128xf32, #tpu.memory_space<vmem>>
      %dma_wait3A_171 = tpu.memref_squeeze %dma_wait3A_170 : memref<1x64x128xf32, #tpu.memory_space<vmem>> -> memref<64x128xf32, #tpu.memory_space<vmem>>
      tpu.wait_dma2 semaphore(%dma_wait3A_165 : memref<!tpu.dma_semaphore, #tpu.memory_space<semaphore_mem>>) src(%dma_wait3A_171 : memref<64x128xf32, #tpu.memory_space<vmem>>) dst(%dma_wait3A_167 : memref<64x128xf32, #tpu.memory_space<hbm>>)
    } else {
    }
    %add3A_69 = arith.constant 7712 : i32
    %add3A_70 = arith.addi %add3A, %add3A_69 : i32
    %lt3A_71 = arith.constant 7812 : i32
    %lt3A_72 = arith.cmpi slt, %add3A_70, %lt3A_71 : i32
    %add3A_73 = arith.constant 128 : i32
    %add3A_74 = arith.addi %add3A_70, %add3A_73 : i32
    %ge3A_75 = arith.constant 7812 : i32
    %ge3A_76 = arith.cmpi sge, %add3A_74, %ge3A_75 : i32
    %and3A_77 = arith.andi %lt3A_72, %ge3A_76 : i1
    %convert_element_type3A_78 = arith.extui %and3A_77 : i1 to i32
    %cond3A_79 = arith.constant 0 : i32
    %cond3A_80 = arith.cmpi ne, %convert_element_type3A_78, %cond3A_79 : i32
    scf.if %cond3A_80 {
      %add3A_153 = arith.constant 7712 : i32
      %add3A_154 = arith.addi %add3A, %add3A_153 : i32
      %mul3A_155 = arith.constant 64 : i32
      %mul3A_156 = arith.muli %add3A_154, %mul3A_155 : i32
      %multiple_of3A = tpu.assume_multiple %mul3A_156, 64 : i32
      %dma_wait3A = arith.constant 1 : i32
      %dma_wait3A_157 = arith.constant 1 : i32
      %dma_wait3A_158 = arith.constant 0 : i32
      %dma_wait3A_159 = arith.constant 0 : i32
      %dma_wait3A_160 = tpu.memref_slice %arg6[%dma_wait3A, %dma_wait3A_158, %dma_wait3A_159] : memref<4x64x128xf32, #tpu.memory_space<vmem>> -> memref<1x64x128xf32, #tpu.memory_space<vmem>>
      %dma_wait3A_161 = tpu.memref_squeeze %dma_wait3A_160 : memref<1x64x128xf32, #tpu.memory_space<vmem>> -> memref<64x128xf32, #tpu.memory_space<vmem>>
      %dma_wait3A_162 = arith.constant 0 : i32
      %dma_wait3A_163 = tpu.memref_slice %arg4[%multiple_of3A, %dma_wait3A_162] : memref<500000x128xf32, #tpu.memory_space<hbm>> -> memref<64x128xf32, #tpu.memory_space<hbm>>
      %dma_wait3A_164 = tpu.memref_slice %arg10[%dma_wait3A_157] : memref<4x!tpu.dma_semaphore, #tpu.memory_space<semaphore_mem>> -> memref<1x!tpu.dma_semaphore, #tpu.memory_space<semaphore_mem>>
      %dma_wait3A_165 = tpu.memref_squeeze %dma_wait3A_164 : memref<1x!tpu.dma_semaphore, #tpu.memory_space<semaphore_mem>> -> memref<!tpu.dma_semaphore, #tpu.memory_space<semaphore_mem>>
      %dma_wait3A_166 = arith.constant 0 : i32
      %dma_wait3A_167 = tpu.memref_slice %arg4[%multiple_of3A, %dma_wait3A_166] : memref<500000x128xf32, #tpu.memory_space<hbm>> -> memref<64x128xf32, #tpu.memory_space<hbm>>
      %dma_wait3A_168 = arith.constant 0 : i32
      %dma_wait3A_169 = arith.constant 0 : i32
      %dma_wait3A_170 = tpu.memref_slice %arg6[%dma_wait3A, %dma_wait3A_168, %dma_wait3A_169] : memref<4x64x128xf32, #tpu.memory_space<vmem>> -> memref<1x64x128xf32, #tpu.memory_space<vmem>>
      %dma_wait3A_171 = tpu.memref_squeeze %dma_wait3A_170 : memref<1x64x128xf32, #tpu.memory_space<vmem>> -> memref<64x128xf32, #tpu.memory_space<vmem>>
      tpu.wait_dma2 semaphore(%dma_wait3A_165 : memref<!tpu.dma_semaphore, #tpu.memory_space<semaphore_mem>>) src(%dma_wait3A_171 : memref<64x128xf32, #tpu.memory_space<vmem>>) dst(%dma_wait3A_167 : memref<64x128xf32, #tpu.memory_space<hbm>>)
    } else {
    }
    %add3A_81 = arith.constant 7744 : i32
    %add3A_82 = arith.addi %add3A, %add3A_81 : i32
    %lt3A_83 = arith.constant 7812 : i32
    %lt3A_84 = arith.cmpi slt, %add3A_82, %lt3A_83 : i32
    %add3A_85 = arith.constant 128 : i32
    %add3A_86 = arith.addi %add3A_82, %add3A_85 : i32
    %ge3A_87 = arith.constant 7812 : i32
    %ge3A_88 = arith.cmpi sge, %add3A_86, %ge3A_87 : i32
    %and3A_89 = arith.andi %lt3A_84, %ge3A_88 : i1
    %convert_element_type3A_90 = arith.extui %and3A_89 : i1 to i32
    %cond3A_91 = arith.constant 0 : i32
    %cond3A_92 = arith.cmpi ne, %convert_element_type3A_90, %cond3A_91 : i32
    scf.if %cond3A_92 {
      %add3A_153 = arith.constant 7744 : i32
      %add3A_154 = arith.addi %add3A, %add3A_153 : i32
      %mul3A_155 = arith.constant 64 : i32
      %mul3A_156 = arith.muli %add3A_154, %mul3A_155 : i32
      %multiple_of3A = tpu.assume_multiple %mul3A_156, 64 : i32
      %dma_wait3A = arith.constant 2 : i32
      %dma_wait3A_157 = arith.constant 2 : i32
      %dma_wait3A_158 = arith.constant 0 : i32
      %dma_wait3A_159 = arith.constant 0 : i32
      %dma_wait3A_160 = tpu.memref_slice %arg6[%dma_wait3A, %dma_wait3A_158, %dma_wait3A_159] : memref<4x64x128xf32, #tpu.memory_space<vmem>> -> memref<1x64x128xf32, #tpu.memory_space<vmem>>
      %dma_wait3A_161 = tpu.memref_squeeze %dma_wait3A_160 : memref<1x64x128xf32, #tpu.memory_space<vmem>> -> memref<64x128xf32, #tpu.memory_space<vmem>>
      %dma_wait3A_162 = arith.constant 0 : i32
      %dma_wait3A_163 = tpu.memref_slice %arg4[%multiple_of3A, %dma_wait3A_162] : memref<500000x128xf32, #tpu.memory_space<hbm>> -> memref<64x128xf32, #tpu.memory_space<hbm>>
      %dma_wait3A_164 = tpu.memref_slice %arg10[%dma_wait3A_157] : memref<4x!tpu.dma_semaphore, #tpu.memory_space<semaphore_mem>> -> memref<1x!tpu.dma_semaphore, #tpu.memory_space<semaphore_mem>>
      %dma_wait3A_165 = tpu.memref_squeeze %dma_wait3A_164 : memref<1x!tpu.dma_semaphore, #tpu.memory_space<semaphore_mem>> -> memref<!tpu.dma_semaphore, #tpu.memory_space<semaphore_mem>>
      %dma_wait3A_166 = arith.constant 0 : i32
      %dma_wait3A_167 = tpu.memref_slice %arg4[%multiple_of3A, %dma_wait3A_166] : memref<500000x128xf32, #tpu.memory_space<hbm>> -> memref<64x128xf32, #tpu.memory_space<hbm>>
      %dma_wait3A_168 = arith.constant 0 : i32
      %dma_wait3A_169 = arith.constant 0 : i32
      %dma_wait3A_170 = tpu.memref_slice %arg6[%dma_wait3A, %dma_wait3A_168, %dma_wait3A_169] : memref<4x64x128xf32, #tpu.memory_space<vmem>> -> memref<1x64x128xf32, #tpu.memory_space<vmem>>
      %dma_wait3A_171 = tpu.memref_squeeze %dma_wait3A_170 : memref<1x64x128xf32, #tpu.memory_space<vmem>> -> memref<64x128xf32, #tpu.memory_space<vmem>>
      tpu.wait_dma2 semaphore(%dma_wait3A_165 : memref<!tpu.dma_semaphore, #tpu.memory_space<semaphore_mem>>) src(%dma_wait3A_171 : memref<64x128xf32, #tpu.memory_space<vmem>>) dst(%dma_wait3A_167 : memref<64x128xf32, #tpu.memory_space<hbm>>)
    } else {
    }
    %add3A_93 = arith.constant 7776 : i32
    %add3A_94 = arith.addi %add3A, %add3A_93 : i32
    %lt3A_95 = arith.constant 7812 : i32
    %lt3A_96 = arith.cmpi slt, %add3A_94, %lt3A_95 : i32
    %add3A_97 = arith.constant 128 : i32
    %add3A_98 = arith.addi %add3A_94, %add3A_97 : i32
    %ge3A_99 = arith.constant 7812 : i32
    %ge3A_100 = arith.cmpi sge, %add3A_98, %ge3A_99 : i32
    %and3A_101 = arith.andi %lt3A_96, %ge3A_100 : i1
    %convert_element_type3A_102 = arith.extui %and3A_101 : i1 to i32
    %cond3A_103 = arith.constant 0 : i32
    %cond3A_104 = arith.cmpi ne, %convert_element_type3A_102, %cond3A_103 : i32
    scf.if %cond3A_104 {
      %add3A_153 = arith.constant 7776 : i32
      %add3A_154 = arith.addi %add3A, %add3A_153 : i32
      %mul3A_155 = arith.constant 64 : i32
      %mul3A_156 = arith.muli %add3A_154, %mul3A_155 : i32
      %multiple_of3A = tpu.assume_multiple %mul3A_156, 64 : i32
      %dma_wait3A = arith.constant 3 : i32
      %dma_wait3A_157 = arith.constant 3 : i32
      %dma_wait3A_158 = arith.constant 0 : i32
      %dma_wait3A_159 = arith.constant 0 : i32
      %dma_wait3A_160 = tpu.memref_slice %arg6[%dma_wait3A, %dma_wait3A_158, %dma_wait3A_159] : memref<4x64x128xf32, #tpu.memory_space<vmem>> -> memref<1x64x128xf32, #tpu.memory_space<vmem>>
      %dma_wait3A_161 = tpu.memref_squeeze %dma_wait3A_160 : memref<1x64x128xf32, #tpu.memory_space<vmem>> -> memref<64x128xf32, #tpu.memory_space<vmem>>
      %dma_wait3A_162 = arith.constant 0 : i32
      %dma_wait3A_163 = tpu.memref_slice %arg4[%multiple_of3A, %dma_wait3A_162] : memref<500000x128xf32, #tpu.memory_space<hbm>> -> memref<64x128xf32, #tpu.memory_space<hbm>>
      %dma_wait3A_164 = tpu.memref_slice %arg10[%dma_wait3A_157] : memref<4x!tpu.dma_semaphore, #tpu.memory_space<semaphore_mem>> -> memref<1x!tpu.dma_semaphore, #tpu.memory_space<semaphore_mem>>
      %dma_wait3A_165 = tpu.memref_squeeze %dma_wait3A_164 : memref<1x!tpu.dma_semaphore, #tpu.memory_space<semaphore_mem>> -> memref<!tpu.dma_semaphore, #tpu.memory_space<semaphore_mem>>
      %dma_wait3A_166 = arith.constant 0 : i32
      %dma_wait3A_167 = tpu.memref_slice %arg4[%multiple_of3A, %dma_wait3A_166] : memref<500000x128xf32, #tpu.memory_space<hbm>> -> memref<64x128xf32, #tpu.memory_space<hbm>>
      %dma_wait3A_168 = arith.constant 0 : i32
      %dma_wait3A_169 = arith.constant 0 : i32
      %dma_wait3A_170 = tpu.memref_slice %arg6[%dma_wait3A, %dma_wait3A_168, %dma_wait3A_169] : memref<4x64x128xf32, #tpu.memory_space<vmem>> -> memref<1x64x128xf32, #tpu.memory_space<vmem>>
      %dma_wait3A_171 = tpu.memref_squeeze %dma_wait3A_170 : memref<1x64x128xf32, #tpu.memory_space<vmem>> -> memref<64x128xf32, #tpu.memory_space<vmem>>
      tpu.wait_dma2 semaphore(%dma_wait3A_165 : memref<!tpu.dma_semaphore, #tpu.memory_space<semaphore_mem>>) src(%dma_wait3A_171 : memref<64x128xf32, #tpu.memory_space<vmem>>) dst(%dma_wait3A_167 : memref<64x128xf32, #tpu.memory_space<hbm>>)
    } else {
    }
    %add3A_105 = arith.constant 7808 : i32
    %add3A_106 = arith.addi %add3A, %add3A_105 : i32
    %lt3A_107 = arith.constant 7812 : i32
    %lt3A_108 = arith.cmpi slt, %add3A_106, %lt3A_107 : i32
    %add3A_109 = arith.constant 128 : i32
    %add3A_110 = arith.addi %add3A_106, %add3A_109 : i32
    %ge3A_111 = arith.constant 7812 : i32
    %ge3A_112 = arith.cmpi sge, %add3A_110, %ge3A_111 : i32
    %and3A_113 = arith.andi %lt3A_108, %ge3A_112 : i1
    %convert_element_type3A_114 = arith.extui %and3A_113 : i1 to i32
    %cond3A_115 = arith.constant 0 : i32
    %cond3A_116 = arith.cmpi ne, %convert_element_type3A_114, %cond3A_115 : i32
    scf.if %cond3A_116 {
      %add3A_153 = arith.constant 7808 : i32
      %add3A_154 = arith.addi %add3A, %add3A_153 : i32
      %mul3A_155 = arith.constant 64 : i32
      %mul3A_156 = arith.muli %add3A_154, %mul3A_155 : i32
      %multiple_of3A = tpu.assume_multiple %mul3A_156, 64 : i32
      %dma_wait3A = arith.constant 0 : i32
      %dma_wait3A_157 = arith.constant 0 : i32
      %dma_wait3A_158 = arith.constant 0 : i32
      %dma_wait3A_159 = arith.constant 0 : i32
      %dma_wait3A_160 = tpu.memref_slice %arg6[%dma_wait3A, %dma_wait3A_158, %dma_wait3A_159] : memref<4x64x128xf32, #tpu.memory_space<vmem>> -> memref<1x64x128xf32, #tpu.memory_space<vmem>>
      %dma_wait3A_161 = tpu.memref_squeeze %dma_wait3A_160 : memref<1x64x128xf32, #tpu.memory_space<vmem>> -> memref<64x128xf32, #tpu.memory_space<vmem>>
      %dma_wait3A_162 = arith.constant 0 : i32
      %dma_wait3A_163 = tpu.memref_slice %arg4[%multiple_of3A, %dma_wait3A_162] : memref<500000x128xf32, #tpu.memory_space<hbm>> -> memref<64x128xf32, #tpu.memory_space<hbm>>
      %dma_wait3A_164 = tpu.memref_slice %arg10[%dma_wait3A_157] : memref<4x!tpu.dma_semaphore, #tpu.memory_space<semaphore_mem>> -> memref<1x!tpu.dma_semaphore, #tpu.memory_space<semaphore_mem>>
      %dma_wait3A_165 = tpu.memref_squeeze %dma_wait3A_164 : memref<1x!tpu.dma_semaphore, #tpu.memory_space<semaphore_mem>> -> memref<!tpu.dma_semaphore, #tpu.memory_space<semaphore_mem>>
      %dma_wait3A_166 = arith.constant 0 : i32
      %dma_wait3A_167 = tpu.memref_slice %arg4[%multiple_of3A, %dma_wait3A_166] : memref<500000x128xf32, #tpu.memory_space<hbm>> -> memref<64x128xf32, #tpu.memory_space<hbm>>
      %dma_wait3A_168 = arith.constant 0 : i32
      %dma_wait3A_169 = arith.constant 0 : i32
      %dma_wait3A_170 = tpu.memref_slice %arg6[%dma_wait3A, %dma_wait3A_168, %dma_wait3A_169] : memref<4x64x128xf32, #tpu.memory_space<vmem>> -> memref<1x64x128xf32, #tpu.memory_space<vmem>>
      %dma_wait3A_171 = tpu.memref_squeeze %dma_wait3A_170 : memref<1x64x128xf32, #tpu.memory_space<vmem>> -> memref<64x128xf32, #tpu.memory_space<vmem>>
      tpu.wait_dma2 semaphore(%dma_wait3A_165 : memref<!tpu.dma_semaphore, #tpu.memory_space<semaphore_mem>>) src(%dma_wait3A_171 : memref<64x128xf32, #tpu.memory_space<vmem>>) dst(%dma_wait3A_167 : memref<64x128xf32, #tpu.memory_space<hbm>>)
    } else {
    }
    %add3A_117 = arith.constant 7840 : i32
    %add3A_118 = arith.addi %add3A, %add3A_117 : i32
    %lt3A_119 = arith.constant 7812 : i32
    %lt3A_120 = arith.cmpi slt, %add3A_118, %lt3A_119 : i32
    %add3A_121 = arith.constant 128 : i32
    %add3A_122 = arith.addi %add3A_118, %add3A_121 : i32
    %ge3A_123 = arith.constant 7812 : i32
    %ge3A_124 = arith.cmpi sge, %add3A_122, %ge3A_123 : i32
    %and3A_125 = arith.andi %lt3A_120, %ge3A_124 : i1
    %convert_element_type3A_126 = arith.extui %and3A_125 : i1 to i32
    %cond3A_127 = arith.constant 0 : i32
    %cond3A_128 = arith.cmpi ne, %convert_element_type3A_126, %cond3A_127 : i32
    scf.if %cond3A_128 {
      %add3A_153 = arith.constant 7840 : i32
      %add3A_154 = arith.addi %add3A, %add3A_153 : i32
      %mul3A_155 = arith.constant 64 : i32
      %mul3A_156 = arith.muli %add3A_154, %mul3A_155 : i32
      %multiple_of3A = tpu.assume_multiple %mul3A_156, 64 : i32
      %dma_wait3A = arith.constant 1 : i32
      %dma_wait3A_157 = arith.constant 1 : i32
      %dma_wait3A_158 = arith.constant 0 : i32
      %dma_wait3A_159 = arith.constant 0 : i32
      %dma_wait3A_160 = tpu.memref_slice %arg6[%dma_wait3A, %dma_wait3A_158, %dma_wait3A_159] : memref<4x64x128xf32, #tpu.memory_space<vmem>> -> memref<1x64x128xf32, #tpu.memory_space<vmem>>
      %dma_wait3A_161 = tpu.memref_squeeze %dma_wait3A_160 : memref<1x64x128xf32, #tpu.memory_space<vmem>> -> memref<64x128xf32, #tpu.memory_space<vmem>>
      %dma_wait3A_162 = arith.constant 0 : i32
      %dma_wait3A_163 = tpu.memref_slice %arg4[%multiple_of3A, %dma_wait3A_162] : memref<500000x128xf32, #tpu.memory_space<hbm>> -> memref<64x128xf32, #tpu.memory_space<hbm>>
      %dma_wait3A_164 = tpu.memref_slice %arg10[%dma_wait3A_157] : memref<4x!tpu.dma_semaphore, #tpu.memory_space<semaphore_mem>> -> memref<1x!tpu.dma_semaphore, #tpu.memory_space<semaphore_mem>>
      %dma_wait3A_165 = tpu.memref_squeeze %dma_wait3A_164 : memref<1x!tpu.dma_semaphore, #tpu.memory_space<semaphore_mem>> -> memref<!tpu.dma_semaphore, #tpu.memory_space<semaphore_mem>>
      %dma_wait3A_166 = arith.constant 0 : i32
      %dma_wait3A_167 = tpu.memref_slice %arg4[%multiple_of3A, %dma_wait3A_166] : memref<500000x128xf32, #tpu.memory_space<hbm>> -> memref<64x128xf32, #tpu.memory_space<hbm>>
      %dma_wait3A_168 = arith.constant 0 : i32
      %dma_wait3A_169 = arith.constant 0 : i32
      %dma_wait3A_170 = tpu.memref_slice %arg6[%dma_wait3A, %dma_wait3A_168, %dma_wait3A_169] : memref<4x64x128xf32, #tpu.memory_space<vmem>> -> memref<1x64x128xf32, #tpu.memory_space<vmem>>
      %dma_wait3A_171 = tpu.memref_squeeze %dma_wait3A_170 : memref<1x64x128xf32, #tpu.memory_space<vmem>> -> memref<64x128xf32, #tpu.memory_space<vmem>>
      tpu.wait_dma2 semaphore(%dma_wait3A_165 : memref<!tpu.dma_semaphore, #tpu.memory_space<semaphore_mem>>) src(%dma_wait3A_171 : memref<64x128xf32, #tpu.memory_space<vmem>>) dst(%dma_wait3A_167 : memref<64x128xf32, #tpu.memory_space<hbm>>)
    } else {
    }
    %add3A_129 = arith.constant 7872 : i32
    %add3A_130 = arith.addi %add3A, %add3A_129 : i32
    %lt3A_131 = arith.constant 7812 : i32
    %lt3A_132 = arith.cmpi slt, %add3A_130, %lt3A_131 : i32
    %add3A_133 = arith.constant 128 : i32
    %add3A_134 = arith.addi %add3A_130, %add3A_133 : i32
    %ge3A_135 = arith.constant 7812 : i32
    %ge3A_136 = arith.cmpi sge, %add3A_134, %ge3A_135 : i32
    %and3A_137 = arith.andi %lt3A_132, %ge3A_136 : i1
    %convert_element_type3A_138 = arith.extui %and3A_137 : i1 to i32
    %cond3A_139 = arith.constant 0 : i32
    %cond3A_140 = arith.cmpi ne, %convert_element_type3A_138, %cond3A_139 : i32
    scf.if %cond3A_140 {
      %add3A_153 = arith.constant 7872 : i32
      %add3A_154 = arith.addi %add3A, %add3A_153 : i32
      %mul3A_155 = arith.constant 64 : i32
      %mul3A_156 = arith.muli %add3A_154, %mul3A_155 : i32
      %multiple_of3A = tpu.assume_multiple %mul3A_156, 64 : i32
      %dma_wait3A = arith.constant 2 : i32
      %dma_wait3A_157 = arith.constant 2 : i32
      %dma_wait3A_158 = arith.constant 0 : i32
      %dma_wait3A_159 = arith.constant 0 : i32
      %dma_wait3A_160 = tpu.memref_slice %arg6[%dma_wait3A, %dma_wait3A_158, %dma_wait3A_159] : memref<4x64x128xf32, #tpu.memory_space<vmem>> -> memref<1x64x128xf32, #tpu.memory_space<vmem>>
      %dma_wait3A_161 = tpu.memref_squeeze %dma_wait3A_160 : memref<1x64x128xf32, #tpu.memory_space<vmem>> -> memref<64x128xf32, #tpu.memory_space<vmem>>
      %dma_wait3A_162 = arith.constant 0 : i32
      %dma_wait3A_163 = tpu.memref_slice %arg4[%multiple_of3A, %dma_wait3A_162] : memref<500000x128xf32, #tpu.memory_space<hbm>> -> memref<64x128xf32, #tpu.memory_space<hbm>>
      %dma_wait3A_164 = tpu.memref_slice %arg10[%dma_wait3A_157] : memref<4x!tpu.dma_semaphore, #tpu.memory_space<semaphore_mem>> -> memref<1x!tpu.dma_semaphore, #tpu.memory_space<semaphore_mem>>
      %dma_wait3A_165 = tpu.memref_squeeze %dma_wait3A_164 : memref<1x!tpu.dma_semaphore, #tpu.memory_space<semaphore_mem>> -> memref<!tpu.dma_semaphore, #tpu.memory_space<semaphore_mem>>
      %dma_wait3A_166 = arith.constant 0 : i32
      %dma_wait3A_167 = tpu.memref_slice %arg4[%multiple_of3A, %dma_wait3A_166] : memref<500000x128xf32, #tpu.memory_space<hbm>> -> memref<64x128xf32, #tpu.memory_space<hbm>>
      %dma_wait3A_168 = arith.constant 0 : i32
      %dma_wait3A_169 = arith.constant 0 : i32
      %dma_wait3A_170 = tpu.memref_slice %arg6[%dma_wait3A, %dma_wait3A_168, %dma_wait3A_169] : memref<4x64x128xf32, #tpu.memory_space<vmem>> -> memref<1x64x128xf32, #tpu.memory_space<vmem>>
      %dma_wait3A_171 = tpu.memref_squeeze %dma_wait3A_170 : memref<1x64x128xf32, #tpu.memory_space<vmem>> -> memref<64x128xf32, #tpu.memory_space<vmem>>
      tpu.wait_dma2 semaphore(%dma_wait3A_165 : memref<!tpu.dma_semaphore, #tpu.memory_space<semaphore_mem>>) src(%dma_wait3A_171 : memref<64x128xf32, #tpu.memory_space<vmem>>) dst(%dma_wait3A_167 : memref<64x128xf32, #tpu.memory_space<hbm>>)
    } else {
    }
    %add3A_141 = arith.constant 7904 : i32
    %add3A_142 = arith.addi %add3A, %add3A_141 : i32
    %lt3A_143 = arith.constant 7812 : i32
    %lt3A_144 = arith.cmpi slt, %add3A_142, %lt3A_143 : i32
    %add3A_145 = arith.constant 128 : i32
    %add3A_146 = arith.addi %add3A_142, %add3A_145 : i32
    %ge3A_147 = arith.constant 7812 : i32
    %ge3A_148 = arith.cmpi sge, %add3A_146, %ge3A_147 : i32
    %and3A_149 = arith.andi %lt3A_144, %ge3A_148 : i1
    %convert_element_type3A_150 = arith.extui %and3A_149 : i1 to i32
    %cond3A_151 = arith.constant 0 : i32
    %cond3A_152 = arith.cmpi ne, %convert_element_type3A_150, %cond3A_151 : i32
    scf.if %cond3A_152 {
      %add3A_153 = arith.constant 7904 : i32
      %add3A_154 = arith.addi %add3A, %add3A_153 : i32
      %mul3A_155 = arith.constant 64 : i32
      %mul3A_156 = arith.muli %add3A_154, %mul3A_155 : i32
      %multiple_of3A = tpu.assume_multiple %mul3A_156, 64 : i32
      %dma_wait3A = arith.constant 3 : i32
      %dma_wait3A_157 = arith.constant 3 : i32
      %dma_wait3A_158 = arith.constant 0 : i32
      %dma_wait3A_159 = arith.constant 0 : i32
      %dma_wait3A_160 = tpu.memref_slice %arg6[%dma_wait3A, %dma_wait3A_158, %dma_wait3A_159] : memref<4x64x128xf32, #tpu.memory_space<vmem>> -> memref<1x64x128xf32, #tpu.memory_space<vmem>>
      %dma_wait3A_161 = tpu.memref_squeeze %dma_wait3A_160 : memref<1x64x128xf32, #tpu.memory_space<vmem>> -> memref<64x128xf32, #tpu.memory_space<vmem>>
      %dma_wait3A_162 = arith.constant 0 : i32
      %dma_wait3A_163 = tpu.memref_slice %arg4[%multiple_of3A, %dma_wait3A_162] : memref<500000x128xf32, #tpu.memory_space<hbm>> -> memref<64x128xf32, #tpu.memory_space<hbm>>
      %dma_wait3A_164 = tpu.memref_slice %arg10[%dma_wait3A_157] : memref<4x!tpu.dma_semaphore, #tpu.memory_space<semaphore_mem>> -> memref<1x!tpu.dma_semaphore, #tpu.memory_space<semaphore_mem>>
      %dma_wait3A_165 = tpu.memref_squeeze %dma_wait3A_164 : memref<1x!tpu.dma_semaphore, #tpu.memory_space<semaphore_mem>> -> memref<!tpu.dma_semaphore, #tpu.memory_space<semaphore_mem>>
      %dma_wait3A_166 = arith.constant 0 : i32
      %dma_wait3A_167 = tpu.memref_slice %arg4[%multiple_of3A, %dma_wait3A_166] : memref<500000x128xf32, #tpu.memory_space<hbm>> -> memref<64x128xf32, #tpu.memory_space<hbm>>
      %dma_wait3A_168 = arith.constant 0 : i32
      %dma_wait3A_169 = arith.constant 0 : i32
      %dma_wait3A_170 = tpu.memref_slice %arg6[%dma_wait3A, %dma_wait3A_168, %dma_wait3A_169] : memref<4x64x128xf32, #tpu.memory_space<vmem>> -> memref<1x64x128xf32, #tpu.memory_space<vmem>>
      %dma_wait3A_171 = tpu.memref_squeeze %dma_wait3A_170 : memref<1x64x128xf32, #tpu.memory_space<vmem>> -> memref<64x128xf32, #tpu.memory_space<vmem>>
      tpu.wait_dma2 semaphore(%dma_wait3A_165 : memref<!tpu.dma_semaphore, #tpu.memory_space<semaphore_mem>>) src(%dma_wait3A_171 : memref<64x128xf32, #tpu.memory_space<vmem>>) dst(%dma_wait3A_167 : memref<64x128xf32, #tpu.memory_space<hbm>>)
    } else {
    }
    return
  }
}

#map = affine_map<(d0, d1) -> (0, 0)>
#map1 = affine_map<(d0, d1) -> (0, 0, 0)>
module attributes {stable_mosaic.version = 14 : i64} {
  func.func @emb(%arg0: i32, %arg1: i32, %arg2: memref<200x4096xi32, #tpu.memory_space<hbm>>, %arg3: memref<500000x128xf32, #tpu.memory_space<hbm>>, %arg4: memref<200x64x4096xf32, #tpu.memory_space<hbm>>, %arg5: memref<4x128xi32, #tpu.memory_space<vmem>>, %arg6: memref<4x128xi32, #tpu.memory_space<vmem>>, %arg7: memref<4x128x128xf32, #tpu.memory_space<vmem>>, %arg8: memref<4x64x128xf32, #tpu.memory_space<vmem>>, %arg9: memref<4x!tpu.dma_semaphore, #tpu.memory_space<semaphore_mem>>, %arg10: memref<4x!tpu.dma_semaphore, #tpu.memory_space<semaphore_mem>>) attributes {dimension_semantics = [#tpu.dimension_semantics<core_parallel>, #tpu.dimension_semantics<subcore_parallel>], iteration_bounds = array<i64: 2, 16>, scalar_prefetch = 0 : i64, scratch_operands = 6 : i64, tpu.core_type = #tpu.core_type<sc_vector_subcore>, window_params = [{transform_indices = #map}, {transform_indices = #map}, {transform_indices = #map1}]} {
    %mul3A = arith.constant 2 : i32
    %mul3A_0 = arith.muli %arg1, %mul3A : i32
    %add3A = arith.addi %mul3A_0, %arg0 : i32
    %mul3A_1 = arith.constant 128 : i32
    %mul3A_2 = arith.muli %add3A, %mul3A_1 : i32
    %iota3A = tpu.iota {dimensions = array<i32: 0>} : vector<16xi32>
    %add3A_3 = arith.constant 0 : i32
    %add3A_4 = vector.broadcast %add3A_3 : i32 to vector<16xi32>
    %add3A_5 = arith.addi %iota3A, %add3A_4 : vector<16xi32>
    %and3A = arith.constant 15 : i32
    %and3A_6 = vector.broadcast %and3A : i32 to vector<16xi32>
    %and3A_7 = arith.andi %add3A_5, %and3A_6 : vector<16xi32>
    %add3A_8 = arith.constant 1 : i32
    %add3A_9 = vector.broadcast %add3A_8 : i32 to vector<16xi32>
    %add3A_10 = arith.addi %iota3A, %add3A_9 : vector<16xi32>
    %and3A_11 = arith.constant 15 : i32
    %and3A_12 = vector.broadcast %and3A_11 : i32 to vector<16xi32>
    %and3A_13 = arith.andi %add3A_10, %and3A_12 : vector<16xi32>
    %add3A_14 = arith.constant 2 : i32
    %add3A_15 = vector.broadcast %add3A_14 : i32 to vector<16xi32>
    %add3A_16 = arith.addi %iota3A, %add3A_15 : vector<16xi32>
    %and3A_17 = arith.constant 15 : i32
    %and3A_18 = vector.broadcast %and3A_17 : i32 to vector<16xi32>
    %and3A_19 = arith.andi %add3A_16, %and3A_18 : vector<16xi32>
    %add3A_20 = arith.constant 3 : i32
    %add3A_21 = vector.broadcast %add3A_20 : i32 to vector<16xi32>
    %add3A_22 = arith.addi %iota3A, %add3A_21 : vector<16xi32>
    %and3A_23 = arith.constant 15 : i32
    %and3A_24 = vector.broadcast %and3A_23 : i32 to vector<16xi32>
    %and3A_25 = arith.andi %add3A_22, %and3A_24 : vector<16xi32>
    %add3A_26 = arith.constant 4 : i32
    %add3A_27 = vector.broadcast %add3A_26 : i32 to vector<16xi32>
    %add3A_28 = arith.addi %iota3A, %add3A_27 : vector<16xi32>
    %and3A_29 = arith.constant 15 : i32
    %and3A_30 = vector.broadcast %and3A_29 : i32 to vector<16xi32>
    %and3A_31 = arith.andi %add3A_28, %and3A_30 : vector<16xi32>
    %add3A_32 = arith.constant 5 : i32
    %add3A_33 = vector.broadcast %add3A_32 : i32 to vector<16xi32>
    %add3A_34 = arith.addi %iota3A, %add3A_33 : vector<16xi32>
    %and3A_35 = arith.constant 15 : i32
    %and3A_36 = vector.broadcast %and3A_35 : i32 to vector<16xi32>
    %and3A_37 = arith.andi %add3A_34, %and3A_36 : vector<16xi32>
    %add3A_38 = arith.constant 6 : i32
    %add3A_39 = vector.broadcast %add3A_38 : i32 to vector<16xi32>
    %add3A_40 = arith.addi %iota3A, %add3A_39 : vector<16xi32>
    %and3A_41 = arith.constant 15 : i32
    %and3A_42 = vector.broadcast %and3A_41 : i32 to vector<16xi32>
    %and3A_43 = arith.andi %add3A_40, %and3A_42 : vector<16xi32>
    %add3A_44 = arith.constant 7 : i32
    %add3A_45 = vector.broadcast %add3A_44 : i32 to vector<16xi32>
    %add3A_46 = arith.addi %iota3A, %add3A_45 : vector<16xi32>
    %and3A_47 = arith.constant 15 : i32
    %and3A_48 = vector.broadcast %and3A_47 : i32 to vector<16xi32>
    %and3A_49 = arith.andi %add3A_46, %and3A_48 : vector<16xi32>
    %add3A_50 = arith.constant 8 : i32
    %add3A_51 = vector.broadcast %add3A_50 : i32 to vector<16xi32>
    %add3A_52 = arith.addi %iota3A, %add3A_51 : vector<16xi32>
    %and3A_53 = arith.constant 15 : i32
    %and3A_54 = vector.broadcast %and3A_53 : i32 to vector<16xi32>
    %and3A_55 = arith.andi %add3A_52, %and3A_54 : vector<16xi32>
    %add3A_56 = arith.constant 9 : i32
    %add3A_57 = vector.broadcast %add3A_56 : i32 to vector<16xi32>
    %add3A_58 = arith.addi %iota3A, %add3A_57 : vector<16xi32>
    %and3A_59 = arith.constant 15 : i32
    %and3A_60 = vector.broadcast %and3A_59 : i32 to vector<16xi32>
    %and3A_61 = arith.andi %add3A_58, %and3A_60 : vector<16xi32>
    %add3A_62 = arith.constant 10 : i32
    %add3A_63 = vector.broadcast %add3A_62 : i32 to vector<16xi32>
    %add3A_64 = arith.addi %iota3A, %add3A_63 : vector<16xi32>
    %and3A_65 = arith.constant 15 : i32
    %and3A_66 = vector.broadcast %and3A_65 : i32 to vector<16xi32>
    %and3A_67 = arith.andi %add3A_64, %and3A_66 : vector<16xi32>
    %add3A_68 = arith.constant 11 : i32
    %add3A_69 = vector.broadcast %add3A_68 : i32 to vector<16xi32>
    %add3A_70 = arith.addi %iota3A, %add3A_69 : vector<16xi32>
    %and3A_71 = arith.constant 15 : i32
    %and3A_72 = vector.broadcast %and3A_71 : i32 to vector<16xi32>
    %and3A_73 = arith.andi %add3A_70, %and3A_72 : vector<16xi32>
    %add3A_74 = arith.constant 12 : i32
    %add3A_75 = vector.broadcast %add3A_74 : i32 to vector<16xi32>
    %add3A_76 = arith.addi %iota3A, %add3A_75 : vector<16xi32>
    %and3A_77 = arith.constant 15 : i32
    %and3A_78 = vector.broadcast %and3A_77 : i32 to vector<16xi32>
    %and3A_79 = arith.andi %add3A_76, %and3A_78 : vector<16xi32>
    %add3A_80 = arith.constant 13 : i32
    %add3A_81 = vector.broadcast %add3A_80 : i32 to vector<16xi32>
    %add3A_82 = arith.addi %iota3A, %add3A_81 : vector<16xi32>
    %and3A_83 = arith.constant 15 : i32
    %and3A_84 = vector.broadcast %and3A_83 : i32 to vector<16xi32>
    %and3A_85 = arith.andi %add3A_82, %and3A_84 : vector<16xi32>
    %add3A_86 = arith.constant 14 : i32
    %add3A_87 = vector.broadcast %add3A_86 : i32 to vector<16xi32>
    %add3A_88 = arith.addi %iota3A, %add3A_87 : vector<16xi32>
    %and3A_89 = arith.constant 15 : i32
    %and3A_90 = vector.broadcast %and3A_89 : i32 to vector<16xi32>
    %and3A_91 = arith.andi %add3A_88, %and3A_90 : vector<16xi32>
    %add3A_92 = arith.constant 15 : i32
    %add3A_93 = vector.broadcast %add3A_92 : i32 to vector<16xi32>
    %add3A_94 = arith.addi %iota3A, %add3A_93 : vector<16xi32>
    %and3A_95 = arith.constant 15 : i32
    %and3A_96 = vector.broadcast %and3A_95 : i32 to vector<16xi32>
    %and3A_97 = arith.andi %add3A_94, %and3A_96 : vector<16xi32>
    %run_scoped3A = arith.constant 0 : i32
    %run_scoped3A_98 = arith.constant 0 : i32
    "tpu.region"() ({
      %run_scoped3A_383 = tpu.sem_alloc : memref<!tpu.dma_semaphore, #tpu.memory_space<semaphore_mem>>
      %dma_start3A_384 = arith.constant 0 : i32
      %dma_start3A_385 = tpu.memref_slice %arg5[%run_scoped3A_98, %dma_start3A_384] : memref<4x128xi32, #tpu.memory_space<vmem>> -> memref<1x128xi32, #tpu.memory_space<vmem>>
      %dma_start3A_386 = tpu.memref_squeeze %dma_start3A_385 : memref<1x128xi32, #tpu.memory_space<vmem>> -> memref<128xi32, #tpu.memory_space<vmem>>
      %dma_start3A_387 = tpu.memref_slice %arg2[%run_scoped3A, %mul3A_2] : memref<200x4096xi32, #tpu.memory_space<hbm>> -> memref<1x128xi32, #tpu.memory_space<hbm>>
      %dma_start3A_388 = tpu.memref_squeeze %dma_start3A_387 : memref<1x128xi32, #tpu.memory_space<hbm>> -> memref<128xi32, #tpu.memory_space<hbm>>
      %dma_start3A_389 = arith.constant 0 : i32
      %dma_start3A_390 = tpu.memref_slice %arg5[%run_scoped3A_98, %dma_start3A_389] : memref<4x128xi32, #tpu.memory_space<vmem>> -> memref<1x128xi32, #tpu.memory_space<vmem>>
      %dma_start3A_391 = tpu.memref_squeeze %dma_start3A_390 : memref<1x128xi32, #tpu.memory_space<vmem>> -> memref<128xi32, #tpu.memory_space<vmem>>
      %dma_start3A_392 = tpu.memref_slice %arg2[%run_scoped3A, %mul3A_2] : memref<200x4096xi32, #tpu.memory_space<hbm>> -> memref<1x128xi32, #tpu.memory_space<hbm>>
      %dma_start3A_393 = tpu.memref_squeeze %dma_start3A_392 : memref<1x128xi32, #tpu.memory_space<hbm>> -> memref<128xi32, #tpu.memory_space<hbm>>
      tpu.enqueue_dma source(%dma_start3A_393 : memref<128xi32, #tpu.memory_space<hbm>>) target(%dma_start3A_391 : memref<128xi32, #tpu.memory_space<vmem>>) target_semaphore(%run_scoped3A_383 : memref<!tpu.dma_semaphore, #tpu.memory_space<semaphore_mem>>)
      %dma_wait3A_394 = arith.constant 0 : i32
      %dma_wait3A_395 = tpu.memref_slice %arg5[%run_scoped3A_98, %dma_wait3A_394] : memref<4x128xi32, #tpu.memory_space<vmem>> -> memref<1x128xi32, #tpu.memory_space<vmem>>
      %dma_wait3A_396 = tpu.memref_squeeze %dma_wait3A_395 : memref<1x128xi32, #tpu.memory_space<vmem>> -> memref<128xi32, #tpu.memory_space<vmem>>
      %dma_wait3A_397 = tpu.memref_slice %arg2[%run_scoped3A, %mul3A_2] : memref<200x4096xi32, #tpu.memory_space<hbm>> -> memref<1x128xi32, #tpu.memory_space<hbm>>
      %dma_wait3A_398 = tpu.memref_squeeze %dma_wait3A_397 : memref<1x128xi32, #tpu.memory_space<hbm>> -> memref<128xi32, #tpu.memory_space<hbm>>
      %dma_wait3A_399 = arith.constant 0 : i32
      %dma_wait3A_400 = tpu.memref_slice %arg5[%run_scoped3A_98, %dma_wait3A_399] : memref<4x128xi32, #tpu.memory_space<vmem>> -> memref<1x128xi32, #tpu.memory_space<vmem>>
      %dma_wait3A_401 = tpu.memref_squeeze %dma_wait3A_400 : memref<1x128xi32, #tpu.memory_space<vmem>> -> memref<128xi32, #tpu.memory_space<vmem>>
      %dma_wait3A_402 = tpu.memref_slice %arg2[%run_scoped3A, %mul3A_2] : memref<200x4096xi32, #tpu.memory_space<hbm>> -> memref<1x128xi32, #tpu.memory_space<hbm>>
      %dma_wait3A_403 = tpu.memref_squeeze %dma_wait3A_402 : memref<1x128xi32, #tpu.memory_space<hbm>> -> memref<128xi32, #tpu.memory_space<hbm>>
      tpu.wait_dma2 semaphore(%run_scoped3A_383 : memref<!tpu.dma_semaphore, #tpu.memory_space<semaphore_mem>>) src(%dma_wait3A_403 : memref<128xi32, #tpu.memory_space<hbm>>) dst(%dma_wait3A_401 : memref<128xi32, #tpu.memory_space<vmem>>)
      tpu.yield
    }) : () -> ()
    %get3A = arith.constant 0 : i32
    %get3A_99 = arith.index_cast %get3A : i32 to index
    %get3A_100 = arith.constant 0 : index
    %get3A_101 = tpu.vector_load %arg5[%get3A_99, %get3A_100] {strides = array<i32>} : memref<4x128xi32, #tpu.memory_space<vmem>>, vector<16xi32>,
    %shift_right_logical3A = arith.constant 1 : i32
    %shift_right_logical3A_102 = vector.broadcast %shift_right_logical3A : i32 to vector<16xi32>
    %shift_right_logical3A_103 = arith.shrui %get3A_101, %shift_right_logical3A_102 : vector<16xi32>
    %swap3A = arith.constant 0 : i32
    %swap3A_104 = arith.index_cast %swap3A : i32 to index
    %swap3A_105 = arith.constant 0 : index
    %swap3A_106 = tpu.vector_load %arg6[%swap3A_104, %swap3A_105] {strides = array<i32>} : memref<4x128xi32, #tpu.memory_space<vmem>>, vector<16xi32>,
    tpu.vector_store %arg6[%swap3A_104, %swap3A_105], %shift_right_logical3A_103 {strides = array<i32>} : memref<4x128xi32, #tpu.memory_space<vmem>>, vector<16xi32>,
    %get3A_107 = arith.constant 0 : i32
    %get3A_108 = arith.index_cast %get3A_107 : i32 to index
    %get3A_109 = arith.constant 16 : index
    %get3A_110 = tpu.vector_load %arg5[%get3A_108, %get3A_109] {strides = array<i32>} : memref<4x128xi32, #tpu.memory_space<vmem>>, vector<16xi32>,
    %shift_right_logical3A_111 = arith.constant 1 : i32
    %shift_right_logical3A_112 = vector.broadcast %shift_right_logical3A_111 : i32 to vector<16xi32>
    %shift_right_logical3A_113 = arith.shrui %get3A_110, %shift_right_logical3A_112 : vector<16xi32>
    %swap3A_114 = arith.constant 0 : i32
    %swap3A_115 = arith.index_cast %swap3A_114 : i32 to index
    %swap3A_116 = arith.constant 16 : index
    %swap3A_117 = tpu.vector_load %arg6[%swap3A_115, %swap3A_116] {strides = array<i32>} : memref<4x128xi32, #tpu.memory_space<vmem>>, vector<16xi32>,
    tpu.vector_store %arg6[%swap3A_115, %swap3A_116], %shift_right_logical3A_113 {strides = array<i32>} : memref<4x128xi32, #tpu.memory_space<vmem>>, vector<16xi32>,
    %get3A_118 = arith.constant 0 : i32
    %get3A_119 = arith.index_cast %get3A_118 : i32 to index
    %get3A_120 = arith.constant 32 : index
    %get3A_121 = tpu.vector_load %arg5[%get3A_119, %get3A_120] {strides = array<i32>} : memref<4x128xi32, #tpu.memory_space<vmem>>, vector<16xi32>,
    %shift_right_logical3A_122 = arith.constant 1 : i32
    %shift_right_logical3A_123 = vector.broadcast %shift_right_logical3A_122 : i32 to vector<16xi32>
    %shift_right_logical3A_124 = arith.shrui %get3A_121, %shift_right_logical3A_123 : vector<16xi32>
    %swap3A_125 = arith.constant 0 : i32
    %swap3A_126 = arith.index_cast %swap3A_125 : i32 to index
    %swap3A_127 = arith.constant 32 : index
    %swap3A_128 = tpu.vector_load %arg6[%swap3A_126, %swap3A_127] {strides = array<i32>} : memref<4x128xi32, #tpu.memory_space<vmem>>, vector<16xi32>,
    tpu.vector_store %arg6[%swap3A_126, %swap3A_127], %shift_right_logical3A_124 {strides = array<i32>} : memref<4x128xi32, #tpu.memory_space<vmem>>, vector<16xi32>,
    %get3A_129 = arith.constant 0 : i32
    %get3A_130 = arith.index_cast %get3A_129 : i32 to index
    %get3A_131 = arith.constant 48 : index
    %get3A_132 = tpu.vector_load %arg5[%get3A_130, %get3A_131] {strides = array<i32>} : memref<4x128xi32, #tpu.memory_space<vmem>>, vector<16xi32>,
    %shift_right_logical3A_133 = arith.constant 1 : i32
    %shift_right_logical3A_134 = vector.broadcast %shift_right_logical3A_133 : i32 to vector<16xi32>
    %shift_right_logical3A_135 = arith.shrui %get3A_132, %shift_right_logical3A_134 : vector<16xi32>
    %swap3A_136 = arith.constant 0 : i32
    %swap3A_137 = arith.index_cast %swap3A_136 : i32 to index
    %swap3A_138 = arith.constant 48 : index
    %swap3A_139 = tpu.vector_load %arg6[%swap3A_137, %swap3A_138] {strides = array<i32>} : memref<4x128xi32, #tpu.memory_space<vmem>>, vector<16xi32>,
    tpu.vector_store %arg6[%swap3A_137, %swap3A_138], %shift_right_logical3A_135 {strides = array<i32>} : memref<4x128xi32, #tpu.memory_space<vmem>>, vector<16xi32>,
    %get3A_140 = arith.constant 0 : i32
    %get3A_141 = arith.index_cast %get3A_140 : i32 to index
    %get3A_142 = arith.constant 64 : index
    %get3A_143 = tpu.vector_load %arg5[%get3A_141, %get3A_142] {strides = array<i32>} : memref<4x128xi32, #tpu.memory_space<vmem>>, vector<16xi32>,
    %shift_right_logical3A_144 = arith.constant 1 : i32
    %shift_right_logical3A_145 = vector.broadcast %shift_right_logical3A_144 : i32 to vector<16xi32>
    %shift_right_logical3A_146 = arith.shrui %get3A_143, %shift_right_logical3A_145 : vector<16xi32>
    %swap3A_147 = arith.constant 0 : i32
    %swap3A_148 = arith.index_cast %swap3A_147 : i32 to index
    %swap3A_149 = arith.constant 64 : index
    %swap3A_150 = tpu.vector_load %arg6[%swap3A_148, %swap3A_149] {strides = array<i32>} : memref<4x128xi32, #tpu.memory_space<vmem>>, vector<16xi32>,
    tpu.vector_store %arg6[%swap3A_148, %swap3A_149], %shift_right_logical3A_146 {strides = array<i32>} : memref<4x128xi32, #tpu.memory_space<vmem>>, vector<16xi32>,
    %get3A_151 = arith.constant 0 : i32
    %get3A_152 = arith.index_cast %get3A_151 : i32 to index
    %get3A_153 = arith.constant 80 : index
    %get3A_154 = tpu.vector_load %arg5[%get3A_152, %get3A_153] {strides = array<i32>} : memref<4x128xi32, #tpu.memory_space<vmem>>, vector<16xi32>,
    %shift_right_logical3A_155 = arith.constant 1 : i32
    %shift_right_logical3A_156 = vector.broadcast %shift_right_logical3A_155 : i32 to vector<16xi32>
    %shift_right_logical3A_157 = arith.shrui %get3A_154, %shift_right_logical3A_156 : vector<16xi32>
    %swap3A_158 = arith.constant 0 : i32
    %swap3A_159 = arith.index_cast %swap3A_158 : i32 to index
    %swap3A_160 = arith.constant 80 : index
    %swap3A_161 = tpu.vector_load %arg6[%swap3A_159, %swap3A_160] {strides = array<i32>} : memref<4x128xi32, #tpu.memory_space<vmem>>, vector<16xi32>,
    tpu.vector_store %arg6[%swap3A_159, %swap3A_160], %shift_right_logical3A_157 {strides = array<i32>} : memref<4x128xi32, #tpu.memory_space<vmem>>, vector<16xi32>,
    %get3A_162 = arith.constant 0 : i32
    %get3A_163 = arith.index_cast %get3A_162 : i32 to index
    %get3A_164 = arith.constant 96 : index
    %get3A_165 = tpu.vector_load %arg5[%get3A_163, %get3A_164] {strides = array<i32>} : memref<4x128xi32, #tpu.memory_space<vmem>>, vector<16xi32>,
    %shift_right_logical3A_166 = arith.constant 1 : i32
    %shift_right_logical3A_167 = vector.broadcast %shift_right_logical3A_166 : i32 to vector<16xi32>
    %shift_right_logical3A_168 = arith.shrui %get3A_165, %shift_right_logical3A_167 : vector<16xi32>
    %swap3A_169 = arith.constant 0 : i32
    %swap3A_170 = arith.index_cast %swap3A_169 : i32 to index
    %swap3A_171 = arith.constant 96 : index
    %swap3A_172 = tpu.vector_load %arg6[%swap3A_170, %swap3A_171] {strides = array<i32>} : memref<4x128xi32, #tpu.memory_space<vmem>>, vector<16xi32>,
    tpu.vector_store %arg6[%swap3A_170, %swap3A_171], %shift_right_logical3A_168 {strides = array<i32>} : memref<4x128xi32, #tpu.memory_space<vmem>>, vector<16xi32>,
    %get3A_173 = arith.constant 0 : i32
    %get3A_174 = arith.index_cast %get3A_173 : i32 to index
    %get3A_175 = arith.constant 112 : index
    %get3A_176 = tpu.vector_load %arg5[%get3A_174, %get3A_175] {strides = array<i32>} : memref<4x128xi32, #tpu.memory_space<vmem>>, vector<16xi32>,
    %shift_right_logical3A_177 = arith.constant 1 : i32
    %shift_right_logical3A_178 = vector.broadcast %shift_right_logical3A_177 : i32 to vector<16xi32>
    %shift_right_logical3A_179 = arith.shrui %get3A_176, %shift_right_logical3A_178 : vector<16xi32>
    %swap3A_180 = arith.constant 0 : i32
    %swap3A_181 = arith.index_cast %swap3A_180 : i32 to index
    %swap3A_182 = arith.constant 112 : index
    %swap3A_183 = tpu.vector_load %arg6[%swap3A_181, %swap3A_182] {strides = array<i32>} : memref<4x128xi32, #tpu.memory_space<vmem>>, vector<16xi32>,
    tpu.vector_store %arg6[%swap3A_181, %swap3A_182], %shift_right_logical3A_179 {strides = array<i32>} : memref<4x128xi32, #tpu.memory_space<vmem>>, vector<16xi32>,
    %dma_start3A = arith.constant 0 : i32
    %dma_start3A_184 = arith.constant 0 : i32
    %dma_start3A_185 = arith.constant 0 : i32
    %dma_start3A_186 = arith.constant 0 : i32
    %dma_start3A_187 = arith.constant 0 : i32
    %dma_start3A_188 = tpu.memref_slice %arg7[%dma_start3A_184, %dma_start3A_186, %dma_start3A_187] : memref<4x128x128xf32, #tpu.memory_space<vmem>> -> memref<1x128x128xf32, #tpu.memory_space<vmem>>
    %dma_start3A_189 = tpu.memref_squeeze %dma_start3A_188 : memref<1x128x128xf32, #tpu.memory_space<vmem>> -> memref<128x128xf32, #tpu.memory_space<vmem>>
    %dma_start3A_190 = arith.constant 0 : i32
    %dma_start3A_191 = tpu.memref_slice %arg6[%dma_start3A, %dma_start3A_190] : memref<4x128xi32, #tpu.memory_space<vmem>> -> memref<1x128xi32, #tpu.memory_space<vmem>>
    %dma_start3A_192 = tpu.memref_squeeze %dma_start3A_191 : memref<1x128xi32, #tpu.memory_space<vmem>> -> memref<128xi32, #tpu.memory_space<vmem>>
    %dma_start3A_193 = arith.constant 0 : i32
    %dma_start3A_194 = arith.constant 0 : i32
    %dma_start3A_195 = tpu.memref_slice %arg3[%dma_start3A_193, %dma_start3A_194] : memref<500000x128xf32, #tpu.memory_space<hbm>> -> memref<500000x128xf32, #tpu.memory_space<hbm>>
    %dma_start3A_196 = tpu.memref_slice %arg9[%dma_start3A_185] : memref<4x!tpu.dma_semaphore, #tpu.memory_space<semaphore_mem>> -> memref<1x!tpu.dma_semaphore, #tpu.memory_space<semaphore_mem>>
    %dma_start3A_197 = tpu.memref_squeeze %dma_start3A_196 : memref<1x!tpu.dma_semaphore, #tpu.memory_space<semaphore_mem>> -> memref<!tpu.dma_semaphore, #tpu.memory_space<semaphore_mem>>
    tpu.enqueue_indirect_dma source(%dma_start3A_195 : memref<500000x128xf32, #tpu.memory_space<hbm>>) target(%dma_start3A_189 : memref<128x128xf32, #tpu.memory_space<vmem>>) offsets(%dma_start3A_192 : memref<128xi32, #tpu.memory_space<vmem>>) semaphore(%dma_start3A_197 : memref<!tpu.dma_semaphore, #tpu.memory_space<semaphore_mem>>)
    %run_scoped3A_198 = arith.constant 1 : i32
    %run_scoped3A_199 = arith.constant 1 : i32
    "tpu.region"() ({
      %run_scoped3A_383 = tpu.sem_alloc : memref<!tpu.dma_semaphore, #tpu.memory_space<semaphore_mem>>
      %dma_start3A_384 = arith.constant 0 : i32
      %dma_start3A_385 = tpu.memref_slice %arg5[%run_scoped3A_199, %dma_start3A_384] : memref<4x128xi32, #tpu.memory_space<vmem>> -> memref<1x128xi32, #tpu.memory_space<vmem>>
      %dma_start3A_386 = tpu.memref_squeeze %dma_start3A_385 : memref<1x128xi32, #tpu.memory_space<vmem>> -> memref<128xi32, #tpu.memory_space<vmem>>
      %dma_start3A_387 = tpu.memref_slice %arg2[%run_scoped3A_198, %mul3A_2] : memref<200x4096xi32, #tpu.memory_space<hbm>> -> memref<1x128xi32, #tpu.memory_space<hbm>>
      %dma_start3A_388 = tpu.memref_squeeze %dma_start3A_387 : memref<1x128xi32, #tpu.memory_space<hbm>> -> memref<128xi32, #tpu.memory_space<hbm>>
      %dma_start3A_389 = arith.constant 0 : i32
      %dma_start3A_390 = tpu.memref_slice %arg5[%run_scoped3A_199, %dma_start3A_389] : memref<4x128xi32, #tpu.memory_space<vmem>> -> memref<1x128xi32, #tpu.memory_space<vmem>>
      %dma_start3A_391 = tpu.memref_squeeze %dma_start3A_390 : memref<1x128xi32, #tpu.memory_space<vmem>> -> memref<128xi32, #tpu.memory_space<vmem>>
      %dma_start3A_392 = tpu.memref_slice %arg2[%run_scoped3A_198, %mul3A_2] : memref<200x4096xi32, #tpu.memory_space<hbm>> -> memref<1x128xi32, #tpu.memory_space<hbm>>
      %dma_start3A_393 = tpu.memref_squeeze %dma_start3A_392 : memref<1x128xi32, #tpu.memory_space<hbm>> -> memref<128xi32, #tpu.memory_space<hbm>>
      tpu.enqueue_dma source(%dma_start3A_393 : memref<128xi32, #tpu.memory_space<hbm>>) target(%dma_start3A_391 : memref<128xi32, #tpu.memory_space<vmem>>) target_semaphore(%run_scoped3A_383 : memref<!tpu.dma_semaphore, #tpu.memory_space<semaphore_mem>>)
      %dma_wait3A_394 = arith.constant 0 : i32
      %dma_wait3A_395 = tpu.memref_slice %arg5[%run_scoped3A_199, %dma_wait3A_394] : memref<4x128xi32, #tpu.memory_space<vmem>> -> memref<1x128xi32, #tpu.memory_space<vmem>>
      %dma_wait3A_396 = tpu.memref_squeeze %dma_wait3A_395 : memref<1x128xi32, #tpu.memory_space<vmem>> -> memref<128xi32, #tpu.memory_space<vmem>>
      %dma_wait3A_397 = tpu.memref_slice %arg2[%run_scoped3A_198, %mul3A_2] : memref<200x4096xi32, #tpu.memory_space<hbm>> -> memref<1x128xi32, #tpu.memory_space<hbm>>
      %dma_wait3A_398 = tpu.memref_squeeze %dma_wait3A_397 : memref<1x128xi32, #tpu.memory_space<hbm>> -> memref<128xi32, #tpu.memory_space<hbm>>
      %dma_wait3A_399 = arith.constant 0 : i32
      %dma_wait3A_400 = tpu.memref_slice %arg5[%run_scoped3A_199, %dma_wait3A_399] : memref<4x128xi32, #tpu.memory_space<vmem>> -> memref<1x128xi32, #tpu.memory_space<vmem>>
      %dma_wait3A_401 = tpu.memref_squeeze %dma_wait3A_400 : memref<1x128xi32, #tpu.memory_space<vmem>> -> memref<128xi32, #tpu.memory_space<vmem>>
      %dma_wait3A_402 = tpu.memref_slice %arg2[%run_scoped3A_198, %mul3A_2] : memref<200x4096xi32, #tpu.memory_space<hbm>> -> memref<1x128xi32, #tpu.memory_space<hbm>>
      %dma_wait3A_403 = tpu.memref_squeeze %dma_wait3A_402 : memref<1x128xi32, #tpu.memory_space<hbm>> -> memref<128xi32, #tpu.memory_space<hbm>>
      tpu.wait_dma2 semaphore(%run_scoped3A_383 : memref<!tpu.dma_semaphore, #tpu.memory_space<semaphore_mem>>) src(%dma_wait3A_403 : memref<128xi32, #tpu.memory_space<hbm>>) dst(%dma_wait3A_401 : memref<128xi32, #tpu.memory_space<vmem>>)
      tpu.yield
    }) : () -> ()
    %get3A_200 = arith.constant 1 : i32
    %get3A_201 = arith.index_cast %get3A_200 : i32 to index
    %get3A_202 = arith.constant 0 : index
    %get3A_203 = tpu.vector_load %arg5[%get3A_201, %get3A_202] {strides = array<i32>} : memref<4x128xi32, #tpu.memory_space<vmem>>, vector<16xi32>,
    %shift_right_logical3A_204 = arith.constant 1 : i32
    %shift_right_logical3A_205 = vector.broadcast %shift_right_logical3A_204 : i32 to vector<16xi32>
    %shift_right_logical3A_206 = arith.shrui %get3A_203, %shift_right_logical3A_205 : vector<16xi32>
    %swap3A_207 = arith.constant 1 : i32
    %swap3A_208 = arith.index_cast %swap3A_207 : i32 to index
    %swap3A_209 = arith.constant 0 : index
    %swap3A_210 = tpu.vector_load %arg6[%swap3A_208, %swap3A_209] {strides = array<i32>} : memref<4x128xi32, #tpu.memory_space<vmem>>, vector<16xi32>,
    tpu.vector_store %arg6[%swap3A_208, %swap3A_209], %shift_right_logical3A_206 {strides = array<i32>} : memref<4x128xi32, #tpu.memory_space<vmem>>, vector<16xi32>,
    %get3A_211 = arith.constant 1 : i32
    %get3A_212 = arith.index_cast %get3A_211 : i32 to index
    %get3A_213 = arith.constant 16 : index
    %get3A_214 = tpu.vector_load %arg5[%get3A_212, %get3A_213] {strides = array<i32>} : memref<4x128xi32, #tpu.memory_space<vmem>>, vector<16xi32>,
    %shift_right_logical3A_215 = arith.constant 1 : i32
    %shift_right_logical3A_216 = vector.broadcast %shift_right_logical3A_215 : i32 to vector<16xi32>
    %shift_right_logical3A_217 = arith.shrui %get3A_214, %shift_right_logical3A_216 : vector<16xi32>
    %swap3A_218 = arith.constant 1 : i32
    %swap3A_219 = arith.index_cast %swap3A_218 : i32 to index
    %swap3A_220 = arith.constant 16 : index
    %swap3A_221 = tpu.vector_load %arg6[%swap3A_219, %swap3A_220] {strides = array<i32>} : memref<4x128xi32, #tpu.memory_space<vmem>>, vector<16xi32>,
    tpu.vector_store %arg6[%swap3A_219, %swap3A_220], %shift_right_logical3A_217 {strides = array<i32>} : memref<4x128xi32, #tpu.memory_space<vmem>>, vector<16xi32>,
    %get3A_222 = arith.constant 1 : i32
    %get3A_223 = arith.index_cast %get3A_222 : i32 to index
    %get3A_224 = arith.constant 32 : index
    %get3A_225 = tpu.vector_load %arg5[%get3A_223, %get3A_224] {strides = array<i32>} : memref<4x128xi32, #tpu.memory_space<vmem>>, vector<16xi32>,
    %shift_right_logical3A_226 = arith.constant 1 : i32
    %shift_right_logical3A_227 = vector.broadcast %shift_right_logical3A_226 : i32 to vector<16xi32>
    %shift_right_logical3A_228 = arith.shrui %get3A_225, %shift_right_logical3A_227 : vector<16xi32>
    %swap3A_229 = arith.constant 1 : i32
    %swap3A_230 = arith.index_cast %swap3A_229 : i32 to index
    %swap3A_231 = arith.constant 32 : index
    %swap3A_232 = tpu.vector_load %arg6[%swap3A_230, %swap3A_231] {strides = array<i32>} : memref<4x128xi32, #tpu.memory_space<vmem>>, vector<16xi32>,
    tpu.vector_store %arg6[%swap3A_230, %swap3A_231], %shift_right_logical3A_228 {strides = array<i32>} : memref<4x128xi32, #tpu.memory_space<vmem>>, vector<16xi32>,
    %get3A_233 = arith.constant 1 : i32
    %get3A_234 = arith.index_cast %get3A_233 : i32 to index
    %get3A_235 = arith.constant 48 : index
    %get3A_236 = tpu.vector_load %arg5[%get3A_234, %get3A_235] {strides = array<i32>} : memref<4x128xi32, #tpu.memory_space<vmem>>, vector<16xi32>,
    %shift_right_logical3A_237 = arith.constant 1 : i32
    %shift_right_logical3A_238 = vector.broadcast %shift_right_logical3A_237 : i32 to vector<16xi32>
    %shift_right_logical3A_239 = arith.shrui %get3A_236, %shift_right_logical3A_238 : vector<16xi32>
    %swap3A_240 = arith.constant 1 : i32
    %swap3A_241 = arith.index_cast %swap3A_240 : i32 to index
    %swap3A_242 = arith.constant 48 : index
    %swap3A_243 = tpu.vector_load %arg6[%swap3A_241, %swap3A_242] {strides = array<i32>} : memref<4x128xi32, #tpu.memory_space<vmem>>, vector<16xi32>,
    tpu.vector_store %arg6[%swap3A_241, %swap3A_242], %shift_right_logical3A_239 {strides = array<i32>} : memref<4x128xi32, #tpu.memory_space<vmem>>, vector<16xi32>,
    %get3A_244 = arith.constant 1 : i32
    %get3A_245 = arith.index_cast %get3A_244 : i32 to index
    %get3A_246 = arith.constant 64 : index
    %get3A_247 = tpu.vector_load %arg5[%get3A_245, %get3A_246] {strides = array<i32>} : memref<4x128xi32, #tpu.memory_space<vmem>>, vector<16xi32>,
    %shift_right_logical3A_248 = arith.constant 1 : i32
    %shift_right_logical3A_249 = vector.broadcast %shift_right_logical3A_248 : i32 to vector<16xi32>
    %shift_right_logical3A_250 = arith.shrui %get3A_247, %shift_right_logical3A_249 : vector<16xi32>
    %swap3A_251 = arith.constant 1 : i32
    %swap3A_252 = arith.index_cast %swap3A_251 : i32 to index
    %swap3A_253 = arith.constant 64 : index
    %swap3A_254 = tpu.vector_load %arg6[%swap3A_252, %swap3A_253] {strides = array<i32>} : memref<4x128xi32, #tpu.memory_space<vmem>>, vector<16xi32>,
    tpu.vector_store %arg6[%swap3A_252, %swap3A_253], %shift_right_logical3A_250 {strides = array<i32>} : memref<4x128xi32, #tpu.memory_space<vmem>>, vector<16xi32>,
    %get3A_255 = arith.constant 1 : i32
    %get3A_256 = arith.index_cast %get3A_255 : i32 to index
    %get3A_257 = arith.constant 80 : index
    %get3A_258 = tpu.vector_load %arg5[%get3A_256, %get3A_257] {strides = array<i32>} : memref<4x128xi32, #tpu.memory_space<vmem>>, vector<16xi32>,
    %shift_right_logical3A_259 = arith.constant 1 : i32
    %shift_right_logical3A_260 = vector.broadcast %shift_right_logical3A_259 : i32 to vector<16xi32>
    %shift_right_logical3A_261 = arith.shrui %get3A_258, %shift_right_logical3A_260 : vector<16xi32>
    %swap3A_262 = arith.constant 1 : i32
    %swap3A_263 = arith.index_cast %swap3A_262 : i32 to index
    %swap3A_264 = arith.constant 80 : index
    %swap3A_265 = tpu.vector_load %arg6[%swap3A_263, %swap3A_264] {strides = array<i32>} : memref<4x128xi32, #tpu.memory_space<vmem>>, vector<16xi32>,
    tpu.vector_store %arg6[%swap3A_263, %swap3A_264], %shift_right_logical3A_261 {strides = array<i32>} : memref<4x128xi32, #tpu.memory_space<vmem>>, vector<16xi32>,
    %get3A_266 = arith.constant 1 : i32
    %get3A_267 = arith.index_cast %get3A_266 : i32 to index
    %get3A_268 = arith.constant 96 : index
    %get3A_269 = tpu.vector_load %arg5[%get3A_267, %get3A_268] {strides = array<i32>} : memref<4x128xi32, #tpu.memory_space<vmem>>, vector<16xi32>,
    %shift_right_logical3A_270 = arith.constant 1 : i32
    %shift_right_logical3A_271 = vector.broadcast %shift_right_logical3A_270 : i32 to vector<16xi32>
    %shift_right_logical3A_272 = arith.shrui %get3A_269, %shift_right_logical3A_271 : vector<16xi32>
    %swap3A_273 = arith.constant 1 : i32
    %swap3A_274 = arith.index_cast %swap3A_273 : i32 to index
    %swap3A_275 = arith.constant 96 : index
    %swap3A_276 = tpu.vector_load %arg6[%swap3A_274, %swap3A_275] {strides = array<i32>} : memref<4x128xi32, #tpu.memory_space<vmem>>, vector<16xi32>,
    tpu.vector_store %arg6[%swap3A_274, %swap3A_275], %shift_right_logical3A_272 {strides = array<i32>} : memref<4x128xi32, #tpu.memory_space<vmem>>, vector<16xi32>,
    %get3A_277 = arith.constant 1 : i32
    %get3A_278 = arith.index_cast %get3A_277 : i32 to index
    %get3A_279 = arith.constant 112 : index
    %get3A_280 = tpu.vector_load %arg5[%get3A_278, %get3A_279] {strides = array<i32>} : memref<4x128xi32, #tpu.memory_space<vmem>>, vector<16xi32>,
    %shift_right_logical3A_281 = arith.constant 1 : i32
    %shift_right_logical3A_282 = vector.broadcast %shift_right_logical3A_281 : i32 to vector<16xi32>
    %shift_right_logical3A_283 = arith.shrui %get3A_280, %shift_right_logical3A_282 : vector<16xi32>
    %swap3A_284 = arith.constant 1 : i32
    %swap3A_285 = arith.index_cast %swap3A_284 : i32 to index
    %swap3A_286 = arith.constant 112 : index
    %swap3A_287 = tpu.vector_load %arg6[%swap3A_285, %swap3A_286] {strides = array<i32>} : memref<4x128xi32, #tpu.memory_space<vmem>>, vector<16xi32>,
    tpu.vector_store %arg6[%swap3A_285, %swap3A_286], %shift_right_logical3A_283 {strides = array<i32>} : memref<4x128xi32, #tpu.memory_space<vmem>>, vector<16xi32>,
    %dma_start3A_288 = arith.constant 1 : i32
    %dma_start3A_289 = arith.constant 1 : i32
    %dma_start3A_290 = arith.constant 1 : i32
    %dma_start3A_291 = arith.constant 0 : i32
    %dma_start3A_292 = arith.constant 0 : i32
    %dma_start3A_293 = tpu.memref_slice %arg7[%dma_start3A_289, %dma_start3A_291, %dma_start3A_292] : memref<4x128x128xf32, #tpu.memory_space<vmem>> -> memref<1x128x128xf32, #tpu.memory_space<vmem>>
    %dma_start3A_294 = tpu.memref_squeeze %dma_start3A_293 : memref<1x128x128xf32, #tpu.memory_space<vmem>> -> memref<128x128xf32, #tpu.memory_space<vmem>>
    %dma_start3A_295 = arith.constant 0 : i32
    %dma_start3A_296 = tpu.memref_slice %arg6[%dma_start3A_288, %dma_start3A_295] : memref<4x128xi32, #tpu.memory_space<vmem>> -> memref<1x128xi32, #tpu.memory_space<vmem>>
    %dma_start3A_297 = tpu.memref_squeeze %dma_start3A_296 : memref<1x128xi32, #tpu.memory_space<vmem>> -> memref<128xi32, #tpu.memory_space<vmem>>
    %dma_start3A_298 = arith.constant 0 : i32
    %dma_start3A_299 = arith.constant 0 : i32
    %dma_start3A_300 = tpu.memref_slice %arg3[%dma_start3A_298, %dma_start3A_299] : memref<500000x128xf32, #tpu.memory_space<hbm>> -> memref<500000x128xf32, #tpu.memory_space<hbm>>
    %dma_start3A_301 = tpu.memref_slice %arg9[%dma_start3A_290] : memref<4x!tpu.dma_semaphore, #tpu.memory_space<semaphore_mem>> -> memref<1x!tpu.dma_semaphore, #tpu.memory_space<semaphore_mem>>
    %dma_start3A_302 = tpu.memref_squeeze %dma_start3A_301 : memref<1x!tpu.dma_semaphore, #tpu.memory_space<semaphore_mem>> -> memref<!tpu.dma_semaphore, #tpu.memory_space<semaphore_mem>>
    tpu.enqueue_indirect_dma source(%dma_start3A_300 : memref<500000x128xf32, #tpu.memory_space<hbm>>) target(%dma_start3A_294 : memref<128x128xf32, #tpu.memory_space<vmem>>) offsets(%dma_start3A_297 : memref<128xi32, #tpu.memory_space<vmem>>) semaphore(%dma_start3A_302 : memref<!tpu.dma_semaphore, #tpu.memory_space<semaphore_mem>>)
    %scan3A = arith.constant 0 : i32
    %scan3A_303 = arith.constant 0 : i32
    %scan3A_304 = arith.constant 50 : i32
    %scan3A_305 = arith.addi %scan3A_303, %scan3A_304 : i32
    %scan3A_306 = arith.constant 1 : i32
    scf.for %scan3A_383 = %scan3A_303 to %scan3A_305 step %scan3A_306  : i32 {
      %mul3A_384 = arith.constant 4 : i32
      %mul3A_385 = arith.muli %scan3A_383, %mul3A_384 : i32
      %add3A_386 = arith.constant 0 : i32
      %add3A_387 = arith.addi %mul3A_385, %add3A_386 : i32
      %add3A_388 = arith.constant 2 : i32
      %add3A_389 = arith.addi %add3A_387, %add3A_388 : i32
      %lt3A = arith.constant 200 : i32
      %lt3A_390 = arith.cmpi slt, %add3A_389, %lt3A : i32
      %convert_element_type3A = arith.extui %lt3A_390 : i1 to i32
      %cond3A = arith.constant 0 : i32
      %cond3A_391 = arith.cmpi ne, %convert_element_type3A, %cond3A : i32
      scf.if %cond3A_391 {
        %ge3A = arith.constant 4 : i32
        %ge3A_568 = arith.cmpi sge, %add3A_389, %ge3A : i32
        %convert_element_type3A_569 = arith.extui %ge3A_568 : i1 to i32
        %cond3A_570 = arith.constant 0 : i32
        %cond3A_571 = arith.cmpi ne, %convert_element_type3A_569, %cond3A_570 : i32
        scf.if %cond3A_571 {
          %sub3A = arith.constant 4 : i32
          %sub3A_676 = arith.subi %add3A_389, %sub3A : i32
          %dma_wait3A_677 = arith.constant 2 : i32
          %dma_wait3A_678 = arith.constant 2 : i32
          %dma_wait3A_679 = arith.constant 0 : i32
          %dma_wait3A_680 = arith.constant 0 : i32
          %dma_wait3A_681 = tpu.memref_slice %arg8[%dma_wait3A_677, %dma_wait3A_679, %dma_wait3A_680] : memref<4x64x128xf32, #tpu.memory_space<vmem>> -> memref<1x64x128xf32, #tpu.memory_space<vmem>>
          %dma_wait3A_682 = tpu.memref_squeeze %dma_wait3A_681 : memref<1x64x128xf32, #tpu.memory_space<vmem>> -> memref<64x128xf32, #tpu.memory_space<vmem>>
          %dma_wait3A_683 = arith.constant 0 : i32
          %dma_wait3A_684 = tpu.memref_slice %arg4[%sub3A_676, %dma_wait3A_683, %mul3A_2] : memref<200x64x4096xf32, #tpu.memory_space<hbm>> -> memref<1x64x128xf32, #tpu.memory_space<hbm>>
          %dma_wait3A_685 = tpu.memref_squeeze %dma_wait3A_684 : memref<1x64x128xf32, #tpu.memory_space<hbm>> -> memref<64x128xf32, #tpu.memory_space<hbm>>
          %dma_wait3A_686 = tpu.memref_slice %arg10[%dma_wait3A_678] : memref<4x!tpu.dma_semaphore, #tpu.memory_space<semaphore_mem>> -> memref<1x!tpu.dma_semaphore, #tpu.memory_space<semaphore_mem>>
          %dma_wait3A_687 = tpu.memref_squeeze %dma_wait3A_686 : memref<1x!tpu.dma_semaphore, #tpu.memory_space<semaphore_mem>> -> memref<!tpu.dma_semaphore, #tpu.memory_space<semaphore_mem>>
          %dma_wait3A_688 = arith.constant 0 : i32
          %dma_wait3A_689 = tpu.memref_slice %arg4[%sub3A_676, %dma_wait3A_688, %mul3A_2] : memref<200x64x4096xf32, #tpu.memory_space<hbm>> -> memref<1x64x128xf32, #tpu.memory_space<hbm>>
          %dma_wait3A_690 = tpu.memref_squeeze %dma_wait3A_689 : memref<1x64x128xf32, #tpu.memory_space<hbm>> -> memref<64x128xf32, #tpu.memory_space<hbm>>
          %dma_wait3A_691 = arith.constant 0 : i32
          %dma_wait3A_692 = arith.constant 0 : i32
          %dma_wait3A_693 = tpu.memref_slice %arg8[%dma_wait3A_677, %dma_wait3A_691, %dma_wait3A_692] : memref<4x64x128xf32, #tpu.memory_space<vmem>> -> memref<1x64x128xf32, #tpu.memory_space<vmem>>
          %dma_wait3A_694 = tpu.memref_squeeze %dma_wait3A_693 : memref<1x64x128xf32, #tpu.memory_space<vmem>> -> memref<64x128xf32, #tpu.memory_space<vmem>>
          tpu.wait_dma2 semaphore(%dma_wait3A_687 : memref<!tpu.dma_semaphore, #tpu.memory_space<semaphore_mem>>) src(%dma_wait3A_694 : memref<64x128xf32, #tpu.memory_space<vmem>>) dst(%dma_wait3A_690 : memref<64x128xf32, #tpu.memory_space<hbm>>)
        } else {
        }
        %run_scoped3A_572 = arith.constant 2 : i32
        "tpu.region"() ({
          %run_scoped3A_676 = tpu.sem_alloc : memref<!tpu.dma_semaphore, #tpu.memory_space<semaphore_mem>>
          %dma_start3A_677 = arith.constant 0 : i32
          %dma_start3A_678 = tpu.memref_slice %arg5[%run_scoped3A_572, %dma_start3A_677] : memref<4x128xi32, #tpu.memory_space<vmem>> -> memref<1x128xi32, #tpu.memory_space<vmem>>
          %dma_start3A_679 = tpu.memref_squeeze %dma_start3A_678 : memref<1x128xi32, #tpu.memory_space<vmem>> -> memref<128xi32, #tpu.memory_space<vmem>>
          %dma_start3A_680 = tpu.memref_slice %arg2[%add3A_389, %mul3A_2] : memref<200x4096xi32, #tpu.memory_space<hbm>> -> memref<1x128xi32, #tpu.memory_space<hbm>>
          %dma_start3A_681 = tpu.memref_squeeze %dma_start3A_680 : memref<1x128xi32, #tpu.memory_space<hbm>> -> memref<128xi32, #tpu.memory_space<hbm>>
          %dma_start3A_682 = arith.constant 0 : i32
          %dma_start3A_683 = tpu.memref_slice %arg5[%run_scoped3A_572, %dma_start3A_682] : memref<4x128xi32, #tpu.memory_space<vmem>> -> memref<1x128xi32, #tpu.memory_space<vmem>>
          %dma_start3A_684 = tpu.memref_squeeze %dma_start3A_683 : memref<1x128xi32, #tpu.memory_space<vmem>> -> memref<128xi32, #tpu.memory_space<vmem>>
          %dma_start3A_685 = tpu.memref_slice %arg2[%add3A_389, %mul3A_2] : memref<200x4096xi32, #tpu.memory_space<hbm>> -> memref<1x128xi32, #tpu.memory_space<hbm>>
          %dma_start3A_686 = tpu.memref_squeeze %dma_start3A_685 : memref<1x128xi32, #tpu.memory_space<hbm>> -> memref<128xi32, #tpu.memory_space<hbm>>
          tpu.enqueue_dma source(%dma_start3A_686 : memref<128xi32, #tpu.memory_space<hbm>>) target(%dma_start3A_684 : memref<128xi32, #tpu.memory_space<vmem>>) target_semaphore(%run_scoped3A_676 : memref<!tpu.dma_semaphore, #tpu.memory_space<semaphore_mem>>)
          %dma_wait3A_687 = arith.constant 0 : i32
          %dma_wait3A_688 = tpu.memref_slice %arg5[%run_scoped3A_572, %dma_wait3A_687] : memref<4x128xi32, #tpu.memory_space<vmem>> -> memref<1x128xi32, #tpu.memory_space<vmem>>
          %dma_wait3A_689 = tpu.memref_squeeze %dma_wait3A_688 : memref<1x128xi32, #tpu.memory_space<vmem>> -> memref<128xi32, #tpu.memory_space<vmem>>
          %dma_wait3A_690 = tpu.memref_slice %arg2[%add3A_389, %mul3A_2] : memref<200x4096xi32, #tpu.memory_space<hbm>> -> memref<1x128xi32, #tpu.memory_space<hbm>>
          %dma_wait3A_691 = tpu.memref_squeeze %dma_wait3A_690 : memref<1x128xi32, #tpu.memory_space<hbm>> -> memref<128xi32, #tpu.memory_space<hbm>>
          %dma_wait3A_692 = arith.constant 0 : i32
          %dma_wait3A_693 = tpu.memref_slice %arg5[%run_scoped3A_572, %dma_wait3A_692] : memref<4x128xi32, #tpu.memory_space<vmem>> -> memref<1x128xi32, #tpu.memory_space<vmem>>
          %dma_wait3A_694 = tpu.memref_squeeze %dma_wait3A_693 : memref<1x128xi32, #tpu.memory_space<vmem>> -> memref<128xi32, #tpu.memory_space<vmem>>
          %dma_wait3A_695 = tpu.memref_slice %arg2[%add3A_389, %mul3A_2] : memref<200x4096xi32, #tpu.memory_space<hbm>> -> memref<1x128xi32, #tpu.memory_space<hbm>>
          %dma_wait3A_696 = tpu.memref_squeeze %dma_wait3A_695 : memref<1x128xi32, #tpu.memory_space<hbm>> -> memref<128xi32, #tpu.memory_space<hbm>>
          tpu.wait_dma2 semaphore(%run_scoped3A_676 : memref<!tpu.dma_semaphore, #tpu.memory_space<semaphore_mem>>) src(%dma_wait3A_696 : memref<128xi32, #tpu.memory_space<hbm>>) dst(%dma_wait3A_694 : memref<128xi32, #tpu.memory_space<vmem>>)
          tpu.yield
        }) : () -> ()
        %get3A_573 = arith.constant 2 : i32
        %get3A_574 = arith.index_cast %get3A_573 : i32 to index
        %get3A_575 = arith.constant 0 : index
        %get3A_576 = tpu.vector_load %arg5[%get3A_574, %get3A_575] {strides = array<i32>} : memref<4x128xi32, #tpu.memory_space<vmem>>, vector<16xi32>,
        %shift_right_logical3A_577 = arith.constant 1 : i32
        %shift_right_logical3A_578 = vector.broadcast %shift_right_logical3A_577 : i32 to vector<16xi32>
        %shift_right_logical3A_579 = arith.shrui %get3A_576, %shift_right_logical3A_578 : vector<16xi32>
        %swap3A_580 = arith.constant 2 : i32
        %swap3A_581 = arith.index_cast %swap3A_580 : i32 to index
        %swap3A_582 = arith.constant 0 : index
        %swap3A_583 = tpu.vector_load %arg6[%swap3A_581, %swap3A_582] {strides = array<i32>} : memref<4x128xi32, #tpu.memory_space<vmem>>, vector<16xi32>,
        tpu.vector_store %arg6[%swap3A_581, %swap3A_582], %shift_right_logical3A_579 {strides = array<i32>} : memref<4x128xi32, #tpu.memory_space<vmem>>, vector<16xi32>,
        %get3A_584 = arith.constant 2 : i32
        %get3A_585 = arith.index_cast %get3A_584 : i32 to index
        %get3A_586 = arith.constant 16 : index
        %get3A_587 = tpu.vector_load %arg5[%get3A_585, %get3A_586] {strides = array<i32>} : memref<4x128xi32, #tpu.memory_space<vmem>>, vector<16xi32>,
        %shift_right_logical3A_588 = arith.constant 1 : i32
        %shift_right_logical3A_589 = vector.broadcast %shift_right_logical3A_588 : i32 to vector<16xi32>
        %shift_right_logical3A_590 = arith.shrui %get3A_587, %shift_right_logical3A_589 : vector<16xi32>
        %swap3A_591 = arith.constant 2 : i32
        %swap3A_592 = arith.index_cast %swap3A_591 : i32 to index
        %swap3A_593 = arith.constant 16 : index
        %swap3A_594 = tpu.vector_load %arg6[%swap3A_592, %swap3A_593] {strides = array<i32>} : memref<4x128xi32, #tpu.memory_space<vmem>>, vector<16xi32>,
        tpu.vector_store %arg6[%swap3A_592, %swap3A_593], %shift_right_logical3A_590 {strides = array<i32>} : memref<4x128xi32, #tpu.memory_space<vmem>>, vector<16xi32>,
        %get3A_595 = arith.constant 2 : i32
        %get3A_596 = arith.index_cast %get3A_595 : i32 to index
        %get3A_597 = arith.constant 32 : index
        %get3A_598 = tpu.vector_load %arg5[%get3A_596, %get3A_597] {strides = array<i32>} : memref<4x128xi32, #tpu.memory_space<vmem>>, vector<16xi32>,
        %shift_right_logical3A_599 = arith.constant 1 : i32
        %shift_right_logical3A_600 = vector.broadcast %shift_right_logical3A_599 : i32 to vector<16xi32>
        %shift_right_logical3A_601 = arith.shrui %get3A_598, %shift_right_logical3A_600 : vector<16xi32>
        %swap3A_602 = arith.constant 2 : i32
        %swap3A_603 = arith.index_cast %swap3A_602 : i32 to index
        %swap3A_604 = arith.constant 32 : index
        %swap3A_605 = tpu.vector_load %arg6[%swap3A_603, %swap3A_604] {strides = array<i32>} : memref<4x128xi32, #tpu.memory_space<vmem>>, vector<16xi32>,
        tpu.vector_store %arg6[%swap3A_603, %swap3A_604], %shift_right_logical3A_601 {strides = array<i32>} : memref<4x128xi32, #tpu.memory_space<vmem>>, vector<16xi32>,
        %get3A_606 = arith.constant 2 : i32
        %get3A_607 = arith.index_cast %get3A_606 : i32 to index
        %get3A_608 = arith.constant 48 : index
        %get3A_609 = tpu.vector_load %arg5[%get3A_607, %get3A_608] {strides = array<i32>} : memref<4x128xi32, #tpu.memory_space<vmem>>, vector<16xi32>,
        %shift_right_logical3A_610 = arith.constant 1 : i32
        %shift_right_logical3A_611 = vector.broadcast %shift_right_logical3A_610 : i32 to vector<16xi32>
        %shift_right_logical3A_612 = arith.shrui %get3A_609, %shift_right_logical3A_611 : vector<16xi32>
        %swap3A_613 = arith.constant 2 : i32
        %swap3A_614 = arith.index_cast %swap3A_613 : i32 to index
        %swap3A_615 = arith.constant 48 : index
        %swap3A_616 = tpu.vector_load %arg6[%swap3A_614, %swap3A_615] {strides = array<i32>} : memref<4x128xi32, #tpu.memory_space<vmem>>, vector<16xi32>,
        tpu.vector_store %arg6[%swap3A_614, %swap3A_615], %shift_right_logical3A_612 {strides = array<i32>} : memref<4x128xi32, #tpu.memory_space<vmem>>, vector<16xi32>,
        %get3A_617 = arith.constant 2 : i32
        %get3A_618 = arith.index_cast %get3A_617 : i32 to index
        %get3A_619 = arith.constant 64 : index
        %get3A_620 = tpu.vector_load %arg5[%get3A_618, %get3A_619] {strides = array<i32>} : memref<4x128xi32, #tpu.memory_space<vmem>>, vector<16xi32>,
        %shift_right_logical3A_621 = arith.constant 1 : i32
        %shift_right_logical3A_622 = vector.broadcast %shift_right_logical3A_621 : i32 to vector<16xi32>
        %shift_right_logical3A_623 = arith.shrui %get3A_620, %shift_right_logical3A_622 : vector<16xi32>
        %swap3A_624 = arith.constant 2 : i32
        %swap3A_625 = arith.index_cast %swap3A_624 : i32 to index
        %swap3A_626 = arith.constant 64 : index
        %swap3A_627 = tpu.vector_load %arg6[%swap3A_625, %swap3A_626] {strides = array<i32>} : memref<4x128xi32, #tpu.memory_space<vmem>>, vector<16xi32>,
        tpu.vector_store %arg6[%swap3A_625, %swap3A_626], %shift_right_logical3A_623 {strides = array<i32>} : memref<4x128xi32, #tpu.memory_space<vmem>>, vector<16xi32>,
        %get3A_628 = arith.constant 2 : i32
        %get3A_629 = arith.index_cast %get3A_628 : i32 to index
        %get3A_630 = arith.constant 80 : index
        %get3A_631 = tpu.vector_load %arg5[%get3A_629, %get3A_630] {strides = array<i32>} : memref<4x128xi32, #tpu.memory_space<vmem>>, vector<16xi32>,
        %shift_right_logical3A_632 = arith.constant 1 : i32
        %shift_right_logical3A_633 = vector.broadcast %shift_right_logical3A_632 : i32 to vector<16xi32>
        %shift_right_logical3A_634 = arith.shrui %get3A_631, %shift_right_logical3A_633 : vector<16xi32>
        %swap3A_635 = arith.constant 2 : i32
        %swap3A_636 = arith.index_cast %swap3A_635 : i32 to index
        %swap3A_637 = arith.constant 80 : index
        %swap3A_638 = tpu.vector_load %arg6[%swap3A_636, %swap3A_637] {strides = array<i32>} : memref<4x128xi32, #tpu.memory_space<vmem>>, vector<16xi32>,
        tpu.vector_store %arg6[%swap3A_636, %swap3A_637], %shift_right_logical3A_634 {strides = array<i32>} : memref<4x128xi32, #tpu.memory_space<vmem>>, vector<16xi32>,
        %get3A_639 = arith.constant 2 : i32
        %get3A_640 = arith.index_cast %get3A_639 : i32 to index
        %get3A_641 = arith.constant 96 : index
        %get3A_642 = tpu.vector_load %arg5[%get3A_640, %get3A_641] {strides = array<i32>} : memref<4x128xi32, #tpu.memory_space<vmem>>, vector<16xi32>,
        %shift_right_logical3A_643 = arith.constant 1 : i32
        %shift_right_logical3A_644 = vector.broadcast %shift_right_logical3A_643 : i32 to vector<16xi32>
        %shift_right_logical3A_645 = arith.shrui %get3A_642, %shift_right_logical3A_644 : vector<16xi32>
        %swap3A_646 = arith.constant 2 : i32
        %swap3A_647 = arith.index_cast %swap3A_646 : i32 to index
        %swap3A_648 = arith.constant 96 : index
        %swap3A_649 = tpu.vector_load %arg6[%swap3A_647, %swap3A_648] {strides = array<i32>} : memref<4x128xi32, #tpu.memory_space<vmem>>, vector<16xi32>,
        tpu.vector_store %arg6[%swap3A_647, %swap3A_648], %shift_right_logical3A_645 {strides = array<i32>} : memref<4x128xi32, #tpu.memory_space<vmem>>, vector<16xi32>,
        %get3A_650 = arith.constant 2 : i32
        %get3A_651 = arith.index_cast %get3A_650 : i32 to index
        %get3A_652 = arith.constant 112 : index
        %get3A_653 = tpu.vector_load %arg5[%get3A_651, %get3A_652] {strides = array<i32>} : memref<4x128xi32, #tpu.memory_space<vmem>>, vector<16xi32>,
        %shift_right_logical3A_654 = arith.constant 1 : i32
        %shift_right_logical3A_655 = vector.broadcast %shift_right_logical3A_654 : i32 to vector<16xi32>
        %shift_right_logical3A_656 = arith.shrui %get3A_653, %shift_right_logical3A_655 : vector<16xi32>
        %swap3A_657 = arith.constant 2 : i32
        %swap3A_658 = arith.index_cast %swap3A_657 : i32 to index
        %swap3A_659 = arith.constant 112 : index
        %swap3A_660 = tpu.vector_load %arg6[%swap3A_658, %swap3A_659] {strides = array<i32>} : memref<4x128xi32, #tpu.memory_space<vmem>>, vector<16xi32>,
        tpu.vector_store %arg6[%swap3A_658, %swap3A_659], %shift_right_logical3A_656 {strides = array<i32>} : memref<4x128xi32, #tpu.memory_space<vmem>>, vector<16xi32>,
        %dma_start3A_661 = arith.constant 2 : i32
        %dma_start3A_662 = arith.constant 2 : i32
        %dma_start3A_663 = arith.constant 2 : i32
        %dma_start3A_664 = arith.constant 0 : i32
        %dma_start3A_665 = arith.constant 0 : i32
        %dma_start3A_666 = tpu.memref_slice %arg7[%dma_start3A_662, %dma_start3A_664, %dma_start3A_665] : memref<4x128x128xf32, #tpu.memory_space<vmem>> -> memref<1x128x128xf32, #tpu.memory_space<vmem>>
        %dma_start3A_667 = tpu.memref_squeeze %dma_start3A_666 : memref<1x128x128xf32, #tpu.memory_space<vmem>> -> memref<128x128xf32, #tpu.memory_space<vmem>>
        %dma_start3A_668 = arith.constant 0 : i32
        %dma_start3A_669 = tpu.memref_slice %arg6[%dma_start3A_661, %dma_start3A_668] : memref<4x128xi32, #tpu.memory_space<vmem>> -> memref<1x128xi32, #tpu.memory_space<vmem>>
        %dma_start3A_670 = tpu.memref_squeeze %dma_start3A_669 : memref<1x128xi32, #tpu.memory_space<vmem>> -> memref<128xi32, #tpu.memory_space<vmem>>
        %dma_start3A_671 = arith.constant 0 : i32
        %dma_start3A_672 = arith.constant 0 : i32
        %dma_start3A_673 = tpu.memref_slice %arg3[%dma_start3A_671, %dma_start3A_672] : memref<500000x128xf32, #tpu.memory_space<hbm>> -> memref<500000x128xf32, #tpu.memory_space<hbm>>
        %dma_start3A_674 = tpu.memref_slice %arg9[%dma_start3A_663] : memref<4x!tpu.dma_semaphore, #tpu.memory_space<semaphore_mem>> -> memref<1x!tpu.dma_semaphore, #tpu.memory_space<semaphore_mem>>
        %dma_start3A_675 = tpu.memref_squeeze %dma_start3A_674 : memref<1x!tpu.dma_semaphore, #tpu.memory_space<semaphore_mem>> -> memref<!tpu.dma_semaphore, #tpu.memory_space<semaphore_mem>>
        tpu.enqueue_indirect_dma source(%dma_start3A_673 : memref<500000x128xf32, #tpu.memory_space<hbm>>) target(%dma_start3A_667 : memref<128x128xf32, #tpu.memory_space<vmem>>) offsets(%dma_start3A_670 : memref<128xi32, #tpu.memory_space<vmem>>) semaphore(%dma_start3A_675 : memref<!tpu.dma_semaphore, #tpu.memory_space<semaphore_mem>>)
      } else {
      }
      %dma_wait3A_392 = arith.constant 0 : i32
      %dma_wait3A_393 = arith.constant 0 : i32
      %dma_wait3A_394 = arith.constant 0 : i32
      %dma_wait3A_395 = arith.constant 0 : i32
      %dma_wait3A_396 = arith.constant 0 : i32
      %dma_wait3A_397 = tpu.memref_slice %arg7[%dma_wait3A_393, %dma_wait3A_395, %dma_wait3A_396] : memref<4x128x128xf32, #tpu.memory_space<vmem>> -> memref<1x128x128xf32, #tpu.memory_space<vmem>>
      %dma_wait3A_398 = tpu.memref_squeeze %dma_wait3A_397 : memref<1x128x128xf32, #tpu.memory_space<vmem>> -> memref<128x128xf32, #tpu.memory_space<vmem>>
      %dma_wait3A_399 = arith.constant 0 : i32
      %dma_wait3A_400 = tpu.memref_slice %arg6[%dma_wait3A_392, %dma_wait3A_399] : memref<4x128xi32, #tpu.memory_space<vmem>> -> memref<1x128xi32, #tpu.memory_space<vmem>>
      %dma_wait3A_401 = tpu.memref_squeeze %dma_wait3A_400 : memref<1x128xi32, #tpu.memory_space<vmem>> -> memref<128xi32, #tpu.memory_space<vmem>>
      %dma_wait3A_402 = arith.constant 0 : i32
      %dma_wait3A_403 = arith.constant 0 : i32
      %dma_wait3A_404 = tpu.memref_slice %arg3[%dma_wait3A_402, %dma_wait3A_403] : memref<500000x128xf32, #tpu.memory_space<hbm>> -> memref<500000x128xf32, #tpu.memory_space<hbm>>
      %dma_wait3A_405 = tpu.memref_slice %arg9[%dma_wait3A_394] : memref<4x!tpu.dma_semaphore, #tpu.memory_space<semaphore_mem>> -> memref<1x!tpu.dma_semaphore, #tpu.memory_space<semaphore_mem>>
      %dma_wait3A_406 = tpu.memref_squeeze %dma_wait3A_405 : memref<1x!tpu.dma_semaphore, #tpu.memory_space<semaphore_mem>> -> memref<!tpu.dma_semaphore, #tpu.memory_space<semaphore_mem>>
      tpu.wait_indirect_dma semaphore(%dma_wait3A_406 : memref<!tpu.dma_semaphore, #tpu.memory_space<semaphore_mem>>) src(%dma_wait3A_404 : memref<500000x128xf32, #tpu.memory_space<hbm>>) dst(%dma_wait3A_398 : memref<128x128xf32, #tpu.memory_space<vmem>>)
      %parallel_loop3A = arith.constant 0 : i32
      %parallel_loop3A_407 = arith.constant 512 : i32
      %parallel_loop3A_408 = arith.constant 1 : i32
      scf.for %parallel_loop3A_568 = %parallel_loop3A to %parallel_loop3A_407 step %parallel_loop3A_408  : i32 {
        %parallel_loop3A_569 = arith.constant 6 : i32
        %parallel_loop3A_570 = arith.shrsi %parallel_loop3A_568, %parallel_loop3A_569 : i32
        %parallel_loop3A_571 = arith.constant 4 : i32
        %parallel_loop3A_572 = arith.shrsi %parallel_loop3A_568, %parallel_loop3A_571 : i32
        %parallel_loop3A_573 = arith.constant 3 : i32
        %parallel_loop3A_574 = arith.andi %parallel_loop3A_572, %parallel_loop3A_573 : i32
        %parallel_loop3A_575 = arith.constant 15 : i32
        %parallel_loop3A_576 = arith.andi %parallel_loop3A_568, %parallel_loop3A_575 : i32
        %parallel_loop3A_577 = arith.constant 16 : i32
        %parallel_loop3A_578 = arith.muli %parallel_loop3A_570, %parallel_loop3A_577 : i32
        %parallel_loop3A_579 = arith.constant 0 : i32
        %parallel_loop3A_580 = arith.index_cast %parallel_loop3A_579 : i32 to index
        %parallel_loop3A_581 = arith.index_cast %parallel_loop3A_578 : i32 to index
        %parallel_loop3A_582 = tpu.vector_load %arg5[%parallel_loop3A_580, %parallel_loop3A_581] {strides = array<i32>} : memref<4x128xi32, #tpu.memory_space<vmem>>, vector<16xi32>,
        %parallel_loop3A_583 = arith.constant 1 : i32
        %parallel_loop3A_584 = vector.broadcast %parallel_loop3A_583 : i32 to vector<16xi32>
        %parallel_loop3A_585 = arith.andi %parallel_loop3A_582, %parallel_loop3A_584 : vector<16xi32>
        %parallel_loop3A_586 = arith.constant 64 : i32
        %parallel_loop3A_587 = vector.broadcast %parallel_loop3A_586 : i32 to vector<16xi32>
        %parallel_loop3A_588 = arith.muli %parallel_loop3A_585, %parallel_loop3A_587 : vector<16xi32>
        %parallel_loop3A_589 = arith.constant 16 : i32
        %parallel_loop3A_590 = arith.muli %parallel_loop3A_570, %parallel_loop3A_589 : i32
        %parallel_loop3A_591 = vector.broadcast %parallel_loop3A_590 : i32 to vector<16xi32>
        %parallel_loop3A_592 = arith.addi %iota3A, %parallel_loop3A_591 : vector<16xi32>
        %parallel_loop3A_593 = vector.broadcast %parallel_loop3A_576 : i32 to vector<16xi32>
        %parallel_loop3A_594 = arith.addi %iota3A, %parallel_loop3A_593 : vector<16xi32>
        %parallel_loop3A_595 = arith.constant 15 : i32
        %parallel_loop3A_596 = vector.broadcast %parallel_loop3A_595 : i32 to vector<16xi32>
        %parallel_loop3A_597 = arith.andi %parallel_loop3A_594, %parallel_loop3A_596 : vector<16xi32>
        %parallel_loop3A_598 = arith.constant 16 : i32
        %parallel_loop3A_599 = arith.muli %parallel_loop3A_574, %parallel_loop3A_598 : i32
        %parallel_loop3A_600 = vector.broadcast %parallel_loop3A_599 : i32 to vector<16xi32>
        %parallel_loop3A_601 = arith.addi %parallel_loop3A_597, %parallel_loop3A_600 : vector<16xi32>
        %parallel_loop3A_602 = arith.addi %parallel_loop3A_601, %parallel_loop3A_588 : vector<16xi32>
        %parallel_loop3A_603 = arith.constant 0 : i32
        %parallel_loop3A_604 = arith.constant 0 : i32
        %parallel_loop3A_605 = arith.constant 0 : i32
        %parallel_loop3A_606 = tpu.memref_slice %arg7[%parallel_loop3A_603, %parallel_loop3A_604, %parallel_loop3A_605] : memref<4x128x128xf32, #tpu.memory_space<vmem>> -> memref<1x128x128xf32, #tpu.memory_space<vmem>>
        %parallel_loop3A_607 = tpu.memref_squeeze %parallel_loop3A_606 : memref<1x128x128xf32, #tpu.memory_space<vmem>> -> memref<128x128xf32, #tpu.memory_space<vmem>>
        %parallel_loop3A_608 = tpu.vector_load_idx %parallel_loop3A_607[%parallel_loop3A_592, %parallel_loop3A_602] : memref<128x128xf32, #tpu.memory_space<vmem>>[vector<16xi32>, vector<16xi32>], vector<16xf32>,
        %parallel_loop3A_609 = arith.constant 8.000000e+00 : f32
        %parallel_loop3A_610 = vector.broadcast %parallel_loop3A_609 : f32 to vector<16xf32>
        %parallel_loop3A_611 = arith.mulf %parallel_loop3A_608, %parallel_loop3A_610 : vector<16xf32>
        %parallel_loop3A_612 = arith.constant 0 : i32
        %parallel_loop3A_613 = arith.constant 0 : i32
        %parallel_loop3A_614 = arith.constant 0 : i32
        %parallel_loop3A_615 = tpu.memref_slice %arg8[%parallel_loop3A_612, %parallel_loop3A_613, %parallel_loop3A_614] : memref<4x64x128xf32, #tpu.memory_space<vmem>> -> memref<1x64x128xf32, #tpu.memory_space<vmem>>
        %parallel_loop3A_616 = tpu.memref_squeeze %parallel_loop3A_615 : memref<1x64x128xf32, #tpu.memory_space<vmem>> -> memref<64x128xf32, #tpu.memory_space<vmem>>
        tpu.vector_store_idx %parallel_loop3A_616[%parallel_loop3A_601, %parallel_loop3A_592], %parallel_loop3A_611 : memref<64x128xf32, #tpu.memory_space<vmem>>[vector<16xi32>, vector<16xi32>], vector<16xf32>,
      } {sc.loop_unroll_factor = 4 : i64, sc.parallel_access}
      %dma_start3A_409 = arith.constant 0 : i32
      %dma_start3A_410 = arith.constant 0 : i32
      %dma_start3A_411 = arith.constant 0 : i32
      %dma_start3A_412 = arith.constant 0 : i32
      %dma_start3A_413 = tpu.memref_slice %arg8[%dma_start3A_409, %dma_start3A_411, %dma_start3A_412] : memref<4x64x128xf32, #tpu.memory_space<vmem>> -> memref<1x64x128xf32, #tpu.memory_space<vmem>>
      %dma_start3A_414 = tpu.memref_squeeze %dma_start3A_413 : memref<1x64x128xf32, #tpu.memory_space<vmem>> -> memref<64x128xf32, #tpu.memory_space<vmem>>
      %dma_start3A_415 = arith.constant 0 : i32
      %dma_start3A_416 = tpu.memref_slice %arg4[%add3A_387, %dma_start3A_415, %mul3A_2] : memref<200x64x4096xf32, #tpu.memory_space<hbm>> -> memref<1x64x128xf32, #tpu.memory_space<hbm>>
      %dma_start3A_417 = tpu.memref_squeeze %dma_start3A_416 : memref<1x64x128xf32, #tpu.memory_space<hbm>> -> memref<64x128xf32, #tpu.memory_space<hbm>>
      %dma_start3A_418 = tpu.memref_slice %arg10[%dma_start3A_410] : memref<4x!tpu.dma_semaphore, #tpu.memory_space<semaphore_mem>> -> memref<1x!tpu.dma_semaphore, #tpu.memory_space<semaphore_mem>>
      %dma_start3A_419 = tpu.memref_squeeze %dma_start3A_418 : memref<1x!tpu.dma_semaphore, #tpu.memory_space<semaphore_mem>> -> memref<!tpu.dma_semaphore, #tpu.memory_space<semaphore_mem>>
      %dma_start3A_420 = arith.constant 0 : i32
      %dma_start3A_421 = tpu.memref_slice %arg4[%add3A_387, %dma_start3A_420, %mul3A_2] : memref<200x64x4096xf32, #tpu.memory_space<hbm>> -> memref<1x64x128xf32, #tpu.memory_space<hbm>>
      %dma_start3A_422 = tpu.memref_squeeze %dma_start3A_421 : memref<1x64x128xf32, #tpu.memory_space<hbm>> -> memref<64x128xf32, #tpu.memory_space<hbm>>
      %dma_start3A_423 = arith.constant 0 : i32
      %dma_start3A_424 = arith.constant 0 : i32
      %dma_start3A_425 = tpu.memref_slice %arg8[%dma_start3A_409, %dma_start3A_423, %dma_start3A_424] : memref<4x64x128xf32, #tpu.memory_space<vmem>> -> memref<1x64x128xf32, #tpu.memory_space<vmem>>
      %dma_start3A_426 = tpu.memref_squeeze %dma_start3A_425 : memref<1x64x128xf32, #tpu.memory_space<vmem>> -> memref<64x128xf32, #tpu.memory_space<vmem>>
      tpu.enqueue_dma source(%dma_start3A_426 : memref<64x128xf32, #tpu.memory_space<vmem>>) target(%dma_start3A_422 : memref<64x128xf32, #tpu.memory_space<hbm>>) target_semaphore(%dma_start3A_419 : memref<!tpu.dma_semaphore, #tpu.memory_space<semaphore_mem>>)
      %mul3A_427 = arith.constant 4 : i32
      %mul3A_428 = arith.muli %scan3A_383, %mul3A_427 : i32
      %add3A_429 = arith.constant 1 : i32
      %add3A_430 = arith.addi %mul3A_428, %add3A_429 : i32
      %add3A_431 = arith.constant 2 : i32
      %add3A_432 = arith.addi %add3A_430, %add3A_431 : i32
      %lt3A_433 = arith.constant 200 : i32
      %lt3A_434 = arith.cmpi slt, %add3A_432, %lt3A_433 : i32
      %convert_element_type3A_435 = arith.extui %lt3A_434 : i1 to i32
      %cond3A_436 = arith.constant 0 : i32
      %cond3A_437 = arith.cmpi ne, %convert_element_type3A_435, %cond3A_436 : i32
      scf.if %cond3A_437 {
        %ge3A = arith.constant 4 : i32
        %ge3A_568 = arith.cmpi sge, %add3A_432, %ge3A : i32
        %convert_element_type3A_569 = arith.extui %ge3A_568 : i1 to i32
        %cond3A_570 = arith.constant 0 : i32
        %cond3A_571 = arith.cmpi ne, %convert_element_type3A_569, %cond3A_570 : i32
        scf.if %cond3A_571 {
          %sub3A = arith.constant 4 : i32
          %sub3A_676 = arith.subi %add3A_432, %sub3A : i32
          %dma_wait3A_677 = arith.constant 3 : i32
          %dma_wait3A_678 = arith.constant 3 : i32
          %dma_wait3A_679 = arith.constant 0 : i32
          %dma_wait3A_680 = arith.constant 0 : i32
          %dma_wait3A_681 = tpu.memref_slice %arg8[%dma_wait3A_677, %dma_wait3A_679, %dma_wait3A_680] : memref<4x64x128xf32, #tpu.memory_space<vmem>> -> memref<1x64x128xf32, #tpu.memory_space<vmem>>
          %dma_wait3A_682 = tpu.memref_squeeze %dma_wait3A_681 : memref<1x64x128xf32, #tpu.memory_space<vmem>> -> memref<64x128xf32, #tpu.memory_space<vmem>>
          %dma_wait3A_683 = arith.constant 0 : i32
          %dma_wait3A_684 = tpu.memref_slice %arg4[%sub3A_676, %dma_wait3A_683, %mul3A_2] : memref<200x64x4096xf32, #tpu.memory_space<hbm>> -> memref<1x64x128xf32, #tpu.memory_space<hbm>>
          %dma_wait3A_685 = tpu.memref_squeeze %dma_wait3A_684 : memref<1x64x128xf32, #tpu.memory_space<hbm>> -> memref<64x128xf32, #tpu.memory_space<hbm>>
          %dma_wait3A_686 = tpu.memref_slice %arg10[%dma_wait3A_678] : memref<4x!tpu.dma_semaphore, #tpu.memory_space<semaphore_mem>> -> memref<1x!tpu.dma_semaphore, #tpu.memory_space<semaphore_mem>>
          %dma_wait3A_687 = tpu.memref_squeeze %dma_wait3A_686 : memref<1x!tpu.dma_semaphore, #tpu.memory_space<semaphore_mem>> -> memref<!tpu.dma_semaphore, #tpu.memory_space<semaphore_mem>>
          %dma_wait3A_688 = arith.constant 0 : i32
          %dma_wait3A_689 = tpu.memref_slice %arg4[%sub3A_676, %dma_wait3A_688, %mul3A_2] : memref<200x64x4096xf32, #tpu.memory_space<hbm>> -> memref<1x64x128xf32, #tpu.memory_space<hbm>>
          %dma_wait3A_690 = tpu.memref_squeeze %dma_wait3A_689 : memref<1x64x128xf32, #tpu.memory_space<hbm>> -> memref<64x128xf32, #tpu.memory_space<hbm>>
          %dma_wait3A_691 = arith.constant 0 : i32
          %dma_wait3A_692 = arith.constant 0 : i32
          %dma_wait3A_693 = tpu.memref_slice %arg8[%dma_wait3A_677, %dma_wait3A_691, %dma_wait3A_692] : memref<4x64x128xf32, #tpu.memory_space<vmem>> -> memref<1x64x128xf32, #tpu.memory_space<vmem>>
          %dma_wait3A_694 = tpu.memref_squeeze %dma_wait3A_693 : memref<1x64x128xf32, #tpu.memory_space<vmem>> -> memref<64x128xf32, #tpu.memory_space<vmem>>
          tpu.wait_dma2 semaphore(%dma_wait3A_687 : memref<!tpu.dma_semaphore, #tpu.memory_space<semaphore_mem>>) src(%dma_wait3A_694 : memref<64x128xf32, #tpu.memory_space<vmem>>) dst(%dma_wait3A_690 : memref<64x128xf32, #tpu.memory_space<hbm>>)
        } else {
        }
        %run_scoped3A_572 = arith.constant 3 : i32
        "tpu.region"() ({
          %run_scoped3A_676 = tpu.sem_alloc : memref<!tpu.dma_semaphore, #tpu.memory_space<semaphore_mem>>
          %dma_start3A_677 = arith.constant 0 : i32
          %dma_start3A_678 = tpu.memref_slice %arg5[%run_scoped3A_572, %dma_start3A_677] : memref<4x128xi32, #tpu.memory_space<vmem>> -> memref<1x128xi32, #tpu.memory_space<vmem>>
          %dma_start3A_679 = tpu.memref_squeeze %dma_start3A_678 : memref<1x128xi32, #tpu.memory_space<vmem>> -> memref<128xi32, #tpu.memory_space<vmem>>
          %dma_start3A_680 = tpu.memref_slice %arg2[%add3A_432, %mul3A_2] : memref<200x4096xi32, #tpu.memory_space<hbm>> -> memref<1x128xi32, #tpu.memory_space<hbm>>
          %dma_start3A_681 = tpu.memref_squeeze %dma_start3A_680 : memref<1x128xi32, #tpu.memory_space<hbm>> -> memref<128xi32, #tpu.memory_space<hbm>>
          %dma_start3A_682 = arith.constant 0 : i32
          %dma_start3A_683 = tpu.memref_slice %arg5[%run_scoped3A_572, %dma_start3A_682] : memref<4x128xi32, #tpu.memory_space<vmem>> -> memref<1x128xi32, #tpu.memory_space<vmem>>
          %dma_start3A_684 = tpu.memref_squeeze %dma_start3A_683 : memref<1x128xi32, #tpu.memory_space<vmem>> -> memref<128xi32, #tpu.memory_space<vmem>>
          %dma_start3A_685 = tpu.memref_slice %arg2[%add3A_432, %mul3A_2] : memref<200x4096xi32, #tpu.memory_space<hbm>> -> memref<1x128xi32, #tpu.memory_space<hbm>>
          %dma_start3A_686 = tpu.memref_squeeze %dma_start3A_685 : memref<1x128xi32, #tpu.memory_space<hbm>> -> memref<128xi32, #tpu.memory_space<hbm>>
          tpu.enqueue_dma source(%dma_start3A_686 : memref<128xi32, #tpu.memory_space<hbm>>) target(%dma_start3A_684 : memref<128xi32, #tpu.memory_space<vmem>>) target_semaphore(%run_scoped3A_676 : memref<!tpu.dma_semaphore, #tpu.memory_space<semaphore_mem>>)
          %dma_wait3A_687 = arith.constant 0 : i32
          %dma_wait3A_688 = tpu.memref_slice %arg5[%run_scoped3A_572, %dma_wait3A_687] : memref<4x128xi32, #tpu.memory_space<vmem>> -> memref<1x128xi32, #tpu.memory_space<vmem>>
          %dma_wait3A_689 = tpu.memref_squeeze %dma_wait3A_688 : memref<1x128xi32, #tpu.memory_space<vmem>> -> memref<128xi32, #tpu.memory_space<vmem>>
          %dma_wait3A_690 = tpu.memref_slice %arg2[%add3A_432, %mul3A_2] : memref<200x4096xi32, #tpu.memory_space<hbm>> -> memref<1x128xi32, #tpu.memory_space<hbm>>
          %dma_wait3A_691 = tpu.memref_squeeze %dma_wait3A_690 : memref<1x128xi32, #tpu.memory_space<hbm>> -> memref<128xi32, #tpu.memory_space<hbm>>
          %dma_wait3A_692 = arith.constant 0 : i32
          %dma_wait3A_693 = tpu.memref_slice %arg5[%run_scoped3A_572, %dma_wait3A_692] : memref<4x128xi32, #tpu.memory_space<vmem>> -> memref<1x128xi32, #tpu.memory_space<vmem>>
          %dma_wait3A_694 = tpu.memref_squeeze %dma_wait3A_693 : memref<1x128xi32, #tpu.memory_space<vmem>> -> memref<128xi32, #tpu.memory_space<vmem>>
          %dma_wait3A_695 = tpu.memref_slice %arg2[%add3A_432, %mul3A_2] : memref<200x4096xi32, #tpu.memory_space<hbm>> -> memref<1x128xi32, #tpu.memory_space<hbm>>
          %dma_wait3A_696 = tpu.memref_squeeze %dma_wait3A_695 : memref<1x128xi32, #tpu.memory_space<hbm>> -> memref<128xi32, #tpu.memory_space<hbm>>
          tpu.wait_dma2 semaphore(%run_scoped3A_676 : memref<!tpu.dma_semaphore, #tpu.memory_space<semaphore_mem>>) src(%dma_wait3A_696 : memref<128xi32, #tpu.memory_space<hbm>>) dst(%dma_wait3A_694 : memref<128xi32, #tpu.memory_space<vmem>>)
          tpu.yield
        }) : () -> ()
        %get3A_573 = arith.constant 3 : i32
        %get3A_574 = arith.index_cast %get3A_573 : i32 to index
        %get3A_575 = arith.constant 0 : index
        %get3A_576 = tpu.vector_load %arg5[%get3A_574, %get3A_575] {strides = array<i32>} : memref<4x128xi32, #tpu.memory_space<vmem>>, vector<16xi32>,
        %shift_right_logical3A_577 = arith.constant 1 : i32
        %shift_right_logical3A_578 = vector.broadcast %shift_right_logical3A_577 : i32 to vector<16xi32>
        %shift_right_logical3A_579 = arith.shrui %get3A_576, %shift_right_logical3A_578 : vector<16xi32>
        %swap3A_580 = arith.constant 3 : i32
        %swap3A_581 = arith.index_cast %swap3A_580 : i32 to index
        %swap3A_582 = arith.constant 0 : index
        %swap3A_583 = tpu.vector_load %arg6[%swap3A_581, %swap3A_582] {strides = array<i32>} : memref<4x128xi32, #tpu.memory_space<vmem>>, vector<16xi32>,
        tpu.vector_store %arg6[%swap3A_581, %swap3A_582], %shift_right_logical3A_579 {strides = array<i32>} : memref<4x128xi32, #tpu.memory_space<vmem>>, vector<16xi32>,
        %get3A_584 = arith.constant 3 : i32
        %get3A_585 = arith.index_cast %get3A_584 : i32 to index
        %get3A_586 = arith.constant 16 : index
        %get3A_587 = tpu.vector_load %arg5[%get3A_585, %get3A_586] {strides = array<i32>} : memref<4x128xi32, #tpu.memory_space<vmem>>, vector<16xi32>,
        %shift_right_logical3A_588 = arith.constant 1 : i32
        %shift_right_logical3A_589 = vector.broadcast %shift_right_logical3A_588 : i32 to vector<16xi32>
        %shift_right_logical3A_590 = arith.shrui %get3A_587, %shift_right_logical3A_589 : vector<16xi32>
        %swap3A_591 = arith.constant 3 : i32
        %swap3A_592 = arith.index_cast %swap3A_591 : i32 to index
        %swap3A_593 = arith.constant 16 : index
        %swap3A_594 = tpu.vector_load %arg6[%swap3A_592, %swap3A_593] {strides = array<i32>} : memref<4x128xi32, #tpu.memory_space<vmem>>, vector<16xi32>,
        tpu.vector_store %arg6[%swap3A_592, %swap3A_593], %shift_right_logical3A_590 {strides = array<i32>} : memref<4x128xi32, #tpu.memory_space<vmem>>, vector<16xi32>,
        %get3A_595 = arith.constant 3 : i32
        %get3A_596 = arith.index_cast %get3A_595 : i32 to index
        %get3A_597 = arith.constant 32 : index
        %get3A_598 = tpu.vector_load %arg5[%get3A_596, %get3A_597] {strides = array<i32>} : memref<4x128xi32, #tpu.memory_space<vmem>>, vector<16xi32>,
        %shift_right_logical3A_599 = arith.constant 1 : i32
        %shift_right_logical3A_600 = vector.broadcast %shift_right_logical3A_599 : i32 to vector<16xi32>
        %shift_right_logical3A_601 = arith.shrui %get3A_598, %shift_right_logical3A_600 : vector<16xi32>
        %swap3A_602 = arith.constant 3 : i32
        %swap3A_603 = arith.index_cast %swap3A_602 : i32 to index
        %swap3A_604 = arith.constant 32 : index
        %swap3A_605 = tpu.vector_load %arg6[%swap3A_603, %swap3A_604] {strides = array<i32>} : memref<4x128xi32, #tpu.memory_space<vmem>>, vector<16xi32>,
        tpu.vector_store %arg6[%swap3A_603, %swap3A_604], %shift_right_logical3A_601 {strides = array<i32>} : memref<4x128xi32, #tpu.memory_space<vmem>>, vector<16xi32>,
        %get3A_606 = arith.constant 3 : i32
        %get3A_607 = arith.index_cast %get3A_606 : i32 to index
        %get3A_608 = arith.constant 48 : index
        %get3A_609 = tpu.vector_load %arg5[%get3A_607, %get3A_608] {strides = array<i32>} : memref<4x128xi32, #tpu.memory_space<vmem>>, vector<16xi32>,
        %shift_right_logical3A_610 = arith.constant 1 : i32
        %shift_right_logical3A_611 = vector.broadcast %shift_right_logical3A_610 : i32 to vector<16xi32>
        %shift_right_logical3A_612 = arith.shrui %get3A_609, %shift_right_logical3A_611 : vector<16xi32>
        %swap3A_613 = arith.constant 3 : i32
        %swap3A_614 = arith.index_cast %swap3A_613 : i32 to index
        %swap3A_615 = arith.constant 48 : index
        %swap3A_616 = tpu.vector_load %arg6[%swap3A_614, %swap3A_615] {strides = array<i32>} : memref<4x128xi32, #tpu.memory_space<vmem>>, vector<16xi32>,
        tpu.vector_store %arg6[%swap3A_614, %swap3A_615], %shift_right_logical3A_612 {strides = array<i32>} : memref<4x128xi32, #tpu.memory_space<vmem>>, vector<16xi32>,
        %get3A_617 = arith.constant 3 : i32
        %get3A_618 = arith.index_cast %get3A_617 : i32 to index
        %get3A_619 = arith.constant 64 : index
        %get3A_620 = tpu.vector_load %arg5[%get3A_618, %get3A_619] {strides = array<i32>} : memref<4x128xi32, #tpu.memory_space<vmem>>, vector<16xi32>,
        %shift_right_logical3A_621 = arith.constant 1 : i32
        %shift_right_logical3A_622 = vector.broadcast %shift_right_logical3A_621 : i32 to vector<16xi32>
        %shift_right_logical3A_623 = arith.shrui %get3A_620, %shift_right_logical3A_622 : vector<16xi32>
        %swap3A_624 = arith.constant 3 : i32
        %swap3A_625 = arith.index_cast %swap3A_624 : i32 to index
        %swap3A_626 = arith.constant 64 : index
        %swap3A_627 = tpu.vector_load %arg6[%swap3A_625, %swap3A_626] {strides = array<i32>} : memref<4x128xi32, #tpu.memory_space<vmem>>, vector<16xi32>,
        tpu.vector_store %arg6[%swap3A_625, %swap3A_626], %shift_right_logical3A_623 {strides = array<i32>} : memref<4x128xi32, #tpu.memory_space<vmem>>, vector<16xi32>,
        %get3A_628 = arith.constant 3 : i32
        %get3A_629 = arith.index_cast %get3A_628 : i32 to index
        %get3A_630 = arith.constant 80 : index
        %get3A_631 = tpu.vector_load %arg5[%get3A_629, %get3A_630] {strides = array<i32>} : memref<4x128xi32, #tpu.memory_space<vmem>>, vector<16xi32>,
        %shift_right_logical3A_632 = arith.constant 1 : i32
        %shift_right_logical3A_633 = vector.broadcast %shift_right_logical3A_632 : i32 to vector<16xi32>
        %shift_right_logical3A_634 = arith.shrui %get3A_631, %shift_right_logical3A_633 : vector<16xi32>
        %swap3A_635 = arith.constant 3 : i32
        %swap3A_636 = arith.index_cast %swap3A_635 : i32 to index
        %swap3A_637 = arith.constant 80 : index
        %swap3A_638 = tpu.vector_load %arg6[%swap3A_636, %swap3A_637] {strides = array<i32>} : memref<4x128xi32, #tpu.memory_space<vmem>>, vector<16xi32>,
        tpu.vector_store %arg6[%swap3A_636, %swap3A_637], %shift_right_logical3A_634 {strides = array<i32>} : memref<4x128xi32, #tpu.memory_space<vmem>>, vector<16xi32>,
        %get3A_639 = arith.constant 3 : i32
        %get3A_640 = arith.index_cast %get3A_639 : i32 to index
        %get3A_641 = arith.constant 96 : index
        %get3A_642 = tpu.vector_load %arg5[%get3A_640, %get3A_641] {strides = array<i32>} : memref<4x128xi32, #tpu.memory_space<vmem>>, vector<16xi32>,
        %shift_right_logical3A_643 = arith.constant 1 : i32
        %shift_right_logical3A_644 = vector.broadcast %shift_right_logical3A_643 : i32 to vector<16xi32>
        %shift_right_logical3A_645 = arith.shrui %get3A_642, %shift_right_logical3A_644 : vector<16xi32>
        %swap3A_646 = arith.constant 3 : i32
        %swap3A_647 = arith.index_cast %swap3A_646 : i32 to index
        %swap3A_648 = arith.constant 96 : index
        %swap3A_649 = tpu.vector_load %arg6[%swap3A_647, %swap3A_648] {strides = array<i32>} : memref<4x128xi32, #tpu.memory_space<vmem>>, vector<16xi32>,
        tpu.vector_store %arg6[%swap3A_647, %swap3A_648], %shift_right_logical3A_645 {strides = array<i32>} : memref<4x128xi32, #tpu.memory_space<vmem>>, vector<16xi32>,
        %get3A_650 = arith.constant 3 : i32
        %get3A_651 = arith.index_cast %get3A_650 : i32 to index
        %get3A_652 = arith.constant 112 : index
        %get3A_653 = tpu.vector_load %arg5[%get3A_651, %get3A_652] {strides = array<i32>} : memref<4x128xi32, #tpu.memory_space<vmem>>, vector<16xi32>,
        %shift_right_logical3A_654 = arith.constant 1 : i32
        %shift_right_logical3A_655 = vector.broadcast %shift_right_logical3A_654 : i32 to vector<16xi32>
        %shift_right_logical3A_656 = arith.shrui %get3A_653, %shift_right_logical3A_655 : vector<16xi32>
        %swap3A_657 = arith.constant 3 : i32
        %swap3A_658 = arith.index_cast %swap3A_657 : i32 to index
        %swap3A_659 = arith.constant 112 : index
        %swap3A_660 = tpu.vector_load %arg6[%swap3A_658, %swap3A_659] {strides = array<i32>} : memref<4x128xi32, #tpu.memory_space<vmem>>, vector<16xi32>,
        tpu.vector_store %arg6[%swap3A_658, %swap3A_659], %shift_right_logical3A_656 {strides = array<i32>} : memref<4x128xi32, #tpu.memory_space<vmem>>, vector<16xi32>,
        %dma_start3A_661 = arith.constant 3 : i32
        %dma_start3A_662 = arith.constant 3 : i32
        %dma_start3A_663 = arith.constant 3 : i32
        %dma_start3A_664 = arith.constant 0 : i32
        %dma_start3A_665 = arith.constant 0 : i32
        %dma_start3A_666 = tpu.memref_slice %arg7[%dma_start3A_662, %dma_start3A_664, %dma_start3A_665] : memref<4x128x128xf32, #tpu.memory_space<vmem>> -> memref<1x128x128xf32, #tpu.memory_space<vmem>>
        %dma_start3A_667 = tpu.memref_squeeze %dma_start3A_666 : memref<1x128x128xf32, #tpu.memory_space<vmem>> -> memref<128x128xf32, #tpu.memory_space<vmem>>
        %dma_start3A_668 = arith.constant 0 : i32
        %dma_start3A_669 = tpu.memref_slice %arg6[%dma_start3A_661, %dma_start3A_668] : memref<4x128xi32, #tpu.memory_space<vmem>> -> memref<1x128xi32, #tpu.memory_space<vmem>>
        %dma_start3A_670 = tpu.memref_squeeze %dma_start3A_669 : memref<1x128xi32, #tpu.memory_space<vmem>> -> memref<128xi32, #tpu.memory_space<vmem>>
        %dma_start3A_671 = arith.constant 0 : i32
        %dma_start3A_672 = arith.constant 0 : i32
        %dma_start3A_673 = tpu.memref_slice %arg3[%dma_start3A_671, %dma_start3A_672] : memref<500000x128xf32, #tpu.memory_space<hbm>> -> memref<500000x128xf32, #tpu.memory_space<hbm>>
        %dma_start3A_674 = tpu.memref_slice %arg9[%dma_start3A_663] : memref<4x!tpu.dma_semaphore, #tpu.memory_space<semaphore_mem>> -> memref<1x!tpu.dma_semaphore, #tpu.memory_space<semaphore_mem>>
        %dma_start3A_675 = tpu.memref_squeeze %dma_start3A_674 : memref<1x!tpu.dma_semaphore, #tpu.memory_space<semaphore_mem>> -> memref<!tpu.dma_semaphore, #tpu.memory_space<semaphore_mem>>
        tpu.enqueue_indirect_dma source(%dma_start3A_673 : memref<500000x128xf32, #tpu.memory_space<hbm>>) target(%dma_start3A_667 : memref<128x128xf32, #tpu.memory_space<vmem>>) offsets(%dma_start3A_670 : memref<128xi32, #tpu.memory_space<vmem>>) semaphore(%dma_start3A_675 : memref<!tpu.dma_semaphore, #tpu.memory_space<semaphore_mem>>)
      } else {
      }
      %dma_wait3A_438 = arith.constant 1 : i32
      %dma_wait3A_439 = arith.constant 1 : i32
      %dma_wait3A_440 = arith.constant 1 : i32
      %dma_wait3A_441 = arith.constant 0 : i32
      %dma_wait3A_442 = arith.constant 0 : i32
      %dma_wait3A_443 = tpu.memref_slice %arg7[%dma_wait3A_439, %dma_wait3A_441, %dma_wait3A_442] : memref<4x128x128xf32, #tpu.memory_space<vmem>> -> memref<1x128x128xf32, #tpu.memory_space<vmem>>
      %dma_wait3A_444 = tpu.memref_squeeze %dma_wait3A_443 : memref<1x128x128xf32, #tpu.memory_space<vmem>> -> memref<128x128xf32, #tpu.memory_space<vmem>>
      %dma_wait3A_445 = arith.constant 0 : i32
      %dma_wait3A_446 = tpu.memref_slice %arg6[%dma_wait3A_438, %dma_wait3A_445] : memref<4x128xi32, #tpu.memory_space<vmem>> -> memref<1x128xi32, #tpu.memory_space<vmem>>
      %dma_wait3A_447 = tpu.memref_squeeze %dma_wait3A_446 : memref<1x128xi32, #tpu.memory_space<vmem>> -> memref<128xi32, #tpu.memory_space<vmem>>
      %dma_wait3A_448 = arith.constant 0 : i32
      %dma_wait3A_449 = arith.constant 0 : i32
      %dma_wait3A_450 = tpu.memref_slice %arg3[%dma_wait3A_448, %dma_wait3A_449] : memref<500000x128xf32, #tpu.memory_space<hbm>> -> memref<500000x128xf32, #tpu.memory_space<hbm>>
      %dma_wait3A_451 = tpu.memref_slice %arg9[%dma_wait3A_440] : memref<4x!tpu.dma_semaphore, #tpu.memory_space<semaphore_mem>> -> memref<1x!tpu.dma_semaphore, #tpu.memory_space<semaphore_mem>>
      %dma_wait3A_452 = tpu.memref_squeeze %dma_wait3A_451 : memref<1x!tpu.dma_semaphore, #tpu.memory_space<semaphore_mem>> -> memref<!tpu.dma_semaphore, #tpu.memory_space<semaphore_mem>>
      tpu.wait_indirect_dma semaphore(%dma_wait3A_452 : memref<!tpu.dma_semaphore, #tpu.memory_space<semaphore_mem>>) src(%dma_wait3A_450 : memref<500000x128xf32, #tpu.memory_space<hbm>>) dst(%dma_wait3A_444 : memref<128x128xf32, #tpu.memory_space<vmem>>)
      %parallel_loop3A_453 = arith.constant 0 : i32
      %parallel_loop3A_454 = arith.constant 512 : i32
      %parallel_loop3A_455 = arith.constant 1 : i32
      scf.for %parallel_loop3A_568 = %parallel_loop3A_453 to %parallel_loop3A_454 step %parallel_loop3A_455  : i32 {
        %parallel_loop3A_569 = arith.constant 6 : i32
        %parallel_loop3A_570 = arith.shrsi %parallel_loop3A_568, %parallel_loop3A_569 : i32
        %parallel_loop3A_571 = arith.constant 4 : i32
        %parallel_loop3A_572 = arith.shrsi %parallel_loop3A_568, %parallel_loop3A_571 : i32
        %parallel_loop3A_573 = arith.constant 3 : i32
        %parallel_loop3A_574 = arith.andi %parallel_loop3A_572, %parallel_loop3A_573 : i32
        %parallel_loop3A_575 = arith.constant 15 : i32
        %parallel_loop3A_576 = arith.andi %parallel_loop3A_568, %parallel_loop3A_575 : i32
        %parallel_loop3A_577 = arith.constant 16 : i32
        %parallel_loop3A_578 = arith.muli %parallel_loop3A_570, %parallel_loop3A_577 : i32
        %parallel_loop3A_579 = arith.constant 1 : i32
        %parallel_loop3A_580 = arith.index_cast %parallel_loop3A_579 : i32 to index
        %parallel_loop3A_581 = arith.index_cast %parallel_loop3A_578 : i32 to index
        %parallel_loop3A_582 = tpu.vector_load %arg5[%parallel_loop3A_580, %parallel_loop3A_581] {strides = array<i32>} : memref<4x128xi32, #tpu.memory_space<vmem>>, vector<16xi32>,
        %parallel_loop3A_583 = arith.constant 1 : i32
        %parallel_loop3A_584 = vector.broadcast %parallel_loop3A_583 : i32 to vector<16xi32>
        %parallel_loop3A_585 = arith.andi %parallel_loop3A_582, %parallel_loop3A_584 : vector<16xi32>
        %parallel_loop3A_586 = arith.constant 64 : i32
        %parallel_loop3A_587 = vector.broadcast %parallel_loop3A_586 : i32 to vector<16xi32>
        %parallel_loop3A_588 = arith.muli %parallel_loop3A_585, %parallel_loop3A_587 : vector<16xi32>
        %parallel_loop3A_589 = arith.constant 16 : i32
        %parallel_loop3A_590 = arith.muli %parallel_loop3A_570, %parallel_loop3A_589 : i32
        %parallel_loop3A_591 = vector.broadcast %parallel_loop3A_590 : i32 to vector<16xi32>
        %parallel_loop3A_592 = arith.addi %iota3A, %parallel_loop3A_591 : vector<16xi32>
        %parallel_loop3A_593 = vector.broadcast %parallel_loop3A_576 : i32 to vector<16xi32>
        %parallel_loop3A_594 = arith.addi %iota3A, %parallel_loop3A_593 : vector<16xi32>
        %parallel_loop3A_595 = arith.constant 15 : i32
        %parallel_loop3A_596 = vector.broadcast %parallel_loop3A_595 : i32 to vector<16xi32>
        %parallel_loop3A_597 = arith.andi %parallel_loop3A_594, %parallel_loop3A_596 : vector<16xi32>
        %parallel_loop3A_598 = arith.constant 16 : i32
        %parallel_loop3A_599 = arith.muli %parallel_loop3A_574, %parallel_loop3A_598 : i32
        %parallel_loop3A_600 = vector.broadcast %parallel_loop3A_599 : i32 to vector<16xi32>
        %parallel_loop3A_601 = arith.addi %parallel_loop3A_597, %parallel_loop3A_600 : vector<16xi32>
        %parallel_loop3A_602 = arith.addi %parallel_loop3A_601, %parallel_loop3A_588 : vector<16xi32>
        %parallel_loop3A_603 = arith.constant 1 : i32
        %parallel_loop3A_604 = arith.constant 0 : i32
        %parallel_loop3A_605 = arith.constant 0 : i32
        %parallel_loop3A_606 = tpu.memref_slice %arg7[%parallel_loop3A_603, %parallel_loop3A_604, %parallel_loop3A_605] : memref<4x128x128xf32, #tpu.memory_space<vmem>> -> memref<1x128x128xf32, #tpu.memory_space<vmem>>
        %parallel_loop3A_607 = tpu.memref_squeeze %parallel_loop3A_606 : memref<1x128x128xf32, #tpu.memory_space<vmem>> -> memref<128x128xf32, #tpu.memory_space<vmem>>
        %parallel_loop3A_608 = tpu.vector_load_idx %parallel_loop3A_607[%parallel_loop3A_592, %parallel_loop3A_602] : memref<128x128xf32, #tpu.memory_space<vmem>>[vector<16xi32>, vector<16xi32>], vector<16xf32>,
        %parallel_loop3A_609 = arith.constant 8.000000e+00 : f32
        %parallel_loop3A_610 = vector.broadcast %parallel_loop3A_609 : f32 to vector<16xf32>
        %parallel_loop3A_611 = arith.mulf %parallel_loop3A_608, %parallel_loop3A_610 : vector<16xf32>
        %parallel_loop3A_612 = arith.constant 1 : i32
        %parallel_loop3A_613 = arith.constant 0 : i32
        %parallel_loop3A_614 = arith.constant 0 : i32
        %parallel_loop3A_615 = tpu.memref_slice %arg8[%parallel_loop3A_612, %parallel_loop3A_613, %parallel_loop3A_614] : memref<4x64x128xf32, #tpu.memory_space<vmem>> -> memref<1x64x128xf32, #tpu.memory_space<vmem>>
        %parallel_loop3A_616 = tpu.memref_squeeze %parallel_loop3A_615 : memref<1x64x128xf32, #tpu.memory_space<vmem>> -> memref<64x128xf32, #tpu.memory_space<vmem>>
        tpu.vector_store_idx %parallel_loop3A_616[%parallel_loop3A_601, %parallel_loop3A_592], %parallel_loop3A_611 : memref<64x128xf32, #tpu.memory_space<vmem>>[vector<16xi32>, vector<16xi32>], vector<16xf32>,
      } {sc.loop_unroll_factor = 4 : i64, sc.parallel_access}
      %dma_start3A_456 = arith.constant 1 : i32
      %dma_start3A_457 = arith.constant 1 : i32
      %dma_start3A_458 = arith.constant 0 : i32
      %dma_start3A_459 = arith.constant 0 : i32
      %dma_start3A_460 = tpu.memref_slice %arg8[%dma_start3A_456, %dma_start3A_458, %dma_start3A_459] : memref<4x64x128xf32, #tpu.memory_space<vmem>> -> memref<1x64x128xf32, #tpu.memory_space<vmem>>
      %dma_start3A_461 = tpu.memref_squeeze %dma_start3A_460 : memref<1x64x128xf32, #tpu.memory_space<vmem>> -> memref<64x128xf32, #tpu.memory_space<vmem>>
      %dma_start3A_462 = arith.constant 0 : i32
      %dma_start3A_463 = tpu.memref_slice %arg4[%add3A_430, %dma_start3A_462, %mul3A_2] : memref<200x64x4096xf32, #tpu.memory_space<hbm>> -> memref<1x64x128xf32, #tpu.memory_space<hbm>>
      %dma_start3A_464 = tpu.memref_squeeze %dma_start3A_463 : memref<1x64x128xf32, #tpu.memory_space<hbm>> -> memref<64x128xf32, #tpu.memory_space<hbm>>
      %dma_start3A_465 = tpu.memref_slice %arg10[%dma_start3A_457] : memref<4x!tpu.dma_semaphore, #tpu.memory_space<semaphore_mem>> -> memref<1x!tpu.dma_semaphore, #tpu.memory_space<semaphore_mem>>
      %dma_start3A_466 = tpu.memref_squeeze %dma_start3A_465 : memref<1x!tpu.dma_semaphore, #tpu.memory_space<semaphore_mem>> -> memref<!tpu.dma_semaphore, #tpu.memory_space<semaphore_mem>>
      %dma_start3A_467 = arith.constant 0 : i32
      %dma_start3A_468 = tpu.memref_slice %arg4[%add3A_430, %dma_start3A_467, %mul3A_2] : memref<200x64x4096xf32, #tpu.memory_space<hbm>> -> memref<1x64x128xf32, #tpu.memory_space<hbm>>
      %dma_start3A_469 = tpu.memref_squeeze %dma_start3A_468 : memref<1x64x128xf32, #tpu.memory_space<hbm>> -> memref<64x128xf32, #tpu.memory_space<hbm>>
      %dma_start3A_470 = arith.constant 0 : i32
      %dma_start3A_471 = arith.constant 0 : i32
      %dma_start3A_472 = tpu.memref_slice %arg8[%dma_start3A_456, %dma_start3A_470, %dma_start3A_471] : memref<4x64x128xf32, #tpu.memory_space<vmem>> -> memref<1x64x128xf32, #tpu.memory_space<vmem>>
      %dma_start3A_473 = tpu.memref_squeeze %dma_start3A_472 : memref<1x64x128xf32, #tpu.memory_space<vmem>> -> memref<64x128xf32, #tpu.memory_space<vmem>>
      tpu.enqueue_dma source(%dma_start3A_473 : memref<64x128xf32, #tpu.memory_space<vmem>>) target(%dma_start3A_469 : memref<64x128xf32, #tpu.memory_space<hbm>>) target_semaphore(%dma_start3A_466 : memref<!tpu.dma_semaphore, #tpu.memory_space<semaphore_mem>>)
      %mul3A_474 = arith.constant 4 : i32
      %mul3A_475 = arith.muli %scan3A_383, %mul3A_474 : i32
      %add3A_476 = arith.constant 2 : i32
      %add3A_477 = arith.addi %mul3A_475, %add3A_476 : i32
      %add3A_478 = arith.constant 2 : i32
      %add3A_479 = arith.addi %add3A_477, %add3A_478 : i32
      %lt3A_480 = arith.constant 200 : i32
      %lt3A_481 = arith.cmpi slt, %add3A_479, %lt3A_480 : i32
      %convert_element_type3A_482 = arith.extui %lt3A_481 : i1 to i32
      %cond3A_483 = arith.constant 0 : i32
      %cond3A_484 = arith.cmpi ne, %convert_element_type3A_482, %cond3A_483 : i32
      scf.if %cond3A_484 {
        %ge3A = arith.constant 4 : i32
        %ge3A_568 = arith.cmpi sge, %add3A_479, %ge3A : i32
        %convert_element_type3A_569 = arith.extui %ge3A_568 : i1 to i32
        %cond3A_570 = arith.constant 0 : i32
        %cond3A_571 = arith.cmpi ne, %convert_element_type3A_569, %cond3A_570 : i32
        scf.if %cond3A_571 {
          %sub3A = arith.constant 4 : i32
          %sub3A_676 = arith.subi %add3A_479, %sub3A : i32
          %dma_wait3A_677 = arith.constant 0 : i32
          %dma_wait3A_678 = arith.constant 0 : i32
          %dma_wait3A_679 = arith.constant 0 : i32
          %dma_wait3A_680 = arith.constant 0 : i32
          %dma_wait3A_681 = tpu.memref_slice %arg8[%dma_wait3A_677, %dma_wait3A_679, %dma_wait3A_680] : memref<4x64x128xf32, #tpu.memory_space<vmem>> -> memref<1x64x128xf32, #tpu.memory_space<vmem>>
          %dma_wait3A_682 = tpu.memref_squeeze %dma_wait3A_681 : memref<1x64x128xf32, #tpu.memory_space<vmem>> -> memref<64x128xf32, #tpu.memory_space<vmem>>
          %dma_wait3A_683 = arith.constant 0 : i32
          %dma_wait3A_684 = tpu.memref_slice %arg4[%sub3A_676, %dma_wait3A_683, %mul3A_2] : memref<200x64x4096xf32, #tpu.memory_space<hbm>> -> memref<1x64x128xf32, #tpu.memory_space<hbm>>
          %dma_wait3A_685 = tpu.memref_squeeze %dma_wait3A_684 : memref<1x64x128xf32, #tpu.memory_space<hbm>> -> memref<64x128xf32, #tpu.memory_space<hbm>>
          %dma_wait3A_686 = tpu.memref_slice %arg10[%dma_wait3A_678] : memref<4x!tpu.dma_semaphore, #tpu.memory_space<semaphore_mem>> -> memref<1x!tpu.dma_semaphore, #tpu.memory_space<semaphore_mem>>
          %dma_wait3A_687 = tpu.memref_squeeze %dma_wait3A_686 : memref<1x!tpu.dma_semaphore, #tpu.memory_space<semaphore_mem>> -> memref<!tpu.dma_semaphore, #tpu.memory_space<semaphore_mem>>
          %dma_wait3A_688 = arith.constant 0 : i32
          %dma_wait3A_689 = tpu.memref_slice %arg4[%sub3A_676, %dma_wait3A_688, %mul3A_2] : memref<200x64x4096xf32, #tpu.memory_space<hbm>> -> memref<1x64x128xf32, #tpu.memory_space<hbm>>
          %dma_wait3A_690 = tpu.memref_squeeze %dma_wait3A_689 : memref<1x64x128xf32, #tpu.memory_space<hbm>> -> memref<64x128xf32, #tpu.memory_space<hbm>>
          %dma_wait3A_691 = arith.constant 0 : i32
          %dma_wait3A_692 = arith.constant 0 : i32
          %dma_wait3A_693 = tpu.memref_slice %arg8[%dma_wait3A_677, %dma_wait3A_691, %dma_wait3A_692] : memref<4x64x128xf32, #tpu.memory_space<vmem>> -> memref<1x64x128xf32, #tpu.memory_space<vmem>>
          %dma_wait3A_694 = tpu.memref_squeeze %dma_wait3A_693 : memref<1x64x128xf32, #tpu.memory_space<vmem>> -> memref<64x128xf32, #tpu.memory_space<vmem>>
          tpu.wait_dma2 semaphore(%dma_wait3A_687 : memref<!tpu.dma_semaphore, #tpu.memory_space<semaphore_mem>>) src(%dma_wait3A_694 : memref<64x128xf32, #tpu.memory_space<vmem>>) dst(%dma_wait3A_690 : memref<64x128xf32, #tpu.memory_space<hbm>>)
        } else {
        }
        %run_scoped3A_572 = arith.constant 0 : i32
        "tpu.region"() ({
          %run_scoped3A_676 = tpu.sem_alloc : memref<!tpu.dma_semaphore, #tpu.memory_space<semaphore_mem>>
          %dma_start3A_677 = arith.constant 0 : i32
          %dma_start3A_678 = tpu.memref_slice %arg5[%run_scoped3A_572, %dma_start3A_677] : memref<4x128xi32, #tpu.memory_space<vmem>> -> memref<1x128xi32, #tpu.memory_space<vmem>>
          %dma_start3A_679 = tpu.memref_squeeze %dma_start3A_678 : memref<1x128xi32, #tpu.memory_space<vmem>> -> memref<128xi32, #tpu.memory_space<vmem>>
          %dma_start3A_680 = tpu.memref_slice %arg2[%add3A_479, %mul3A_2] : memref<200x4096xi32, #tpu.memory_space<hbm>> -> memref<1x128xi32, #tpu.memory_space<hbm>>
          %dma_start3A_681 = tpu.memref_squeeze %dma_start3A_680 : memref<1x128xi32, #tpu.memory_space<hbm>> -> memref<128xi32, #tpu.memory_space<hbm>>
          %dma_start3A_682 = arith.constant 0 : i32
          %dma_start3A_683 = tpu.memref_slice %arg5[%run_scoped3A_572, %dma_start3A_682] : memref<4x128xi32, #tpu.memory_space<vmem>> -> memref<1x128xi32, #tpu.memory_space<vmem>>
          %dma_start3A_684 = tpu.memref_squeeze %dma_start3A_683 : memref<1x128xi32, #tpu.memory_space<vmem>> -> memref<128xi32, #tpu.memory_space<vmem>>
          %dma_start3A_685 = tpu.memref_slice %arg2[%add3A_479, %mul3A_2] : memref<200x4096xi32, #tpu.memory_space<hbm>> -> memref<1x128xi32, #tpu.memory_space<hbm>>
          %dma_start3A_686 = tpu.memref_squeeze %dma_start3A_685 : memref<1x128xi32, #tpu.memory_space<hbm>> -> memref<128xi32, #tpu.memory_space<hbm>>
          tpu.enqueue_dma source(%dma_start3A_686 : memref<128xi32, #tpu.memory_space<hbm>>) target(%dma_start3A_684 : memref<128xi32, #tpu.memory_space<vmem>>) target_semaphore(%run_scoped3A_676 : memref<!tpu.dma_semaphore, #tpu.memory_space<semaphore_mem>>)
          %dma_wait3A_687 = arith.constant 0 : i32
          %dma_wait3A_688 = tpu.memref_slice %arg5[%run_scoped3A_572, %dma_wait3A_687] : memref<4x128xi32, #tpu.memory_space<vmem>> -> memref<1x128xi32, #tpu.memory_space<vmem>>
          %dma_wait3A_689 = tpu.memref_squeeze %dma_wait3A_688 : memref<1x128xi32, #tpu.memory_space<vmem>> -> memref<128xi32, #tpu.memory_space<vmem>>
          %dma_wait3A_690 = tpu.memref_slice %arg2[%add3A_479, %mul3A_2] : memref<200x4096xi32, #tpu.memory_space<hbm>> -> memref<1x128xi32, #tpu.memory_space<hbm>>
          %dma_wait3A_691 = tpu.memref_squeeze %dma_wait3A_690 : memref<1x128xi32, #tpu.memory_space<hbm>> -> memref<128xi32, #tpu.memory_space<hbm>>
          %dma_wait3A_692 = arith.constant 0 : i32
          %dma_wait3A_693 = tpu.memref_slice %arg5[%run_scoped3A_572, %dma_wait3A_692] : memref<4x128xi32, #tpu.memory_space<vmem>> -> memref<1x128xi32, #tpu.memory_space<vmem>>
          %dma_wait3A_694 = tpu.memref_squeeze %dma_wait3A_693 : memref<1x128xi32, #tpu.memory_space<vmem>> -> memref<128xi32, #tpu.memory_space<vmem>>
          %dma_wait3A_695 = tpu.memref_slice %arg2[%add3A_479, %mul3A_2] : memref<200x4096xi32, #tpu.memory_space<hbm>> -> memref<1x128xi32, #tpu.memory_space<hbm>>
          %dma_wait3A_696 = tpu.memref_squeeze %dma_wait3A_695 : memref<1x128xi32, #tpu.memory_space<hbm>> -> memref<128xi32, #tpu.memory_space<hbm>>
          tpu.wait_dma2 semaphore(%run_scoped3A_676 : memref<!tpu.dma_semaphore, #tpu.memory_space<semaphore_mem>>) src(%dma_wait3A_696 : memref<128xi32, #tpu.memory_space<hbm>>) dst(%dma_wait3A_694 : memref<128xi32, #tpu.memory_space<vmem>>)
          tpu.yield
        }) : () -> ()
        %get3A_573 = arith.constant 0 : i32
        %get3A_574 = arith.index_cast %get3A_573 : i32 to index
        %get3A_575 = arith.constant 0 : index
        %get3A_576 = tpu.vector_load %arg5[%get3A_574, %get3A_575] {strides = array<i32>} : memref<4x128xi32, #tpu.memory_space<vmem>>, vector<16xi32>,
        %shift_right_logical3A_577 = arith.constant 1 : i32
        %shift_right_logical3A_578 = vector.broadcast %shift_right_logical3A_577 : i32 to vector<16xi32>
        %shift_right_logical3A_579 = arith.shrui %get3A_576, %shift_right_logical3A_578 : vector<16xi32>
        %swap3A_580 = arith.constant 0 : i32
        %swap3A_581 = arith.index_cast %swap3A_580 : i32 to index
        %swap3A_582 = arith.constant 0 : index
        %swap3A_583 = tpu.vector_load %arg6[%swap3A_581, %swap3A_582] {strides = array<i32>} : memref<4x128xi32, #tpu.memory_space<vmem>>, vector<16xi32>,
        tpu.vector_store %arg6[%swap3A_581, %swap3A_582], %shift_right_logical3A_579 {strides = array<i32>} : memref<4x128xi32, #tpu.memory_space<vmem>>, vector<16xi32>,
        %get3A_584 = arith.constant 0 : i32
        %get3A_585 = arith.index_cast %get3A_584 : i32 to index
        %get3A_586 = arith.constant 16 : index
        %get3A_587 = tpu.vector_load %arg5[%get3A_585, %get3A_586] {strides = array<i32>} : memref<4x128xi32, #tpu.memory_space<vmem>>, vector<16xi32>,
        %shift_right_logical3A_588 = arith.constant 1 : i32
        %shift_right_logical3A_589 = vector.broadcast %shift_right_logical3A_588 : i32 to vector<16xi32>
        %shift_right_logical3A_590 = arith.shrui %get3A_587, %shift_right_logical3A_589 : vector<16xi32>
        %swap3A_591 = arith.constant 0 : i32
        %swap3A_592 = arith.index_cast %swap3A_591 : i32 to index
        %swap3A_593 = arith.constant 16 : index
        %swap3A_594 = tpu.vector_load %arg6[%swap3A_592, %swap3A_593] {strides = array<i32>} : memref<4x128xi32, #tpu.memory_space<vmem>>, vector<16xi32>,
        tpu.vector_store %arg6[%swap3A_592, %swap3A_593], %shift_right_logical3A_590 {strides = array<i32>} : memref<4x128xi32, #tpu.memory_space<vmem>>, vector<16xi32>,
        %get3A_595 = arith.constant 0 : i32
        %get3A_596 = arith.index_cast %get3A_595 : i32 to index
        %get3A_597 = arith.constant 32 : index
        %get3A_598 = tpu.vector_load %arg5[%get3A_596, %get3A_597] {strides = array<i32>} : memref<4x128xi32, #tpu.memory_space<vmem>>, vector<16xi32>,
        %shift_right_logical3A_599 = arith.constant 1 : i32
        %shift_right_logical3A_600 = vector.broadcast %shift_right_logical3A_599 : i32 to vector<16xi32>
        %shift_right_logical3A_601 = arith.shrui %get3A_598, %shift_right_logical3A_600 : vector<16xi32>
        %swap3A_602 = arith.constant 0 : i32
        %swap3A_603 = arith.index_cast %swap3A_602 : i32 to index
        %swap3A_604 = arith.constant 32 : index
        %swap3A_605 = tpu.vector_load %arg6[%swap3A_603, %swap3A_604] {strides = array<i32>} : memref<4x128xi32, #tpu.memory_space<vmem>>, vector<16xi32>,
        tpu.vector_store %arg6[%swap3A_603, %swap3A_604], %shift_right_logical3A_601 {strides = array<i32>} : memref<4x128xi32, #tpu.memory_space<vmem>>, vector<16xi32>,
        %get3A_606 = arith.constant 0 : i32
        %get3A_607 = arith.index_cast %get3A_606 : i32 to index
        %get3A_608 = arith.constant 48 : index
        %get3A_609 = tpu.vector_load %arg5[%get3A_607, %get3A_608] {strides = array<i32>} : memref<4x128xi32, #tpu.memory_space<vmem>>, vector<16xi32>,
        %shift_right_logical3A_610 = arith.constant 1 : i32
        %shift_right_logical3A_611 = vector.broadcast %shift_right_logical3A_610 : i32 to vector<16xi32>
        %shift_right_logical3A_612 = arith.shrui %get3A_609, %shift_right_logical3A_611 : vector<16xi32>
        %swap3A_613 = arith.constant 0 : i32
        %swap3A_614 = arith.index_cast %swap3A_613 : i32 to index
        %swap3A_615 = arith.constant 48 : index
        %swap3A_616 = tpu.vector_load %arg6[%swap3A_614, %swap3A_615] {strides = array<i32>} : memref<4x128xi32, #tpu.memory_space<vmem>>, vector<16xi32>,
        tpu.vector_store %arg6[%swap3A_614, %swap3A_615], %shift_right_logical3A_612 {strides = array<i32>} : memref<4x128xi32, #tpu.memory_space<vmem>>, vector<16xi32>,
        %get3A_617 = arith.constant 0 : i32
        %get3A_618 = arith.index_cast %get3A_617 : i32 to index
        %get3A_619 = arith.constant 64 : index
        %get3A_620 = tpu.vector_load %arg5[%get3A_618, %get3A_619] {strides = array<i32>} : memref<4x128xi32, #tpu.memory_space<vmem>>, vector<16xi32>,
        %shift_right_logical3A_621 = arith.constant 1 : i32
        %shift_right_logical3A_622 = vector.broadcast %shift_right_logical3A_621 : i32 to vector<16xi32>
        %shift_right_logical3A_623 = arith.shrui %get3A_620, %shift_right_logical3A_622 : vector<16xi32>
        %swap3A_624 = arith.constant 0 : i32
        %swap3A_625 = arith.index_cast %swap3A_624 : i32 to index
        %swap3A_626 = arith.constant 64 : index
        %swap3A_627 = tpu.vector_load %arg6[%swap3A_625, %swap3A_626] {strides = array<i32>} : memref<4x128xi32, #tpu.memory_space<vmem>>, vector<16xi32>,
        tpu.vector_store %arg6[%swap3A_625, %swap3A_626], %shift_right_logical3A_623 {strides = array<i32>} : memref<4x128xi32, #tpu.memory_space<vmem>>, vector<16xi32>,
        %get3A_628 = arith.constant 0 : i32
        %get3A_629 = arith.index_cast %get3A_628 : i32 to index
        %get3A_630 = arith.constant 80 : index
        %get3A_631 = tpu.vector_load %arg5[%get3A_629, %get3A_630] {strides = array<i32>} : memref<4x128xi32, #tpu.memory_space<vmem>>, vector<16xi32>,
        %shift_right_logical3A_632 = arith.constant 1 : i32
        %shift_right_logical3A_633 = vector.broadcast %shift_right_logical3A_632 : i32 to vector<16xi32>
        %shift_right_logical3A_634 = arith.shrui %get3A_631, %shift_right_logical3A_633 : vector<16xi32>
        %swap3A_635 = arith.constant 0 : i32
        %swap3A_636 = arith.index_cast %swap3A_635 : i32 to index
        %swap3A_637 = arith.constant 80 : index
        %swap3A_638 = tpu.vector_load %arg6[%swap3A_636, %swap3A_637] {strides = array<i32>} : memref<4x128xi32, #tpu.memory_space<vmem>>, vector<16xi32>,
        tpu.vector_store %arg6[%swap3A_636, %swap3A_637], %shift_right_logical3A_634 {strides = array<i32>} : memref<4x128xi32, #tpu.memory_space<vmem>>, vector<16xi32>,
        %get3A_639 = arith.constant 0 : i32
        %get3A_640 = arith.index_cast %get3A_639 : i32 to index
        %get3A_641 = arith.constant 96 : index
        %get3A_642 = tpu.vector_load %arg5[%get3A_640, %get3A_641] {strides = array<i32>} : memref<4x128xi32, #tpu.memory_space<vmem>>, vector<16xi32>,
        %shift_right_logical3A_643 = arith.constant 1 : i32
        %shift_right_logical3A_644 = vector.broadcast %shift_right_logical3A_643 : i32 to vector<16xi32>
        %shift_right_logical3A_645 = arith.shrui %get3A_642, %shift_right_logical3A_644 : vector<16xi32>
        %swap3A_646 = arith.constant 0 : i32
        %swap3A_647 = arith.index_cast %swap3A_646 : i32 to index
        %swap3A_648 = arith.constant 96 : index
        %swap3A_649 = tpu.vector_load %arg6[%swap3A_647, %swap3A_648] {strides = array<i32>} : memref<4x128xi32, #tpu.memory_space<vmem>>, vector<16xi32>,
        tpu.vector_store %arg6[%swap3A_647, %swap3A_648], %shift_right_logical3A_645 {strides = array<i32>} : memref<4x128xi32, #tpu.memory_space<vmem>>, vector<16xi32>,
        %get3A_650 = arith.constant 0 : i32
        %get3A_651 = arith.index_cast %get3A_650 : i32 to index
        %get3A_652 = arith.constant 112 : index
        %get3A_653 = tpu.vector_load %arg5[%get3A_651, %get3A_652] {strides = array<i32>} : memref<4x128xi32, #tpu.memory_space<vmem>>, vector<16xi32>,
        %shift_right_logical3A_654 = arith.constant 1 : i32
        %shift_right_logical3A_655 = vector.broadcast %shift_right_logical3A_654 : i32 to vector<16xi32>
        %shift_right_logical3A_656 = arith.shrui %get3A_653, %shift_right_logical3A_655 : vector<16xi32>
        %swap3A_657 = arith.constant 0 : i32
        %swap3A_658 = arith.index_cast %swap3A_657 : i32 to index
        %swap3A_659 = arith.constant 112 : index
        %swap3A_660 = tpu.vector_load %arg6[%swap3A_658, %swap3A_659] {strides = array<i32>} : memref<4x128xi32, #tpu.memory_space<vmem>>, vector<16xi32>,
        tpu.vector_store %arg6[%swap3A_658, %swap3A_659], %shift_right_logical3A_656 {strides = array<i32>} : memref<4x128xi32, #tpu.memory_space<vmem>>, vector<16xi32>,
        %dma_start3A_661 = arith.constant 0 : i32
        %dma_start3A_662 = arith.constant 0 : i32
        %dma_start3A_663 = arith.constant 0 : i32
        %dma_start3A_664 = arith.constant 0 : i32
        %dma_start3A_665 = arith.constant 0 : i32
        %dma_start3A_666 = tpu.memref_slice %arg7[%dma_start3A_662, %dma_start3A_664, %dma_start3A_665] : memref<4x128x128xf32, #tpu.memory_space<vmem>> -> memref<1x128x128xf32, #tpu.memory_space<vmem>>
        %dma_start3A_667 = tpu.memref_squeeze %dma_start3A_666 : memref<1x128x128xf32, #tpu.memory_space<vmem>> -> memref<128x128xf32, #tpu.memory_space<vmem>>
        %dma_start3A_668 = arith.constant 0 : i32
        %dma_start3A_669 = tpu.memref_slice %arg6[%dma_start3A_661, %dma_start3A_668] : memref<4x128xi32, #tpu.memory_space<vmem>> -> memref<1x128xi32, #tpu.memory_space<vmem>>
        %dma_start3A_670 = tpu.memref_squeeze %dma_start3A_669 : memref<1x128xi32, #tpu.memory_space<vmem>> -> memref<128xi32, #tpu.memory_space<vmem>>
        %dma_start3A_671 = arith.constant 0 : i32
        %dma_start3A_672 = arith.constant 0 : i32
        %dma_start3A_673 = tpu.memref_slice %arg3[%dma_start3A_671, %dma_start3A_672] : memref<500000x128xf32, #tpu.memory_space<hbm>> -> memref<500000x128xf32, #tpu.memory_space<hbm>>
        %dma_start3A_674 = tpu.memref_slice %arg9[%dma_start3A_663] : memref<4x!tpu.dma_semaphore, #tpu.memory_space<semaphore_mem>> -> memref<1x!tpu.dma_semaphore, #tpu.memory_space<semaphore_mem>>
        %dma_start3A_675 = tpu.memref_squeeze %dma_start3A_674 : memref<1x!tpu.dma_semaphore, #tpu.memory_space<semaphore_mem>> -> memref<!tpu.dma_semaphore, #tpu.memory_space<semaphore_mem>>
        tpu.enqueue_indirect_dma source(%dma_start3A_673 : memref<500000x128xf32, #tpu.memory_space<hbm>>) target(%dma_start3A_667 : memref<128x128xf32, #tpu.memory_space<vmem>>) offsets(%dma_start3A_670 : memref<128xi32, #tpu.memory_space<vmem>>) semaphore(%dma_start3A_675 : memref<!tpu.dma_semaphore, #tpu.memory_space<semaphore_mem>>)
      } else {
      }
      %dma_wait3A_485 = arith.constant 2 : i32
      %dma_wait3A_486 = arith.constant 2 : i32
      %dma_wait3A_487 = arith.constant 2 : i32
      %dma_wait3A_488 = arith.constant 0 : i32
      %dma_wait3A_489 = arith.constant 0 : i32
      %dma_wait3A_490 = tpu.memref_slice %arg7[%dma_wait3A_486, %dma_wait3A_488, %dma_wait3A_489] : memref<4x128x128xf32, #tpu.memory_space<vmem>> -> memref<1x128x128xf32, #tpu.memory_space<vmem>>
      %dma_wait3A_491 = tpu.memref_squeeze %dma_wait3A_490 : memref<1x128x128xf32, #tpu.memory_space<vmem>> -> memref<128x128xf32, #tpu.memory_space<vmem>>
      %dma_wait3A_492 = arith.constant 0 : i32
      %dma_wait3A_493 = tpu.memref_slice %arg6[%dma_wait3A_485, %dma_wait3A_492] : memref<4x128xi32, #tpu.memory_space<vmem>> -> memref<1x128xi32, #tpu.memory_space<vmem>>
      %dma_wait3A_494 = tpu.memref_squeeze %dma_wait3A_493 : memref<1x128xi32, #tpu.memory_space<vmem>> -> memref<128xi32, #tpu.memory_space<vmem>>
      %dma_wait3A_495 = arith.constant 0 : i32
      %dma_wait3A_496 = arith.constant 0 : i32
      %dma_wait3A_497 = tpu.memref_slice %arg3[%dma_wait3A_495, %dma_wait3A_496] : memref<500000x128xf32, #tpu.memory_space<hbm>> -> memref<500000x128xf32, #tpu.memory_space<hbm>>
      %dma_wait3A_498 = tpu.memref_slice %arg9[%dma_wait3A_487] : memref<4x!tpu.dma_semaphore, #tpu.memory_space<semaphore_mem>> -> memref<1x!tpu.dma_semaphore, #tpu.memory_space<semaphore_mem>>
      %dma_wait3A_499 = tpu.memref_squeeze %dma_wait3A_498 : memref<1x!tpu.dma_semaphore, #tpu.memory_space<semaphore_mem>> -> memref<!tpu.dma_semaphore, #tpu.memory_space<semaphore_mem>>
      tpu.wait_indirect_dma semaphore(%dma_wait3A_499 : memref<!tpu.dma_semaphore, #tpu.memory_space<semaphore_mem>>) src(%dma_wait3A_497 : memref<500000x128xf32, #tpu.memory_space<hbm>>) dst(%dma_wait3A_491 : memref<128x128xf32, #tpu.memory_space<vmem>>)
      %parallel_loop3A_500 = arith.constant 0 : i32
      %parallel_loop3A_501 = arith.constant 512 : i32
      %parallel_loop3A_502 = arith.constant 1 : i32
      scf.for %parallel_loop3A_568 = %parallel_loop3A_500 to %parallel_loop3A_501 step %parallel_loop3A_502  : i32 {
        %parallel_loop3A_569 = arith.constant 6 : i32
        %parallel_loop3A_570 = arith.shrsi %parallel_loop3A_568, %parallel_loop3A_569 : i32
        %parallel_loop3A_571 = arith.constant 4 : i32
        %parallel_loop3A_572 = arith.shrsi %parallel_loop3A_568, %parallel_loop3A_571 : i32
        %parallel_loop3A_573 = arith.constant 3 : i32
        %parallel_loop3A_574 = arith.andi %parallel_loop3A_572, %parallel_loop3A_573 : i32
        %parallel_loop3A_575 = arith.constant 15 : i32
        %parallel_loop3A_576 = arith.andi %parallel_loop3A_568, %parallel_loop3A_575 : i32
        %parallel_loop3A_577 = arith.constant 16 : i32
        %parallel_loop3A_578 = arith.muli %parallel_loop3A_570, %parallel_loop3A_577 : i32
        %parallel_loop3A_579 = arith.constant 2 : i32
        %parallel_loop3A_580 = arith.index_cast %parallel_loop3A_579 : i32 to index
        %parallel_loop3A_581 = arith.index_cast %parallel_loop3A_578 : i32 to index
        %parallel_loop3A_582 = tpu.vector_load %arg5[%parallel_loop3A_580, %parallel_loop3A_581] {strides = array<i32>} : memref<4x128xi32, #tpu.memory_space<vmem>>, vector<16xi32>,
        %parallel_loop3A_583 = arith.constant 1 : i32
        %parallel_loop3A_584 = vector.broadcast %parallel_loop3A_583 : i32 to vector<16xi32>
        %parallel_loop3A_585 = arith.andi %parallel_loop3A_582, %parallel_loop3A_584 : vector<16xi32>
        %parallel_loop3A_586 = arith.constant 64 : i32
        %parallel_loop3A_587 = vector.broadcast %parallel_loop3A_586 : i32 to vector<16xi32>
        %parallel_loop3A_588 = arith.muli %parallel_loop3A_585, %parallel_loop3A_587 : vector<16xi32>
        %parallel_loop3A_589 = arith.constant 16 : i32
        %parallel_loop3A_590 = arith.muli %parallel_loop3A_570, %parallel_loop3A_589 : i32
        %parallel_loop3A_591 = vector.broadcast %parallel_loop3A_590 : i32 to vector<16xi32>
        %parallel_loop3A_592 = arith.addi %iota3A, %parallel_loop3A_591 : vector<16xi32>
        %parallel_loop3A_593 = vector.broadcast %parallel_loop3A_576 : i32 to vector<16xi32>
        %parallel_loop3A_594 = arith.addi %iota3A, %parallel_loop3A_593 : vector<16xi32>
        %parallel_loop3A_595 = arith.constant 15 : i32
        %parallel_loop3A_596 = vector.broadcast %parallel_loop3A_595 : i32 to vector<16xi32>
        %parallel_loop3A_597 = arith.andi %parallel_loop3A_594, %parallel_loop3A_596 : vector<16xi32>
        %parallel_loop3A_598 = arith.constant 16 : i32
        %parallel_loop3A_599 = arith.muli %parallel_loop3A_574, %parallel_loop3A_598 : i32
        %parallel_loop3A_600 = vector.broadcast %parallel_loop3A_599 : i32 to vector<16xi32>
        %parallel_loop3A_601 = arith.addi %parallel_loop3A_597, %parallel_loop3A_600 : vector<16xi32>
        %parallel_loop3A_602 = arith.addi %parallel_loop3A_601, %parallel_loop3A_588 : vector<16xi32>
        %parallel_loop3A_603 = arith.constant 2 : i32
        %parallel_loop3A_604 = arith.constant 0 : i32
        %parallel_loop3A_605 = arith.constant 0 : i32
        %parallel_loop3A_606 = tpu.memref_slice %arg7[%parallel_loop3A_603, %parallel_loop3A_604, %parallel_loop3A_605] : memref<4x128x128xf32, #tpu.memory_space<vmem>> -> memref<1x128x128xf32, #tpu.memory_space<vmem>>
        %parallel_loop3A_607 = tpu.memref_squeeze %parallel_loop3A_606 : memref<1x128x128xf32, #tpu.memory_space<vmem>> -> memref<128x128xf32, #tpu.memory_space<vmem>>
        %parallel_loop3A_608 = tpu.vector_load_idx %parallel_loop3A_607[%parallel_loop3A_592, %parallel_loop3A_602] : memref<128x128xf32, #tpu.memory_space<vmem>>[vector<16xi32>, vector<16xi32>], vector<16xf32>,
        %parallel_loop3A_609 = arith.constant 8.000000e+00 : f32
        %parallel_loop3A_610 = vector.broadcast %parallel_loop3A_609 : f32 to vector<16xf32>
        %parallel_loop3A_611 = arith.mulf %parallel_loop3A_608, %parallel_loop3A_610 : vector<16xf32>
        %parallel_loop3A_612 = arith.constant 2 : i32
        %parallel_loop3A_613 = arith.constant 0 : i32
        %parallel_loop3A_614 = arith.constant 0 : i32
        %parallel_loop3A_615 = tpu.memref_slice %arg8[%parallel_loop3A_612, %parallel_loop3A_613, %parallel_loop3A_614] : memref<4x64x128xf32, #tpu.memory_space<vmem>> -> memref<1x64x128xf32, #tpu.memory_space<vmem>>
        %parallel_loop3A_616 = tpu.memref_squeeze %parallel_loop3A_615 : memref<1x64x128xf32, #tpu.memory_space<vmem>> -> memref<64x128xf32, #tpu.memory_space<vmem>>
        tpu.vector_store_idx %parallel_loop3A_616[%parallel_loop3A_601, %parallel_loop3A_592], %parallel_loop3A_611 : memref<64x128xf32, #tpu.memory_space<vmem>>[vector<16xi32>, vector<16xi32>], vector<16xf32>,
      } {sc.loop_unroll_factor = 4 : i64, sc.parallel_access}
      %dma_start3A_503 = arith.constant 2 : i32
      %dma_start3A_504 = arith.constant 2 : i32
      %dma_start3A_505 = arith.constant 0 : i32
      %dma_start3A_506 = arith.constant 0 : i32
      %dma_start3A_507 = tpu.memref_slice %arg8[%dma_start3A_503, %dma_start3A_505, %dma_start3A_506] : memref<4x64x128xf32, #tpu.memory_space<vmem>> -> memref<1x64x128xf32, #tpu.memory_space<vmem>>
      %dma_start3A_508 = tpu.memref_squeeze %dma_start3A_507 : memref<1x64x128xf32, #tpu.memory_space<vmem>> -> memref<64x128xf32, #tpu.memory_space<vmem>>
      %dma_start3A_509 = arith.constant 0 : i32
      %dma_start3A_510 = tpu.memref_slice %arg4[%add3A_477, %dma_start3A_509, %mul3A_2] : memref<200x64x4096xf32, #tpu.memory_space<hbm>> -> memref<1x64x128xf32, #tpu.memory_space<hbm>>
      %dma_start3A_511 = tpu.memref_squeeze %dma_start3A_510 : memref<1x64x128xf32, #tpu.memory_space<hbm>> -> memref<64x128xf32, #tpu.memory_space<hbm>>
      %dma_start3A_512 = tpu.memref_slice %arg10[%dma_start3A_504] : memref<4x!tpu.dma_semaphore, #tpu.memory_space<semaphore_mem>> -> memref<1x!tpu.dma_semaphore, #tpu.memory_space<semaphore_mem>>
      %dma_start3A_513 = tpu.memref_squeeze %dma_start3A_512 : memref<1x!tpu.dma_semaphore, #tpu.memory_space<semaphore_mem>> -> memref<!tpu.dma_semaphore, #tpu.memory_space<semaphore_mem>>
      %dma_start3A_514 = arith.constant 0 : i32
      %dma_start3A_515 = tpu.memref_slice %arg4[%add3A_477, %dma_start3A_514, %mul3A_2] : memref<200x64x4096xf32, #tpu.memory_space<hbm>> -> memref<1x64x128xf32, #tpu.memory_space<hbm>>
      %dma_start3A_516 = tpu.memref_squeeze %dma_start3A_515 : memref<1x64x128xf32, #tpu.memory_space<hbm>> -> memref<64x128xf32, #tpu.memory_space<hbm>>
      %dma_start3A_517 = arith.constant 0 : i32
      %dma_start3A_518 = arith.constant 0 : i32
      %dma_start3A_519 = tpu.memref_slice %arg8[%dma_start3A_503, %dma_start3A_517, %dma_start3A_518] : memref<4x64x128xf32, #tpu.memory_space<vmem>> -> memref<1x64x128xf32, #tpu.memory_space<vmem>>
      %dma_start3A_520 = tpu.memref_squeeze %dma_start3A_519 : memref<1x64x128xf32, #tpu.memory_space<vmem>> -> memref<64x128xf32, #tpu.memory_space<vmem>>
      tpu.enqueue_dma source(%dma_start3A_520 : memref<64x128xf32, #tpu.memory_space<vmem>>) target(%dma_start3A_516 : memref<64x128xf32, #tpu.memory_space<hbm>>) target_semaphore(%dma_start3A_513 : memref<!tpu.dma_semaphore, #tpu.memory_space<semaphore_mem>>)
      %mul3A_521 = arith.constant 4 : i32
      %mul3A_522 = arith.muli %scan3A_383, %mul3A_521 : i32
      %add3A_523 = arith.constant 3 : i32
      %add3A_524 = arith.addi %mul3A_522, %add3A_523 : i32
      %add3A_525 = arith.constant 2 : i32
      %add3A_526 = arith.addi %add3A_524, %add3A_525 : i32
      %lt3A_527 = arith.constant 200 : i32
      %lt3A_528 = arith.cmpi slt, %add3A_526, %lt3A_527 : i32
      %convert_element_type3A_529 = arith.extui %lt3A_528 : i1 to i32
      %cond3A_530 = arith.constant 0 : i32
      %cond3A_531 = arith.cmpi ne, %convert_element_type3A_529, %cond3A_530 : i32
      scf.if %cond3A_531 {
        %ge3A = arith.constant 4 : i32
        %ge3A_568 = arith.cmpi sge, %add3A_526, %ge3A : i32
        %convert_element_type3A_569 = arith.extui %ge3A_568 : i1 to i32
        %cond3A_570 = arith.constant 0 : i32
        %cond3A_571 = arith.cmpi ne, %convert_element_type3A_569, %cond3A_570 : i32
        scf.if %cond3A_571 {
          %sub3A = arith.constant 4 : i32
          %sub3A_676 = arith.subi %add3A_526, %sub3A : i32
          %dma_wait3A_677 = arith.constant 1 : i32
          %dma_wait3A_678 = arith.constant 1 : i32
          %dma_wait3A_679 = arith.constant 0 : i32
          %dma_wait3A_680 = arith.constant 0 : i32
          %dma_wait3A_681 = tpu.memref_slice %arg8[%dma_wait3A_677, %dma_wait3A_679, %dma_wait3A_680] : memref<4x64x128xf32, #tpu.memory_space<vmem>> -> memref<1x64x128xf32, #tpu.memory_space<vmem>>
          %dma_wait3A_682 = tpu.memref_squeeze %dma_wait3A_681 : memref<1x64x128xf32, #tpu.memory_space<vmem>> -> memref<64x128xf32, #tpu.memory_space<vmem>>
          %dma_wait3A_683 = arith.constant 0 : i32
          %dma_wait3A_684 = tpu.memref_slice %arg4[%sub3A_676, %dma_wait3A_683, %mul3A_2] : memref<200x64x4096xf32, #tpu.memory_space<hbm>> -> memref<1x64x128xf32, #tpu.memory_space<hbm>>
          %dma_wait3A_685 = tpu.memref_squeeze %dma_wait3A_684 : memref<1x64x128xf32, #tpu.memory_space<hbm>> -> memref<64x128xf32, #tpu.memory_space<hbm>>
          %dma_wait3A_686 = tpu.memref_slice %arg10[%dma_wait3A_678] : memref<4x!tpu.dma_semaphore, #tpu.memory_space<semaphore_mem>> -> memref<1x!tpu.dma_semaphore, #tpu.memory_space<semaphore_mem>>
          %dma_wait3A_687 = tpu.memref_squeeze %dma_wait3A_686 : memref<1x!tpu.dma_semaphore, #tpu.memory_space<semaphore_mem>> -> memref<!tpu.dma_semaphore, #tpu.memory_space<semaphore_mem>>
          %dma_wait3A_688 = arith.constant 0 : i32
          %dma_wait3A_689 = tpu.memref_slice %arg4[%sub3A_676, %dma_wait3A_688, %mul3A_2] : memref<200x64x4096xf32, #tpu.memory_space<hbm>> -> memref<1x64x128xf32, #tpu.memory_space<hbm>>
          %dma_wait3A_690 = tpu.memref_squeeze %dma_wait3A_689 : memref<1x64x128xf32, #tpu.memory_space<hbm>> -> memref<64x128xf32, #tpu.memory_space<hbm>>
          %dma_wait3A_691 = arith.constant 0 : i32
          %dma_wait3A_692 = arith.constant 0 : i32
          %dma_wait3A_693 = tpu.memref_slice %arg8[%dma_wait3A_677, %dma_wait3A_691, %dma_wait3A_692] : memref<4x64x128xf32, #tpu.memory_space<vmem>> -> memref<1x64x128xf32, #tpu.memory_space<vmem>>
          %dma_wait3A_694 = tpu.memref_squeeze %dma_wait3A_693 : memref<1x64x128xf32, #tpu.memory_space<vmem>> -> memref<64x128xf32, #tpu.memory_space<vmem>>
          tpu.wait_dma2 semaphore(%dma_wait3A_687 : memref<!tpu.dma_semaphore, #tpu.memory_space<semaphore_mem>>) src(%dma_wait3A_694 : memref<64x128xf32, #tpu.memory_space<vmem>>) dst(%dma_wait3A_690 : memref<64x128xf32, #tpu.memory_space<hbm>>)
        } else {
        }
        %run_scoped3A_572 = arith.constant 1 : i32
        "tpu.region"() ({
          %run_scoped3A_676 = tpu.sem_alloc : memref<!tpu.dma_semaphore, #tpu.memory_space<semaphore_mem>>
          %dma_start3A_677 = arith.constant 0 : i32
          %dma_start3A_678 = tpu.memref_slice %arg5[%run_scoped3A_572, %dma_start3A_677] : memref<4x128xi32, #tpu.memory_space<vmem>> -> memref<1x128xi32, #tpu.memory_space<vmem>>
          %dma_start3A_679 = tpu.memref_squeeze %dma_start3A_678 : memref<1x128xi32, #tpu.memory_space<vmem>> -> memref<128xi32, #tpu.memory_space<vmem>>
          %dma_start3A_680 = tpu.memref_slice %arg2[%add3A_526, %mul3A_2] : memref<200x4096xi32, #tpu.memory_space<hbm>> -> memref<1x128xi32, #tpu.memory_space<hbm>>
          %dma_start3A_681 = tpu.memref_squeeze %dma_start3A_680 : memref<1x128xi32, #tpu.memory_space<hbm>> -> memref<128xi32, #tpu.memory_space<hbm>>
          %dma_start3A_682 = arith.constant 0 : i32
          %dma_start3A_683 = tpu.memref_slice %arg5[%run_scoped3A_572, %dma_start3A_682] : memref<4x128xi32, #tpu.memory_space<vmem>> -> memref<1x128xi32, #tpu.memory_space<vmem>>
          %dma_start3A_684 = tpu.memref_squeeze %dma_start3A_683 : memref<1x128xi32, #tpu.memory_space<vmem>> -> memref<128xi32, #tpu.memory_space<vmem>>
          %dma_start3A_685 = tpu.memref_slice %arg2[%add3A_526, %mul3A_2] : memref<200x4096xi32, #tpu.memory_space<hbm>> -> memref<1x128xi32, #tpu.memory_space<hbm>>
          %dma_start3A_686 = tpu.memref_squeeze %dma_start3A_685 : memref<1x128xi32, #tpu.memory_space<hbm>> -> memref<128xi32, #tpu.memory_space<hbm>>
          tpu.enqueue_dma source(%dma_start3A_686 : memref<128xi32, #tpu.memory_space<hbm>>) target(%dma_start3A_684 : memref<128xi32, #tpu.memory_space<vmem>>) target_semaphore(%run_scoped3A_676 : memref<!tpu.dma_semaphore, #tpu.memory_space<semaphore_mem>>)
          %dma_wait3A_687 = arith.constant 0 : i32
          %dma_wait3A_688 = tpu.memref_slice %arg5[%run_scoped3A_572, %dma_wait3A_687] : memref<4x128xi32, #tpu.memory_space<vmem>> -> memref<1x128xi32, #tpu.memory_space<vmem>>
          %dma_wait3A_689 = tpu.memref_squeeze %dma_wait3A_688 : memref<1x128xi32, #tpu.memory_space<vmem>> -> memref<128xi32, #tpu.memory_space<vmem>>
          %dma_wait3A_690 = tpu.memref_slice %arg2[%add3A_526, %mul3A_2] : memref<200x4096xi32, #tpu.memory_space<hbm>> -> memref<1x128xi32, #tpu.memory_space<hbm>>
          %dma_wait3A_691 = tpu.memref_squeeze %dma_wait3A_690 : memref<1x128xi32, #tpu.memory_space<hbm>> -> memref<128xi32, #tpu.memory_space<hbm>>
          %dma_wait3A_692 = arith.constant 0 : i32
          %dma_wait3A_693 = tpu.memref_slice %arg5[%run_scoped3A_572, %dma_wait3A_692] : memref<4x128xi32, #tpu.memory_space<vmem>> -> memref<1x128xi32, #tpu.memory_space<vmem>>
          %dma_wait3A_694 = tpu.memref_squeeze %dma_wait3A_693 : memref<1x128xi32, #tpu.memory_space<vmem>> -> memref<128xi32, #tpu.memory_space<vmem>>
          %dma_wait3A_695 = tpu.memref_slice %arg2[%add3A_526, %mul3A_2] : memref<200x4096xi32, #tpu.memory_space<hbm>> -> memref<1x128xi32, #tpu.memory_space<hbm>>
          %dma_wait3A_696 = tpu.memref_squeeze %dma_wait3A_695 : memref<1x128xi32, #tpu.memory_space<hbm>> -> memref<128xi32, #tpu.memory_space<hbm>>
          tpu.wait_dma2 semaphore(%run_scoped3A_676 : memref<!tpu.dma_semaphore, #tpu.memory_space<semaphore_mem>>) src(%dma_wait3A_696 : memref<128xi32, #tpu.memory_space<hbm>>) dst(%dma_wait3A_694 : memref<128xi32, #tpu.memory_space<vmem>>)
          tpu.yield
        }) : () -> ()
        %get3A_573 = arith.constant 1 : i32
        %get3A_574 = arith.index_cast %get3A_573 : i32 to index
        %get3A_575 = arith.constant 0 : index
        %get3A_576 = tpu.vector_load %arg5[%get3A_574, %get3A_575] {strides = array<i32>} : memref<4x128xi32, #tpu.memory_space<vmem>>, vector<16xi32>,
        %shift_right_logical3A_577 = arith.constant 1 : i32
        %shift_right_logical3A_578 = vector.broadcast %shift_right_logical3A_577 : i32 to vector<16xi32>
        %shift_right_logical3A_579 = arith.shrui %get3A_576, %shift_right_logical3A_578 : vector<16xi32>
        %swap3A_580 = arith.constant 1 : i32
        %swap3A_581 = arith.index_cast %swap3A_580 : i32 to index
        %swap3A_582 = arith.constant 0 : index
        %swap3A_583 = tpu.vector_load %arg6[%swap3A_581, %swap3A_582] {strides = array<i32>} : memref<4x128xi32, #tpu.memory_space<vmem>>, vector<16xi32>,
        tpu.vector_store %arg6[%swap3A_581, %swap3A_582], %shift_right_logical3A_579 {strides = array<i32>} : memref<4x128xi32, #tpu.memory_space<vmem>>, vector<16xi32>,
        %get3A_584 = arith.constant 1 : i32
        %get3A_585 = arith.index_cast %get3A_584 : i32 to index
        %get3A_586 = arith.constant 16 : index
        %get3A_587 = tpu.vector_load %arg5[%get3A_585, %get3A_586] {strides = array<i32>} : memref<4x128xi32, #tpu.memory_space<vmem>>, vector<16xi32>,
        %shift_right_logical3A_588 = arith.constant 1 : i32
        %shift_right_logical3A_589 = vector.broadcast %shift_right_logical3A_588 : i32 to vector<16xi32>
        %shift_right_logical3A_590 = arith.shrui %get3A_587, %shift_right_logical3A_589 : vector<16xi32>
        %swap3A_591 = arith.constant 1 : i32
        %swap3A_592 = arith.index_cast %swap3A_591 : i32 to index
        %swap3A_593 = arith.constant 16 : index
        %swap3A_594 = tpu.vector_load %arg6[%swap3A_592, %swap3A_593] {strides = array<i32>} : memref<4x128xi32, #tpu.memory_space<vmem>>, vector<16xi32>,
        tpu.vector_store %arg6[%swap3A_592, %swap3A_593], %shift_right_logical3A_590 {strides = array<i32>} : memref<4x128xi32, #tpu.memory_space<vmem>>, vector<16xi32>,
        %get3A_595 = arith.constant 1 : i32
        %get3A_596 = arith.index_cast %get3A_595 : i32 to index
        %get3A_597 = arith.constant 32 : index
        %get3A_598 = tpu.vector_load %arg5[%get3A_596, %get3A_597] {strides = array<i32>} : memref<4x128xi32, #tpu.memory_space<vmem>>, vector<16xi32>,
        %shift_right_logical3A_599 = arith.constant 1 : i32
        %shift_right_logical3A_600 = vector.broadcast %shift_right_logical3A_599 : i32 to vector<16xi32>
        %shift_right_logical3A_601 = arith.shrui %get3A_598, %shift_right_logical3A_600 : vector<16xi32>
        %swap3A_602 = arith.constant 1 : i32
        %swap3A_603 = arith.index_cast %swap3A_602 : i32 to index
        %swap3A_604 = arith.constant 32 : index
        %swap3A_605 = tpu.vector_load %arg6[%swap3A_603, %swap3A_604] {strides = array<i32>} : memref<4x128xi32, #tpu.memory_space<vmem>>, vector<16xi32>,
        tpu.vector_store %arg6[%swap3A_603, %swap3A_604], %shift_right_logical3A_601 {strides = array<i32>} : memref<4x128xi32, #tpu.memory_space<vmem>>, vector<16xi32>,
        %get3A_606 = arith.constant 1 : i32
        %get3A_607 = arith.index_cast %get3A_606 : i32 to index
        %get3A_608 = arith.constant 48 : index
        %get3A_609 = tpu.vector_load %arg5[%get3A_607, %get3A_608] {strides = array<i32>} : memref<4x128xi32, #tpu.memory_space<vmem>>, vector<16xi32>,
        %shift_right_logical3A_610 = arith.constant 1 : i32
        %shift_right_logical3A_611 = vector.broadcast %shift_right_logical3A_610 : i32 to vector<16xi32>
        %shift_right_logical3A_612 = arith.shrui %get3A_609, %shift_right_logical3A_611 : vector<16xi32>
        %swap3A_613 = arith.constant 1 : i32
        %swap3A_614 = arith.index_cast %swap3A_613 : i32 to index
        %swap3A_615 = arith.constant 48 : index
        %swap3A_616 = tpu.vector_load %arg6[%swap3A_614, %swap3A_615] {strides = array<i32>} : memref<4x128xi32, #tpu.memory_space<vmem>>, vector<16xi32>,
        tpu.vector_store %arg6[%swap3A_614, %swap3A_615], %shift_right_logical3A_612 {strides = array<i32>} : memref<4x128xi32, #tpu.memory_space<vmem>>, vector<16xi32>,
        %get3A_617 = arith.constant 1 : i32
        %get3A_618 = arith.index_cast %get3A_617 : i32 to index
        %get3A_619 = arith.constant 64 : index
        %get3A_620 = tpu.vector_load %arg5[%get3A_618, %get3A_619] {strides = array<i32>} : memref<4x128xi32, #tpu.memory_space<vmem>>, vector<16xi32>,
        %shift_right_logical3A_621 = arith.constant 1 : i32
        %shift_right_logical3A_622 = vector.broadcast %shift_right_logical3A_621 : i32 to vector<16xi32>
        %shift_right_logical3A_623 = arith.shrui %get3A_620, %shift_right_logical3A_622 : vector<16xi32>
        %swap3A_624 = arith.constant 1 : i32
        %swap3A_625 = arith.index_cast %swap3A_624 : i32 to index
        %swap3A_626 = arith.constant 64 : index
        %swap3A_627 = tpu.vector_load %arg6[%swap3A_625, %swap3A_626] {strides = array<i32>} : memref<4x128xi32, #tpu.memory_space<vmem>>, vector<16xi32>,
        tpu.vector_store %arg6[%swap3A_625, %swap3A_626], %shift_right_logical3A_623 {strides = array<i32>} : memref<4x128xi32, #tpu.memory_space<vmem>>, vector<16xi32>,
        %get3A_628 = arith.constant 1 : i32
        %get3A_629 = arith.index_cast %get3A_628 : i32 to index
        %get3A_630 = arith.constant 80 : index
        %get3A_631 = tpu.vector_load %arg5[%get3A_629, %get3A_630] {strides = array<i32>} : memref<4x128xi32, #tpu.memory_space<vmem>>, vector<16xi32>,
        %shift_right_logical3A_632 = arith.constant 1 : i32
        %shift_right_logical3A_633 = vector.broadcast %shift_right_logical3A_632 : i32 to vector<16xi32>
        %shift_right_logical3A_634 = arith.shrui %get3A_631, %shift_right_logical3A_633 : vector<16xi32>
        %swap3A_635 = arith.constant 1 : i32
        %swap3A_636 = arith.index_cast %swap3A_635 : i32 to index
        %swap3A_637 = arith.constant 80 : index
        %swap3A_638 = tpu.vector_load %arg6[%swap3A_636, %swap3A_637] {strides = array<i32>} : memref<4x128xi32, #tpu.memory_space<vmem>>, vector<16xi32>,
        tpu.vector_store %arg6[%swap3A_636, %swap3A_637], %shift_right_logical3A_634 {strides = array<i32>} : memref<4x128xi32, #tpu.memory_space<vmem>>, vector<16xi32>,
        %get3A_639 = arith.constant 1 : i32
        %get3A_640 = arith.index_cast %get3A_639 : i32 to index
        %get3A_641 = arith.constant 96 : index
        %get3A_642 = tpu.vector_load %arg5[%get3A_640, %get3A_641] {strides = array<i32>} : memref<4x128xi32, #tpu.memory_space<vmem>>, vector<16xi32>,
        %shift_right_logical3A_643 = arith.constant 1 : i32
        %shift_right_logical3A_644 = vector.broadcast %shift_right_logical3A_643 : i32 to vector<16xi32>
        %shift_right_logical3A_645 = arith.shrui %get3A_642, %shift_right_logical3A_644 : vector<16xi32>
        %swap3A_646 = arith.constant 1 : i32
        %swap3A_647 = arith.index_cast %swap3A_646 : i32 to index
        %swap3A_648 = arith.constant 96 : index
        %swap3A_649 = tpu.vector_load %arg6[%swap3A_647, %swap3A_648] {strides = array<i32>} : memref<4x128xi32, #tpu.memory_space<vmem>>, vector<16xi32>,
        tpu.vector_store %arg6[%swap3A_647, %swap3A_648], %shift_right_logical3A_645 {strides = array<i32>} : memref<4x128xi32, #tpu.memory_space<vmem>>, vector<16xi32>,
        %get3A_650 = arith.constant 1 : i32
        %get3A_651 = arith.index_cast %get3A_650 : i32 to index
        %get3A_652 = arith.constant 112 : index
        %get3A_653 = tpu.vector_load %arg5[%get3A_651, %get3A_652] {strides = array<i32>} : memref<4x128xi32, #tpu.memory_space<vmem>>, vector<16xi32>,
        %shift_right_logical3A_654 = arith.constant 1 : i32
        %shift_right_logical3A_655 = vector.broadcast %shift_right_logical3A_654 : i32 to vector<16xi32>
        %shift_right_logical3A_656 = arith.shrui %get3A_653, %shift_right_logical3A_655 : vector<16xi32>
        %swap3A_657 = arith.constant 1 : i32
        %swap3A_658 = arith.index_cast %swap3A_657 : i32 to index
        %swap3A_659 = arith.constant 112 : index
        %swap3A_660 = tpu.vector_load %arg6[%swap3A_658, %swap3A_659] {strides = array<i32>} : memref<4x128xi32, #tpu.memory_space<vmem>>, vector<16xi32>,
        tpu.vector_store %arg6[%swap3A_658, %swap3A_659], %shift_right_logical3A_656 {strides = array<i32>} : memref<4x128xi32, #tpu.memory_space<vmem>>, vector<16xi32>,
        %dma_start3A_661 = arith.constant 1 : i32
        %dma_start3A_662 = arith.constant 1 : i32
        %dma_start3A_663 = arith.constant 1 : i32
        %dma_start3A_664 = arith.constant 0 : i32
        %dma_start3A_665 = arith.constant 0 : i32
        %dma_start3A_666 = tpu.memref_slice %arg7[%dma_start3A_662, %dma_start3A_664, %dma_start3A_665] : memref<4x128x128xf32, #tpu.memory_space<vmem>> -> memref<1x128x128xf32, #tpu.memory_space<vmem>>
        %dma_start3A_667 = tpu.memref_squeeze %dma_start3A_666 : memref<1x128x128xf32, #tpu.memory_space<vmem>> -> memref<128x128xf32, #tpu.memory_space<vmem>>
        %dma_start3A_668 = arith.constant 0 : i32
        %dma_start3A_669 = tpu.memref_slice %arg6[%dma_start3A_661, %dma_start3A_668] : memref<4x128xi32, #tpu.memory_space<vmem>> -> memref<1x128xi32, #tpu.memory_space<vmem>>
        %dma_start3A_670 = tpu.memref_squeeze %dma_start3A_669 : memref<1x128xi32, #tpu.memory_space<vmem>> -> memref<128xi32, #tpu.memory_space<vmem>>
        %dma_start3A_671 = arith.constant 0 : i32
        %dma_start3A_672 = arith.constant 0 : i32
        %dma_start3A_673 = tpu.memref_slice %arg3[%dma_start3A_671, %dma_start3A_672] : memref<500000x128xf32, #tpu.memory_space<hbm>> -> memref<500000x128xf32, #tpu.memory_space<hbm>>
        %dma_start3A_674 = tpu.memref_slice %arg9[%dma_start3A_663] : memref<4x!tpu.dma_semaphore, #tpu.memory_space<semaphore_mem>> -> memref<1x!tpu.dma_semaphore, #tpu.memory_space<semaphore_mem>>
        %dma_start3A_675 = tpu.memref_squeeze %dma_start3A_674 : memref<1x!tpu.dma_semaphore, #tpu.memory_space<semaphore_mem>> -> memref<!tpu.dma_semaphore, #tpu.memory_space<semaphore_mem>>
        tpu.enqueue_indirect_dma source(%dma_start3A_673 : memref<500000x128xf32, #tpu.memory_space<hbm>>) target(%dma_start3A_667 : memref<128x128xf32, #tpu.memory_space<vmem>>) offsets(%dma_start3A_670 : memref<128xi32, #tpu.memory_space<vmem>>) semaphore(%dma_start3A_675 : memref<!tpu.dma_semaphore, #tpu.memory_space<semaphore_mem>>)
      } else {
      }
      %dma_wait3A_532 = arith.constant 3 : i32
      %dma_wait3A_533 = arith.constant 3 : i32
      %dma_wait3A_534 = arith.constant 3 : i32
      %dma_wait3A_535 = arith.constant 0 : i32
      %dma_wait3A_536 = arith.constant 0 : i32
      %dma_wait3A_537 = tpu.memref_slice %arg7[%dma_wait3A_533, %dma_wait3A_535, %dma_wait3A_536] : memref<4x128x128xf32, #tpu.memory_space<vmem>> -> memref<1x128x128xf32, #tpu.memory_space<vmem>>
      %dma_wait3A_538 = tpu.memref_squeeze %dma_wait3A_537 : memref<1x128x128xf32, #tpu.memory_space<vmem>> -> memref<128x128xf32, #tpu.memory_space<vmem>>
      %dma_wait3A_539 = arith.constant 0 : i32
      %dma_wait3A_540 = tpu.memref_slice %arg6[%dma_wait3A_532, %dma_wait3A_539] : memref<4x128xi32, #tpu.memory_space<vmem>> -> memref<1x128xi32, #tpu.memory_space<vmem>>
      %dma_wait3A_541 = tpu.memref_squeeze %dma_wait3A_540 : memref<1x128xi32, #tpu.memory_space<vmem>> -> memref<128xi32, #tpu.memory_space<vmem>>
      %dma_wait3A_542 = arith.constant 0 : i32
      %dma_wait3A_543 = arith.constant 0 : i32
      %dma_wait3A_544 = tpu.memref_slice %arg3[%dma_wait3A_542, %dma_wait3A_543] : memref<500000x128xf32, #tpu.memory_space<hbm>> -> memref<500000x128xf32, #tpu.memory_space<hbm>>
      %dma_wait3A_545 = tpu.memref_slice %arg9[%dma_wait3A_534] : memref<4x!tpu.dma_semaphore, #tpu.memory_space<semaphore_mem>> -> memref<1x!tpu.dma_semaphore, #tpu.memory_space<semaphore_mem>>
      %dma_wait3A_546 = tpu.memref_squeeze %dma_wait3A_545 : memref<1x!tpu.dma_semaphore, #tpu.memory_space<semaphore_mem>> -> memref<!tpu.dma_semaphore, #tpu.memory_space<semaphore_mem>>
      tpu.wait_indirect_dma semaphore(%dma_wait3A_546 : memref<!tpu.dma_semaphore, #tpu.memory_space<semaphore_mem>>) src(%dma_wait3A_544 : memref<500000x128xf32, #tpu.memory_space<hbm>>) dst(%dma_wait3A_538 : memref<128x128xf32, #tpu.memory_space<vmem>>)
      %parallel_loop3A_547 = arith.constant 0 : i32
      %parallel_loop3A_548 = arith.constant 512 : i32
      %parallel_loop3A_549 = arith.constant 1 : i32
      scf.for %parallel_loop3A_568 = %parallel_loop3A_547 to %parallel_loop3A_548 step %parallel_loop3A_549  : i32 {
        %parallel_loop3A_569 = arith.constant 6 : i32
        %parallel_loop3A_570 = arith.shrsi %parallel_loop3A_568, %parallel_loop3A_569 : i32
        %parallel_loop3A_571 = arith.constant 4 : i32
        %parallel_loop3A_572 = arith.shrsi %parallel_loop3A_568, %parallel_loop3A_571 : i32
        %parallel_loop3A_573 = arith.constant 3 : i32
        %parallel_loop3A_574 = arith.andi %parallel_loop3A_572, %parallel_loop3A_573 : i32
        %parallel_loop3A_575 = arith.constant 15 : i32
        %parallel_loop3A_576 = arith.andi %parallel_loop3A_568, %parallel_loop3A_575 : i32
        %parallel_loop3A_577 = arith.constant 16 : i32
        %parallel_loop3A_578 = arith.muli %parallel_loop3A_570, %parallel_loop3A_577 : i32
        %parallel_loop3A_579 = arith.constant 3 : i32
        %parallel_loop3A_580 = arith.index_cast %parallel_loop3A_579 : i32 to index
        %parallel_loop3A_581 = arith.index_cast %parallel_loop3A_578 : i32 to index
        %parallel_loop3A_582 = tpu.vector_load %arg5[%parallel_loop3A_580, %parallel_loop3A_581] {strides = array<i32>} : memref<4x128xi32, #tpu.memory_space<vmem>>, vector<16xi32>,
        %parallel_loop3A_583 = arith.constant 1 : i32
        %parallel_loop3A_584 = vector.broadcast %parallel_loop3A_583 : i32 to vector<16xi32>
        %parallel_loop3A_585 = arith.andi %parallel_loop3A_582, %parallel_loop3A_584 : vector<16xi32>
        %parallel_loop3A_586 = arith.constant 64 : i32
        %parallel_loop3A_587 = vector.broadcast %parallel_loop3A_586 : i32 to vector<16xi32>
        %parallel_loop3A_588 = arith.muli %parallel_loop3A_585, %parallel_loop3A_587 : vector<16xi32>
        %parallel_loop3A_589 = arith.constant 16 : i32
        %parallel_loop3A_590 = arith.muli %parallel_loop3A_570, %parallel_loop3A_589 : i32
        %parallel_loop3A_591 = vector.broadcast %parallel_loop3A_590 : i32 to vector<16xi32>
        %parallel_loop3A_592 = arith.addi %iota3A, %parallel_loop3A_591 : vector<16xi32>
        %parallel_loop3A_593 = vector.broadcast %parallel_loop3A_576 : i32 to vector<16xi32>
        %parallel_loop3A_594 = arith.addi %iota3A, %parallel_loop3A_593 : vector<16xi32>
        %parallel_loop3A_595 = arith.constant 15 : i32
        %parallel_loop3A_596 = vector.broadcast %parallel_loop3A_595 : i32 to vector<16xi32>
        %parallel_loop3A_597 = arith.andi %parallel_loop3A_594, %parallel_loop3A_596 : vector<16xi32>
        %parallel_loop3A_598 = arith.constant 16 : i32
        %parallel_loop3A_599 = arith.muli %parallel_loop3A_574, %parallel_loop3A_598 : i32
        %parallel_loop3A_600 = vector.broadcast %parallel_loop3A_599 : i32 to vector<16xi32>
        %parallel_loop3A_601 = arith.addi %parallel_loop3A_597, %parallel_loop3A_600 : vector<16xi32>
        %parallel_loop3A_602 = arith.addi %parallel_loop3A_601, %parallel_loop3A_588 : vector<16xi32>
        %parallel_loop3A_603 = arith.constant 3 : i32
        %parallel_loop3A_604 = arith.constant 0 : i32
        %parallel_loop3A_605 = arith.constant 0 : i32
        %parallel_loop3A_606 = tpu.memref_slice %arg7[%parallel_loop3A_603, %parallel_loop3A_604, %parallel_loop3A_605] : memref<4x128x128xf32, #tpu.memory_space<vmem>> -> memref<1x128x128xf32, #tpu.memory_space<vmem>>
        %parallel_loop3A_607 = tpu.memref_squeeze %parallel_loop3A_606 : memref<1x128x128xf32, #tpu.memory_space<vmem>> -> memref<128x128xf32, #tpu.memory_space<vmem>>
        %parallel_loop3A_608 = tpu.vector_load_idx %parallel_loop3A_607[%parallel_loop3A_592, %parallel_loop3A_602] : memref<128x128xf32, #tpu.memory_space<vmem>>[vector<16xi32>, vector<16xi32>], vector<16xf32>,
        %parallel_loop3A_609 = arith.constant 8.000000e+00 : f32
        %parallel_loop3A_610 = vector.broadcast %parallel_loop3A_609 : f32 to vector<16xf32>
        %parallel_loop3A_611 = arith.mulf %parallel_loop3A_608, %parallel_loop3A_610 : vector<16xf32>
        %parallel_loop3A_612 = arith.constant 3 : i32
        %parallel_loop3A_613 = arith.constant 0 : i32
        %parallel_loop3A_614 = arith.constant 0 : i32
        %parallel_loop3A_615 = tpu.memref_slice %arg8[%parallel_loop3A_612, %parallel_loop3A_613, %parallel_loop3A_614] : memref<4x64x128xf32, #tpu.memory_space<vmem>> -> memref<1x64x128xf32, #tpu.memory_space<vmem>>
        %parallel_loop3A_616 = tpu.memref_squeeze %parallel_loop3A_615 : memref<1x64x128xf32, #tpu.memory_space<vmem>> -> memref<64x128xf32, #tpu.memory_space<vmem>>
        tpu.vector_store_idx %parallel_loop3A_616[%parallel_loop3A_601, %parallel_loop3A_592], %parallel_loop3A_611 : memref<64x128xf32, #tpu.memory_space<vmem>>[vector<16xi32>, vector<16xi32>], vector<16xf32>,
      } {sc.loop_unroll_factor = 4 : i64, sc.parallel_access}
      %dma_start3A_550 = arith.constant 3 : i32
      %dma_start3A_551 = arith.constant 3 : i32
      %dma_start3A_552 = arith.constant 0 : i32
      %dma_start3A_553 = arith.constant 0 : i32
      %dma_start3A_554 = tpu.memref_slice %arg8[%dma_start3A_550, %dma_start3A_552, %dma_start3A_553] : memref<4x64x128xf32, #tpu.memory_space<vmem>> -> memref<1x64x128xf32, #tpu.memory_space<vmem>>
      %dma_start3A_555 = tpu.memref_squeeze %dma_start3A_554 : memref<1x64x128xf32, #tpu.memory_space<vmem>> -> memref<64x128xf32, #tpu.memory_space<vmem>>
      %dma_start3A_556 = arith.constant 0 : i32
      %dma_start3A_557 = tpu.memref_slice %arg4[%add3A_524, %dma_start3A_556, %mul3A_2] : memref<200x64x4096xf32, #tpu.memory_space<hbm>> -> memref<1x64x128xf32, #tpu.memory_space<hbm>>
      %dma_start3A_558 = tpu.memref_squeeze %dma_start3A_557 : memref<1x64x128xf32, #tpu.memory_space<hbm>> -> memref<64x128xf32, #tpu.memory_space<hbm>>
      %dma_start3A_559 = tpu.memref_slice %arg10[%dma_start3A_551] : memref<4x!tpu.dma_semaphore, #tpu.memory_space<semaphore_mem>> -> memref<1x!tpu.dma_semaphore, #tpu.memory_space<semaphore_mem>>
      %dma_start3A_560 = tpu.memref_squeeze %dma_start3A_559 : memref<1x!tpu.dma_semaphore, #tpu.memory_space<semaphore_mem>> -> memref<!tpu.dma_semaphore, #tpu.memory_space<semaphore_mem>>
      %dma_start3A_561 = arith.constant 0 : i32
      %dma_start3A_562 = tpu.memref_slice %arg4[%add3A_524, %dma_start3A_561, %mul3A_2] : memref<200x64x4096xf32, #tpu.memory_space<hbm>> -> memref<1x64x128xf32, #tpu.memory_space<hbm>>
      %dma_start3A_563 = tpu.memref_squeeze %dma_start3A_562 : memref<1x64x128xf32, #tpu.memory_space<hbm>> -> memref<64x128xf32, #tpu.memory_space<hbm>>
      %dma_start3A_564 = arith.constant 0 : i32
      %dma_start3A_565 = arith.constant 0 : i32
      %dma_start3A_566 = tpu.memref_slice %arg8[%dma_start3A_550, %dma_start3A_564, %dma_start3A_565] : memref<4x64x128xf32, #tpu.memory_space<vmem>> -> memref<1x64x128xf32, #tpu.memory_space<vmem>>
      %dma_start3A_567 = tpu.memref_squeeze %dma_start3A_566 : memref<1x64x128xf32, #tpu.memory_space<vmem>> -> memref<64x128xf32, #tpu.memory_space<vmem>>
      tpu.enqueue_dma source(%dma_start3A_567 : memref<64x128xf32, #tpu.memory_space<vmem>>) target(%dma_start3A_563 : memref<64x128xf32, #tpu.memory_space<hbm>>) target_semaphore(%dma_start3A_560 : memref<!tpu.dma_semaphore, #tpu.memory_space<semaphore_mem>>)
    }
    %scan3A_307 = arith.constant 50 : i32
    %dma_wait3A = arith.constant 0 : i32
    %dma_wait3A_308 = arith.constant 196 : i32
    %dma_wait3A_309 = arith.constant 0 : i32
    %dma_wait3A_310 = arith.constant 0 : i32
    %dma_wait3A_311 = arith.constant 0 : i32
    %dma_wait3A_312 = tpu.memref_slice %arg8[%dma_wait3A, %dma_wait3A_310, %dma_wait3A_311] : memref<4x64x128xf32, #tpu.memory_space<vmem>> -> memref<1x64x128xf32, #tpu.memory_space<vmem>>
    %dma_wait3A_313 = tpu.memref_squeeze %dma_wait3A_312 : memref<1x64x128xf32, #tpu.memory_space<vmem>> -> memref<64x128xf32, #tpu.memory_space<vmem>>
    %dma_wait3A_314 = arith.constant 0 : i32
    %dma_wait3A_315 = tpu.memref_slice %arg4[%dma_wait3A_308, %dma_wait3A_314, %mul3A_2] : memref<200x64x4096xf32, #tpu.memory_space<hbm>> -> memref<1x64x128xf32, #tpu.memory_space<hbm>>
    %dma_wait3A_316 = tpu.memref_squeeze %dma_wait3A_315 : memref<1x64x128xf32, #tpu.memory_space<hbm>> -> memref<64x128xf32, #tpu.memory_space<hbm>>
    %dma_wait3A_317 = tpu.memref_slice %arg10[%dma_wait3A_309] : memref<4x!tpu.dma_semaphore, #tpu.memory_space<semaphore_mem>> -> memref<1x!tpu.dma_semaphore, #tpu.memory_space<semaphore_mem>>
    %dma_wait3A_318 = tpu.memref_squeeze %dma_wait3A_317 : memref<1x!tpu.dma_semaphore, #tpu.memory_space<semaphore_mem>> -> memref<!tpu.dma_semaphore, #tpu.memory_space<semaphore_mem>>
    %dma_wait3A_319 = arith.constant 0 : i32
    %dma_wait3A_320 = tpu.memref_slice %arg4[%dma_wait3A_308, %dma_wait3A_319, %mul3A_2] : memref<200x64x4096xf32, #tpu.memory_space<hbm>> -> memref<1x64x128xf32, #tpu.memory_space<hbm>>
    %dma_wait3A_321 = tpu.memref_squeeze %dma_wait3A_320 : memref<1x64x128xf32, #tpu.memory_space<hbm>> -> memref<64x128xf32, #tpu.memory_space<hbm>>
    %dma_wait3A_322 = arith.constant 0 : i32
    %dma_wait3A_323 = arith.constant 0 : i32
    %dma_wait3A_324 = tpu.memref_slice %arg8[%dma_wait3A, %dma_wait3A_322, %dma_wait3A_323] : memref<4x64x128xf32, #tpu.memory_space<vmem>> -> memref<1x64x128xf32, #tpu.memory_space<vmem>>
    %dma_wait3A_325 = tpu.memref_squeeze %dma_wait3A_324 : memref<1x64x128xf32, #tpu.memory_space<vmem>> -> memref<64x128xf32, #tpu.memory_space<vmem>>
    tpu.wait_dma2 semaphore(%dma_wait3A_318 : memref<!tpu.dma_semaphore, #tpu.memory_space<semaphore_mem>>) src(%dma_wait3A_325 : memref<64x128xf32, #tpu.memory_space<vmem>>) dst(%dma_wait3A_321 : memref<64x128xf32, #tpu.memory_space<hbm>>)
    %dma_wait3A_326 = arith.constant 1 : i32
    %dma_wait3A_327 = arith.constant 197 : i32
    %dma_wait3A_328 = arith.constant 1 : i32
    %dma_wait3A_329 = arith.constant 0 : i32
    %dma_wait3A_330 = arith.constant 0 : i32
    %dma_wait3A_331 = tpu.memref_slice %arg8[%dma_wait3A_326, %dma_wait3A_329, %dma_wait3A_330] : memref<4x64x128xf32, #tpu.memory_space<vmem>> -> memref<1x64x128xf32, #tpu.memory_space<vmem>>
    %dma_wait3A_332 = tpu.memref_squeeze %dma_wait3A_331 : memref<1x64x128xf32, #tpu.memory_space<vmem>> -> memref<64x128xf32, #tpu.memory_space<vmem>>
    %dma_wait3A_333 = arith.constant 0 : i32
    %dma_wait3A_334 = tpu.memref_slice %arg4[%dma_wait3A_327, %dma_wait3A_333, %mul3A_2] : memref<200x64x4096xf32, #tpu.memory_space<hbm>> -> memref<1x64x128xf32, #tpu.memory_space<hbm>>
    %dma_wait3A_335 = tpu.memref_squeeze %dma_wait3A_334 : memref<1x64x128xf32, #tpu.memory_space<hbm>> -> memref<64x128xf32, #tpu.memory_space<hbm>>
    %dma_wait3A_336 = tpu.memref_slice %arg10[%dma_wait3A_328] : memref<4x!tpu.dma_semaphore, #tpu.memory_space<semaphore_mem>> -> memref<1x!tpu.dma_semaphore, #tpu.memory_space<semaphore_mem>>
    %dma_wait3A_337 = tpu.memref_squeeze %dma_wait3A_336 : memref<1x!tpu.dma_semaphore, #tpu.memory_space<semaphore_mem>> -> memref<!tpu.dma_semaphore, #tpu.memory_space<semaphore_mem>>
    %dma_wait3A_338 = arith.constant 0 : i32
    %dma_wait3A_339 = tpu.memref_slice %arg4[%dma_wait3A_327, %dma_wait3A_338, %mul3A_2] : memref<200x64x4096xf32, #tpu.memory_space<hbm>> -> memref<1x64x128xf32, #tpu.memory_space<hbm>>
    %dma_wait3A_340 = tpu.memref_squeeze %dma_wait3A_339 : memref<1x64x128xf32, #tpu.memory_space<hbm>> -> memref<64x128xf32, #tpu.memory_space<hbm>>
    %dma_wait3A_341 = arith.constant 0 : i32
    %dma_wait3A_342 = arith.constant 0 : i32
    %dma_wait3A_343 = tpu.memref_slice %arg8[%dma_wait3A_326, %dma_wait3A_341, %dma_wait3A_342] : memref<4x64x128xf32, #tpu.memory_space<vmem>> -> memref<1x64x128xf32, #tpu.memory_space<vmem>>
    %dma_wait3A_344 = tpu.memref_squeeze %dma_wait3A_343 : memref<1x64x128xf32, #tpu.memory_space<vmem>> -> memref<64x128xf32, #tpu.memory_space<vmem>>
    tpu.wait_dma2 semaphore(%dma_wait3A_337 : memref<!tpu.dma_semaphore, #tpu.memory_space<semaphore_mem>>) src(%dma_wait3A_344 : memref<64x128xf32, #tpu.memory_space<vmem>>) dst(%dma_wait3A_340 : memref<64x128xf32, #tpu.memory_space<hbm>>)
    %dma_wait3A_345 = arith.constant 2 : i32
    %dma_wait3A_346 = arith.constant 198 : i32
    %dma_wait3A_347 = arith.constant 2 : i32
    %dma_wait3A_348 = arith.constant 0 : i32
    %dma_wait3A_349 = arith.constant 0 : i32
    %dma_wait3A_350 = tpu.memref_slice %arg8[%dma_wait3A_345, %dma_wait3A_348, %dma_wait3A_349] : memref<4x64x128xf32, #tpu.memory_space<vmem>> -> memref<1x64x128xf32, #tpu.memory_space<vmem>>
    %dma_wait3A_351 = tpu.memref_squeeze %dma_wait3A_350 : memref<1x64x128xf32, #tpu.memory_space<vmem>> -> memref<64x128xf32, #tpu.memory_space<vmem>>
    %dma_wait3A_352 = arith.constant 0 : i32
    %dma_wait3A_353 = tpu.memref_slice %arg4[%dma_wait3A_346, %dma_wait3A_352, %mul3A_2] : memref<200x64x4096xf32, #tpu.memory_space<hbm>> -> memref<1x64x128xf32, #tpu.memory_space<hbm>>
    %dma_wait3A_354 = tpu.memref_squeeze %dma_wait3A_353 : memref<1x64x128xf32, #tpu.memory_space<hbm>> -> memref<64x128xf32, #tpu.memory_space<hbm>>
    %dma_wait3A_355 = tpu.memref_slice %arg10[%dma_wait3A_347] : memref<4x!tpu.dma_semaphore, #tpu.memory_space<semaphore_mem>> -> memref<1x!tpu.dma_semaphore, #tpu.memory_space<semaphore_mem>>
    %dma_wait3A_356 = tpu.memref_squeeze %dma_wait3A_355 : memref<1x!tpu.dma_semaphore, #tpu.memory_space<semaphore_mem>> -> memref<!tpu.dma_semaphore, #tpu.memory_space<semaphore_mem>>
    %dma_wait3A_357 = arith.constant 0 : i32
    %dma_wait3A_358 = tpu.memref_slice %arg4[%dma_wait3A_346, %dma_wait3A_357, %mul3A_2] : memref<200x64x4096xf32, #tpu.memory_space<hbm>> -> memref<1x64x128xf32, #tpu.memory_space<hbm>>
    %dma_wait3A_359 = tpu.memref_squeeze %dma_wait3A_358 : memref<1x64x128xf32, #tpu.memory_space<hbm>> -> memref<64x128xf32, #tpu.memory_space<hbm>>
    %dma_wait3A_360 = arith.constant 0 : i32
    %dma_wait3A_361 = arith.constant 0 : i32
    %dma_wait3A_362 = tpu.memref_slice %arg8[%dma_wait3A_345, %dma_wait3A_360, %dma_wait3A_361] : memref<4x64x128xf32, #tpu.memory_space<vmem>> -> memref<1x64x128xf32, #tpu.memory_space<vmem>>
    %dma_wait3A_363 = tpu.memref_squeeze %dma_wait3A_362 : memref<1x64x128xf32, #tpu.memory_space<vmem>> -> memref<64x128xf32, #tpu.memory_space<vmem>>
    tpu.wait_dma2 semaphore(%dma_wait3A_356 : memref<!tpu.dma_semaphore, #tpu.memory_space<semaphore_mem>>) src(%dma_wait3A_363 : memref<64x128xf32, #tpu.memory_space<vmem>>) dst(%dma_wait3A_359 : memref<64x128xf32, #tpu.memory_space<hbm>>)
    %dma_wait3A_364 = arith.constant 3 : i32
    %dma_wait3A_365 = arith.constant 199 : i32
    %dma_wait3A_366 = arith.constant 3 : i32
    %dma_wait3A_367 = arith.constant 0 : i32
    %dma_wait3A_368 = arith.constant 0 : i32
    %dma_wait3A_369 = tpu.memref_slice %arg8[%dma_wait3A_364, %dma_wait3A_367, %dma_wait3A_368] : memref<4x64x128xf32, #tpu.memory_space<vmem>> -> memref<1x64x128xf32, #tpu.memory_space<vmem>>
    %dma_wait3A_370 = tpu.memref_squeeze %dma_wait3A_369 : memref<1x64x128xf32, #tpu.memory_space<vmem>> -> memref<64x128xf32, #tpu.memory_space<vmem>>
    %dma_wait3A_371 = arith.constant 0 : i32
    %dma_wait3A_372 = tpu.memref_slice %arg4[%dma_wait3A_365, %dma_wait3A_371, %mul3A_2] : memref<200x64x4096xf32, #tpu.memory_space<hbm>> -> memref<1x64x128xf32, #tpu.memory_space<hbm>>
    %dma_wait3A_373 = tpu.memref_squeeze %dma_wait3A_372 : memref<1x64x128xf32, #tpu.memory_space<hbm>> -> memref<64x128xf32, #tpu.memory_space<hbm>>
    %dma_wait3A_374 = tpu.memref_slice %arg10[%dma_wait3A_366] : memref<4x!tpu.dma_semaphore, #tpu.memory_space<semaphore_mem>> -> memref<1x!tpu.dma_semaphore, #tpu.memory_space<semaphore_mem>>
    %dma_wait3A_375 = tpu.memref_squeeze %dma_wait3A_374 : memref<1x!tpu.dma_semaphore, #tpu.memory_space<semaphore_mem>> -> memref<!tpu.dma_semaphore, #tpu.memory_space<semaphore_mem>>
    %dma_wait3A_376 = arith.constant 0 : i32
    %dma_wait3A_377 = tpu.memref_slice %arg4[%dma_wait3A_365, %dma_wait3A_376, %mul3A_2] : memref<200x64x4096xf32, #tpu.memory_space<hbm>> -> memref<1x64x128xf32, #tpu.memory_space<hbm>>
    %dma_wait3A_378 = tpu.memref_squeeze %dma_wait3A_377 : memref<1x64x128xf32, #tpu.memory_space<hbm>> -> memref<64x128xf32, #tpu.memory_space<hbm>>
    %dma_wait3A_379 = arith.constant 0 : i32
    %dma_wait3A_380 = arith.constant 0 : i32
    %dma_wait3A_381 = tpu.memref_slice %arg8[%dma_wait3A_364, %dma_wait3A_379, %dma_wait3A_380] : memref<4x64x128xf32, #tpu.memory_space<vmem>> -> memref<1x64x128xf32, #tpu.memory_space<vmem>>
    %dma_wait3A_382 = tpu.memref_squeeze %dma_wait3A_381 : memref<1x64x128xf32, #tpu.memory_space<vmem>> -> memref<64x128xf32, #tpu.memory_space<vmem>>
    tpu.wait_dma2 semaphore(%dma_wait3A_375 : memref<!tpu.dma_semaphore, #tpu.memory_space<semaphore_mem>>) src(%dma_wait3A_382 : memref<64x128xf32, #tpu.memory_space<vmem>>) dst(%dma_wait3A_378 : memref<64x128xf32, #tpu.memory_space<hbm>>)
    return
  }
}

</mosaic_0001>

<sc_bundles>
// kernel: kernel.4.cloned.1.call-start
scs
__scs_entry_jumppad:
0x0: {  	(pc) =	sbr.rel $0x88, $3  }
0x1: {  	(tag) =	ssettag $0x0;
	lr =	simm.s32 $0x1  }
0x2: {  	[smem:$0x3F9F] =	sst lr;
	_ =	strace $0xD0000000  }
0x3: {  	_ = 	snop  }
0x4: {  	_ = 	snop  }
0x5: {  	_ = 	snop  }
0x6: {  	_ = 	snop  }
0x7: {  	_ = 	snop  }
__scs_overlays_trampoline_lowered:
0x8: {  	[smem:$0x3FAE] =	sst s0  }
0x9: {  	[smem:$0x3FAF] =	sst s1  }
0xa: {  	[smem:$0x3FB0] =	sst s2  }
0xb: {  	[smem:$0x3FB1] =	sst s3  }
0xc: {  	[smem:$0x3FB2] =	sst s4  }
0xd: {  	[smem:$0x3FB3] =	sst s5  }
0xe: {  	[smem:$0x3FB4] =	sst s6  }
0xf: {  	[smem:$0x3FB5] =	sst s7  }
0x10: {  	[smem:$0x3FB6] =	sst s8  }
0x11: {  	[smem:$0x3FB7] =	sst s9;
	s0 =	simm.s32 @!p0 $0x0  }
0x12: {  	s1 =	sld [smem:$0x3F9D];
	s0 =	simm.s32 @p0 $0x1  }
0x13: {  	[smem:$0x3FB8] =	sst s0;
	s0 =	simm.s32 @!p1 $0x0  }
0x14: {  	s2 =	sld [smem:$0x3F9C];
	s0 =	simm.s32 @p1 $0x1  }
0x15: {  	[smem:$0x3FB9] =	sst s0;
	s0 =	simm.s32 @!p2 $0x0  }
0x16: {  	s3 =	sld [smem:$0x3FDB];
	s0 =	simm.s32 @p2 $0x1  }
0x17: {  	s4 =	simm.s32 $0x1BF5;
	[smem:$0x3FBB] =	sst s0  }
0x18: {  	s0 =	sld [smem:$0x3F9E];
	_ =	swait.ge [sflag:s4], $0x0  }
0x19: {  	s7 =	sld [smem:$0x3F9F]  }
0x1a: {  	s8 =	sadd.s32 $0xFFFFE003, lr  }
0x1b: {  	s9 =	sadd.s32 $0xFFFFFEF7, lr;
	s5 =	simm.s32 $0xFFFFFFFF;
	p2 =	slt.u32 s8, $0xFFFFF086  }
0x1c: {  	p1 =	slt.u32 s9, $0xF7A;
	s5 =	simm.s32 @!p2 $0x0  }
0x1d: {  	s5 =	simm.s32 @p1 $0x1;
	p0 =	seq.s32 s7, s2  }
0x1e: {  	s7 =	smul.u32 @!p0 $0xF7A, s2;
	p2 =	seq.s32 @!p0 s5, $0x0  }
0x1f: {  	s9 =	smul.u32 $0xF7A, s1;
	s8 =	simm.s32 @!p0 $0x1BF5;
	p2 =	por !p2, p0  }
0x20: {  	[sflag:s8] =	ssyncset.s32 @!p0 $0xFFFFF086;
	s6 =	sadd.s32 @!p0 s3, s7;
	s7 =	simm.s32 @!p0 $0x108  }
0x21: {  	s3 =	sadd.s32 s3, s9;
	s6 =	sadd.s32 @!p0 $0x88, s6;
	s7 =	simm.s32 @p2 $0x1082  }
0x22: {  	[simem:s7], [sflag:s8] =	dma.local @!p0 [hbm:s6], $0xF7A  }
0x23: {  	s9 =	sor.u32 $0xD0000000, s2;
	s6 =	simm.s32 $0x108;
	_ =	swait.ge @!p0 [sflag:s8], $0x0  }
0x24: {  	s3 =	sadd.s32 $0x88, s3;
	s6 =	simm.s32 @!p1 $0x1082;
	[sflag:s4] =	ssyncset.s32 $0xFFFFF086  }
0x25: {  	[simem:s6], [sflag:s4] =	dma.local [hbm:s3], $0xF7A  }
0x26: {  	[smem:$0x3F9F] =	sst s1;
	(tag) =	ssettag s2;
	_ =	strace s9  }
0x27: {  	s1 =	sld [smem:$0x3FAF]  }
0x28: {  	s2 =	sld [smem:$0x3FB0]  }
0x29: {  	s4 =	sld [smem:$0x3FB2]  }
0x2a: {  	p0 =	seq.s32 s5, $0x0;
	s5 =	sld [smem:$0x3FB3]  }
0x2b: {  	s6 =	sld [smem:$0x3FB4]  }
0x2c: {  	s7 =	sld [smem:$0x3FB5]  }
0x2d: {  	s3 =	simm.s32 $0x108;
	s8 =	sld [smem:$0x3FB6]  }
0x2e: {  	s3 =	simm.s32 @!p0 $0x1082;
	s9 =	sld [smem:$0x3FB7]  }
0x2f: {  	lr =	sadd.s32 s0, s3;
	s0 =	sld [smem:$0x3FAE]  }
0x30: {  	s3 =	sld [smem:$0x3FB1]  }
0x31: {  	[smem:$0x3FBA] =	sst s10  }
0x32: {  	s10 =	sld [smem:$0x3FB8];
	_ =	sdelay $0x3  }
0x33: {  	p0 =	seq.s32 s10, $0x1;
	s10 =	sld [smem:$0x3FBA];
	_ =	sdelay $0x3  }
0x34: {  	[smem:$0x3FBA] =	sst s10  }
0x35: {  	s10 =	sld [smem:$0x3FB9];
	_ =	sdelay $0x3  }
0x36: {  	p1 =	seq.s32 s10, $0x1;
	s10 =	sld [smem:$0x3FBA];
	_ =	sdelay $0x3  }
0x37: {  	[smem:$0x3FBA] =	sst s10  }
0x38: {  	s10 =	sld [smem:$0x3FBB]  }
0x39: {  	_ = 	snop;
	(pc) =	sbr.ind lr, $3  }
0x3a: {  	_ = 	snop  }
0x3b: {  	_ = 	snop  }
0x3c: {  	p2 =	seq.s32 s10, $0x1;
	s10 =	sld [smem:$0x3FBA]  }
0x3d: {  	_ =	shalt  }
0x3e: {  	_ =	shalt  }
0x3f: {  	_ =	shalt  }
0x40: {  	_ =	shalt  }
0x41: {  	_ =	shalt  }
0x42: {  	_ =	shalt  }
0x43: {  	_ =	shalt  }
0x44: {  	_ =	shalt  }
0x45: {  	_ =	shalt  }
0x46: {  	_ =	shalt  }
0x47: {  	_ =	shalt  }
0x48: {  	_ =	shalt  }
0x49: {  	_ =	shalt  }
0x4a: {  	_ =	shalt  }
0x4b: {  	_ =	shalt  }
0x4c: {  	_ =	shalt  }
0x4d: {  	_ =	shalt  }
0x4e: {  	_ =	shalt  }
0x4f: {  	_ =	shalt  }
0x50: {  	_ =	shalt  }
0x51: {  	_ =	shalt  }
0x52: {  	_ =	shalt  }
0x53: {  	_ =	shalt  }
0x54: {  	_ =	shalt  }
0x55: {  	_ =	shalt  }
0x56: {  	_ =	shalt  }
0x57: {  	_ =	shalt  }
0x58: {  	_ =	shalt  }
0x59: {  	_ =	shalt  }
0x5a: {  	_ =	shalt  }
0x5b: {  	_ =	shalt  }
0x5c: {  	_ =	shalt  }
0x5d: {  	_ =	shalt  }
0x5e: {  	_ =	shalt  }
0x5f: {  	_ =	shalt  }
0x60: {  	_ =	shalt  }
0x61: {  	_ =	shalt  }
0x62: {  	_ =	shalt  }
0x63: {  	_ =	shalt  }
0x64: {  	_ =	shalt  }
0x65: {  	_ =	shalt  }
0x66: {  	_ =	shalt  }
0x67: {  	_ =	shalt  }
0x68: {  	_ =	shalt  }
0x69: {  	_ =	shalt  }
0x6a: {  	_ =	shalt  }
0x6b: {  	_ =	shalt  }
0x6c: {  	_ =	shalt  }
0x6d: {  	_ =	shalt  }
0x6e: {  	_ =	shalt  }
0x6f: {  	_ =	shalt  }
0x70: {  	_ =	shalt  }
0x71: {  	_ =	shalt  }
0x72: {  	_ =	shalt  }
0x73: {  	_ =	shalt  }
0x74: {  	_ =	shalt  }
0x75: {  	_ =	shalt  }
0x76: {  	_ =	shalt  }
0x77: {  	_ =	shalt  }
0x78: {  	_ =	shalt  }
0x79: {  	_ =	shalt  }
0x7a: {  	_ =	shalt  }
0x7b: {  	_ =	shalt  }
0x7c: {  	_ =	shalt  }
0x7d: {  	_ =	shalt  }
0x7e: {  	_ =	shalt  }
0x7f: {  	_ =	shalt  }
0x80: {  	_ =	shalt  }
0x81: {  	_ =	shalt  }
0x82: {  	_ =	shalt  }
0x83: {  	_ =	shalt  }
0x84: {  	_ =	shalt  }
0x85: {  	_ =	shalt  }
0x86: {  	_ =	shalt  }
0x87: {  	_ =	shalt  }
.Lfunc_end0:
.L_simem_size_0:
called_computation_lowered:
.L_overlay_start_0:
0x88: {  	s2 =	sld [smem:$0x3FD9]  }
0x89: {  	s3 =	sld [smem:$0x3FFE];
	_ =	sdelay $0x1  }
0x8a: {  	s1 =	srdreg.scid  }
0x8b: {  	s0 =	sand.u32 $0x1, s1  }
0x8c: {  	s17 =	sshll.u32 s0, $0xA;
	s2 =	sadd.s32 s3, s2  }
0x8d: {  	s2 =	sadd.s32 s2, s17  }
0x8e: {  	[smem:$0x3FC6] =	sst s2  }
0x8f: {  	_ = 	snop  }
0x90: {  	s2 =	sld [smem:$0x3FC8]  }
0x91: {  	s18 =	sld [smem:$0x3FD0];
	(tm) =	ssettm $0x1  }
0x92: {  	s4 =	sld [smem:$0x3FFB];
	_ =	sdelay $0x3  }
0x93: {  	_ =	strace s4  }
0x94: {  	s4 =	sld [smem:$0x3FFC];
	_ =	sdelay $0x3  }
0x95: {  	_ =	strace s4  }
0x96: {  	s4 =	sld [smem:$0x3FFD];
	_ =	sdelay $0x3  }
0x97: {  	_ =	strace s4  }
0x98: {  	_ =	strace $0x8FFFFFFF  }
0x99: {  	s19 =	sld [smem:$0x3FDB];
	_ =	sdelay $0x1  }
0x9a: {  	s5 =	simm.s32 $_scs_section_size  }
0x9b: {  	s6 =	simm.s32 $_size__tile_overlayer_lowered;
	s7 =	simm.s32 $_tile_overlayer_lowered  }
0x9c: {  	s22 =	simm.s32 $0x1BFF;
	s21 =	sshll.u32 s7, $0x1;
	s4 =	sadd.s32 s5, s19  }
0x9d: {  	s8 =	simm.s32 $0x0;
	s20 =	sshll.u32 s6, $0x1;
	s6 =	sadd.s32 s21, s4  }
0x9e: {  	[timem:s8], [sflag:s22] =	dma.local [hbm:s6], s20  }
0x9f: {  	_ =	swait.ge [sflag:s22], s20  }
0xa0: {  	s5 =	ssub.s32 $0x0, s20;
	[sflag:s22] =	ssyncset.done $0x0  }
0xa1: {  	[sflag:s22] =	ssyncadd.s32 s5;
	_ =	sdelay $0x1  }
0xa2: {  	s23 =	simm.s32 $0x1B8B  }
0xa3: {  	_ =	swait.ge [sflag:s23], $0x1  }
0xa4: {  	[sflag:s23] =	ssyncset.done $0x0  }
0xa5: {  	s25 =	simm.s32 $0x1B8E;
	s24 =	sld [smem:$0x3FFE];
	[sflag:s23] =	ssyncadd.s32 $0xFFFFFFFF  }
0xa6: {  	s26 =	simm.s32 $execute0_lowered;
	[smem:$0x3FD2] =	sst s25  }
0xa7: {  	s6 =	sshll.u32 s26, $0x1;
	_ =	strace $0x80000046;
	[dreg:$0x1] =	wrdreg $0xFFFFFFFF  }
0xa8: {  	s28 =	simm.s32 $_size_execute0_lowered;
	s4 =	sadd.s32 s4, s6;
	[dreg:$0x0] =	wrdreg $0x0  }
0xa9: {  	s6 =	sshll.u32 s28, $0x1;
	[dreg:$0x2] =	wrdreg s4  }
0xaa: {  	[dreg:$0x3] =	wrdreg s6  }
0xab: {  	[dreg:$0x4] =	wrdreg $0xC0  }
0xac: {  	_ =	task [dreg:s8], $0x5FFFF  }
0xad: {  	[dreg:$0x1] =	wrdreg $0xFFFFFFFF  }
0xae: {  	[dreg:$0x0] =	wrdreg $0x60  }
0xaf: {  	[dreg:$0x2] =	wrdreg s2  }
0xb0: {  	[dreg:$0x3] =	wrdreg s18  }
0xb1: {  	[dreg:$0x4] =	wrdreg s24  }
0xb2: {  	[dreg:$0x5] =	wrdreg $0x9  }
0xb3: {  	_ =	task.clear_ibuf [dreg:s8], $0x6FFFF;
	_ =	strace $0x90000046  }
0xb4: {  	s29 =	simm.s32 $0x9;
	_ =	strace $0x80000048  }
0xb5: {  	_ =	swait.ge [sflag:s29], $0x1  }
0xb6: {  	[sflag:s29] =	ssyncadd.s32 $0xFFFFFFFF  }
0xb7: {  	_ =	strace $0x90000048  }
0xb8: {  	_ =	sfence  }
0xb9: {  	s30 =	sld [smem:$0x0];
	_ =	sdelay $0x2  }
0xba: {  	s31 =	sshll.u32 s1, $0xD;
	s1 =	sshrl.u32 s1, $0x2  }
0xbb: {  	s3 =	sand.u32 $0x4000, s31;
	s1 =	sadd.s32 s1, s30  }
0xbc: {  	s0 =	sor.u32 s3, s0;
	s1 =	sshll.u32 s1, $0x11  }
0xbd: {  	s0 =	sor.u32 s1, s0  }
0xbe: {  	s0 =	sadd.s32 $0x8F2B, s0  }
0xbf: {  	[sflag:s0] =	ssyncadd.remote.s32 $0x1  }
0xc0: {  	_ =	sfence.sel $0xFFFF  }
0xc1: {  	[dreg:$0x0] =	wrdreg $0xFFFFFFFF;
	(pc) =	sbr.abs _section_cstart, $3  }
0xc2: {  	[dreg:$0x1] =	wrdreg $0xFFFFFFFF  }
0xc3: {  	_ =	task.clear_ibuf [dreg:s8], $0x2FFFF;
	_ =	strace $0x9FFFFFFF  }
0xc4: {  	(tm) =	ssettm $0x7FFFFFFF  }
0xc5: {  	_ =	shalt  }
tec
execute0_lowered:
.L_overlay_start_1:
0x0: {  	(tag) =	ssettag $0x1  }
0x1: {  	s1 =	rddreg [dreg:$0x0]  }
0x2: {  	s0 =	rddreg [dreg:$0x2]  }
0x3: {  	s4 =	simm.s32 $0x0;
	s2 =	srdreg.scid;
	s8 =	stileid.u32  }
0x4: {  	s15 =	simm.s32 $0x2000;
	s16 =	simm.s32 $0x1;
	s17 =	simm.s32 $0x8000  }
0x5: {  	s18 =	simm.s32 $0x2;
	s19 =	simm.s32 $0xA000;
	s20 =	simm.s32 $0x3  }
0x6: {  	s21 =	simm.s32 $0x4000;
	s22 =	simm.s32 $0xC000;
	s23 =	simm.s32 $0x4  }
0x7: {  	s24 =	simm.s32 $0x6000;
	s28 =	simm.s32 $0x7;
	s29 =	simm.s32 $0x8  }
0x8: {  	s30 =	simm.s32 $0x0;
	[smem:$0x7FF] =	sst s4;
	s2 =	sand.u32 $0x1, s2  }
0x9: {  	s3 =	sshll.u32 s8, $0x1;
	s6 =	sadd.s32 $0x800, s0;
	s0 =	sadd.s32 $0x7A1800, s0  }
0xa: {  	p1 =	slt.u32 s8, $0x2;
	p2 =	sgt.u32 s8, $0x1;
	_ =	strace $0x80000047  }
0xb: {  	s7 =	ssub.s32 $0x2, s2;
	s5 =	sor.u32 s2, s3;
	[dreg:$0x4] =	wrdreg s0  }
.Ltmp0:
0xc: {  	v0 =	vlaneseq.u32;
	s25 =	sshrl.u32 s7, $0x1;
	s3 =	sshll.u32 s5, $0x7;
	(pc) =	sbr.rel .LBB2_1-.Ltmp0, $4  }
0xd: {  	v1 =	vmul.u32 $0x2, v0;
	v2 =	vmul.u32 $0x80, v0;
	s10 =	sor.u32 $0x80, s5;
	s11 =	sor.u32 $0xA0, s5;
	s26 =	sadd.s32 s1, s3  }
0xe: {  	v3 =	vimm.s32 $0x0;
	s2 =	ssub.s32 s7, s25;
	[dreg:$0x5] =	wrdreg s26;
	s0 =	sadd.s32 $0x1000, s26  }
0xf: {  	p0 =	sne.s32 s5, $0x0;
	v4 =	vor.u32 $0x20, v1;
	v5 =	vor.u32 $0x800, v2;
	v6 =	vor.u32 $0x40, v1;
	s31 =	smax.u32 s2, $0x1;
	[dreg:$0x6] =	wrdreg s0  }
0x10: {  	v7 =	vor.u32 $0x1000, v2;
	v8 =	vor.u32 $0x60, v1;
	v9 =	vor.u32 $0x1800, v2;
	s25 =	simm.s32 $0xE000;
	s26 =	simm.s32 $0x6;
	[dreg:$0x7] =	wrdreg s31  }
.LBB2_77:
0x11: {  	s0 =	simm.s32 @!p1 $0x5  }
0x12: {  	_ =	swait.ge @!p1 [sflag:s0], $0x2000  }
0x13: {  	[sflag:s0] =	ssyncset.done @!p1 $0x0  }
0x14: {  	[sflag:s0] =	ssyncadd.s32 @!p1 $0xFFFFE000  }
0x15: {  	_ =	swait.ge [sflag:s26], $0x2000  }
0x16: {  	[sflag:s26] =	ssyncset.done $0x0  }
0x17: {  	[sflag:s26] =	ssyncadd.s32 $0xFFFFE000  }
0x18: {  	_ =	swait.ge [sflag:s28], $0x2000  }
0x19: {  	[sflag:s28] =	ssyncset.done $0x0  }
0x1a: {  	[sflag:s28] =	ssyncadd.s32 $0xFFFFE000  }
0x1b: {  	_ =	swait.ge [sflag:s29], $0x2000  }
0x1c: {  	[sflag:s29] =	ssyncset.done $0x0  }
0x1d: {  	s0 =	simm.s32 @!p2 $0x5;
	[sflag:s29] =	ssyncadd.s32 $0xFFFFE000  }
0x1e: {  	_ =	swait.ge @!p2 [sflag:s0], $0x2000  }
0x1f: {  	s30 =	sadd.s32 $0x1, s30;
	s2 =	rddreg [dreg:$0x7]  }
0x20: {  	p3 =	sne.s32 s30, s2  }
.Ltmp1:
0x21: {  	_ = 	snop;
	(pc) =	sbr.rel @!p3 .LBB2_78-.Ltmp1, $3  }
0x22: {  	_ =	sdelay $0x1  }
0x23: {  	[sflag:s0] =	ssyncset.done @!p2 $0x0  }
0x24: {  	[sflag:s0] =	ssyncadd.s32 @!p2 $0xFFFFE000  }
.LBB2_1:
0x25: {  	s0 =	simm.s32 $0x0;
	s2 =	simm.s32 $0x2  }
0x26: {  	s3 =	sand.u32 $0x70, s0;
	s2 =	sand.u32 $0xE, s2  }
0x27: {  	s14 =	simm.s32 $0x1;
	s7 =	sand.u32 $0xC, s0;
	v10 =	vmov s3;
	v11 =	vadd.s32 s2, v0  }
0x28: {  	s31 =	sand.u32 $0xD, s14;
	v13 =	vadd.s32 s7, v0;
	v12 =	vand.u32 $0x30, v10;
	v11 =	vand.u32 $0xF, v11  }
0x29: {  	s8 =	simm.s32 $0x3;
	s3 =	simm.s32 $0x10100;
	v14 =	vadd.s32 s31, v0;
	v13 =	vand.u32 $0xF, v13;
	v11 =	vor.u32 v12, v11  }
0x2a: {  	vm0 =	vgt.u32 v10, $0x3F;
	v13 =	vor.u32 v12, v13;
	[tilespmem:s3+$0x0] =	vst v11;
	v11 =	vadd.s32 s8, v0  }
0x2b: {  	s2 =	simm.s32 $0x14100;
	v14 =	vand.u32 $0xF, v14;
	v10 =	vsel vm0, $0x1, v3;
	[tilespmem:s3+$0xFFFFFF00] =	vst v13;
	v15 =	vand.u32 $0xF, v11  }
0x2c: {  	s7 =	simm.s32 $0x10300;
	s8 =	simm.s32 $0x14300;
	[tilespmem:s2+$0x0] =	vst v10;
	v11 =	vor.u32 v12, v14;
	v12 =	vor.u32 v12, v15  }
.LBB2_2:
0x2d: {  	s9 =	sadd.s32 $0x5, s0  }
0x2e: {  	s12 =	sadd.s32 $0x6, s0;
	[tilespmem:s2+$0xFFFFFF00] =	vst v10;
	s13 =	smov.u32 s0;
	s0 =	sadd.s32 $0x4, s0  }
0x2f: {  	s14 =	sand.u32 $0x70, s0;
	s31 =	sand.u32 $0xC, s0;
	s12 =	sand.u32 $0xE, s12;
	[tilespmem:s3+$0x80] =	vst v12  }
0x30: {  	s9 =	sand.u32 $0xD, s9;
	p3 =	slt.u32 s0, $0x7C;
	v12 =	vadd.s32 s31, v0;
	v13 =	vmov s14;
	v14 =	vadd.s32 s12, v0;
	s12 =	sadd.s32 $0x7, s13;
	[tilespmem:s3+$0xFFFFFF80] =	vst v11  }
.Ltmp2:
0x31: {  	s3 =	smov.u32 s7;
	v15 =	vand.u32 $0x30, v13;
	vm0 =	vgt.u32 v13, $0x3F;
	v11 =	vand.u32 $0xF, v14;
	[tilespmem:s2+$0x80] =	vst v10;
	(pc) =	sbr.rel @p3 .LBB2_2-.Ltmp2, $4  }
0x32: {  	v13 =	vadd.s32 s9, v0;
	v11 =	vor.u32 v15, v11;
	[tilespmem:s2+$0xFFFFFF80] =	vst v10;
	v10 =	vsel vm0, $0x1, v3;
	s2 =	smov.u32 s8  }
0x33: {  	v12 =	vand.u32 $0xF, v12;
	v14 =	vadd.s32 s12, v0;
	v13 =	vand.u32 $0xF, v13;
	[tilespmem:s7+$0x0] =	vst v11  }
0x34: {  	v12 =	vor.u32 v15, v12;
	v11 =	vor.u32 v15, v13;
	v13 =	vand.u32 $0xF, v14;
	[tilespmem:s8+$0x0] =	vst v10  }
0x35: {  	s7 =	sadd.s32 $0x200, s7;
	s8 =	sadd.s32 $0x200, s8;
	[tilespmem:s3+$0xFFFFFF00] =	vst v12;
	v12 =	vor.u32 v15, v13  }
0x36: {  	[tilespmem:s2+$0xFFFFFF00] =	vst v10  }
0x37: {  	[tilespmem:s3+$0x80] =	vst v12  }
0x38: {  	[tilespmem:s3+$0xFFFFFF80] =	vst v11  }
0x39: {  	[tilespmem:s2+$0x80] =	vst v10  }
0x3a: {  	s0 =	simm.s32 @!p0 $0x0;
	s3 =	rddreg [dreg:$0x1];
	[tilespmem:s2+$0xFFFFFF80] =	vst v10;
	s2 =	simm.s32 @!p0 $0x8000  }
0x3b: {  	[tilespmem:s2], [sflag:$0x9] =	stream.linear.gather @!p0 [hbm4b:s3+s0], $0x1000, $0x38;
	[tilespmem:$0x18000] =	vst v63  }
0x3c: {  	s3 =	simm.s32 @!p0 $0x9  }
0x3d: {  	_ =	swait.ge @!p0 [sflag:s3], $0x1000  }
0x3e: {  	[sflag:s3] =	ssyncset.done @!p0 $0x0  }
0x3f: {  	s7 =	rddreg [dreg:$0x4];
	[sflag:s3] =	ssyncadd.s32 @!p0 $0xFFFFF000  }
0x40: {  	[hbm4b:s7+s0] =	stream.linear.scatter @!p0 [tilespmem:s2], [sflag:$0x9], $0x1000, $0x38;
	[tilespmem:$0x18000] =	vst v63  }
0x41: {  	s31 =	simm.s32 $0x0;
	_ =	swait.ge @!p0 [sflag:s3], $0x1000  }
.Ltmp3:
0x42: {  	s12 =	simm.s32 $0x400;
	[sflag:s3] =	ssyncset.done @!p0 $0x0;
	(pc) =	sbr.rel .LBB2_4-.Ltmp3, $4  }
0x43: {  	s13 =	simm.s32 $0x7A1400;
	s9 =	rddreg [dreg:$0x5];
	[sflag:s3] =	ssyncadd.s32 @!p0 $0xFFFFF000  }
0x44: {  	[tilespmem:s31], [sflag:$0x1] =	stream.strided.gather [hbm4b:s9+s12], $0x2000, s13, s12, $0x38;
	[tilespmem:$0x18000] =	vst v63  }
0x45: {  	s14 =	rddreg [dreg:$0x6]  }
0x46: {  	[tilespmem:s15], [sflag:$0x2] =	stream.strided.gather [hbm4b:s14+s12], $0x2000, s13, s12, $0x38;
	[tilespmem:$0x18000] =	vst v63  }
.LBB2_70:
0x47: {  	_ = 	snop  }
.LBB2_75:
0x48: {  	v17 =	vshll.u32 v13, $0x7;
	v18 =	vadd.s32 v35, v33  }
0x49: {  	v57 =	vshll.u32 v12, $0x7;
	v17 =	vadd.s32 v17, v24;
	v18 =	vor.u32 v27, v18  }
0x4a: {  	v19 =	vand.u32 $0x7F, v31;
	v24 =	vadd.s32 v57, v34;
	v17 =	vor.u32 v25, v17  }
0x4b: {  	v58 =	vshll.u32 v32, $0x6;
	v19 =	vor.u32 v19, v24  }
0x4c: {  	v26 =	vshll.u32 v29, $0x6;
	v25 =	vadd.s32 v30, v58  }
0x4d: {  	v22 =	vld.idx.msk [tilespmem:v22+s24+$0x0], $0xffff;
	v60 =	vshll.u32 v28, $0x6;
	v11 =	vadd.s32 v11, v26;
	v59 =	vadd.s32 v9, v25  }
0x4e: {  	v10 =	vshll.u32 v10, $0x6;
	v61 =	vadd.s32 v13, v60;
	v11 =	vadd.s32 v9, v11;
	v62 =	vld.idx.msk [tilespmem:v18+s24+$0x0], $0xffff  }
0x4f: {  	[tilespmem:v16+s25+$0x0] =	vst.idx.msk @p3 $0xffff, v23;
	v10 =	vadd.s32 v12, v10;
	v13 =	vadd.s32 v9, v61;
	v17 =	vld.idx.msk [tilespmem:v17+s24+$0x0], $0xffff  }
0x50: {  	v10 =	vadd.s32 v9, v10;
	[tilespmem:v14+s25+$0x0] =	vst.idx.msk @p3 $0xffff, v21;
	v63 =	vld.idx.msk [tilespmem:v19+s24+$0x0], $0xffff  }
0x51: {  	[tilespmem:v15+s25+$0x0] =	vst.idx.msk @p3 $0xffff, v20  }
0x52: {  	[tilespmem:v59+s25+$0x0] =	vst.idx.msk $0xffff, v22  }
0x53: {  	[tilespmem:v11+s25+$0x0] =	vst.idx.msk $0xffff, v62  }
0x54: {  	s0 =	sshll.u32 s2, $0xA;
	[tilespmem:v13+s25+$0x0] =	vst.idx.msk $0xffff, v17  }
0x55: {  	s0 =	sadd.s32 s6, s0;
	[tilespmem:v10+s25+$0x0] =	vst.idx.msk $0xffff, v63  }
0x56: {  	[hbm4b:s0+s4] =	stream.linear.scatter [tilespmem:s25], [sflag:$0x8], $0x2000, $0x38;
	[tilespmem:$0x18000] =	vst v63  }
.LBB2_76:
0x57: {  	s31 =	sadd.s32 $0x1, s31  }
0x58: {  	p3 =	sne.s32 s31, $0x3E  }
.Ltmp4:
0x59: {  	_ = 	snop;
	(pc) =	sbr.rel @!p3 .LBB2_77-.Ltmp4, $1  }
0x5a: {  	_ =	sdelay $0x3  }
.LBB2_4:
0x5b: {  	s0 =	sshll.u32 s31, $0x7  }
0x5c: {  	s3 =	sor.u32 s5, s0  }
0x5d: {  	p3 =	sgt.u32 s3, $0x1E83  }
.Ltmp5:
0x5e: {  	_ = 	snop;
	(pc) =	sbr.rel @p3 .LBB2_22-.Ltmp5, $1  }
0x5f: {  	_ =	sdelay $0x3  }
0x60: {  	p3 =	sgt.u32 s3, $0x1E43  }
0x61: {  	p4 =	seq.s32 @!p3 s31, $0x0  }
0x62: {  	p4 =	por p4, p3  }
0x63: {  	s2 =	simm.s32 @!p4 $0x7  }
0x64: {  	s7 =	sshll.u32 @!p3 s3, $0x7;
	s8 =	simm.s32 @!p3 $0x7A1400;
	_ =	swait.ge @!p4 [sflag:s2], $0x2000  }
0x65: {  	s9 =	simm.s32 @!p3 $0x4000;
	s7 =	sadd.s32 @!p3 s7, s1;
	[sflag:s2] =	ssyncset.done @!p4 $0x0  }
0x66: {  	[sflag:s2] =	ssyncadd.s32 @!p4 $0xFFFFE000;
	s2 =	sadd.s32 @!p3 $0x2000, s7;
	s7 =	simm.s32 @!p3 $0x400  }
0x67: {  	[tilespmem:s9], [sflag:$0x3] =	stream.strided.gather @!p3 [hbm4b:s2+s7], $0x2000, s8, s7, $0x38;
	[tilespmem:$0x18000] =	vst v63  }
0x68: {  	_ =	swait.ge [sflag:s16], $0x2000  }
0x69: {  	[sflag:s16] =	ssyncset.done $0x0  }
0x6a: {  	s13 =	simm.s32 $0x14100;
	[sflag:s16] =	ssyncadd.s32 $0xFFFFE000  }
0x6b: {  	s7 =	simm.s32 $0x10100;
	v11 =	vld [tilespmem:s13+$0x80]  }
0x6c: {  	v12 =	vld [tilespmem:s7+$0x80]  }
0x6d: {  	v14 =	vld [tilespmem:s13+$0xFFFFFF00]  }
0x6e: {  	v15 =	vld [tilespmem:s13+$0xFFFFFF80]  }
0x6f: {  	v17 =	vld [tilespmem:s7+$0xFFFFFF80]  }
0x70: {  	v21 =	vld [tilespmem:s7+$0xFFFFFF00];
	_ =	sdelay $0x3  }
0x71: {  	v16 =	vld [tilespmem:s13+$0x0];
	v10 =	vadd.s32 v1, v11;
	v19 =	vshll.u32 v12, $0x7;
	v20 =	vadd.s32 v1, v14  }
0x72: {  	v22 =	vadd.s32 v1, v15;
	v25 =	vshll.u32 v17, $0x7;
	v28 =	vshll.u32 v21, $0x7  }
0x73: {  	v18 =	vld [tilespmem:s7+$0x0];
	v11 =	vshll.u32 v11, $0x6;
	v15 =	vshll.u32 v15, $0x6;
	v13 =	vand.u32 $0xFFFFFF80, v10  }
0x74: {  	v10 =	vand.u32 $0x7F, v10;
	v24 =	vand.u32 $0x7F, v20;
	v11 =	vadd.s32 v12, v11  }
0x75: {  	s9 =	simm.s32 $0x14300;
	v15 =	vadd.s32 v17, v15;
	v13 =	vadd.s32 v19, v13;
	v19 =	vand.u32 $0xFFFFFF80, v20  }
0x76: {  	v12 =	vld [tilespmem:s9+$0xFFFFFF80];
	v20 =	vadd.s32 v1, v16;
	v23 =	vor.u32 v10, v13;
	v10 =	vand.u32 $0xFFFFFF80, v22  }
0x77: {  	s2 =	simm.s32 $0x10300;
	v16 =	vshll.u32 v16, $0x6;
	v22 =	vand.u32 $0x7F, v22;
	v25 =	vadd.s32 v25, v10;
	v10 =	vld [tilespmem:s9+$0x80]  }
0x78: {  	v26 =	vand.u32 $0xFFFFFF80, v20;
	v13 =	vld [tilespmem:s2+$0x80];
	v27 =	vand.u32 $0x7F, v20;
	v20 =	vshll.u32 v18, $0x7  }
0x79: {  	v19 =	vadd.s32 v28, v19;
	v26 =	vadd.s32 v20, v26;
	v20 =	vld [tilespmem:s9+$0xFFFFFF00];
	v22 =	vor.u32 v22, v25  }
0x7a: {  	v32 =	vor.u32 v27, v26;
	v27 =	vadd.s32 v2, v11;
	v11 =	vshll.u32 v14, $0x6;
	v14 =	vld [tilespmem:s9+$0x0]  }
0x7b: {  	v19 =	vor.u32 v24, v19;
	v11 =	vadd.s32 v21, v11;
	v21 =	vadd.s32 v18, v16;
	v16 =	vld [tilespmem:s2+$0xFFFFFF80]  }
0x7c: {  	v31 =	vadd.s32 v1, v12;
	v18 =	vadd.s32 v2, v11;
	v30 =	vld.idx.msk [tilespmem:v23+s4+$0x0], $0xffff;
	v23 =	vadd.s32 v1, v10  }
0x7d: {  	v17 =	vld [tilespmem:s2+$0x0];
	v11 =	vadd.s32 v2, v15;
	v25 =	vshll.u32 v13, $0x7;
	v24 =	vand.u32 $0xFFFFFF80, v23  }
0x7e: {  	v15 =	vadd.s32 v2, v21;
	v21 =	vld [tilespmem:s2+$0xFFFFFF00];
	v23 =	vand.u32 $0x7F, v23;
	v24 =	vadd.s32 v25, v24  }
0x7f: {  	v29 =	vand.u32 $0xFFFFFF80, v31;
	v26 =	vadd.s32 v1, v20;
	v22 =	vld.idx.msk [tilespmem:v22+s4+$0x0], $0xffff;
	v24 =	vor.u32 v23, v24  }
0x80: {  	v28 =	vadd.s32 v1, v14;
	v25 =	vand.u32 $0xFFFFFF80, v26;
	v26 =	vand.u32 $0x7F, v26;
	v23 =	vld.idx.msk [tilespmem:v19+s4+$0x0], $0xffff  }
0x81: {  	s12 =	simm.s32 $0x4;
	s8 =	simm.s32 $0x10500;
	v19 =	vld.idx.msk [tilespmem:v32+s4+$0x0], $0xffff;
	[tilespmem:v27+s17+$0x0] =	vst.idx.msk $0xffff, v30;
	v27 =	vand.u32 $0x7F, v31;
	v31 =	vshll.u32 v16, $0x7;
	v30 =	vand.u32 $0xFFFFFF80, v28  }
.LBB2_6:
0x82: {  	v32 =	vld [tilespmem:s8+$0x80];
	v29 =	vadd.s32 v31, v29;
	v28 =	vand.u32 $0x7F, v28;
	v31 =	vshll.u32 v17, $0x7;
	s9 =	sadd.s32 $0x200, s9  }
0x83: {  	s12 =	sadd.s32 $0x4, s12;
	v33 =	vshll.u32 v21, $0x7;
	v30 =	vadd.s32 v31, v30;
	v31 =	vshll.u32 v10, $0x6;
	v10 =	vld [tilespmem:s9+$0x80]  }
0x84: {  	p3 =	slt.u32 s12, $0x7C;
	v27 =	vor.u32 v27, v29;
	v25 =	vadd.s32 v33, v25;
	v24 =	vld.idx.msk [tilespmem:v24+s4+$0x0], $0xffff;
	v13 =	vadd.s32 v13, v31  }
0x85: {  	v33 =	vor.u32 v28, v30;
	v29 =	vld [tilespmem:s9+$0xFFFFFF00];
	v26 =	vor.u32 v26, v25;
	v25 =	vadd.s32 v2, v13  }
0x86: {  	v30 =	vshll.u32 v20, $0x6;
	v20 =	vshll.u32 v12, $0x6;
	v28 =	vshll.u32 v14, $0x6;
	v12 =	vld [tilespmem:s9+$0xFFFFFF80];
	[tilespmem:v18+s17+$0x0] =	vst.idx.msk $0xffff, v23  }
0x87: {  	v20 =	vadd.s32 v16, v20;
	v18 =	vadd.s32 v21, v30;
	v21 =	vadd.s32 v17, v28;
	v14 =	vld [tilespmem:s9+$0x0];
	v13 =	vmovc v32  }
0x88: {  	v20 =	vadd.s32 v2, v20;
	v18 =	vadd.s32 v2, v18;
	v16 =	vld [tilespmem:s8+$0xFFFFFF80];
	v23 =	vadd.s32 v1, v10  }
.Ltmp6:
0x89: {  	v32 =	vadd.s32 v2, v21;
	v30 =	vshll.u32 v13, $0x7;
	v17 =	vld [tilespmem:s8+$0x0];
	v28 =	vand.u32 $0xFFFFFF80, v23;
	[tilespmem:v11+s17+$0x0] =	vst.idx.msk $0xffff, v22;
	v11 =	vmovc v20;
	(pc) =	sbr.rel @p3 .LBB2_6-.Ltmp6, $4  }
0x8a: {  	v31 =	vand.u32 $0x7F, v23;
	v21 =	vld [tilespmem:s8+$0xFFFFFF00];
	v22 =	vadd.s32 v1, v29;
	v23 =	vadd.s32 v30, v28;
	[tilespmem:v25+s17+$0x0] =	vst.idx.msk $0xffff, v24  }
0x8b: {  	v20 =	vmovc v29;
	v25 =	vand.u32 $0xFFFFFF80, v22;
	v30 =	vadd.s32 v1, v12;
	v24 =	vor.u32 v31, v23;
	v23 =	vld.idx.msk [tilespmem:v26+s4+$0x0], $0xffff  }
0x8c: {  	v26 =	vand.u32 $0x7F, v22;
	v29 =	vand.u32 $0xFFFFFF80, v30;
	v28 =	vadd.s32 v1, v14;
	v22 =	vld.idx.msk [tilespmem:v27+s4+$0x0], $0xffff;
	[tilespmem:v15+s17+$0x0] =	vst.idx.msk $0xffff, v19  }
0x8d: {  	s8 =	sadd.s32 $0x200, s8;
	v27 =	vand.u32 $0x7F, v30;
	v15 =	vmovc v32;
	v31 =	vshll.u32 v16, $0x7;
	v30 =	vand.u32 $0xFFFFFF80, v28;
	v19 =	vld.idx.msk [tilespmem:v33+s4+$0x0], $0xffff  }
0x8e: {  	_ = 	snop  }
0x8f: {  	v29 =	vadd.s32 v31, v29;
	v28 =	vand.u32 $0x7F, v28;
	v32 =	vshll.u32 v21, $0x7  }
0x90: {  	v31 =	vshll.u32 v17, $0x7;
	v27 =	vor.u32 v27, v29;
	v25 =	vadd.s32 v32, v25  }
0x91: {  	v10 =	vshll.u32 v10, $0x6;
	v25 =	vor.u32 v26, v25;
	v26 =	vadd.s32 v31, v30  }
0x92: {  	v10 =	vadd.s32 v13, v10;
	v13 =	vor.u32 v28, v26  }
0x93: {  	v20 =	vshll.u32 v20, $0x6;
	v12 =	vshll.u32 v12, $0x6  }
0x94: {  	v24 =	vld.idx.msk [tilespmem:v24+s4+$0x0], $0xffff;
	v14 =	vshll.u32 v14, $0x6;
	v12 =	vadd.s32 v16, v12;
	v10 =	vadd.s32 v2, v10  }
0x95: {  	v20 =	vadd.s32 v21, v20;
	v14 =	vadd.s32 v17, v14;
	v12 =	vadd.s32 v2, v12;
	v17 =	vld.idx.msk [tilespmem:v27+s4+$0x0], $0xffff  }
0x96: {  	v16 =	vadd.s32 v2, v20;
	[tilespmem:v18+s17+$0x0] =	vst.idx.msk $0xffff, v23;
	v20 =	vld.idx.msk [tilespmem:v25+s4+$0x0], $0xffff  }
0x97: {  	v14 =	vadd.s32 v2, v14;
	[tilespmem:v11+s17+$0x0] =	vst.idx.msk $0xffff, v22;
	v11 =	vld.idx.msk [tilespmem:v13+s4+$0x0], $0xffff  }
0x98: {  	[tilespmem:v15+s17+$0x0] =	vst.idx.msk $0xffff, v19  }
0x99: {  	[tilespmem:v10+s17+$0x0] =	vst.idx.msk $0xffff, v24  }
0x9a: {  	[tilespmem:v12+s17+$0x0] =	vst.idx.msk $0xffff, v17  }
0x9b: {  	[tilespmem:v16+s17+$0x0] =	vst.idx.msk $0xffff, v20  }
0x9c: {  	[tilespmem:v14+s17+$0x0] =	vst.idx.msk $0xffff, v11  }
0x9d: {  	v11 =	vld [tilespmem:s13+$0x80]  }
0x9e: {  	v12 =	vld [tilespmem:s7+$0x80]  }
0x9f: {  	v14 =	vld [tilespmem:s13+$0xFFFFFF00]  }
0xa0: {  	v15 =	vld [tilespmem:s13+$0xFFFFFF80]  }
0xa1: {  	v17 =	vld [tilespmem:s7+$0xFFFFFF80]  }
0xa2: {  	v21 =	vld [tilespmem:s7+$0xFFFFFF00];
	_ =	sdelay $0x3  }
0xa3: {  	v16 =	vld [tilespmem:s13+$0x0];
	v10 =	vadd.s32 v4, v11;
	v19 =	vshll.u32 v12, $0x7;
	v20 =	vadd.s32 v4, v14  }
0xa4: {  	v22 =	vadd.s32 v4, v15;
	v25 =	vshll.u32 v17, $0x7;
	v28 =	vshll.u32 v21, $0x7  }
0xa5: {  	v18 =	vld [tilespmem:s7+$0x0];
	v11 =	vshll.u32 v11, $0x6;
	v15 =	vshll.u32 v15, $0x6;
	v13 =	vand.u32 $0xFFFFFF80, v10  }
0xa6: {  	v10 =	vand.u32 $0x7F, v10;
	v24 =	vand.u32 $0x7F, v20;
	v11 =	vadd.s32 v12, v11  }
0xa7: {  	s7 =	simm.s32 $0x14300;
	v15 =	vadd.s32 v17, v15;
	v13 =	vadd.s32 v19, v13;
	v19 =	vand.u32 $0xFFFFFF80, v20  }
0xa8: {  	v12 =	vld [tilespmem:s7+$0xFFFFFF80];
	v20 =	vadd.s32 v4, v16;
	v23 =	vor.u32 v10, v13;
	v10 =	vand.u32 $0xFFFFFF80, v22  }
0xa9: {  	v16 =	vshll.u32 v16, $0x6;
	v22 =	vand.u32 $0x7F, v22;
	v25 =	vadd.s32 v25, v10;
	v10 =	vld [tilespmem:s7+$0x80]  }
0xaa: {  	v26 =	vand.u32 $0xFFFFFF80, v20;
	v13 =	vld [tilespmem:s2+$0x80];
	v27 =	vand.u32 $0x7F, v20;
	v20 =	vshll.u32 v18, $0x7  }
0xab: {  	v19 =	vadd.s32 v28, v19;
	v26 =	vadd.s32 v20, v26;
	v20 =	vld [tilespmem:s7+$0xFFFFFF00];
	v22 =	vor.u32 v22, v25  }
0xac: {  	v63 =	vor.u32 v27, v26;
	v27 =	vadd.s32 v5, v11;
	v11 =	vshll.u32 v14, $0x6;
	v14 =	vld [tilespmem:s7+$0x0]  }
0xad: {  	v19 =	vor.u32 v24, v19;
	v11 =	vadd.s32 v21, v11;
	v21 =	vadd.s32 v18, v16;
	v16 =	vld [tilespmem:s2+$0xFFFFFF80]  }
0xae: {  	v31 =	vadd.s32 v4, v12;
	v18 =	vadd.s32 v5, v11;
	v30 =	vld.idx.msk [tilespmem:v23+s4+$0x0], $0xffff;
	v23 =	vadd.s32 v4, v10  }
0xaf: {  	v17 =	vld [tilespmem:s2+$0x0];
	v11 =	vadd.s32 v5, v15;
	v25 =	vshll.u32 v13, $0x7;
	v24 =	vand.u32 $0xFFFFFF80, v23  }
0xb0: {  	v15 =	vadd.s32 v5, v21;
	v21 =	vld [tilespmem:s2+$0xFFFFFF00];
	v23 =	vand.u32 $0x7F, v23;
	v24 =	vadd.s32 v25, v24  }
0xb1: {  	v29 =	vand.u32 $0xFFFFFF80, v31;
	v26 =	vadd.s32 v4, v20;
	v22 =	vld.idx.msk [tilespmem:v22+s4+$0x0], $0xffff;
	v24 =	vor.u32 v23, v24  }
0xb2: {  	v28 =	vadd.s32 v4, v14;
	v25 =	vand.u32 $0xFFFFFF80, v26;
	v26 =	vand.u32 $0x7F, v26;
	v23 =	vld.idx.msk [tilespmem:v19+s4+$0x0], $0xffff  }
0xb3: {  	s8 =	simm.s32 $0x10500;
	s2 =	simm.s32 $0x4;
	v19 =	vld.idx.msk [tilespmem:v63+s4+$0x0], $0xffff;
	[tilespmem:v27+s17+$0x0] =	vst.idx.msk $0xffff, v30;
	v27 =	vand.u32 $0x7F, v31;
	v31 =	vshll.u32 v16, $0x7;
	v30 =	vand.u32 $0xFFFFFF80, v28  }
.LBB2_8:
0xb4: {  	v32 =	vld [tilespmem:s8+$0x80];
	v29 =	vadd.s32 v31, v29;
	v28 =	vand.u32 $0x7F, v28;
	v31 =	vshll.u32 v17, $0x7;
	s7 =	sadd.s32 $0x200, s7  }
0xb5: {  	s2 =	sadd.s32 $0x4, s2;
	v33 =	vshll.u32 v21, $0x7;
	v30 =	vadd.s32 v31, v30;
	v31 =	vshll.u32 v10, $0x6;
	v10 =	vld [tilespmem:s7+$0x80]  }
0xb6: {  	p3 =	slt.u32 s2, $0x7C;
	v27 =	vor.u32 v27, v29;
	v25 =	vadd.s32 v33, v25;
	v24 =	vld.idx.msk [tilespmem:v24+s4+$0x0], $0xffff;
	v13 =	vadd.s32 v13, v31  }
0xb7: {  	v33 =	vor.u32 v28, v30;
	v29 =	vld [tilespmem:s7+$0xFFFFFF00];
	v26 =	vor.u32 v26, v25;
	v25 =	vadd.s32 v5, v13  }
0xb8: {  	v30 =	vshll.u32 v20, $0x6;
	v20 =	vshll.u32 v12, $0x6;
	v28 =	vshll.u32 v14, $0x6;
	v12 =	vld [tilespmem:s7+$0xFFFFFF80];
	[tilespmem:v18+s17+$0x0] =	vst.idx.msk $0xffff, v23  }
0xb9: {  	v20 =	vadd.s32 v16, v20;
	v18 =	vadd.s32 v21, v30;
	v21 =	vadd.s32 v17, v28;
	v14 =	vld [tilespmem:s7+$0x0];
	v13 =	vmovc v32  }
0xba: {  	v20 =	vadd.s32 v5, v20;
	v18 =	vadd.s32 v5, v18;
	v16 =	vld [tilespmem:s8+$0xFFFFFF80];
	v23 =	vadd.s32 v4, v10  }
.Ltmp7:
0xbb: {  	v32 =	vadd.s32 v5, v21;
	v30 =	vshll.u32 v13, $0x7;
	v17 =	vld [tilespmem:s8+$0x0];
	v28 =	vand.u32 $0xFFFFFF80, v23;
	[tilespmem:v11+s17+$0x0] =	vst.idx.msk $0xffff, v22;
	v11 =	vmovc v20;
	(pc) =	sbr.rel @p3 .LBB2_8-.Ltmp7, $4  }
0xbc: {  	v31 =	vand.u32 $0x7F, v23;
	v21 =	vld [tilespmem:s8+$0xFFFFFF00];
	v22 =	vadd.s32 v4, v29;
	v23 =	vadd.s32 v30, v28;
	[tilespmem:v25+s17+$0x0] =	vst.idx.msk $0xffff, v24  }
0xbd: {  	v20 =	vmovc v29;
	v25 =	vand.u32 $0xFFFFFF80, v22;
	v30 =	vadd.s32 v4, v12;
	v24 =	vor.u32 v31, v23;
	v23 =	vld.idx.msk [tilespmem:v26+s4+$0x0], $0xffff  }
0xbe: {  	v26 =	vand.u32 $0x7F, v22;
	v29 =	vand.u32 $0xFFFFFF80, v30;
	v28 =	vadd.s32 v4, v14;
	v22 =	vld.idx.msk [tilespmem:v27+s4+$0x0], $0xffff;
	[tilespmem:v15+s17+$0x0] =	vst.idx.msk $0xffff, v19  }
0xbf: {  	s8 =	sadd.s32 $0x200, s8;
	v27 =	vand.u32 $0x7F, v30;
	v15 =	vmovc v32;
	v31 =	vshll.u32 v16, $0x7;
	v30 =	vand.u32 $0xFFFFFF80, v28;
	v19 =	vld.idx.msk [tilespmem:v33+s4+$0x0], $0xffff  }
0xc0: {  	_ = 	snop  }
0xc1: {  	v29 =	vadd.s32 v31, v29;
	v28 =	vand.u32 $0x7F, v28;
	v32 =	vshll.u32 v21, $0x7  }
0xc2: {  	v31 =	vshll.u32 v17, $0x7;
	v27 =	vor.u32 v27, v29;
	v25 =	vadd.s32 v32, v25  }
0xc3: {  	v10 =	vshll.u32 v10, $0x6;
	v25 =	vor.u32 v26, v25;
	v26 =	vadd.s32 v31, v30  }
0xc4: {  	v10 =	vadd.s32 v13, v10;
	v13 =	vor.u32 v28, v26  }
0xc5: {  	v12 =	vshll.u32 v12, $0x6  }
0xc6: {  	v24 =	vld.idx.msk [tilespmem:v24+s4+$0x0], $0xffff;
	v20 =	vshll.u32 v20, $0x6;
	v12 =	vadd.s32 v16, v12;
	v10 =	vadd.s32 v5, v10  }
0xc7: {  	v14 =	vshll.u32 v14, $0x6;
	v20 =	vadd.s32 v21, v20;
	v12 =	vadd.s32 v5, v12;
	v63 =	vld.idx.msk [tilespmem:v27+s4+$0x0], $0xffff  }
0xc8: {  	v14 =	vadd.s32 v17, v14;
	v62 =	vadd.s32 v5, v20;
	[tilespmem:v18+s17+$0x0] =	vst.idx.msk $0xffff, v23;
	v20 =	vld.idx.msk [tilespmem:v25+s4+$0x0], $0xffff  }
0xc9: {  	v14 =	vadd.s32 v5, v14;
	[tilespmem:v11+s17+$0x0] =	vst.idx.msk $0xffff, v22;
	v11 =	vld.idx.msk [tilespmem:v13+s4+$0x0], $0xffff  }
0xca: {  	[tilespmem:v15+s17+$0x0] =	vst.idx.msk $0xffff, v19  }
0xcb: {  	[tilespmem:v10+s17+$0x0] =	vst.idx.msk $0xffff, v24  }
0xcc: {  	[tilespmem:v12+s17+$0x0] =	vst.idx.msk $0xffff, v63  }
0xcd: {  	[tilespmem:v62+s17+$0x0] =	vst.idx.msk $0xffff, v20  }
0xce: {  	s14 =	simm.s32 $0x14100;
	[tilespmem:v14+s17+$0x0] =	vst.idx.msk $0xffff, v11  }
0xcf: {  	s13 =	simm.s32 $0x10100;
	v31 =	vld [tilespmem:s14+$0x80]  }
0xd0: {  	v30 =	vld [tilespmem:s13+$0x80]  }
0xd1: {  	v28 =	vld [tilespmem:s14+$0xFFFFFF00]  }
0xd2: {  	v10 =	vld [tilespmem:s14+$0x0]  }
0xd3: {  	v11 =	vld [tilespmem:s13+$0xFFFFFF80];
	_ =	sdelay $0x1  }
0xd4: {  	v29 =	vld [tilespmem:s14+$0xFFFFFF80]  }
0xd5: {  	p4 =	por $0x1, $0x1  }
.Ltmp8:
0xd6: {  	v12 =	vadd.s32 v6, v31;
	v14 =	vshll.u32 v30, $0x7;
	v15 =	vadd.s32 v6, v28;
	(pc) =	sbr.rel @!p4 .LBB2_10-.Ltmp8, $4  }
0xd7: {  	v32 =	vadd.s32 v6, v10;
	v35 =	vshll.u32 v11, $0x7;
	v13 =	vand.u32 $0xFFFFFF80, v12  }
0xd8: {  	v12 =	vand.u32 $0x7F, v12;
	v23 =	vand.u32 $0xFFFFFF80, v15;
	v13 =	vadd.s32 v14, v13  }
0xd9: {  	v25 =	vand.u32 $0x7F, v15;
	v14 =	vadd.s32 v6, v29;
	v22 =	vor.u32 v12, v13;
	v12 =	vld [tilespmem:s13+$0x0]  }
0xda: {  	s2 =	simm.s32 $0x10300;
	p3 =	por $0x0, $0x0;
	v34 =	vand.u32 $0xFFFFFF80, v32;
	v33 =	vand.u32 $0xFFFFFF80, v14;
	v13 =	vld [tilespmem:s13+$0xFFFFFF00];
	v27 =	vand.u32 $0x7F, v14  }
0xdb: {  	_ =	sdelay $0x1  }
0xdc: {  	v19 =	vld [tilespmem:s2+$0x80];
	v14 =	vadd.s32 v35, v33;
	v15 =	vand.u32 $0x7F, v32;
	s7 =	simm.s32 $0x14300;
	v20 =	vshll.u32 v31, $0x6  }
0xdd: {  	v17 =	vld [tilespmem:s7+$0x80];
	v21 =	vor.u32 v27, v14;
	v14 =	vadd.s32 v30, v20;
	v16 =	vshll.u32 v12, $0x7  }
0xde: {  	v26 =	vld [tilespmem:s7+$0xFFFFFF00];
	v63 =	vadd.s32 v7, v14;
	v18 =	vshll.u32 v13, $0x7;
	v16 =	vadd.s32 v16, v34  }
0xdf: {  	v18 =	vadd.s32 v18, v23;
	v62 =	vor.u32 v15, v16;
	v16 =	vshll.u32 v10, $0x6;
	v10 =	vld [tilespmem:s7+$0x0]  }
0xe0: {  	v14 =	vshll.u32 v28, $0x6;
	v15 =	vshll.u32 v29, $0x6;
	v20 =	vor.u32 v25, v18;
	v18 =	vld [tilespmem:s7+$0xFFFFFF80]  }
0xe1: {  	v13 =	vadd.s32 v13, v14;
	v24 =	vshll.u32 v19, $0x7;
	v14 =	vadd.s32 v11, v15;
	v11 =	vld [tilespmem:s2+$0xFFFFFF80]  }
0xe2: {  	p6 =	por $0x1, $0x1;
	v27 =	vld.idx.msk [tilespmem:v22+s4+$0x0], $0xffff;
	v15 =	vadd.s32 v12, v16;
	v22 =	vadd.s32 v6, v17;
	v16 =	vadd.s32 v7, v13  }
.Ltmp9:
0xe3: {  	v12 =	vld [tilespmem:s2+$0x0];
	v25 =	vadd.s32 v6, v26;
	v14 =	vadd.s32 v7, v14;
	v23 =	vand.u32 $0xFFFFFF80, v22;
	(pc) =	sbr.rel @!p6 .LBB2_12-.Ltmp9, $4  }
0xe4: {  	v13 =	vld [tilespmem:s2+$0xFFFFFF00];
	v15 =	vadd.s32 v7, v15;
	v22 =	vand.u32 $0x7F, v22;
	v24 =	vadd.s32 v24, v23  }
0xe5: {  	v21 =	vld.idx.msk [tilespmem:v21+s4+$0x0], $0xffff;
	v23 =	vand.u32 $0xFFFFFF80, v25;
	v25 =	vand.u32 $0x7F, v25;
	v22 =	vor.u32 v22, v24  }
0xe6: {  	v32 =	vadd.s32 v6, v10;
	v28 =	vadd.s32 v6, v18;
	v24 =	vld.idx.msk [tilespmem:v20+s4+$0x0], $0xffff;
	v35 =	vshll.u32 v11, $0x7  }
0xe7: {  	s9 =	simm.s32 $0x4;
	s12 =	simm.s32 $0x10500;
	p5 =	por $0x1, $0x1;
	[tilespmem:v63+s17+$0x0] =	vst.idx.msk $0xffff, v27;
	v34 =	vand.u32 $0xFFFFFF80, v32;
	v20 =	vld.idx.msk [tilespmem:v62+s4+$0x0], $0xffff;
	v33 =	vand.u32 $0xFFFFFF80, v28;
	v27 =	vand.u32 $0x7F, v28  }
.LBB2_13:
0xe8: {  	v28 =	vld [tilespmem:s12+$0x80];
	v29 =	vadd.s32 v35, v33;
	v30 =	vand.u32 $0x7F, v32;
	v31 =	vshll.u32 v12, $0x7;
	s7 =	sadd.s32 $0x200, s7  }
0xe9: {  	s9 =	sadd.s32 $0x4, s9;
	v33 =	vshll.u32 v17, $0x6;
	v32 =	vshll.u32 v13, $0x7;
	v31 =	vadd.s32 v31, v34;
	v17 =	vld [tilespmem:s7+$0x80]  }
0xea: {  	p6 =	slt.u32 s9, $0x7C;
	v27 =	vor.u32 v27, v29;
	v19 =	vadd.s32 v19, v33;
	v23 =	vadd.s32 v32, v23;
	v22 =	vld.idx.msk [tilespmem:v22+s4+$0x0], $0xffff  }
0xeb: {  	v30 =	vor.u32 v30, v31;
	v29 =	vld [tilespmem:s7+$0xFFFFFF00];
	v25 =	vor.u32 v25, v23;
	v23 =	vadd.s32 v7, v19  }
0xec: {  	v32 =	vshll.u32 v26, $0x6;
	v26 =	vshll.u32 v18, $0x6;
	v31 =	vshll.u32 v10, $0x6;
	v18 =	vld [tilespmem:s7+$0xFFFFFF80];
	[tilespmem:v16+s17+$0x0] =	vst.idx.msk $0xffff, v24  }
0xed: {  	v13 =	vadd.s32 v13, v32;
	v24 =	vadd.s32 v11, v26;
	v26 =	vadd.s32 v12, v31;
	v10 =	vld [tilespmem:s7+$0x0];
	v19 =	vmovc v28  }
0xee: {  	v16 =	vadd.s32 v7, v13;
	v13 =	vadd.s32 v7, v24;
	v11 =	vld [tilespmem:s12+$0xFFFFFF80];
	v28 =	vadd.s32 v6, v17  }
.Ltmp10:
0xef: {  	v36 =	vadd.s32 v7, v26;
	v31 =	vshll.u32 v19, $0x7;
	v12 =	vld [tilespmem:s12+$0x0];
	v24 =	vand.u32 $0xFFFFFF80, v28;
	[tilespmem:v14+s17+$0x0] =	vst.idx.msk $0xffff, v21;
	v14 =	vmovc v13;
	(pc) =	sbr.rel @p6 .LBB2_13-.Ltmp10, $4  }
0xf0: {  	v32 =	vand.u32 $0x7F, v28;
	v13 =	vld [tilespmem:s12+$0xFFFFFF00];
	v21 =	vadd.s32 v6, v29;
	v24 =	vadd.s32 v31, v24;
	[tilespmem:v23+s17+$0x0] =	vst.idx.msk $0xffff, v22  }
0xf1: {  	v26 =	vmovc v29;
	v23 =	vand.u32 $0xFFFFFF80, v21;
	v28 =	vadd.s32 v6, v18;
	v22 =	vor.u32 v32, v24;
	v24 =	vld.idx.msk [tilespmem:v25+s4+$0x0], $0xffff  }
0xf2: {  	v25 =	vand.u32 $0x7F, v21;
	v33 =	vand.u32 $0xFFFFFF80, v28;
	v32 =	vadd.s32 v6, v10;
	v21 =	vld.idx.msk [tilespmem:v27+s4+$0x0], $0xffff;
	[tilespmem:v15+s17+$0x0] =	vst.idx.msk $0xffff, v20  }
0xf3: {  	s12 =	sadd.s32 $0x200, s12;
	v27 =	vand.u32 $0x7F, v28;
	v15 =	vmovc v36;
	v35 =	vshll.u32 v11, $0x7;
	v34 =	vand.u32 $0xFFFFFF80, v32;
	v20 =	vld.idx.msk [tilespmem:v30+s4+$0x0], $0xffff  }
0xf4: {  	v31 =	vmovc v17;
	v30 =	vmov v19;
	v28 =	vmov v26;
	v29 =	vmov v18  }
.LBB2_15:
0xf5: {  	v17 =	vshll.u32 v13, $0x7;
	v18 =	vadd.s32 v35, v33  }
0xf6: {  	v17 =	vadd.s32 v17, v23;
	v23 =	vshll.u32 v12, $0x7;
	v18 =	vor.u32 v27, v18  }
0xf7: {  	v19 =	vand.u32 $0x7F, v32;
	v17 =	vor.u32 v25, v17;
	v23 =	vadd.s32 v23, v34  }
0xf8: {  	v25 =	vshll.u32 v31, $0x6;
	v19 =	vor.u32 v19, v23  }
0xf9: {  	v26 =	vshll.u32 v29, $0x6;
	v10 =	vshll.u32 v10, $0x6;
	v25 =	vadd.s32 v30, v25  }
0xfa: {  	v22 =	vld.idx.msk [tilespmem:v22+s4+$0x0], $0xffff;
	v11 =	vadd.s32 v11, v26;
	v23 =	vadd.s32 v7, v25;
	v25 =	vshll.u32 v28, $0x6  }
0xfb: {  	v10 =	vadd.s32 v12, v10;
	v11 =	vadd.s32 v7, v11;
	v13 =	vadd.s32 v13, v25;
	v12 =	vld.idx.msk [tilespmem:v18+s4+$0x0], $0xffff  }
0xfc: {  	[tilespmem:v16+s17+$0x0] =	vst.idx.msk @p5 $0xffff, v24;
	v13 =	vadd.s32 v7, v13;
	v17 =	vld.idx.msk [tilespmem:v17+s4+$0x0], $0xffff  }
0xfd: {  	v10 =	vadd.s32 v7, v10;
	[tilespmem:v14+s17+$0x0] =	vst.idx.msk @p5 $0xffff, v21;
	v14 =	vld.idx.msk [tilespmem:v19+s4+$0x0], $0xffff  }
0xfe: {  	[tilespmem:v15+s17+$0x0] =	vst.idx.msk @p5 $0xffff, v20  }
0xff: {  	[tilespmem:v23+s17+$0x0] =	vst.idx.msk $0xffff, v22  }
0x100: {  	[tilespmem:v11+s17+$0x0] =	vst.idx.msk $0xffff, v12  }
0x101: {  	[tilespmem:v13+s17+$0x0] =	vst.idx.msk $0xffff, v17  }
0x102: {  	[tilespmem:v10+s17+$0x0] =	vst.idx.msk $0xffff, v14  }
0x103: {  	v32 =	vld [tilespmem:s14+$0x80]  }
0x104: {  	v30 =	vld [tilespmem:s13+$0x80]  }
0x105: {  	v28 =	vld [tilespmem:s14+$0xFFFFFF00]  }
0x106: {  	v10 =	vld [tilespmem:s14+$0x0]  }
0x107: {  	v11 =	vld [tilespmem:s13+$0xFFFFFF80];
	_ =	sdelay $0x1  }
0x108: {  	v29 =	vld [tilespmem:s14+$0xFFFFFF80];
	_ =	sdelay $0x1  }
.Ltmp11:
0x109: {  	v12 =	vadd.s32 v8, v32;
	v14 =	vshll.u32 v30, $0x7;
	v15 =	vadd.s32 v8, v28;
	(pc) =	sbr.rel @!p4 .LBB2_16-.Ltmp11, $4  }
0x10a: {  	v31 =	vadd.s32 v8, v10;
	v35 =	vshll.u32 v11, $0x7;
	v13 =	vand.u32 $0xFFFFFF80, v12  }
0x10b: {  	v12 =	vand.u32 $0x7F, v12;
	v24 =	vand.u32 $0xFFFFFF80, v15;
	v13 =	vadd.s32 v14, v13  }
0x10c: {  	v25 =	vand.u32 $0x7F, v15;
	v14 =	vadd.s32 v8, v29;
	v22 =	vor.u32 v12, v13;
	v12 =	vld [tilespmem:s13+$0x0]  }
0x10d: {  	v34 =	vand.u32 $0xFFFFFF80, v31;
	v33 =	vand.u32 $0xFFFFFF80, v14;
	v13 =	vld [tilespmem:s13+$0xFFFFFF00];
	v27 =	vand.u32 $0x7F, v14  }
0x10e: {  	_ =	sdelay $0x1  }
0x10f: {  	v19 =	vld [tilespmem:s2+$0x80];
	v14 =	vadd.s32 v35, v33;
	v15 =	vand.u32 $0x7F, v31;
	s7 =	simm.s32 $0x14300;
	v20 =	vshll.u32 v32, $0x6  }
0x110: {  	v17 =	vld [tilespmem:s7+$0x80];
	v21 =	vor.u32 v27, v14;
	v14 =	vadd.s32 v30, v20;
	v16 =	vshll.u32 v12, $0x7  }
0x111: {  	v26 =	vld [tilespmem:s7+$0xFFFFFF00];
	v63 =	vadd.s32 v9, v14;
	v18 =	vshll.u32 v13, $0x7;
	v16 =	vadd.s32 v16, v34  }
0x112: {  	v18 =	vadd.s32 v18, v24;
	v30 =	vor.u32 v15, v16;
	v16 =	vshll.u32 v10, $0x6;
	v10 =	vld [tilespmem:s7+$0x0]  }
0x113: {  	v14 =	vshll.u32 v28, $0x6;
	v15 =	vshll.u32 v29, $0x6;
	v20 =	vor.u32 v25, v18;
	v18 =	vld [tilespmem:s7+$0xFFFFFF80]  }
0x114: {  	v13 =	vadd.s32 v13, v14;
	v24 =	vshll.u32 v19, $0x7;
	v14 =	vadd.s32 v11, v15;
	v11 =	vld [tilespmem:s2+$0xFFFFFF80]  }
0x115: {  	p4 =	por $0x1, $0x1;
	v27 =	vld.idx.msk [tilespmem:v22+s4+$0x0], $0xffff;
	v15 =	vadd.s32 v12, v16;
	v22 =	vadd.s32 v8, v17;
	v16 =	vadd.s32 v9, v13  }
.Ltmp12:
0x116: {  	v12 =	vld [tilespmem:s2+$0x0];
	v25 =	vadd.s32 v8, v26;
	v14 =	vadd.s32 v9, v14;
	v23 =	vand.u32 $0xFFFFFF80, v22;
	(pc) =	sbr.rel @!p4 .LBB2_18-.Ltmp12, $4  }
0x117: {  	v13 =	vld [tilespmem:s2+$0xFFFFFF00];
	v15 =	vadd.s32 v9, v15;
	v22 =	vand.u32 $0x7F, v22;
	v23 =	vadd.s32 v24, v23  }
0x118: {  	v21 =	vld.idx.msk [tilespmem:v21+s4+$0x0], $0xffff;
	v24 =	vand.u32 $0xFFFFFF80, v25;
	v25 =	vand.u32 $0x7F, v25;
	v22 =	vor.u32 v22, v23  }
0x119: {  	v31 =	vadd.s32 v8, v10;
	v28 =	vadd.s32 v8, v18;
	v23 =	vld.idx.msk [tilespmem:v20+s4+$0x0], $0xffff;
	v35 =	vshll.u32 v11, $0x7  }
0x11a: {  	s9 =	simm.s32 $0x10500;
	p3 =	por $0x1, $0x1;
	s2 =	simm.s32 $0x4;
	[tilespmem:v63+s17+$0x0] =	vst.idx.msk $0xffff, v27;
	v34 =	vand.u32 $0xFFFFFF80, v31;
	v20 =	vld.idx.msk [tilespmem:v30+s4+$0x0], $0xffff;
	v33 =	vand.u32 $0xFFFFFF80, v28;
	v27 =	vand.u32 $0x7F, v28  }
.LBB2_19:
0x11b: {  	v28 =	vld [tilespmem:s9+$0x80];
	v29 =	vadd.s32 v35, v33;
	v30 =	vand.u32 $0x7F, v31;
	v31 =	vshll.u32 v12, $0x7;
	s7 =	sadd.s32 $0x200, s7  }
0x11c: {  	s2 =	sadd.s32 $0x4, s2;
	v33 =	vshll.u32 v17, $0x6;
	v32 =	vshll.u32 v13, $0x7;
	v31 =	vadd.s32 v31, v34;
	v17 =	vld [tilespmem:s7+$0x80]  }
0x11d: {  	p4 =	slt.u32 s2, $0x7C;
	v27 =	vor.u32 v27, v29;
	v19 =	vadd.s32 v19, v33;
	v24 =	vadd.s32 v32, v24;
	v22 =	vld.idx.msk [tilespmem:v22+s4+$0x0], $0xffff  }
0x11e: {  	v30 =	vor.u32 v30, v31;
	v29 =	vld [tilespmem:s7+$0xFFFFFF00];
	v25 =	vor.u32 v25, v24;
	v24 =	vadd.s32 v9, v19  }
0x11f: {  	v32 =	vshll.u32 v26, $0x6;
	v26 =	vshll.u32 v18, $0x6;
	v31 =	vshll.u32 v10, $0x6;
	v18 =	vld [tilespmem:s7+$0xFFFFFF80];
	[tilespmem:v16+s17+$0x0] =	vst.idx.msk $0xffff, v23  }
0x120: {  	v13 =	vadd.s32 v13, v32;
	v23 =	vadd.s32 v11, v26;
	v26 =	vadd.s32 v12, v31;
	v10 =	vld [tilespmem:s7+$0x0];
	v19 =	vmovc v28  }
0x121: {  	v16 =	vadd.s32 v9, v13;
	v13 =	vadd.s32 v9, v23;
	v11 =	vld [tilespmem:s9+$0xFFFFFF80];
	v28 =	vadd.s32 v8, v17  }
.Ltmp13:
0x122: {  	v32 =	vadd.s32 v9, v26;
	v31 =	vshll.u32 v19, $0x7;
	v12 =	vld [tilespmem:s9+$0x0];
	v23 =	vand.u32 $0xFFFFFF80, v28;
	[tilespmem:v14+s17+$0x0] =	vst.idx.msk $0xffff, v21;
	v14 =	vmovc v13;
	(pc) =	sbr.rel @p4 .LBB2_19-.Ltmp13, $4  }
0x123: {  	v33 =	vand.u32 $0x7F, v28;
	v13 =	vld [tilespmem:s9+$0xFFFFFF00];
	v21 =	vadd.s32 v8, v29;
	v23 =	vadd.s32 v31, v23;
	[tilespmem:v24+s17+$0x0] =	vst.idx.msk $0xffff, v22  }
0x124: {  	v26 =	vmovc v29;
	v24 =	vand.u32 $0xFFFFFF80, v21;
	v28 =	vadd.s32 v8, v18;
	v22 =	vor.u32 v33, v23;
	v23 =	vld.idx.msk [tilespmem:v25+s4+$0x0], $0xffff  }
0x125: {  	v25 =	vand.u32 $0x7F, v21;
	v33 =	vand.u32 $0xFFFFFF80, v28;
	v31 =	vadd.s32 v8, v10;
	v21 =	vld.idx.msk [tilespmem:v27+s4+$0x0], $0xffff;
	[tilespmem:v15+s17+$0x0] =	vst.idx.msk $0xffff, v20  }
0x126: {  	s9 =	sadd.s32 $0x200, s9;
	v27 =	vand.u32 $0x7F, v28;
	v15 =	vmovc v32;
	v35 =	vshll.u32 v11, $0x7;
	v34 =	vand.u32 $0xFFFFFF80, v31;
	v20 =	vld.idx.msk [tilespmem:v30+s4+$0x0], $0xffff  }
0x127: {  	v32 =	vmovc v17;
	v30 =	vmov v19;
	v28 =	vmov v26;
	v29 =	vmov v18  }
.LBB2_21:
0x128: {  	v17 =	vshll.u32 v13, $0x7;
	v18 =	vadd.s32 v35, v33  }
0x129: {  	v57 =	vshll.u32 v12, $0x7;
	v17 =	vadd.s32 v17, v24;
	v18 =	vor.u32 v27, v18  }
0x12a: {  	v19 =	vand.u32 $0x7F, v31;
	v24 =	vadd.s32 v57, v34;
	v17 =	vor.u32 v25, v17  }
0x12b: {  	v58 =	vshll.u32 v32, $0x6;
	v19 =	vor.u32 v19, v24  }
0x12c: {  	v26 =	vshll.u32 v29, $0x6;
	v25 =	vadd.s32 v30, v58  }
0x12d: {  	v22 =	vld.idx.msk [tilespmem:v22+s4+$0x0], $0xffff;
	v60 =	vshll.u32 v28, $0x6;
	v11 =	vadd.s32 v11, v26;
	v59 =	vadd.s32 v9, v25  }
0x12e: {  	v10 =	vshll.u32 v10, $0x6;
	v61 =	vadd.s32 v13, v60;
	v11 =	vadd.s32 v9, v11;
	v62 =	vld.idx.msk [tilespmem:v18+s4+$0x0], $0xffff  }
0x12f: {  	[tilespmem:v16+s17+$0x0] =	vst.idx.msk @p3 $0xffff, v23;
	v10 =	vadd.s32 v12, v10;
	v13 =	vadd.s32 v9, v61;
	v17 =	vld.idx.msk [tilespmem:v17+s4+$0x0], $0xffff  }
0x130: {  	v10 =	vadd.s32 v9, v10;
	[tilespmem:v14+s17+$0x0] =	vst.idx.msk @p3 $0xffff, v21;
	v63 =	vld.idx.msk [tilespmem:v19+s4+$0x0], $0xffff  }
0x131: {  	[tilespmem:v15+s17+$0x0] =	vst.idx.msk @p3 $0xffff, v20  }
0x132: {  	[tilespmem:v59+s17+$0x0] =	vst.idx.msk $0xffff, v22  }
0x133: {  	[tilespmem:v11+s17+$0x0] =	vst.idx.msk $0xffff, v62  }
0x134: {  	s2 =	sshll.u32 s3, $0xA;
	[tilespmem:v13+s17+$0x0] =	vst.idx.msk $0xffff, v17  }
0x135: {  	s2 =	sadd.s32 s6, s2;
	[tilespmem:v10+s17+$0x0] =	vst.idx.msk $0xffff, v63  }
0x136: {  	[hbm4b:s2+s4] =	stream.linear.scatter [tilespmem:s17], [sflag:$0x5], $0x2000, $0x38;
	[tilespmem:$0x18000] =	vst v63  }
.LBB2_22:
0x137: {  	s2 =	sor.u32 $0x20, s3  }
0x138: {  	p3 =	sgt.u32 s2, $0x1E83  }
.Ltmp14:
0x139: {  	_ = 	snop;
	(pc) =	sbr.rel @p3 .LBB2_40-.Ltmp14, $1  }
0x13a: {  	_ =	sdelay $0x3  }
0x13b: {  	p3 =	sgt.u32 s2, $0x1E43  }
0x13c: {  	p4 =	seq.s32 @!p3 s31, $0x0  }
0x13d: {  	p4 =	por p4, p3  }
0x13e: {  	s7 =	simm.s32 @!p4 $0x8  }
0x13f: {  	s8 =	sshll.u32 @!p3 s3, $0x7;
	s9 =	simm.s32 @!p3 $0x7A1400;
	_ =	swait.ge @!p4 [sflag:s7], $0x2000  }
0x140: {  	s12 =	simm.s32 @!p3 $0x6000;
	s8 =	sadd.s32 @!p3 s8, s1;
	[sflag:s7] =	ssyncset.done @!p4 $0x0  }
0x141: {  	[sflag:s7] =	ssyncadd.s32 @!p4 $0xFFFFE000;
	s7 =	sadd.s32 @!p3 $0x3000, s8;
	s8 =	simm.s32 @!p3 $0x400  }
0x142: {  	[tilespmem:s12], [sflag:$0x4] =	stream.strided.gather @!p3 [hbm4b:s7+s8], $0x2000, s9, s8, $0x38;
	[tilespmem:$0x18000] =	vst v63  }
0x143: {  	_ =	swait.ge [sflag:s18], $0x2000  }
0x144: {  	[sflag:s18] =	ssyncset.done $0x0  }
0x145: {  	s14 =	simm.s32 $0x14100;
	[sflag:s18] =	ssyncadd.s32 $0xFFFFE000  }
0x146: {  	s7 =	simm.s32 $0x10100;
	v11 =	vld [tilespmem:s14+$0x80]  }
0x147: {  	v12 =	vld [tilespmem:s7+$0x80]  }
0x148: {  	v14 =	vld [tilespmem:s14+$0xFFFFFF00]  }
0x149: {  	v15 =	vld [tilespmem:s14+$0xFFFFFF80]  }
0x14a: {  	v17 =	vld [tilespmem:s7+$0xFFFFFF80]  }
0x14b: {  	v21 =	vld [tilespmem:s7+$0xFFFFFF00];
	_ =	sdelay $0x3  }
0x14c: {  	v16 =	vld [tilespmem:s14+$0x0];
	v10 =	vadd.s32 v1, v11;
	v19 =	vshll.u32 v12, $0x7;
	v20 =	vadd.s32 v1, v14  }
0x14d: {  	v22 =	vadd.s32 v1, v15;
	v25 =	vshll.u32 v17, $0x7;
	v28 =	vshll.u32 v21, $0x7  }
0x14e: {  	v18 =	vld [tilespmem:s7+$0x0];
	v11 =	vshll.u32 v11, $0x6;
	v15 =	vshll.u32 v15, $0x6;
	v13 =	vand.u32 $0xFFFFFF80, v10  }
0x14f: {  	v10 =	vand.u32 $0x7F, v10;
	v24 =	vand.u32 $0x7F, v20;
	v11 =	vadd.s32 v12, v11  }
0x150: {  	s9 =	simm.s32 $0x14300;
	v15 =	vadd.s32 v17, v15;
	v13 =	vadd.s32 v19, v13;
	v19 =	vand.u32 $0xFFFFFF80, v20  }
0x151: {  	v12 =	vld [tilespmem:s9+$0xFFFFFF80];
	v20 =	vadd.s32 v1, v16;
	v23 =	vor.u32 v10, v13;
	v10 =	vand.u32 $0xFFFFFF80, v22  }
0x152: {  	s13 =	simm.s32 $0x10300;
	v16 =	vshll.u32 v16, $0x6;
	v22 =	vand.u32 $0x7F, v22;
	v25 =	vadd.s32 v25, v10;
	v10 =	vld [tilespmem:s9+$0x80]  }
0x153: {  	v26 =	vand.u32 $0xFFFFFF80, v20;
	v13 =	vld [tilespmem:s13+$0x80];
	v27 =	vand.u32 $0x7F, v20;
	v20 =	vshll.u32 v18, $0x7  }
0x154: {  	v19 =	vadd.s32 v28, v19;
	v26 =	vadd.s32 v20, v26;
	v20 =	vld [tilespmem:s9+$0xFFFFFF00];
	v22 =	vor.u32 v22, v25  }
0x155: {  	v32 =	vor.u32 v27, v26;
	v27 =	vadd.s32 v2, v11;
	v11 =	vshll.u32 v14, $0x6;
	v14 =	vld [tilespmem:s9+$0x0]  }
0x156: {  	v19 =	vor.u32 v24, v19;
	v11 =	vadd.s32 v21, v11;
	v21 =	vadd.s32 v18, v16;
	v16 =	vld [tilespmem:s13+$0xFFFFFF80]  }
0x157: {  	v31 =	vadd.s32 v1, v12;
	v18 =	vadd.s32 v2, v11;
	v30 =	vld.idx.msk [tilespmem:v23+s15+$0x0], $0xffff;
	v23 =	vadd.s32 v1, v10  }
0x158: {  	v17 =	vld [tilespmem:s13+$0x0];
	v11 =	vadd.s32 v2, v15;
	v25 =	vshll.u32 v13, $0x7;
	v24 =	vand.u32 $0xFFFFFF80, v23  }
0x159: {  	v15 =	vadd.s32 v2, v21;
	v21 =	vld [tilespmem:s13+$0xFFFFFF00];
	v23 =	vand.u32 $0x7F, v23;
	v24 =	vadd.s32 v25, v24  }
0x15a: {  	v29 =	vand.u32 $0xFFFFFF80, v31;
	v26 =	vadd.s32 v1, v20;
	v22 =	vld.idx.msk [tilespmem:v22+s15+$0x0], $0xffff;
	v24 =	vor.u32 v23, v24  }
0x15b: {  	v28 =	vadd.s32 v1, v14;
	v25 =	vand.u32 $0xFFFFFF80, v26;
	v26 =	vand.u32 $0x7F, v26;
	v23 =	vld.idx.msk [tilespmem:v19+s15+$0x0], $0xffff  }
0x15c: {  	s12 =	simm.s32 $0x4;
	s8 =	simm.s32 $0x10500;
	v19 =	vld.idx.msk [tilespmem:v32+s15+$0x0], $0xffff;
	[tilespmem:v27+s19+$0x0] =	vst.idx.msk $0xffff, v30;
	v27 =	vand.u32 $0x7F, v31;
	v31 =	vshll.u32 v16, $0x7;
	v30 =	vand.u32 $0xFFFFFF80, v28  }
.LBB2_24:
0x15d: {  	v32 =	vld [tilespmem:s8+$0x80];
	v29 =	vadd.s32 v31, v29;
	v28 =	vand.u32 $0x7F, v28;
	v31 =	vshll.u32 v17, $0x7;
	s9 =	sadd.s32 $0x200, s9  }
0x15e: {  	s12 =	sadd.s32 $0x4, s12;
	v33 =	vshll.u32 v21, $0x7;
	v30 =	vadd.s32 v31, v30;
	v31 =	vshll.u32 v10, $0x6;
	v10 =	vld [tilespmem:s9+$0x80]  }
0x15f: {  	p3 =	slt.u32 s12, $0x7C;
	v27 =	vor.u32 v27, v29;
	v25 =	vadd.s32 v33, v25;
	v24 =	vld.idx.msk [tilespmem:v24+s15+$0x0], $0xffff;
	v13 =	vadd.s32 v13, v31  }
0x160: {  	v33 =	vor.u32 v28, v30;
	v29 =	vld [tilespmem:s9+$0xFFFFFF00];
	v26 =	vor.u32 v26, v25;
	v25 =	vadd.s32 v2, v13  }
0x161: {  	v30 =	vshll.u32 v20, $0x6;
	v20 =	vshll.u32 v12, $0x6;
	v28 =	vshll.u32 v14, $0x6;
	v12 =	vld [tilespmem:s9+$0xFFFFFF80];
	[tilespmem:v18+s19+$0x0] =	vst.idx.msk $0xffff, v23  }
0x162: {  	v20 =	vadd.s32 v16, v20;
	v18 =	vadd.s32 v21, v30;
	v21 =	vadd.s32 v17, v28;
	v14 =	vld [tilespmem:s9+$0x0];
	v13 =	vmovc v32  }
0x163: {  	v20 =	vadd.s32 v2, v20;
	v18 =	vadd.s32 v2, v18;
	v16 =	vld [tilespmem:s8+$0xFFFFFF80];
	v23 =	vadd.s32 v1, v10  }
.Ltmp15:
0x164: {  	v32 =	vadd.s32 v2, v21;
	v30 =	vshll.u32 v13, $0x7;
	v17 =	vld [tilespmem:s8+$0x0];
	v28 =	vand.u32 $0xFFFFFF80, v23;
	[tilespmem:v11+s19+$0x0] =	vst.idx.msk $0xffff, v22;
	v11 =	vmovc v20;
	(pc) =	sbr.rel @p3 .LBB2_24-.Ltmp15, $4  }
0x165: {  	v31 =	vand.u32 $0x7F, v23;
	v21 =	vld [tilespmem:s8+$0xFFFFFF00];
	v22 =	vadd.s32 v1, v29;
	v23 =	vadd.s32 v30, v28;
	[tilespmem:v25+s19+$0x0] =	vst.idx.msk $0xffff, v24  }
0x166: {  	v20 =	vmovc v29;
	v25 =	vand.u32 $0xFFFFFF80, v22;
	v30 =	vadd.s32 v1, v12;
	v24 =	vor.u32 v31, v23;
	v23 =	vld.idx.msk [tilespmem:v26+s15+$0x0], $0xffff  }
0x167: {  	v26 =	vand.u32 $0x7F, v22;
	v29 =	vand.u32 $0xFFFFFF80, v30;
	v28 =	vadd.s32 v1, v14;
	v22 =	vld.idx.msk [tilespmem:v27+s15+$0x0], $0xffff;
	[tilespmem:v15+s19+$0x0] =	vst.idx.msk $0xffff, v19  }
0x168: {  	s8 =	sadd.s32 $0x200, s8;
	v27 =	vand.u32 $0x7F, v30;
	v15 =	vmovc v32;
	v31 =	vshll.u32 v16, $0x7;
	v30 =	vand.u32 $0xFFFFFF80, v28;
	v19 =	vld.idx.msk [tilespmem:v33+s15+$0x0], $0xffff  }
0x169: {  	_ = 	snop  }
0x16a: {  	v29 =	vadd.s32 v31, v29;
	v28 =	vand.u32 $0x7F, v28;
	v32 =	vshll.u32 v21, $0x7  }
0x16b: {  	v31 =	vshll.u32 v17, $0x7;
	v27 =	vor.u32 v27, v29;
	v25 =	vadd.s32 v32, v25  }
0x16c: {  	v10 =	vshll.u32 v10, $0x6;
	v25 =	vor.u32 v26, v25;
	v26 =	vadd.s32 v31, v30  }
0x16d: {  	v10 =	vadd.s32 v13, v10;
	v13 =	vor.u32 v28, v26  }
0x16e: {  	v20 =	vshll.u32 v20, $0x6;
	v12 =	vshll.u32 v12, $0x6  }
0x16f: {  	v24 =	vld.idx.msk [tilespmem:v24+s15+$0x0], $0xffff;
	v14 =	vshll.u32 v14, $0x6;
	v12 =	vadd.s32 v16, v12;
	v10 =	vadd.s32 v2, v10  }
0x170: {  	v20 =	vadd.s32 v21, v20;
	v14 =	vadd.s32 v17, v14;
	v12 =	vadd.s32 v2, v12;
	v17 =	vld.idx.msk [tilespmem:v27+s15+$0x0], $0xffff  }
0x171: {  	v16 =	vadd.s32 v2, v20;
	[tilespmem:v18+s19+$0x0] =	vst.idx.msk $0xffff, v23;
	v20 =	vld.idx.msk [tilespmem:v25+s15+$0x0], $0xffff  }
0x172: {  	v14 =	vadd.s32 v2, v14;
	[tilespmem:v11+s19+$0x0] =	vst.idx.msk $0xffff, v22;
	v11 =	vld.idx.msk [tilespmem:v13+s15+$0x0], $0xffff  }
0x173: {  	[tilespmem:v15+s19+$0x0] =	vst.idx.msk $0xffff, v19  }
0x174: {  	[tilespmem:v10+s19+$0x0] =	vst.idx.msk $0xffff, v24  }
0x175: {  	[tilespmem:v12+s19+$0x0] =	vst.idx.msk $0xffff, v17  }
0x176: {  	[tilespmem:v16+s19+$0x0] =	vst.idx.msk $0xffff, v20  }
0x177: {  	[tilespmem:v14+s19+$0x0] =	vst.idx.msk $0xffff, v11  }
0x178: {  	v11 =	vld [tilespmem:s14+$0x80]  }
0x179: {  	v12 =	vld [tilespmem:s7+$0x80]  }
0x17a: {  	v14 =	vld [tilespmem:s14+$0xFFFFFF00]  }
0x17b: {  	v15 =	vld [tilespmem:s14+$0xFFFFFF80]  }
0x17c: {  	v17 =	vld [tilespmem:s7+$0xFFFFFF80]  }
0x17d: {  	v21 =	vld [tilespmem:s7+$0xFFFFFF00];
	_ =	sdelay $0x3  }
0x17e: {  	v16 =	vld [tilespmem:s14+$0x0];
	v10 =	vadd.s32 v4, v11;
	v19 =	vshll.u32 v12, $0x7;
	v20 =	vadd.s32 v4, v14  }
0x17f: {  	v22 =	vadd.s32 v4, v15;
	v25 =	vshll.u32 v17, $0x7;
	v28 =	vshll.u32 v21, $0x7  }
0x180: {  	v18 =	vld [tilespmem:s7+$0x0];
	v11 =	vshll.u32 v11, $0x6;
	v15 =	vshll.u32 v15, $0x6;
	v13 =	vand.u32 $0xFFFFFF80, v10  }
0x181: {  	v10 =	vand.u32 $0x7F, v10;
	v24 =	vand.u32 $0x7F, v20;
	v11 =	vadd.s32 v12, v11  }
0x182: {  	s7 =	simm.s32 $0x14300;
	v15 =	vadd.s32 v17, v15;
	v13 =	vadd.s32 v19, v13;
	v19 =	vand.u32 $0xFFFFFF80, v20  }
0x183: {  	v12 =	vld [tilespmem:s7+$0xFFFFFF80];
	v20 =	vadd.s32 v4, v16;
	v23 =	vor.u32 v10, v13;
	v10 =	vand.u32 $0xFFFFFF80, v22  }
0x184: {  	v16 =	vshll.u32 v16, $0x6;
	v22 =	vand.u32 $0x7F, v22;
	v25 =	vadd.s32 v25, v10;
	v10 =	vld [tilespmem:s7+$0x80]  }
0x185: {  	v26 =	vand.u32 $0xFFFFFF80, v20;
	v13 =	vld [tilespmem:s13+$0x80];
	v27 =	vand.u32 $0x7F, v20;
	v20 =	vshll.u32 v18, $0x7  }
0x186: {  	v19 =	vadd.s32 v28, v19;
	v26 =	vadd.s32 v20, v26;
	v20 =	vld [tilespmem:s7+$0xFFFFFF00];
	v22 =	vor.u32 v22, v25  }
0x187: {  	v63 =	vor.u32 v27, v26;
	v27 =	vadd.s32 v5, v11;
	v11 =	vshll.u32 v14, $0x6;
	v14 =	vld [tilespmem:s7+$0x0]  }
0x188: {  	v19 =	vor.u32 v24, v19;
	v11 =	vadd.s32 v21, v11;
	v21 =	vadd.s32 v18, v16;
	v16 =	vld [tilespmem:s13+$0xFFFFFF80]  }
0x189: {  	v31 =	vadd.s32 v4, v12;
	v18 =	vadd.s32 v5, v11;
	v30 =	vld.idx.msk [tilespmem:v23+s15+$0x0], $0xffff;
	v23 =	vadd.s32 v4, v10  }
0x18a: {  	v17 =	vld [tilespmem:s13+$0x0];
	v11 =	vadd.s32 v5, v15;
	v25 =	vshll.u32 v13, $0x7;
	v24 =	vand.u32 $0xFFFFFF80, v23  }
0x18b: {  	v15 =	vadd.s32 v5, v21;
	v21 =	vld [tilespmem:s13+$0xFFFFFF00];
	v23 =	vand.u32 $0x7F, v23;
	v24 =	vadd.s32 v25, v24  }
0x18c: {  	v29 =	vand.u32 $0xFFFFFF80, v31;
	v26 =	vadd.s32 v4, v20;
	v22 =	vld.idx.msk [tilespmem:v22+s15+$0x0], $0xffff;
	v24 =	vor.u32 v23, v24  }
0x18d: {  	v28 =	vadd.s32 v4, v14;
	v25 =	vand.u32 $0xFFFFFF80, v26;
	v26 =	vand.u32 $0x7F, v26;
	v23 =	vld.idx.msk [tilespmem:v19+s15+$0x0], $0xffff  }
0x18e: {  	s9 =	simm.s32 $0x4;
	s8 =	simm.s32 $0x10500;
	v19 =	vld.idx.msk [tilespmem:v63+s15+$0x0], $0xffff;
	[tilespmem:v27+s19+$0x0] =	vst.idx.msk $0xffff, v30;
	v27 =	vand.u32 $0x7F, v31;
	v31 =	vshll.u32 v16, $0x7;
	v30 =	vand.u32 $0xFFFFFF80, v28  }
.LBB2_26:
0x18f: {  	v32 =	vld [tilespmem:s8+$0x80];
	v29 =	vadd.s32 v31, v29;
	v28 =	vand.u32 $0x7F, v28;
	v31 =	vshll.u32 v17, $0x7;
	s7 =	sadd.s32 $0x200, s7  }
0x190: {  	s9 =	sadd.s32 $0x4, s9;
	v33 =	vshll.u32 v21, $0x7;
	v30 =	vadd.s32 v31, v30;
	v31 =	vshll.u32 v10, $0x6;
	v10 =	vld [tilespmem:s7+$0x80]  }
0x191: {  	p3 =	slt.u32 s9, $0x7C;
	v27 =	vor.u32 v27, v29;
	v25 =	vadd.s32 v33, v25;
	v24 =	vld.idx.msk [tilespmem:v24+s15+$0x0], $0xffff;
	v13 =	vadd.s32 v13, v31  }
0x192: {  	v33 =	vor.u32 v28, v30;
	v29 =	vld [tilespmem:s7+$0xFFFFFF00];
	v26 =	vor.u32 v26, v25;
	v25 =	vadd.s32 v5, v13  }
0x193: {  	v30 =	vshll.u32 v20, $0x6;
	v20 =	vshll.u32 v12, $0x6;
	v28 =	vshll.u32 v14, $0x6;
	v12 =	vld [tilespmem:s7+$0xFFFFFF80];
	[tilespmem:v18+s19+$0x0] =	vst.idx.msk $0xffff, v23  }
0x194: {  	v20 =	vadd.s32 v16, v20;
	v18 =	vadd.s32 v21, v30;
	v21 =	vadd.s32 v17, v28;
	v14 =	vld [tilespmem:s7+$0x0];
	v13 =	vmovc v32  }
0x195: {  	v20 =	vadd.s32 v5, v20;
	v18 =	vadd.s32 v5, v18;
	v16 =	vld [tilespmem:s8+$0xFFFFFF80];
	v23 =	vadd.s32 v4, v10  }
.Ltmp16:
0x196: {  	v32 =	vadd.s32 v5, v21;
	v30 =	vshll.u32 v13, $0x7;
	v17 =	vld [tilespmem:s8+$0x0];
	v28 =	vand.u32 $0xFFFFFF80, v23;
	[tilespmem:v11+s19+$0x0] =	vst.idx.msk $0xffff, v22;
	v11 =	vmovc v20;
	(pc) =	sbr.rel @p3 .LBB2_26-.Ltmp16, $4  }
0x197: {  	v31 =	vand.u32 $0x7F, v23;
	v21 =	vld [tilespmem:s8+$0xFFFFFF00];
	v22 =	vadd.s32 v4, v29;
	v23 =	vadd.s32 v30, v28;
	[tilespmem:v25+s19+$0x0] =	vst.idx.msk $0xffff, v24  }
0x198: {  	v20 =	vmovc v29;
	v25 =	vand.u32 $0xFFFFFF80, v22;
	v30 =	vadd.s32 v4, v12;
	v24 =	vor.u32 v31, v23;
	v23 =	vld.idx.msk [tilespmem:v26+s15+$0x0], $0xffff  }
0x199: {  	v26 =	vand.u32 $0x7F, v22;
	v29 =	vand.u32 $0xFFFFFF80, v30;
	v28 =	vadd.s32 v4, v14;
	v22 =	vld.idx.msk [tilespmem:v27+s15+$0x0], $0xffff;
	[tilespmem:v15+s19+$0x0] =	vst.idx.msk $0xffff, v19  }
0x19a: {  	s8 =	sadd.s32 $0x200, s8;
	v27 =	vand.u32 $0x7F, v30;
	v15 =	vmovc v32;
	v31 =	vshll.u32 v16, $0x7;
	v30 =	vand.u32 $0xFFFFFF80, v28;
	v19 =	vld.idx.msk [tilespmem:v33+s15+$0x0], $0xffff  }
0x19b: {  	_ = 	snop  }
0x19c: {  	v29 =	vadd.s32 v31, v29;
	v28 =	vand.u32 $0x7F, v28;
	v32 =	vshll.u32 v21, $0x7  }
0x19d: {  	v31 =	vshll.u32 v17, $0x7;
	v27 =	vor.u32 v27, v29;
	v25 =	vadd.s32 v32, v25  }
0x19e: {  	v10 =	vshll.u32 v10, $0x6;
	v25 =	vor.u32 v26, v25;
	v26 =	vadd.s32 v31, v30  }
0x19f: {  	v10 =	vadd.s32 v13, v10;
	v13 =	vor.u32 v28, v26  }
0x1a0: {  	v12 =	vshll.u32 v12, $0x6  }
0x1a1: {  	v24 =	vld.idx.msk [tilespmem:v24+s15+$0x0], $0xffff;
	v20 =	vshll.u32 v20, $0x6;
	v12 =	vadd.s32 v16, v12;
	v10 =	vadd.s32 v5, v10  }
0x1a2: {  	v14 =	vshll.u32 v14, $0x6;
	v20 =	vadd.s32 v21, v20;
	v12 =	vadd.s32 v5, v12;
	v63 =	vld.idx.msk [tilespmem:v27+s15+$0x0], $0xffff  }
0x1a3: {  	v14 =	vadd.s32 v17, v14;
	v62 =	vadd.s32 v5, v20;
	[tilespmem:v18+s19+$0x0] =	vst.idx.msk $0xffff, v23;
	v20 =	vld.idx.msk [tilespmem:v25+s15+$0x0], $0xffff  }
0x1a4: {  	v14 =	vadd.s32 v5, v14;
	[tilespmem:v11+s19+$0x0] =	vst.idx.msk $0xffff, v22;
	v11 =	vld.idx.msk [tilespmem:v13+s15+$0x0], $0xffff  }
0x1a5: {  	[tilespmem:v15+s19+$0x0] =	vst.idx.msk $0xffff, v19  }
0x1a6: {  	[tilespmem:v10+s19+$0x0] =	vst.idx.msk $0xffff, v24  }
0x1a7: {  	[tilespmem:v12+s19+$0x0] =	vst.idx.msk $0xffff, v63  }
0x1a8: {  	[tilespmem:v62+s19+$0x0] =	vst.idx.msk $0xffff, v20  }
0x1a9: {  	s7 =	simm.s32 $0x14100;
	[tilespmem:v14+s19+$0x0] =	vst.idx.msk $0xffff, v11  }
0x1aa: {  	s14 =	simm.s32 $0x10100;
	v31 =	vld [tilespmem:s7+$0x80]  }
0x1ab: {  	v30 =	vld [tilespmem:s14+$0x80]  }
0x1ac: {  	v28 =	vld [tilespmem:s7+$0xFFFFFF00]  }
0x1ad: {  	v10 =	vld [tilespmem:s7+$0x0]  }
0x1ae: {  	v11 =	vld [tilespmem:s14+$0xFFFFFF80];
	_ =	sdelay $0x1  }
0x1af: {  	v29 =	vld [tilespmem:s7+$0xFFFFFF80]  }
0x1b0: {  	p4 =	por $0x1, $0x1  }
.Ltmp17:
0x1b1: {  	v12 =	vadd.s32 v6, v31;
	v14 =	vshll.u32 v30, $0x7;
	v15 =	vadd.s32 v6, v28;
	(pc) =	sbr.rel @!p4 .LBB2_28-.Ltmp17, $4  }
0x1b2: {  	v32 =	vadd.s32 v6, v10;
	v35 =	vshll.u32 v11, $0x7;
	v13 =	vand.u32 $0xFFFFFF80, v12  }
0x1b3: {  	v12 =	vand.u32 $0x7F, v12;
	v23 =	vand.u32 $0xFFFFFF80, v15;
	v13 =	vadd.s32 v14, v13  }
0x1b4: {  	v25 =	vand.u32 $0x7F, v15;
	v14 =	vadd.s32 v6, v29;
	v22 =	vor.u32 v12, v13;
	v12 =	vld [tilespmem:s14+$0x0]  }
0x1b5: {  	s13 =	simm.s32 $0x10300;
	p3 =	por $0x0, $0x0;
	v34 =	vand.u32 $0xFFFFFF80, v32;
	v33 =	vand.u32 $0xFFFFFF80, v14;
	v13 =	vld [tilespmem:s14+$0xFFFFFF00];
	v27 =	vand.u32 $0x7F, v14  }
0x1b6: {  	_ =	sdelay $0x1  }
0x1b7: {  	v19 =	vld [tilespmem:s13+$0x80];
	v14 =	vadd.s32 v35, v33;
	v15 =	vand.u32 $0x7F, v32;
	s9 =	simm.s32 $0x14300;
	v20 =	vshll.u32 v31, $0x6  }
0x1b8: {  	v17 =	vld [tilespmem:s9+$0x80];
	v21 =	vor.u32 v27, v14;
	v14 =	vadd.s32 v30, v20;
	v16 =	vshll.u32 v12, $0x7  }
0x1b9: {  	v26 =	vld [tilespmem:s9+$0xFFFFFF00];
	v63 =	vadd.s32 v7, v14;
	v18 =	vshll.u32 v13, $0x7;
	v16 =	vadd.s32 v16, v34  }
0x1ba: {  	v18 =	vadd.s32 v18, v23;
	v62 =	vor.u32 v15, v16;
	v16 =	vshll.u32 v10, $0x6;
	v10 =	vld [tilespmem:s9+$0x0]  }
0x1bb: {  	v14 =	vshll.u32 v28, $0x6;
	v15 =	vshll.u32 v29, $0x6;
	v20 =	vor.u32 v25, v18;
	v18 =	vld [tilespmem:s9+$0xFFFFFF80]  }
0x1bc: {  	v13 =	vadd.s32 v13, v14;
	v24 =	vshll.u32 v19, $0x7;
	v14 =	vadd.s32 v11, v15;
	v11 =	vld [tilespmem:s13+$0xFFFFFF80]  }
0x1bd: {  	p6 =	por $0x1, $0x1;
	v27 =	vld.idx.msk [tilespmem:v22+s15+$0x0], $0xffff;
	v15 =	vadd.s32 v12, v16;
	v22 =	vadd.s32 v6, v17;
	v16 =	vadd.s32 v7, v13  }
.Ltmp18:
0x1be: {  	v12 =	vld [tilespmem:s13+$0x0];
	v25 =	vadd.s32 v6, v26;
	v14 =	vadd.s32 v7, v14;
	v23 =	vand.u32 $0xFFFFFF80, v22;
	(pc) =	sbr.rel @!p6 .LBB2_30-.Ltmp18, $4  }
0x1bf: {  	v13 =	vld [tilespmem:s13+$0xFFFFFF00];
	v15 =	vadd.s32 v7, v15;
	v22 =	vand.u32 $0x7F, v22;
	v24 =	vadd.s32 v24, v23  }
0x1c0: {  	v21 =	vld.idx.msk [tilespmem:v21+s15+$0x0], $0xffff;
	v23 =	vand.u32 $0xFFFFFF80, v25;
	v25 =	vand.u32 $0x7F, v25;
	v22 =	vor.u32 v22, v24  }
0x1c1: {  	v32 =	vadd.s32 v6, v10;
	v28 =	vadd.s32 v6, v18;
	v24 =	vld.idx.msk [tilespmem:v20+s15+$0x0], $0xffff;
	v35 =	vshll.u32 v11, $0x7  }
0x1c2: {  	s12 =	simm.s32 $0x4;
	s8 =	simm.s32 $0x10500;
	p5 =	por $0x1, $0x1;
	[tilespmem:v63+s19+$0x0] =	vst.idx.msk $0xffff, v27;
	v34 =	vand.u32 $0xFFFFFF80, v32;
	v20 =	vld.idx.msk [tilespmem:v62+s15+$0x0], $0xffff;
	v33 =	vand.u32 $0xFFFFFF80, v28;
	v27 =	vand.u32 $0x7F, v28  }
.LBB2_31:
0x1c3: {  	v28 =	vld [tilespmem:s8+$0x80];
	v29 =	vadd.s32 v35, v33;
	v30 =	vand.u32 $0x7F, v32;
	v31 =	vshll.u32 v12, $0x7;
	s9 =	sadd.s32 $0x200, s9  }
0x1c4: {  	s12 =	sadd.s32 $0x4, s12;
	v33 =	vshll.u32 v17, $0x6;
	v32 =	vshll.u32 v13, $0x7;
	v31 =	vadd.s32 v31, v34;
	v17 =	vld [tilespmem:s9+$0x80]  }
0x1c5: {  	p6 =	slt.u32 s12, $0x7C;
	v27 =	vor.u32 v27, v29;
	v19 =	vadd.s32 v19, v33;
	v23 =	vadd.s32 v32, v23;
	v22 =	vld.idx.msk [tilespmem:v22+s15+$0x0], $0xffff  }
0x1c6: {  	v30 =	vor.u32 v30, v31;
	v29 =	vld [tilespmem:s9+$0xFFFFFF00];
	v25 =	vor.u32 v25, v23;
	v23 =	vadd.s32 v7, v19  }
0x1c7: {  	v32 =	vshll.u32 v26, $0x6;
	v26 =	vshll.u32 v18, $0x6;
	v31 =	vshll.u32 v10, $0x6;
	v18 =	vld [tilespmem:s9+$0xFFFFFF80];
	[tilespmem:v16+s19+$0x0] =	vst.idx.msk $0xffff, v24  }
0x1c8: {  	v13 =	vadd.s32 v13, v32;
	v24 =	vadd.s32 v11, v26;
	v26 =	vadd.s32 v12, v31;
	v10 =	vld [tilespmem:s9+$0x0];
	v19 =	vmovc v28  }
0x1c9: {  	v16 =	vadd.s32 v7, v13;
	v13 =	vadd.s32 v7, v24;
	v11 =	vld [tilespmem:s8+$0xFFFFFF80];
	v28 =	vadd.s32 v6, v17  }
.Ltmp19:
0x1ca: {  	v36 =	vadd.s32 v7, v26;
	v31 =	vshll.u32 v19, $0x7;
	v12 =	vld [tilespmem:s8+$0x0];
	v24 =	vand.u32 $0xFFFFFF80, v28;
	[tilespmem:v14+s19+$0x0] =	vst.idx.msk $0xffff, v21;
	v14 =	vmovc v13;
	(pc) =	sbr.rel @p6 .LBB2_31-.Ltmp19, $4  }
0x1cb: {  	v32 =	vand.u32 $0x7F, v28;
	v13 =	vld [tilespmem:s8+$0xFFFFFF00];
	v21 =	vadd.s32 v6, v29;
	v24 =	vadd.s32 v31, v24;
	[tilespmem:v23+s19+$0x0] =	vst.idx.msk $0xffff, v22  }
0x1cc: {  	v26 =	vmovc v29;
	v23 =	vand.u32 $0xFFFFFF80, v21;
	v28 =	vadd.s32 v6, v18;
	v22 =	vor.u32 v32, v24;
	v24 =	vld.idx.msk [tilespmem:v25+s15+$0x0], $0xffff  }
0x1cd: {  	v25 =	vand.u32 $0x7F, v21;
	v33 =	vand.u32 $0xFFFFFF80, v28;
	v32 =	vadd.s32 v6, v10;
	v21 =	vld.idx.msk [tilespmem:v27+s15+$0x0], $0xffff;
	[tilespmem:v15+s19+$0x0] =	vst.idx.msk $0xffff, v20  }
0x1ce: {  	s8 =	sadd.s32 $0x200, s8;
	v27 =	vand.u32 $0x7F, v28;
	v15 =	vmovc v36;
	v35 =	vshll.u32 v11, $0x7;
	v34 =	vand.u32 $0xFFFFFF80, v32;
	v20 =	vld.idx.msk [tilespmem:v30+s15+$0x0], $0xffff  }
0x1cf: {  	v31 =	vmovc v17;
	v30 =	vmov v19;
	v28 =	vmov v26;
	v29 =	vmov v18  }
.LBB2_33:
0x1d0: {  	v17 =	vshll.u32 v13, $0x7;
	v18 =	vadd.s32 v35, v33  }
0x1d1: {  	v17 =	vadd.s32 v17, v23;
	v23 =	vshll.u32 v12, $0x7;
	v18 =	vor.u32 v27, v18  }
0x1d2: {  	v19 =	vand.u32 $0x7F, v32;
	v17 =	vor.u32 v25, v17;
	v23 =	vadd.s32 v23, v34  }
0x1d3: {  	v25 =	vshll.u32 v31, $0x6;
	v19 =	vor.u32 v19, v23  }
0x1d4: {  	v26 =	vshll.u32 v29, $0x6;
	v10 =	vshll.u32 v10, $0x6;
	v25 =	vadd.s32 v30, v25  }
0x1d5: {  	v22 =	vld.idx.msk [tilespmem:v22+s15+$0x0], $0xffff;
	v11 =	vadd.s32 v11, v26;
	v23 =	vadd.s32 v7, v25;
	v25 =	vshll.u32 v28, $0x6  }
0x1d6: {  	v10 =	vadd.s32 v12, v10;
	v11 =	vadd.s32 v7, v11;
	v13 =	vadd.s32 v13, v25;
	v12 =	vld.idx.msk [tilespmem:v18+s15+$0x0], $0xffff  }
0x1d7: {  	[tilespmem:v16+s19+$0x0] =	vst.idx.msk @p5 $0xffff, v24;
	v13 =	vadd.s32 v7, v13;
	v17 =	vld.idx.msk [tilespmem:v17+s15+$0x0], $0xffff  }
0x1d8: {  	v10 =	vadd.s32 v7, v10;
	[tilespmem:v14+s19+$0x0] =	vst.idx.msk @p5 $0xffff, v21;
	v14 =	vld.idx.msk [tilespmem:v19+s15+$0x0], $0xffff  }
0x1d9: {  	[tilespmem:v15+s19+$0x0] =	vst.idx.msk @p5 $0xffff, v20  }
0x1da: {  	[tilespmem:v23+s19+$0x0] =	vst.idx.msk $0xffff, v22  }
0x1db: {  	[tilespmem:v11+s19+$0x0] =	vst.idx.msk $0xffff, v12  }
0x1dc: {  	[tilespmem:v13+s19+$0x0] =	vst.idx.msk $0xffff, v17  }
0x1dd: {  	[tilespmem:v10+s19+$0x0] =	vst.idx.msk $0xffff, v14  }
0x1de: {  	v32 =	vld [tilespmem:s7+$0x80]  }
0x1df: {  	v30 =	vld [tilespmem:s14+$0x80]  }
0x1e0: {  	v28 =	vld [tilespmem:s7+$0xFFFFFF00]  }
0x1e1: {  	v10 =	vld [tilespmem:s7+$0x0]  }
0x1e2: {  	v11 =	vld [tilespmem:s14+$0xFFFFFF80];
	_ =	sdelay $0x1  }
0x1e3: {  	v29 =	vld [tilespmem:s7+$0xFFFFFF80];
	_ =	sdelay $0x1  }
.Ltmp20:
0x1e4: {  	v12 =	vadd.s32 v8, v32;
	v14 =	vshll.u32 v30, $0x7;
	v15 =	vadd.s32 v8, v28;
	(pc) =	sbr.rel @!p4 .LBB2_34-.Ltmp20, $4  }
0x1e5: {  	v31 =	vadd.s32 v8, v10;
	v35 =	vshll.u32 v11, $0x7;
	v13 =	vand.u32 $0xFFFFFF80, v12  }
0x1e6: {  	v12 =	vand.u32 $0x7F, v12;
	v24 =	vand.u32 $0xFFFFFF80, v15;
	v13 =	vadd.s32 v14, v13  }
0x1e7: {  	v25 =	vand.u32 $0x7F, v15;
	v14 =	vadd.s32 v8, v29;
	v22 =	vor.u32 v12, v13;
	v12 =	vld [tilespmem:s14+$0x0]  }
0x1e8: {  	v34 =	vand.u32 $0xFFFFFF80, v31;
	v33 =	vand.u32 $0xFFFFFF80, v14;
	v13 =	vld [tilespmem:s14+$0xFFFFFF00];
	v27 =	vand.u32 $0x7F, v14  }
0x1e9: {  	_ =	sdelay $0x1  }
0x1ea: {  	v19 =	vld [tilespmem:s13+$0x80];
	v14 =	vadd.s32 v35, v33;
	v15 =	vand.u32 $0x7F, v31;
	s7 =	simm.s32 $0x14300;
	v20 =	vshll.u32 v32, $0x6  }
0x1eb: {  	v17 =	vld [tilespmem:s7+$0x80];
	v21 =	vor.u32 v27, v14;
	v14 =	vadd.s32 v30, v20;
	v16 =	vshll.u32 v12, $0x7  }
0x1ec: {  	v26 =	vld [tilespmem:s7+$0xFFFFFF00];
	v63 =	vadd.s32 v9, v14;
	v18 =	vshll.u32 v13, $0x7;
	v16 =	vadd.s32 v16, v34  }
0x1ed: {  	v18 =	vadd.s32 v18, v24;
	v30 =	vor.u32 v15, v16;
	v16 =	vshll.u32 v10, $0x6;
	v10 =	vld [tilespmem:s7+$0x0]  }
0x1ee: {  	v14 =	vshll.u32 v28, $0x6;
	v15 =	vshll.u32 v29, $0x6;
	v20 =	vor.u32 v25, v18;
	v18 =	vld [tilespmem:s7+$0xFFFFFF80]  }
0x1ef: {  	v13 =	vadd.s32 v13, v14;
	v24 =	vshll.u32 v19, $0x7;
	v14 =	vadd.s32 v11, v15;
	v11 =	vld [tilespmem:s13+$0xFFFFFF80]  }
0x1f0: {  	p4 =	por $0x1, $0x1;
	v27 =	vld.idx.msk [tilespmem:v22+s15+$0x0], $0xffff;
	v15 =	vadd.s32 v12, v16;
	v22 =	vadd.s32 v8, v17;
	v16 =	vadd.s32 v9, v13  }
.Ltmp21:
0x1f1: {  	v12 =	vld [tilespmem:s13+$0x0];
	v25 =	vadd.s32 v8, v26;
	v14 =	vadd.s32 v9, v14;
	v23 =	vand.u32 $0xFFFFFF80, v22;
	(pc) =	sbr.rel @!p4 .LBB2_36-.Ltmp21, $4  }
0x1f2: {  	v13 =	vld [tilespmem:s13+$0xFFFFFF00];
	v15 =	vadd.s32 v9, v15;
	v22 =	vand.u32 $0x7F, v22;
	v23 =	vadd.s32 v24, v23  }
0x1f3: {  	v21 =	vld.idx.msk [tilespmem:v21+s15+$0x0], $0xffff;
	v24 =	vand.u32 $0xFFFFFF80, v25;
	v25 =	vand.u32 $0x7F, v25;
	v22 =	vor.u32 v22, v23  }
0x1f4: {  	v31 =	vadd.s32 v8, v10;
	v28 =	vadd.s32 v8, v18;
	v23 =	vld.idx.msk [tilespmem:v20+s15+$0x0], $0xffff;
	v35 =	vshll.u32 v11, $0x7  }
0x1f5: {  	s9 =	simm.s32 $0x4;
	s8 =	simm.s32 $0x10500;
	p3 =	por $0x1, $0x1;
	[tilespmem:v63+s19+$0x0] =	vst.idx.msk $0xffff, v27;
	v34 =	vand.u32 $0xFFFFFF80, v31;
	v20 =	vld.idx.msk [tilespmem:v30+s15+$0x0], $0xffff;
	v33 =	vand.u32 $0xFFFFFF80, v28;
	v27 =	vand.u32 $0x7F, v28  }
.LBB2_37:
0x1f6: {  	v28 =	vld [tilespmem:s8+$0x80];
	v29 =	vadd.s32 v35, v33;
	v30 =	vand.u32 $0x7F, v31;
	v31 =	vshll.u32 v12, $0x7;
	s7 =	sadd.s32 $0x200, s7  }
0x1f7: {  	s9 =	sadd.s32 $0x4, s9;
	v33 =	vshll.u32 v17, $0x6;
	v32 =	vshll.u32 v13, $0x7;
	v31 =	vadd.s32 v31, v34;
	v17 =	vld [tilespmem:s7+$0x80]  }
0x1f8: {  	p4 =	slt.u32 s9, $0x7C;
	v27 =	vor.u32 v27, v29;
	v19 =	vadd.s32 v19, v33;
	v24 =	vadd.s32 v32, v24;
	v22 =	vld.idx.msk [tilespmem:v22+s15+$0x0], $0xffff  }
0x1f9: {  	v30 =	vor.u32 v30, v31;
	v29 =	vld [tilespmem:s7+$0xFFFFFF00];
	v25 =	vor.u32 v25, v24;
	v24 =	vadd.s32 v9, v19  }
0x1fa: {  	v32 =	vshll.u32 v26, $0x6;
	v26 =	vshll.u32 v18, $0x6;
	v31 =	vshll.u32 v10, $0x6;
	v18 =	vld [tilespmem:s7+$0xFFFFFF80];
	[tilespmem:v16+s19+$0x0] =	vst.idx.msk $0xffff, v23  }
0x1fb: {  	v13 =	vadd.s32 v13, v32;
	v23 =	vadd.s32 v11, v26;
	v26 =	vadd.s32 v12, v31;
	v10 =	vld [tilespmem:s7+$0x0];
	v19 =	vmovc v28  }
0x1fc: {  	v16 =	vadd.s32 v9, v13;
	v13 =	vadd.s32 v9, v23;
	v11 =	vld [tilespmem:s8+$0xFFFFFF80];
	v28 =	vadd.s32 v8, v17  }
.Ltmp22:
0x1fd: {  	v32 =	vadd.s32 v9, v26;
	v31 =	vshll.u32 v19, $0x7;
	v12 =	vld [tilespmem:s8+$0x0];
	v23 =	vand.u32 $0xFFFFFF80, v28;
	[tilespmem:v14+s19+$0x0] =	vst.idx.msk $0xffff, v21;
	v14 =	vmovc v13;
	(pc) =	sbr.rel @p4 .LBB2_37-.Ltmp22, $4  }
0x1fe: {  	v33 =	vand.u32 $0x7F, v28;
	v13 =	vld [tilespmem:s8+$0xFFFFFF00];
	v21 =	vadd.s32 v8, v29;
	v23 =	vadd.s32 v31, v23;
	[tilespmem:v24+s19+$0x0] =	vst.idx.msk $0xffff, v22  }
0x1ff: {  	v26 =	vmovc v29;
	v24 =	vand.u32 $0xFFFFFF80, v21;
	v28 =	vadd.s32 v8, v18;
	v22 =	vor.u32 v33, v23;
	v23 =	vld.idx.msk [tilespmem:v25+s15+$0x0], $0xffff  }
0x200: {  	v25 =	vand.u32 $0x7F, v21;
	v33 =	vand.u32 $0xFFFFFF80, v28;
	v31 =	vadd.s32 v8, v10;
	v21 =	vld.idx.msk [tilespmem:v27+s15+$0x0], $0xffff;
	[tilespmem:v15+s19+$0x0] =	vst.idx.msk $0xffff, v20  }
0x201: {  	s8 =	sadd.s32 $0x200, s8;
	v27 =	vand.u32 $0x7F, v28;
	v15 =	vmovc v32;
	v35 =	vshll.u32 v11, $0x7;
	v34 =	vand.u32 $0xFFFFFF80, v31;
	v20 =	vld.idx.msk [tilespmem:v30+s15+$0x0], $0xffff  }
0x202: {  	v32 =	vmovc v17;
	v30 =	vmov v19;
	v28 =	vmov v26;
	v29 =	vmov v18  }
.LBB2_39:
0x203: {  	v17 =	vshll.u32 v13, $0x7;
	v18 =	vadd.s32 v35, v33  }
0x204: {  	v57 =	vshll.u32 v12, $0x7;
	v17 =	vadd.s32 v17, v24;
	v18 =	vor.u32 v27, v18  }
0x205: {  	v19 =	vand.u32 $0x7F, v31;
	v24 =	vadd.s32 v57, v34;
	v17 =	vor.u32 v25, v17  }
0x206: {  	v58 =	vshll.u32 v32, $0x6;
	v19 =	vor.u32 v19, v24  }
0x207: {  	v26 =	vshll.u32 v29, $0x6;
	v25 =	vadd.s32 v30, v58  }
0x208: {  	v22 =	vld.idx.msk [tilespmem:v22+s15+$0x0], $0xffff;
	v60 =	vshll.u32 v28, $0x6;
	v11 =	vadd.s32 v11, v26;
	v59 =	vadd.s32 v9, v25  }
0x209: {  	v10 =	vshll.u32 v10, $0x6;
	v61 =	vadd.s32 v13, v60;
	v11 =	vadd.s32 v9, v11;
	v62 =	vld.idx.msk [tilespmem:v18+s15+$0x0], $0xffff  }
0x20a: {  	[tilespmem:v16+s19+$0x0] =	vst.idx.msk @p3 $0xffff, v23;
	v10 =	vadd.s32 v12, v10;
	v13 =	vadd.s32 v9, v61;
	v17 =	vld.idx.msk [tilespmem:v17+s15+$0x0], $0xffff  }
0x20b: {  	v10 =	vadd.s32 v9, v10;
	[tilespmem:v14+s19+$0x0] =	vst.idx.msk @p3 $0xffff, v21;
	v63 =	vld.idx.msk [tilespmem:v19+s15+$0x0], $0xffff  }
0x20c: {  	[tilespmem:v15+s19+$0x0] =	vst.idx.msk @p3 $0xffff, v20  }
0x20d: {  	[tilespmem:v59+s19+$0x0] =	vst.idx.msk $0xffff, v22  }
0x20e: {  	[tilespmem:v11+s19+$0x0] =	vst.idx.msk $0xffff, v62  }
0x20f: {  	s2 =	sshll.u32 s2, $0xA;
	[tilespmem:v13+s19+$0x0] =	vst.idx.msk $0xffff, v17  }
0x210: {  	s2 =	sadd.s32 s6, s2;
	[tilespmem:v10+s19+$0x0] =	vst.idx.msk $0xffff, v63  }
0x211: {  	[hbm4b:s2+s4] =	stream.linear.scatter [tilespmem:s19], [sflag:$0x6], $0x2000, $0x38;
	[tilespmem:$0x18000] =	vst v63  }
.LBB2_40:
0x212: {  	s2 =	sor.u32 $0x40, s3  }
0x213: {  	p3 =	sgt.u32 s2, $0x1E83  }
.Ltmp23:
0x214: {  	_ = 	snop;
	(pc) =	sbr.rel @p3 .LBB2_58-.Ltmp23, $1  }
0x215: {  	_ =	sdelay $0x3  }
0x216: {  	p3 =	sgt.u32 s2, $0x1E43  }
0x217: {  	s7 =	simm.s32 @!p3 $0x5  }
0x218: {  	s8 =	sadd.s32 @!p3 s10, s0;
	s9 =	simm.s32 @!p3 $0x7A1400;
	_ =	swait.ge @!p3 [sflag:s7], $0x2000  }
0x219: {  	s12 =	simm.s32 @!p3 $0x0;
	s8 =	sshll.u32 @!p3 s8, $0x7;
	[sflag:s7] =	ssyncset.done @!p3 $0x0  }
0x21a: {  	[sflag:s7] =	ssyncadd.s32 @!p3 $0xFFFFE000;
	s7 =	sadd.s32 @!p3 s1, s8;
	s8 =	simm.s32 @!p3 $0x400  }
0x21b: {  	[tilespmem:s12], [sflag:$0x1] =	stream.strided.gather @!p3 [hbm4b:s7+s8], $0x2000, s9, s8, $0x38;
	[tilespmem:$0x18000] =	vst v63  }
0x21c: {  	_ =	swait.ge [sflag:s20], $0x2000  }
0x21d: {  	[sflag:s20] =	ssyncset.done $0x0  }
0x21e: {  	s14 =	simm.s32 $0x14100;
	[sflag:s20] =	ssyncadd.s32 $0xFFFFE000  }
0x21f: {  	s13 =	simm.s32 $0x10100;
	v11 =	vld [tilespmem:s14+$0x80]  }
0x220: {  	v12 =	vld [tilespmem:s13+$0x80]  }
0x221: {  	v14 =	vld [tilespmem:s14+$0xFFFFFF00]  }
0x222: {  	v15 =	vld [tilespmem:s14+$0xFFFFFF80]  }
0x223: {  	v17 =	vld [tilespmem:s13+$0xFFFFFF80]  }
0x224: {  	v21 =	vld [tilespmem:s13+$0xFFFFFF00];
	_ =	sdelay $0x3  }
0x225: {  	v16 =	vld [tilespmem:s14+$0x0];
	v10 =	vadd.s32 v1, v11;
	v19 =	vshll.u32 v12, $0x7;
	v20 =	vadd.s32 v1, v14  }
0x226: {  	v22 =	vadd.s32 v1, v15;
	v25 =	vshll.u32 v17, $0x7;
	v28 =	vshll.u32 v21, $0x7  }
0x227: {  	v18 =	vld [tilespmem:s13+$0x0];
	v11 =	vshll.u32 v11, $0x6;
	v15 =	vshll.u32 v15, $0x6;
	v13 =	vand.u32 $0xFFFFFF80, v10  }
0x228: {  	v10 =	vand.u32 $0x7F, v10;
	v24 =	vand.u32 $0x7F, v20;
	v11 =	vadd.s32 v12, v11  }
0x229: {  	s9 =	simm.s32 $0x14300;
	v15 =	vadd.s32 v17, v15;
	v13 =	vadd.s32 v19, v13;
	v19 =	vand.u32 $0xFFFFFF80, v20  }
0x22a: {  	v12 =	vld [tilespmem:s9+$0xFFFFFF80];
	v20 =	vadd.s32 v1, v16;
	v23 =	vor.u32 v10, v13;
	v10 =	vand.u32 $0xFFFFFF80, v22  }
0x22b: {  	s7 =	simm.s32 $0x10300;
	v16 =	vshll.u32 v16, $0x6;
	v22 =	vand.u32 $0x7F, v22;
	v25 =	vadd.s32 v25, v10;
	v10 =	vld [tilespmem:s9+$0x80]  }
0x22c: {  	v26 =	vand.u32 $0xFFFFFF80, v20;
	v13 =	vld [tilespmem:s7+$0x80];
	v27 =	vand.u32 $0x7F, v20;
	v20 =	vshll.u32 v18, $0x7  }
0x22d: {  	v19 =	vadd.s32 v28, v19;
	v26 =	vadd.s32 v20, v26;
	v20 =	vld [tilespmem:s9+$0xFFFFFF00];
	v22 =	vor.u32 v22, v25  }
0x22e: {  	v32 =	vor.u32 v27, v26;
	v27 =	vadd.s32 v2, v11;
	v11 =	vshll.u32 v14, $0x6;
	v14 =	vld [tilespmem:s9+$0x0]  }
0x22f: {  	v19 =	vor.u32 v24, v19;
	v11 =	vadd.s32 v21, v11;
	v21 =	vadd.s32 v18, v16;
	v16 =	vld [tilespmem:s7+$0xFFFFFF80]  }
0x230: {  	v31 =	vadd.s32 v1, v12;
	v18 =	vadd.s32 v2, v11;
	v30 =	vld.idx.msk [tilespmem:v23+s21+$0x0], $0xffff;
	v23 =	vadd.s32 v1, v10  }
0x231: {  	v17 =	vld [tilespmem:s7+$0x0];
	v11 =	vadd.s32 v2, v15;
	v25 =	vshll.u32 v13, $0x7;
	v24 =	vand.u32 $0xFFFFFF80, v23  }
0x232: {  	v15 =	vadd.s32 v2, v21;
	v21 =	vld [tilespmem:s7+$0xFFFFFF00];
	v23 =	vand.u32 $0x7F, v23;
	v24 =	vadd.s32 v25, v24  }
0x233: {  	v29 =	vand.u32 $0xFFFFFF80, v31;
	v26 =	vadd.s32 v1, v20;
	v22 =	vld.idx.msk [tilespmem:v22+s21+$0x0], $0xffff;
	v24 =	vor.u32 v23, v24  }
0x234: {  	v28 =	vadd.s32 v1, v14;
	v25 =	vand.u32 $0xFFFFFF80, v26;
	v26 =	vand.u32 $0x7F, v26;
	v23 =	vld.idx.msk [tilespmem:v19+s21+$0x0], $0xffff  }
0x235: {  	s12 =	simm.s32 $0x4;
	s8 =	simm.s32 $0x10500;
	v19 =	vld.idx.msk [tilespmem:v32+s21+$0x0], $0xffff;
	[tilespmem:v27+s22+$0x0] =	vst.idx.msk $0xffff, v30;
	v27 =	vand.u32 $0x7F, v31;
	v31 =	vshll.u32 v16, $0x7;
	v30 =	vand.u32 $0xFFFFFF80, v28  }
.LBB2_42:
0x236: {  	v32 =	vld [tilespmem:s8+$0x80];
	v29 =	vadd.s32 v31, v29;
	v28 =	vand.u32 $0x7F, v28;
	v31 =	vshll.u32 v17, $0x7;
	s9 =	sadd.s32 $0x200, s9  }
0x237: {  	s12 =	sadd.s32 $0x4, s12;
	v33 =	vshll.u32 v21, $0x7;
	v30 =	vadd.s32 v31, v30;
	v31 =	vshll.u32 v10, $0x6;
	v10 =	vld [tilespmem:s9+$0x80]  }
0x238: {  	p3 =	slt.u32 s12, $0x7C;
	v27 =	vor.u32 v27, v29;
	v25 =	vadd.s32 v33, v25;
	v24 =	vld.idx.msk [tilespmem:v24+s21+$0x0], $0xffff;
	v13 =	vadd.s32 v13, v31  }
0x239: {  	v33 =	vor.u32 v28, v30;
	v29 =	vld [tilespmem:s9+$0xFFFFFF00];
	v26 =	vor.u32 v26, v25;
	v25 =	vadd.s32 v2, v13  }
0x23a: {  	v30 =	vshll.u32 v20, $0x6;
	v20 =	vshll.u32 v12, $0x6;
	v28 =	vshll.u32 v14, $0x6;
	v12 =	vld [tilespmem:s9+$0xFFFFFF80];
	[tilespmem:v18+s22+$0x0] =	vst.idx.msk $0xffff, v23  }
0x23b: {  	v20 =	vadd.s32 v16, v20;
	v18 =	vadd.s32 v21, v30;
	v21 =	vadd.s32 v17, v28;
	v14 =	vld [tilespmem:s9+$0x0];
	v13 =	vmovc v32  }
0x23c: {  	v20 =	vadd.s32 v2, v20;
	v18 =	vadd.s32 v2, v18;
	v16 =	vld [tilespmem:s8+$0xFFFFFF80];
	v23 =	vadd.s32 v1, v10  }
.Ltmp24:
0x23d: {  	v32 =	vadd.s32 v2, v21;
	v30 =	vshll.u32 v13, $0x7;
	v17 =	vld [tilespmem:s8+$0x0];
	v28 =	vand.u32 $0xFFFFFF80, v23;
	[tilespmem:v11+s22+$0x0] =	vst.idx.msk $0xffff, v22;
	v11 =	vmovc v20;
	(pc) =	sbr.rel @p3 .LBB2_42-.Ltmp24, $4  }
0x23e: {  	v31 =	vand.u32 $0x7F, v23;
	v21 =	vld [tilespmem:s8+$0xFFFFFF00];
	v22 =	vadd.s32 v1, v29;
	v23 =	vadd.s32 v30, v28;
	[tilespmem:v25+s22+$0x0] =	vst.idx.msk $0xffff, v24  }
0x23f: {  	v20 =	vmovc v29;
	v25 =	vand.u32 $0xFFFFFF80, v22;
	v30 =	vadd.s32 v1, v12;
	v24 =	vor.u32 v31, v23;
	v23 =	vld.idx.msk [tilespmem:v26+s21+$0x0], $0xffff  }
0x240: {  	v26 =	vand.u32 $0x7F, v22;
	v29 =	vand.u32 $0xFFFFFF80, v30;
	v28 =	vadd.s32 v1, v14;
	v22 =	vld.idx.msk [tilespmem:v27+s21+$0x0], $0xffff;
	[tilespmem:v15+s22+$0x0] =	vst.idx.msk $0xffff, v19  }
0x241: {  	s8 =	sadd.s32 $0x200, s8;
	v27 =	vand.u32 $0x7F, v30;
	v15 =	vmovc v32;
	v31 =	vshll.u32 v16, $0x7;
	v30 =	vand.u32 $0xFFFFFF80, v28;
	v19 =	vld.idx.msk [tilespmem:v33+s21+$0x0], $0xffff  }
0x242: {  	_ = 	snop  }
0x243: {  	v29 =	vadd.s32 v31, v29;
	v28 =	vand.u32 $0x7F, v28;
	v32 =	vshll.u32 v21, $0x7  }
0x244: {  	v31 =	vshll.u32 v17, $0x7;
	v27 =	vor.u32 v27, v29;
	v25 =	vadd.s32 v32, v25  }
0x245: {  	v10 =	vshll.u32 v10, $0x6;
	v25 =	vor.u32 v26, v25;
	v26 =	vadd.s32 v31, v30  }
0x246: {  	v10 =	vadd.s32 v13, v10;
	v13 =	vor.u32 v28, v26  }
0x247: {  	v20 =	vshll.u32 v20, $0x6;
	v12 =	vshll.u32 v12, $0x6  }
0x248: {  	v24 =	vld.idx.msk [tilespmem:v24+s21+$0x0], $0xffff;
	v14 =	vshll.u32 v14, $0x6;
	v12 =	vadd.s32 v16, v12;
	v10 =	vadd.s32 v2, v10  }
0x249: {  	v20 =	vadd.s32 v21, v20;
	v14 =	vadd.s32 v17, v14;
	v12 =	vadd.s32 v2, v12;
	v17 =	vld.idx.msk [tilespmem:v27+s21+$0x0], $0xffff  }
0x24a: {  	v16 =	vadd.s32 v2, v20;
	[tilespmem:v18+s22+$0x0] =	vst.idx.msk $0xffff, v23;
	v20 =	vld.idx.msk [tilespmem:v25+s21+$0x0], $0xffff  }
0x24b: {  	v14 =	vadd.s32 v2, v14;
	[tilespmem:v11+s22+$0x0] =	vst.idx.msk $0xffff, v22;
	v11 =	vld.idx.msk [tilespmem:v13+s21+$0x0], $0xffff  }
0x24c: {  	[tilespmem:v15+s22+$0x0] =	vst.idx.msk $0xffff, v19  }
0x24d: {  	[tilespmem:v10+s22+$0x0] =	vst.idx.msk $0xffff, v24  }
0x24e: {  	[tilespmem:v12+s22+$0x0] =	vst.idx.msk $0xffff, v17  }
0x24f: {  	[tilespmem:v16+s22+$0x0] =	vst.idx.msk $0xffff, v20  }
0x250: {  	[tilespmem:v14+s22+$0x0] =	vst.idx.msk $0xffff, v11  }
0x251: {  	v11 =	vld [tilespmem:s14+$0x80]  }
0x252: {  	v12 =	vld [tilespmem:s13+$0x80]  }
0x253: {  	v14 =	vld [tilespmem:s14+$0xFFFFFF00]  }
0x254: {  	v15 =	vld [tilespmem:s14+$0xFFFFFF80]  }
0x255: {  	v17 =	vld [tilespmem:s13+$0xFFFFFF80]  }
0x256: {  	v21 =	vld [tilespmem:s13+$0xFFFFFF00];
	_ =	sdelay $0x3  }
0x257: {  	v16 =	vld [tilespmem:s14+$0x0];
	v10 =	vadd.s32 v4, v11;
	v19 =	vshll.u32 v12, $0x7;
	v20 =	vadd.s32 v4, v14  }
0x258: {  	v22 =	vadd.s32 v4, v15;
	v25 =	vshll.u32 v17, $0x7;
	v28 =	vshll.u32 v21, $0x7  }
0x259: {  	v18 =	vld [tilespmem:s13+$0x0];
	v11 =	vshll.u32 v11, $0x6;
	v15 =	vshll.u32 v15, $0x6;
	v13 =	vand.u32 $0xFFFFFF80, v10  }
0x25a: {  	v10 =	vand.u32 $0x7F, v10;
	v24 =	vand.u32 $0x7F, v20;
	v11 =	vadd.s32 v12, v11  }
0x25b: {  	s9 =	simm.s32 $0x14300;
	v15 =	vadd.s32 v17, v15;
	v13 =	vadd.s32 v19, v13;
	v19 =	vand.u32 $0xFFFFFF80, v20  }
0x25c: {  	v12 =	vld [tilespmem:s9+$0xFFFFFF80];
	v20 =	vadd.s32 v4, v16;
	v23 =	vor.u32 v10, v13;
	v10 =	vand.u32 $0xFFFFFF80, v22  }
0x25d: {  	v16 =	vshll.u32 v16, $0x6;
	v22 =	vand.u32 $0x7F, v22;
	v25 =	vadd.s32 v25, v10;
	v10 =	vld [tilespmem:s9+$0x80]  }
0x25e: {  	v26 =	vand.u32 $0xFFFFFF80, v20;
	v13 =	vld [tilespmem:s7+$0x80];
	v27 =	vand.u32 $0x7F, v20;
	v20 =	vshll.u32 v18, $0x7  }
0x25f: {  	v19 =	vadd.s32 v28, v19;
	v26 =	vadd.s32 v20, v26;
	v20 =	vld [tilespmem:s9+$0xFFFFFF00];
	v22 =	vor.u32 v22, v25  }
0x260: {  	v63 =	vor.u32 v27, v26;
	v27 =	vadd.s32 v5, v11;
	v11 =	vshll.u32 v14, $0x6;
	v14 =	vld [tilespmem:s9+$0x0]  }
0x261: {  	v19 =	vor.u32 v24, v19;
	v11 =	vadd.s32 v21, v11;
	v21 =	vadd.s32 v18, v16;
	v16 =	vld [tilespmem:s7+$0xFFFFFF80]  }
0x262: {  	v31 =	vadd.s32 v4, v12;
	v18 =	vadd.s32 v5, v11;
	v30 =	vld.idx.msk [tilespmem:v23+s21+$0x0], $0xffff;
	v23 =	vadd.s32 v4, v10  }
0x263: {  	v17 =	vld [tilespmem:s7+$0x0];
	v11 =	vadd.s32 v5, v15;
	v25 =	vshll.u32 v13, $0x7;
	v24 =	vand.u32 $0xFFFFFF80, v23  }
0x264: {  	v15 =	vadd.s32 v5, v21;
	v21 =	vld [tilespmem:s7+$0xFFFFFF00];
	v23 =	vand.u32 $0x7F, v23;
	v24 =	vadd.s32 v25, v24  }
0x265: {  	v29 =	vand.u32 $0xFFFFFF80, v31;
	v26 =	vadd.s32 v4, v20;
	v22 =	vld.idx.msk [tilespmem:v22+s21+$0x0], $0xffff;
	v24 =	vor.u32 v23, v24  }
0x266: {  	v28 =	vadd.s32 v4, v14;
	v25 =	vand.u32 $0xFFFFFF80, v26;
	v26 =	vand.u32 $0x7F, v26;
	v23 =	vld.idx.msk [tilespmem:v19+s21+$0x0], $0xffff  }
0x267: {  	s8 =	simm.s32 $0x10500;
	s7 =	simm.s32 $0x4;
	v19 =	vld.idx.msk [tilespmem:v63+s21+$0x0], $0xffff;
	[tilespmem:v27+s22+$0x0] =	vst.idx.msk $0xffff, v30;
	v27 =	vand.u32 $0x7F, v31;
	v31 =	vshll.u32 v16, $0x7;
	v30 =	vand.u32 $0xFFFFFF80, v28  }
.LBB2_44:
0x268: {  	v32 =	vld [tilespmem:s8+$0x80];
	v29 =	vadd.s32 v31, v29;
	v28 =	vand.u32 $0x7F, v28;
	v31 =	vshll.u32 v17, $0x7;
	s9 =	sadd.s32 $0x200, s9  }
0x269: {  	s7 =	sadd.s32 $0x4, s7;
	v33 =	vshll.u32 v21, $0x7;
	v30 =	vadd.s32 v31, v30;
	v31 =	vshll.u32 v10, $0x6;
	v10 =	vld [tilespmem:s9+$0x80]  }
0x26a: {  	p3 =	slt.u32 s7, $0x7C;
	v27 =	vor.u32 v27, v29;
	v25 =	vadd.s32 v33, v25;
	v24 =	vld.idx.msk [tilespmem:v24+s21+$0x0], $0xffff;
	v13 =	vadd.s32 v13, v31  }
0x26b: {  	v33 =	vor.u32 v28, v30;
	v29 =	vld [tilespmem:s9+$0xFFFFFF00];
	v26 =	vor.u32 v26, v25;
	v25 =	vadd.s32 v5, v13  }
0x26c: {  	v30 =	vshll.u32 v20, $0x6;
	v20 =	vshll.u32 v12, $0x6;
	v28 =	vshll.u32 v14, $0x6;
	v12 =	vld [tilespmem:s9+$0xFFFFFF80];
	[tilespmem:v18+s22+$0x0] =	vst.idx.msk $0xffff, v23  }
0x26d: {  	v20 =	vadd.s32 v16, v20;
	v18 =	vadd.s32 v21, v30;
	v21 =	vadd.s32 v17, v28;
	v14 =	vld [tilespmem:s9+$0x0];
	v13 =	vmovc v32  }
0x26e: {  	v20 =	vadd.s32 v5, v20;
	v18 =	vadd.s32 v5, v18;
	v16 =	vld [tilespmem:s8+$0xFFFFFF80];
	v23 =	vadd.s32 v4, v10  }
.Ltmp25:
0x26f: {  	v32 =	vadd.s32 v5, v21;
	v30 =	vshll.u32 v13, $0x7;
	v17 =	vld [tilespmem:s8+$0x0];
	v28 =	vand.u32 $0xFFFFFF80, v23;
	[tilespmem:v11+s22+$0x0] =	vst.idx.msk $0xffff, v22;
	v11 =	vmovc v20;
	(pc) =	sbr.rel @p3 .LBB2_44-.Ltmp25, $4  }
0x270: {  	v31 =	vand.u32 $0x7F, v23;
	v21 =	vld [tilespmem:s8+$0xFFFFFF00];
	v22 =	vadd.s32 v4, v29;
	v23 =	vadd.s32 v30, v28;
	[tilespmem:v25+s22+$0x0] =	vst.idx.msk $0xffff, v24  }
0x271: {  	v20 =	vmovc v29;
	v25 =	vand.u32 $0xFFFFFF80, v22;
	v30 =	vadd.s32 v4, v12;
	v24 =	vor.u32 v31, v23;
	v23 =	vld.idx.msk [tilespmem:v26+s21+$0x0], $0xffff  }
0x272: {  	v26 =	vand.u32 $0x7F, v22;
	v29 =	vand.u32 $0xFFFFFF80, v30;
	v28 =	vadd.s32 v4, v14;
	v22 =	vld.idx.msk [tilespmem:v27+s21+$0x0], $0xffff;
	[tilespmem:v15+s22+$0x0] =	vst.idx.msk $0xffff, v19  }
0x273: {  	s8 =	sadd.s32 $0x200, s8;
	v27 =	vand.u32 $0x7F, v30;
	v15 =	vmovc v32;
	v31 =	vshll.u32 v16, $0x7;
	v30 =	vand.u32 $0xFFFFFF80, v28;
	v19 =	vld.idx.msk [tilespmem:v33+s21+$0x0], $0xffff  }
0x274: {  	_ = 	snop  }
0x275: {  	v29 =	vadd.s32 v31, v29;
	v28 =	vand.u32 $0x7F, v28;
	v32 =	vshll.u32 v21, $0x7  }
0x276: {  	v31 =	vshll.u32 v17, $0x7;
	v27 =	vor.u32 v27, v29;
	v25 =	vadd.s32 v32, v25  }
0x277: {  	v10 =	vshll.u32 v10, $0x6;
	v25 =	vor.u32 v26, v25;
	v26 =	vadd.s32 v31, v30  }
0x278: {  	v10 =	vadd.s32 v13, v10;
	v13 =	vor.u32 v28, v26  }
0x279: {  	v12 =	vshll.u32 v12, $0x6  }
0x27a: {  	v24 =	vld.idx.msk [tilespmem:v24+s21+$0x0], $0xffff;
	v20 =	vshll.u32 v20, $0x6;
	v12 =	vadd.s32 v16, v12;
	v10 =	vadd.s32 v5, v10  }
0x27b: {  	v14 =	vshll.u32 v14, $0x6;
	v20 =	vadd.s32 v21, v20;
	v12 =	vadd.s32 v5, v12;
	v63 =	vld.idx.msk [tilespmem:v27+s21+$0x0], $0xffff  }
0x27c: {  	v14 =	vadd.s32 v17, v14;
	v62 =	vadd.s32 v5, v20;
	[tilespmem:v18+s22+$0x0] =	vst.idx.msk $0xffff, v23;
	v20 =	vld.idx.msk [tilespmem:v25+s21+$0x0], $0xffff  }
0x27d: {  	v14 =	vadd.s32 v5, v14;
	[tilespmem:v11+s22+$0x0] =	vst.idx.msk $0xffff, v22;
	v11 =	vld.idx.msk [tilespmem:v13+s21+$0x0], $0xffff  }
0x27e: {  	[tilespmem:v15+s22+$0x0] =	vst.idx.msk $0xffff, v19  }
0x27f: {  	[tilespmem:v10+s22+$0x0] =	vst.idx.msk $0xffff, v24  }
0x280: {  	[tilespmem:v12+s22+$0x0] =	vst.idx.msk $0xffff, v63  }
0x281: {  	[tilespmem:v62+s22+$0x0] =	vst.idx.msk $0xffff, v20  }
0x282: {  	s7 =	simm.s32 $0x14100;
	[tilespmem:v14+s22+$0x0] =	vst.idx.msk $0xffff, v11  }
0x283: {  	s14 =	simm.s32 $0x10100;
	v31 =	vld [tilespmem:s7+$0x80]  }
0x284: {  	v30 =	vld [tilespmem:s14+$0x80]  }
0x285: {  	v28 =	vld [tilespmem:s7+$0xFFFFFF00]  }
0x286: {  	v10 =	vld [tilespmem:s7+$0x0]  }
0x287: {  	v11 =	vld [tilespmem:s14+$0xFFFFFF80];
	_ =	sdelay $0x1  }
0x288: {  	v29 =	vld [tilespmem:s7+$0xFFFFFF80]  }
0x289: {  	p4 =	por $0x1, $0x1  }
.Ltmp26:
0x28a: {  	v12 =	vadd.s32 v6, v31;
	v14 =	vshll.u32 v30, $0x7;
	v15 =	vadd.s32 v6, v28;
	(pc) =	sbr.rel @!p4 .LBB2_46-.Ltmp26, $4  }
0x28b: {  	v32 =	vadd.s32 v6, v10;
	v35 =	vshll.u32 v11, $0x7;
	v13 =	vand.u32 $0xFFFFFF80, v12  }
0x28c: {  	v12 =	vand.u32 $0x7F, v12;
	v23 =	vand.u32 $0xFFFFFF80, v15;
	v13 =	vadd.s32 v14, v13  }
0x28d: {  	v25 =	vand.u32 $0x7F, v15;
	v14 =	vadd.s32 v6, v29;
	v22 =	vor.u32 v12, v13;
	v12 =	vld [tilespmem:s14+$0x0]  }
0x28e: {  	s13 =	simm.s32 $0x10300;
	p3 =	por $0x0, $0x0;
	v34 =	vand.u32 $0xFFFFFF80, v32;
	v33 =	vand.u32 $0xFFFFFF80, v14;
	v13 =	vld [tilespmem:s14+$0xFFFFFF00];
	v27 =	vand.u32 $0x7F, v14  }
0x28f: {  	_ =	sdelay $0x1  }
0x290: {  	v19 =	vld [tilespmem:s13+$0x80];
	v14 =	vadd.s32 v35, v33;
	v15 =	vand.u32 $0x7F, v32;
	s9 =	simm.s32 $0x14300;
	v20 =	vshll.u32 v31, $0x6  }
0x291: {  	v17 =	vld [tilespmem:s9+$0x80];
	v21 =	vor.u32 v27, v14;
	v14 =	vadd.s32 v30, v20;
	v16 =	vshll.u32 v12, $0x7  }
0x292: {  	v26 =	vld [tilespmem:s9+$0xFFFFFF00];
	v63 =	vadd.s32 v7, v14;
	v18 =	vshll.u32 v13, $0x7;
	v16 =	vadd.s32 v16, v34  }
0x293: {  	v18 =	vadd.s32 v18, v23;
	v62 =	vor.u32 v15, v16;
	v16 =	vshll.u32 v10, $0x6;
	v10 =	vld [tilespmem:s9+$0x0]  }
0x294: {  	v14 =	vshll.u32 v28, $0x6;
	v15 =	vshll.u32 v29, $0x6;
	v20 =	vor.u32 v25, v18;
	v18 =	vld [tilespmem:s9+$0xFFFFFF80]  }
0x295: {  	v13 =	vadd.s32 v13, v14;
	v24 =	vshll.u32 v19, $0x7;
	v14 =	vadd.s32 v11, v15;
	v11 =	vld [tilespmem:s13+$0xFFFFFF80]  }
0x296: {  	p6 =	por $0x1, $0x1;
	v27 =	vld.idx.msk [tilespmem:v22+s21+$0x0], $0xffff;
	v15 =	vadd.s32 v12, v16;
	v22 =	vadd.s32 v6, v17;
	v16 =	vadd.s32 v7, v13  }
.Ltmp27:
0x297: {  	v12 =	vld [tilespmem:s13+$0x0];
	v25 =	vadd.s32 v6, v26;
	v14 =	vadd.s32 v7, v14;
	v23 =	vand.u32 $0xFFFFFF80, v22;
	(pc) =	sbr.rel @!p6 .LBB2_48-.Ltmp27, $4  }
0x298: {  	v13 =	vld [tilespmem:s13+$0xFFFFFF00];
	v15 =	vadd.s32 v7, v15;
	v22 =	vand.u32 $0x7F, v22;
	v24 =	vadd.s32 v24, v23  }
0x299: {  	v21 =	vld.idx.msk [tilespmem:v21+s21+$0x0], $0xffff;
	v23 =	vand.u32 $0xFFFFFF80, v25;
	v25 =	vand.u32 $0x7F, v25;
	v22 =	vor.u32 v22, v24  }
0x29a: {  	v32 =	vadd.s32 v6, v10;
	v28 =	vadd.s32 v6, v18;
	v24 =	vld.idx.msk [tilespmem:v20+s21+$0x0], $0xffff;
	v35 =	vshll.u32 v11, $0x7  }
0x29b: {  	s12 =	simm.s32 $0x4;
	s8 =	simm.s32 $0x10500;
	p5 =	por $0x1, $0x1;
	[tilespmem:v63+s22+$0x0] =	vst.idx.msk $0xffff, v27;
	v34 =	vand.u32 $0xFFFFFF80, v32;
	v20 =	vld.idx.msk [tilespmem:v62+s21+$0x0], $0xffff;
	v33 =	vand.u32 $0xFFFFFF80, v28;
	v27 =	vand.u32 $0x7F, v28  }
.LBB2_49:
0x29c: {  	v28 =	vld [tilespmem:s8+$0x80];
	v29 =	vadd.s32 v35, v33;
	v30 =	vand.u32 $0x7F, v32;
	v31 =	vshll.u32 v12, $0x7;
	s9 =	sadd.s32 $0x200, s9  }
0x29d: {  	s12 =	sadd.s32 $0x4, s12;
	v33 =	vshll.u32 v17, $0x6;
	v32 =	vshll.u32 v13, $0x7;
	v31 =	vadd.s32 v31, v34;
	v17 =	vld [tilespmem:s9+$0x80]  }
0x29e: {  	p6 =	slt.u32 s12, $0x7C;
	v27 =	vor.u32 v27, v29;
	v19 =	vadd.s32 v19, v33;
	v23 =	vadd.s32 v32, v23;
	v22 =	vld.idx.msk [tilespmem:v22+s21+$0x0], $0xffff  }
0x29f: {  	v30 =	vor.u32 v30, v31;
	v29 =	vld [tilespmem:s9+$0xFFFFFF00];
	v25 =	vor.u32 v25, v23;
	v23 =	vadd.s32 v7, v19  }
0x2a0: {  	v32 =	vshll.u32 v26, $0x6;
	v26 =	vshll.u32 v18, $0x6;
	v31 =	vshll.u32 v10, $0x6;
	v18 =	vld [tilespmem:s9+$0xFFFFFF80];
	[tilespmem:v16+s22+$0x0] =	vst.idx.msk $0xffff, v24  }
0x2a1: {  	v13 =	vadd.s32 v13, v32;
	v24 =	vadd.s32 v11, v26;
	v26 =	vadd.s32 v12, v31;
	v10 =	vld [tilespmem:s9+$0x0];
	v19 =	vmovc v28  }
0x2a2: {  	v16 =	vadd.s32 v7, v13;
	v13 =	vadd.s32 v7, v24;
	v11 =	vld [tilespmem:s8+$0xFFFFFF80];
	v28 =	vadd.s32 v6, v17  }
.Ltmp28:
0x2a3: {  	v36 =	vadd.s32 v7, v26;
	v31 =	vshll.u32 v19, $0x7;
	v12 =	vld [tilespmem:s8+$0x0];
	v24 =	vand.u32 $0xFFFFFF80, v28;
	[tilespmem:v14+s22+$0x0] =	vst.idx.msk $0xffff, v21;
	v14 =	vmovc v13;
	(pc) =	sbr.rel @p6 .LBB2_49-.Ltmp28, $4  }
0x2a4: {  	v32 =	vand.u32 $0x7F, v28;
	v13 =	vld [tilespmem:s8+$0xFFFFFF00];
	v21 =	vadd.s32 v6, v29;
	v24 =	vadd.s32 v31, v24;
	[tilespmem:v23+s22+$0x0] =	vst.idx.msk $0xffff, v22  }
0x2a5: {  	v26 =	vmovc v29;
	v23 =	vand.u32 $0xFFFFFF80, v21;
	v28 =	vadd.s32 v6, v18;
	v22 =	vor.u32 v32, v24;
	v24 =	vld.idx.msk [tilespmem:v25+s21+$0x0], $0xffff  }
0x2a6: {  	v25 =	vand.u32 $0x7F, v21;
	v33 =	vand.u32 $0xFFFFFF80, v28;
	v32 =	vadd.s32 v6, v10;
	v21 =	vld.idx.msk [tilespmem:v27+s21+$0x0], $0xffff;
	[tilespmem:v15+s22+$0x0] =	vst.idx.msk $0xffff, v20  }
0x2a7: {  	s8 =	sadd.s32 $0x200, s8;
	v27 =	vand.u32 $0x7F, v28;
	v15 =	vmovc v36;
	v35 =	vshll.u32 v11, $0x7;
	v34 =	vand.u32 $0xFFFFFF80, v32;
	v20 =	vld.idx.msk [tilespmem:v30+s21+$0x0], $0xffff  }
0x2a8: {  	v31 =	vmovc v17;
	v30 =	vmov v19;
	v28 =	vmov v26;
	v29 =	vmov v18  }
.LBB2_51:
0x2a9: {  	v17 =	vshll.u32 v13, $0x7;
	v18 =	vadd.s32 v35, v33  }
0x2aa: {  	v17 =	vadd.s32 v17, v23;
	v23 =	vshll.u32 v12, $0x7;
	v18 =	vor.u32 v27, v18  }
0x2ab: {  	v19 =	vand.u32 $0x7F, v32;
	v17 =	vor.u32 v25, v17;
	v23 =	vadd.s32 v23, v34  }
0x2ac: {  	v25 =	vshll.u32 v31, $0x6;
	v19 =	vor.u32 v19, v23  }
0x2ad: {  	v26 =	vshll.u32 v29, $0x6;
	v10 =	vshll.u32 v10, $0x6;
	v25 =	vadd.s32 v30, v25  }
0x2ae: {  	v22 =	vld.idx.msk [tilespmem:v22+s21+$0x0], $0xffff;
	v11 =	vadd.s32 v11, v26;
	v23 =	vadd.s32 v7, v25;
	v25 =	vshll.u32 v28, $0x6  }
0x2af: {  	v10 =	vadd.s32 v12, v10;
	v11 =	vadd.s32 v7, v11;
	v13 =	vadd.s32 v13, v25;
	v12 =	vld.idx.msk [tilespmem:v18+s21+$0x0], $0xffff  }
0x2b0: {  	[tilespmem:v16+s22+$0x0] =	vst.idx.msk @p5 $0xffff, v24;
	v13 =	vadd.s32 v7, v13;
	v17 =	vld.idx.msk [tilespmem:v17+s21+$0x0], $0xffff  }
0x2b1: {  	v10 =	vadd.s32 v7, v10;
	[tilespmem:v14+s22+$0x0] =	vst.idx.msk @p5 $0xffff, v21;
	v14 =	vld.idx.msk [tilespmem:v19+s21+$0x0], $0xffff  }
0x2b2: {  	[tilespmem:v15+s22+$0x0] =	vst.idx.msk @p5 $0xffff, v20  }
0x2b3: {  	[tilespmem:v23+s22+$0x0] =	vst.idx.msk $0xffff, v22  }
0x2b4: {  	[tilespmem:v11+s22+$0x0] =	vst.idx.msk $0xffff, v12  }
0x2b5: {  	[tilespmem:v13+s22+$0x0] =	vst.idx.msk $0xffff, v17  }
0x2b6: {  	[tilespmem:v10+s22+$0x0] =	vst.idx.msk $0xffff, v14  }
0x2b7: {  	v32 =	vld [tilespmem:s7+$0x80]  }
0x2b8: {  	v30 =	vld [tilespmem:s14+$0x80]  }
0x2b9: {  	v28 =	vld [tilespmem:s7+$0xFFFFFF00]  }
0x2ba: {  	v10 =	vld [tilespmem:s7+$0x0]  }
0x2bb: {  	v11 =	vld [tilespmem:s14+$0xFFFFFF80];
	_ =	sdelay $0x1  }
0x2bc: {  	v29 =	vld [tilespmem:s7+$0xFFFFFF80];
	_ =	sdelay $0x1  }
.Ltmp29:
0x2bd: {  	v12 =	vadd.s32 v8, v32;
	v14 =	vshll.u32 v30, $0x7;
	v15 =	vadd.s32 v8, v28;
	(pc) =	sbr.rel @!p4 .LBB2_52-.Ltmp29, $4  }
0x2be: {  	v31 =	vadd.s32 v8, v10;
	v35 =	vshll.u32 v11, $0x7;
	v13 =	vand.u32 $0xFFFFFF80, v12  }
0x2bf: {  	v12 =	vand.u32 $0x7F, v12;
	v24 =	vand.u32 $0xFFFFFF80, v15;
	v13 =	vadd.s32 v14, v13  }
0x2c0: {  	v25 =	vand.u32 $0x7F, v15;
	v14 =	vadd.s32 v8, v29;
	v22 =	vor.u32 v12, v13;
	v12 =	vld [tilespmem:s14+$0x0]  }
0x2c1: {  	v34 =	vand.u32 $0xFFFFFF80, v31;
	v33 =	vand.u32 $0xFFFFFF80, v14;
	v13 =	vld [tilespmem:s14+$0xFFFFFF00];
	v27 =	vand.u32 $0x7F, v14  }
0x2c2: {  	_ =	sdelay $0x1  }
0x2c3: {  	v19 =	vld [tilespmem:s13+$0x80];
	v14 =	vadd.s32 v35, v33;
	v15 =	vand.u32 $0x7F, v31;
	s7 =	simm.s32 $0x14300;
	v20 =	vshll.u32 v32, $0x6  }
0x2c4: {  	v17 =	vld [tilespmem:s7+$0x80];
	v21 =	vor.u32 v27, v14;
	v14 =	vadd.s32 v30, v20;
	v16 =	vshll.u32 v12, $0x7  }
0x2c5: {  	v26 =	vld [tilespmem:s7+$0xFFFFFF00];
	v63 =	vadd.s32 v9, v14;
	v18 =	vshll.u32 v13, $0x7;
	v16 =	vadd.s32 v16, v34  }
0x2c6: {  	v18 =	vadd.s32 v18, v24;
	v30 =	vor.u32 v15, v16;
	v16 =	vshll.u32 v10, $0x6;
	v10 =	vld [tilespmem:s7+$0x0]  }
0x2c7: {  	v14 =	vshll.u32 v28, $0x6;
	v15 =	vshll.u32 v29, $0x6;
	v20 =	vor.u32 v25, v18;
	v18 =	vld [tilespmem:s7+$0xFFFFFF80]  }
0x2c8: {  	v13 =	vadd.s32 v13, v14;
	v24 =	vshll.u32 v19, $0x7;
	v14 =	vadd.s32 v11, v15;
	v11 =	vld [tilespmem:s13+$0xFFFFFF80]  }
0x2c9: {  	p4 =	por $0x1, $0x1;
	v27 =	vld.idx.msk [tilespmem:v22+s21+$0x0], $0xffff;
	v15 =	vadd.s32 v12, v16;
	v22 =	vadd.s32 v8, v17;
	v16 =	vadd.s32 v9, v13  }
.Ltmp30:
0x2ca: {  	v12 =	vld [tilespmem:s13+$0x0];
	v25 =	vadd.s32 v8, v26;
	v14 =	vadd.s32 v9, v14;
	v23 =	vand.u32 $0xFFFFFF80, v22;
	(pc) =	sbr.rel @!p4 .LBB2_54-.Ltmp30, $4  }
0x2cb: {  	v13 =	vld [tilespmem:s13+$0xFFFFFF00];
	v15 =	vadd.s32 v9, v15;
	v22 =	vand.u32 $0x7F, v22;
	v23 =	vadd.s32 v24, v23  }
0x2cc: {  	v21 =	vld.idx.msk [tilespmem:v21+s21+$0x0], $0xffff;
	v24 =	vand.u32 $0xFFFFFF80, v25;
	v25 =	vand.u32 $0x7F, v25;
	v22 =	vor.u32 v22, v23  }
0x2cd: {  	v31 =	vadd.s32 v8, v10;
	v28 =	vadd.s32 v8, v18;
	v23 =	vld.idx.msk [tilespmem:v20+s21+$0x0], $0xffff;
	v35 =	vshll.u32 v11, $0x7  }
0x2ce: {  	s9 =	simm.s32 $0x4;
	s8 =	simm.s32 $0x10500;
	p3 =	por $0x1, $0x1;
	[tilespmem:v63+s22+$0x0] =	vst.idx.msk $0xffff, v27;
	v34 =	vand.u32 $0xFFFFFF80, v31;
	v20 =	vld.idx.msk [tilespmem:v30+s21+$0x0], $0xffff;
	v33 =	vand.u32 $0xFFFFFF80, v28;
	v27 =	vand.u32 $0x7F, v28  }
.LBB2_55:
0x2cf: {  	v28 =	vld [tilespmem:s8+$0x80];
	v29 =	vadd.s32 v35, v33;
	v30 =	vand.u32 $0x7F, v31;
	v31 =	vshll.u32 v12, $0x7;
	s7 =	sadd.s32 $0x200, s7  }
0x2d0: {  	s9 =	sadd.s32 $0x4, s9;
	v33 =	vshll.u32 v17, $0x6;
	v32 =	vshll.u32 v13, $0x7;
	v31 =	vadd.s32 v31, v34;
	v17 =	vld [tilespmem:s7+$0x80]  }
0x2d1: {  	p4 =	slt.u32 s9, $0x7C;
	v27 =	vor.u32 v27, v29;
	v19 =	vadd.s32 v19, v33;
	v24 =	vadd.s32 v32, v24;
	v22 =	vld.idx.msk [tilespmem:v22+s21+$0x0], $0xffff  }
0x2d2: {  	v30 =	vor.u32 v30, v31;
	v29 =	vld [tilespmem:s7+$0xFFFFFF00];
	v25 =	vor.u32 v25, v24;
	v24 =	vadd.s32 v9, v19  }
0x2d3: {  	v32 =	vshll.u32 v26, $0x6;
	v26 =	vshll.u32 v18, $0x6;
	v31 =	vshll.u32 v10, $0x6;
	v18 =	vld [tilespmem:s7+$0xFFFFFF80];
	[tilespmem:v16+s22+$0x0] =	vst.idx.msk $0xffff, v23  }
0x2d4: {  	v13 =	vadd.s32 v13, v32;
	v23 =	vadd.s32 v11, v26;
	v26 =	vadd.s32 v12, v31;
	v10 =	vld [tilespmem:s7+$0x0];
	v19 =	vmovc v28  }
0x2d5: {  	v16 =	vadd.s32 v9, v13;
	v13 =	vadd.s32 v9, v23;
	v11 =	vld [tilespmem:s8+$0xFFFFFF80];
	v28 =	vadd.s32 v8, v17  }
.Ltmp31:
0x2d6: {  	v32 =	vadd.s32 v9, v26;
	v31 =	vshll.u32 v19, $0x7;
	v12 =	vld [tilespmem:s8+$0x0];
	v23 =	vand.u32 $0xFFFFFF80, v28;
	[tilespmem:v14+s22+$0x0] =	vst.idx.msk $0xffff, v21;
	v14 =	vmovc v13;
	(pc) =	sbr.rel @p4 .LBB2_55-.Ltmp31, $4  }
0x2d7: {  	v33 =	vand.u32 $0x7F, v28;
	v13 =	vld [tilespmem:s8+$0xFFFFFF00];
	v21 =	vadd.s32 v8, v29;
	v23 =	vadd.s32 v31, v23;
	[tilespmem:v24+s22+$0x0] =	vst.idx.msk $0xffff, v22  }
0x2d8: {  	v26 =	vmovc v29;
	v24 =	vand.u32 $0xFFFFFF80, v21;
	v28 =	vadd.s32 v8, v18;
	v22 =	vor.u32 v33, v23;
	v23 =	vld.idx.msk [tilespmem:v25+s21+$0x0], $0xffff  }
0x2d9: {  	v25 =	vand.u32 $0x7F, v21;
	v33 =	vand.u32 $0xFFFFFF80, v28;
	v31 =	vadd.s32 v8, v10;
	v21 =	vld.idx.msk [tilespmem:v27+s21+$0x0], $0xffff;
	[tilespmem:v15+s22+$0x0] =	vst.idx.msk $0xffff, v20  }
0x2da: {  	s8 =	sadd.s32 $0x200, s8;
	v27 =	vand.u32 $0x7F, v28;
	v15 =	vmovc v32;
	v35 =	vshll.u32 v11, $0x7;
	v34 =	vand.u32 $0xFFFFFF80, v31;
	v20 =	vld.idx.msk [tilespmem:v30+s21+$0x0], $0xffff  }
0x2db: {  	v32 =	vmovc v17;
	v30 =	vmov v19;
	v28 =	vmov v26;
	v29 =	vmov v18  }
.LBB2_57:
0x2dc: {  	v17 =	vshll.u32 v13, $0x7;
	v18 =	vadd.s32 v35, v33  }
0x2dd: {  	v57 =	vshll.u32 v12, $0x7;
	v17 =	vadd.s32 v17, v24;
	v18 =	vor.u32 v27, v18  }
0x2de: {  	v19 =	vand.u32 $0x7F, v31;
	v24 =	vadd.s32 v57, v34;
	v17 =	vor.u32 v25, v17  }
0x2df: {  	v58 =	vshll.u32 v32, $0x6;
	v19 =	vor.u32 v19, v24  }
0x2e0: {  	v26 =	vshll.u32 v29, $0x6;
	v25 =	vadd.s32 v30, v58  }
0x2e1: {  	v22 =	vld.idx.msk [tilespmem:v22+s21+$0x0], $0xffff;
	v60 =	vshll.u32 v28, $0x6;
	v11 =	vadd.s32 v11, v26;
	v59 =	vadd.s32 v9, v25  }
0x2e2: {  	v10 =	vshll.u32 v10, $0x6;
	v61 =	vadd.s32 v13, v60;
	v11 =	vadd.s32 v9, v11;
	v62 =	vld.idx.msk [tilespmem:v18+s21+$0x0], $0xffff  }
0x2e3: {  	[tilespmem:v16+s22+$0x0] =	vst.idx.msk @p3 $0xffff, v23;
	v10 =	vadd.s32 v12, v10;
	v13 =	vadd.s32 v9, v61;
	v17 =	vld.idx.msk [tilespmem:v17+s21+$0x0], $0xffff  }
0x2e4: {  	v10 =	vadd.s32 v9, v10;
	[tilespmem:v14+s22+$0x0] =	vst.idx.msk @p3 $0xffff, v21;
	v63 =	vld.idx.msk [tilespmem:v19+s21+$0x0], $0xffff  }
0x2e5: {  	[tilespmem:v15+s22+$0x0] =	vst.idx.msk @p3 $0xffff, v20  }
0x2e6: {  	[tilespmem:v59+s22+$0x0] =	vst.idx.msk $0xffff, v22  }
0x2e7: {  	[tilespmem:v11+s22+$0x0] =	vst.idx.msk $0xffff, v62  }
0x2e8: {  	s2 =	sshll.u32 s2, $0xA;
	[tilespmem:v13+s22+$0x0] =	vst.idx.msk $0xffff, v17  }
0x2e9: {  	s2 =	sadd.s32 s6, s2;
	[tilespmem:v10+s22+$0x0] =	vst.idx.msk $0xffff, v63  }
0x2ea: {  	[hbm4b:s2+s4] =	stream.linear.scatter [tilespmem:s22], [sflag:$0x7], $0x2000, $0x38;
	[tilespmem:$0x18000] =	vst v63  }
.LBB2_58:
0x2eb: {  	s2 =	sor.u32 $0x60, s3  }
0x2ec: {  	p3 =	sgt.u32 s2, $0x1E83  }
.Ltmp32:
0x2ed: {  	_ = 	snop;
	(pc) =	sbr.rel @p3 .LBB2_76-.Ltmp32, $1  }
0x2ee: {  	_ =	sdelay $0x3  }
0x2ef: {  	p3 =	sgt.u32 s2, $0x1E43  }
0x2f0: {  	s3 =	simm.s32 @!p3 $0x6  }
0x2f1: {  	s0 =	sadd.s32 @!p3 s11, s0;
	s7 =	simm.s32 @!p3 $0x7A1400;
	_ =	swait.ge @!p3 [sflag:s3], $0x2000  }
0x2f2: {  	s8 =	simm.s32 @!p3 $0x2000;
	s0 =	sshll.u32 @!p3 s0, $0x7;
	[sflag:s3] =	ssyncset.done @!p3 $0x0  }
0x2f3: {  	s0 =	sadd.s32 @!p3 s1, s0;
	[sflag:s3] =	ssyncadd.s32 @!p3 $0xFFFFE000;
	s3 =	simm.s32 @!p3 $0x400  }
0x2f4: {  	[tilespmem:s8], [sflag:$0x2] =	stream.strided.gather @!p3 [hbm4b:s0+s3], $0x2000, s7, s3, $0x38;
	[tilespmem:$0x18000] =	vst v63  }
0x2f5: {  	_ =	swait.ge [sflag:s23], $0x2000  }
0x2f6: {  	[sflag:s23] =	ssyncset.done $0x0  }
0x2f7: {  	s7 =	simm.s32 $0x14100;
	[sflag:s23] =	ssyncadd.s32 $0xFFFFE000  }
0x2f8: {  	s3 =	simm.s32 $0x10100;
	v11 =	vld [tilespmem:s7+$0x80]  }
0x2f9: {  	v12 =	vld [tilespmem:s3+$0x80]  }
0x2fa: {  	v14 =	vld [tilespmem:s7+$0xFFFFFF00]  }
0x2fb: {  	v15 =	vld [tilespmem:s7+$0xFFFFFF80]  }
0x2fc: {  	v17 =	vld [tilespmem:s3+$0xFFFFFF80]  }
0x2fd: {  	v21 =	vld [tilespmem:s3+$0xFFFFFF00];
	_ =	sdelay $0x3  }
0x2fe: {  	v16 =	vld [tilespmem:s7+$0x0];
	v10 =	vadd.s32 v1, v11;
	v19 =	vshll.u32 v12, $0x7;
	v20 =	vadd.s32 v1, v14  }
0x2ff: {  	v22 =	vadd.s32 v1, v15;
	v25 =	vshll.u32 v17, $0x7;
	v28 =	vshll.u32 v21, $0x7  }
0x300: {  	v18 =	vld [tilespmem:s3+$0x0];
	v11 =	vshll.u32 v11, $0x6;
	v15 =	vshll.u32 v15, $0x6;
	v13 =	vand.u32 $0xFFFFFF80, v10  }
0x301: {  	v10 =	vand.u32 $0x7F, v10;
	v24 =	vand.u32 $0x7F, v20;
	v11 =	vadd.s32 v12, v11  }
0x302: {  	s9 =	simm.s32 $0x14300;
	v15 =	vadd.s32 v17, v15;
	v13 =	vadd.s32 v19, v13;
	v19 =	vand.u32 $0xFFFFFF80, v20  }
0x303: {  	v12 =	vld [tilespmem:s9+$0xFFFFFF80];
	v20 =	vadd.s32 v1, v16;
	v23 =	vor.u32 v10, v13;
	v10 =	vand.u32 $0xFFFFFF80, v22  }
0x304: {  	s0 =	simm.s32 $0x10300;
	v16 =	vshll.u32 v16, $0x6;
	v22 =	vand.u32 $0x7F, v22;
	v25 =	vadd.s32 v25, v10;
	v10 =	vld [tilespmem:s9+$0x80]  }
0x305: {  	v26 =	vand.u32 $0xFFFFFF80, v20;
	v13 =	vld [tilespmem:s0+$0x80];
	v27 =	vand.u32 $0x7F, v20;
	v20 =	vshll.u32 v18, $0x7  }
0x306: {  	v19 =	vadd.s32 v28, v19;
	v26 =	vadd.s32 v20, v26;
	v20 =	vld [tilespmem:s9+$0xFFFFFF00];
	v22 =	vor.u32 v22, v25  }
0x307: {  	v32 =	vor.u32 v27, v26;
	v27 =	vadd.s32 v2, v11;
	v11 =	vshll.u32 v14, $0x6;
	v14 =	vld [tilespmem:s9+$0x0]  }
0x308: {  	v19 =	vor.u32 v24, v19;
	v11 =	vadd.s32 v21, v11;
	v21 =	vadd.s32 v18, v16;
	v16 =	vld [tilespmem:s0+$0xFFFFFF80]  }
0x309: {  	v31 =	vadd.s32 v1, v12;
	v18 =	vadd.s32 v2, v11;
	v30 =	vld.idx.msk [tilespmem:v23+s24+$0x0], $0xffff;
	v23 =	vadd.s32 v1, v10  }
0x30a: {  	v17 =	vld [tilespmem:s0+$0x0];
	v11 =	vadd.s32 v2, v15;
	v25 =	vshll.u32 v13, $0x7;
	v24 =	vand.u32 $0xFFFFFF80, v23  }
0x30b: {  	v15 =	vadd.s32 v2, v21;
	v21 =	vld [tilespmem:s0+$0xFFFFFF00];
	v23 =	vand.u32 $0x7F, v23;
	v24 =	vadd.s32 v25, v24  }
0x30c: {  	v29 =	vand.u32 $0xFFFFFF80, v31;
	v26 =	vadd.s32 v1, v20;
	v22 =	vld.idx.msk [tilespmem:v22+s24+$0x0], $0xffff;
	v24 =	vor.u32 v23, v24  }
0x30d: {  	v28 =	vadd.s32 v1, v14;
	v25 =	vand.u32 $0xFFFFFF80, v26;
	v26 =	vand.u32 $0x7F, v26;
	v23 =	vld.idx.msk [tilespmem:v19+s24+$0x0], $0xffff  }
0x30e: {  	s12 =	simm.s32 $0x4;
	s8 =	simm.s32 $0x10500;
	v19 =	vld.idx.msk [tilespmem:v32+s24+$0x0], $0xffff;
	[tilespmem:v27+s25+$0x0] =	vst.idx.msk $0xffff, v30;
	v27 =	vand.u32 $0x7F, v31;
	v31 =	vshll.u32 v16, $0x7;
	v30 =	vand.u32 $0xFFFFFF80, v28  }
.LBB2_60:
0x30f: {  	v32 =	vld [tilespmem:s8+$0x80];
	v29 =	vadd.s32 v31, v29;
	v28 =	vand.u32 $0x7F, v28;
	v31 =	vshll.u32 v17, $0x7;
	s9 =	sadd.s32 $0x200, s9  }
0x310: {  	s12 =	sadd.s32 $0x4, s12;
	v33 =	vshll.u32 v21, $0x7;
	v30 =	vadd.s32 v31, v30;
	v31 =	vshll.u32 v10, $0x6;
	v10 =	vld [tilespmem:s9+$0x80]  }
0x311: {  	p3 =	slt.u32 s12, $0x7C;
	v27 =	vor.u32 v27, v29;
	v25 =	vadd.s32 v33, v25;
	v24 =	vld.idx.msk [tilespmem:v24+s24+$0x0], $0xffff;
	v13 =	vadd.s32 v13, v31  }
0x312: {  	v33 =	vor.u32 v28, v30;
	v29 =	vld [tilespmem:s9+$0xFFFFFF00];
	v26 =	vor.u32 v26, v25;
	v25 =	vadd.s32 v2, v13  }
0x313: {  	v30 =	vshll.u32 v20, $0x6;
	v20 =	vshll.u32 v12, $0x6;
	v28 =	vshll.u32 v14, $0x6;
	v12 =	vld [tilespmem:s9+$0xFFFFFF80];
	[tilespmem:v18+s25+$0x0] =	vst.idx.msk $0xffff, v23  }
0x314: {  	v20 =	vadd.s32 v16, v20;
	v18 =	vadd.s32 v21, v30;
	v21 =	vadd.s32 v17, v28;
	v14 =	vld [tilespmem:s9+$0x0];
	v13 =	vmovc v32  }
0x315: {  	v20 =	vadd.s32 v2, v20;
	v18 =	vadd.s32 v2, v18;
	v16 =	vld [tilespmem:s8+$0xFFFFFF80];
	v23 =	vadd.s32 v1, v10  }
.Ltmp33:
0x316: {  	v32 =	vadd.s32 v2, v21;
	v30 =	vshll.u32 v13, $0x7;
	v17 =	vld [tilespmem:s8+$0x0];
	v28 =	vand.u32 $0xFFFFFF80, v23;
	[tilespmem:v11+s25+$0x0] =	vst.idx.msk $0xffff, v22;
	v11 =	vmovc v20;
	(pc) =	sbr.rel @p3 .LBB2_60-.Ltmp33, $4  }
0x317: {  	v31 =	vand.u32 $0x7F, v23;
	v21 =	vld [tilespmem:s8+$0xFFFFFF00];
	v22 =	vadd.s32 v1, v29;
	v23 =	vadd.s32 v30, v28;
	[tilespmem:v25+s25+$0x0] =	vst.idx.msk $0xffff, v24  }
0x318: {  	v20 =	vmovc v29;
	v25 =	vand.u32 $0xFFFFFF80, v22;
	v30 =	vadd.s32 v1, v12;
	v24 =	vor.u32 v31, v23;
	v23 =	vld.idx.msk [tilespmem:v26+s24+$0x0], $0xffff  }
0x319: {  	v26 =	vand.u32 $0x7F, v22;
	v29 =	vand.u32 $0xFFFFFF80, v30;
	v28 =	vadd.s32 v1, v14;
	v22 =	vld.idx.msk [tilespmem:v27+s24+$0x0], $0xffff;
	[tilespmem:v15+s25+$0x0] =	vst.idx.msk $0xffff, v19  }
0x31a: {  	s8 =	sadd.s32 $0x200, s8;
	v27 =	vand.u32 $0x7F, v30;
	v15 =	vmovc v32;
	v31 =	vshll.u32 v16, $0x7;
	v30 =	vand.u32 $0xFFFFFF80, v28;
	v19 =	vld.idx.msk [tilespmem:v33+s24+$0x0], $0xffff  }
0x31b: {  	_ = 	snop  }
0x31c: {  	v29 =	vadd.s32 v31, v29;
	v28 =	vand.u32 $0x7F, v28;
	v32 =	vshll.u32 v21, $0x7  }
0x31d: {  	v31 =	vshll.u32 v17, $0x7;
	v27 =	vor.u32 v27, v29;
	v25 =	vadd.s32 v32, v25  }
0x31e: {  	v10 =	vshll.u32 v10, $0x6;
	v25 =	vor.u32 v26, v25;
	v26 =	vadd.s32 v31, v30  }
0x31f: {  	v10 =	vadd.s32 v13, v10;
	v13 =	vor.u32 v28, v26  }
0x320: {  	v20 =	vshll.u32 v20, $0x6;
	v12 =	vshll.u32 v12, $0x6  }
0x321: {  	v24 =	vld.idx.msk [tilespmem:v24+s24+$0x0], $0xffff;
	v14 =	vshll.u32 v14, $0x6;
	v12 =	vadd.s32 v16, v12;
	v10 =	vadd.s32 v2, v10  }
0x322: {  	v20 =	vadd.s32 v21, v20;
	v14 =	vadd.s32 v17, v14;
	v12 =	vadd.s32 v2, v12;
	v17 =	vld.idx.msk [tilespmem:v27+s24+$0x0], $0xffff  }
0x323: {  	v16 =	vadd.s32 v2, v20;
	[tilespmem:v18+s25+$0x0] =	vst.idx.msk $0xffff, v23;
	v20 =	vld.idx.msk [tilespmem:v25+s24+$0x0], $0xffff  }
0x324: {  	v14 =	vadd.s32 v2, v14;
	[tilespmem:v11+s25+$0x0] =	vst.idx.msk $0xffff, v22;
	v11 =	vld.idx.msk [tilespmem:v13+s24+$0x0], $0xffff  }
0x325: {  	[tilespmem:v15+s25+$0x0] =	vst.idx.msk $0xffff, v19  }
0x326: {  	[tilespmem:v10+s25+$0x0] =	vst.idx.msk $0xffff, v24  }
0x327: {  	[tilespmem:v12+s25+$0x0] =	vst.idx.msk $0xffff, v17  }
0x328: {  	[tilespmem:v16+s25+$0x0] =	vst.idx.msk $0xffff, v20  }
0x329: {  	[tilespmem:v14+s25+$0x0] =	vst.idx.msk $0xffff, v11  }
0x32a: {  	v11 =	vld [tilespmem:s7+$0x80]  }
0x32b: {  	v12 =	vld [tilespmem:s3+$0x80]  }
0x32c: {  	v14 =	vld [tilespmem:s7+$0xFFFFFF00]  }
0x32d: {  	v15 =	vld [tilespmem:s7+$0xFFFFFF80]  }
0x32e: {  	v17 =	vld [tilespmem:s3+$0xFFFFFF80]  }
0x32f: {  	v21 =	vld [tilespmem:s3+$0xFFFFFF00];
	_ =	sdelay $0x3  }
0x330: {  	v16 =	vld [tilespmem:s7+$0x0];
	v10 =	vadd.s32 v4, v11;
	v19 =	vshll.u32 v12, $0x7;
	v20 =	vadd.s32 v4, v14  }
0x331: {  	v22 =	vadd.s32 v4, v15;
	v25 =	vshll.u32 v17, $0x7;
	v28 =	vshll.u32 v21, $0x7  }
0x332: {  	v18 =	vld [tilespmem:s3+$0x0];
	v11 =	vshll.u32 v11, $0x6;
	v15 =	vshll.u32 v15, $0x6;
	v13 =	vand.u32 $0xFFFFFF80, v10  }
0x333: {  	v10 =	vand.u32 $0x7F, v10;
	v24 =	vand.u32 $0x7F, v20;
	v11 =	vadd.s32 v12, v11  }
0x334: {  	s3 =	simm.s32 $0x14300;
	v15 =	vadd.s32 v17, v15;
	v13 =	vadd.s32 v19, v13;
	v19 =	vand.u32 $0xFFFFFF80, v20  }
0x335: {  	v12 =	vld [tilespmem:s3+$0xFFFFFF80];
	v20 =	vadd.s32 v4, v16;
	v23 =	vor.u32 v10, v13;
	v10 =	vand.u32 $0xFFFFFF80, v22  }
0x336: {  	v16 =	vshll.u32 v16, $0x6;
	v22 =	vand.u32 $0x7F, v22;
	v25 =	vadd.s32 v25, v10;
	v10 =	vld [tilespmem:s3+$0x80]  }
0x337: {  	v26 =	vand.u32 $0xFFFFFF80, v20;
	v13 =	vld [tilespmem:s0+$0x80];
	v27 =	vand.u32 $0x7F, v20;
	v20 =	vshll.u32 v18, $0x7  }
0x338: {  	v19 =	vadd.s32 v28, v19;
	v26 =	vadd.s32 v20, v26;
	v20 =	vld [tilespmem:s3+$0xFFFFFF00];
	v22 =	vor.u32 v22, v25  }
0x339: {  	v63 =	vor.u32 v27, v26;
	v27 =	vadd.s32 v5, v11;
	v11 =	vshll.u32 v14, $0x6;
	v14 =	vld [tilespmem:s3+$0x0]  }
0x33a: {  	v19 =	vor.u32 v24, v19;
	v11 =	vadd.s32 v21, v11;
	v21 =	vadd.s32 v18, v16;
	v16 =	vld [tilespmem:s0+$0xFFFFFF80]  }
0x33b: {  	v31 =	vadd.s32 v4, v12;
	v18 =	vadd.s32 v5, v11;
	v30 =	vld.idx.msk [tilespmem:v23+s24+$0x0], $0xffff;
	v23 =	vadd.s32 v4, v10  }
0x33c: {  	v17 =	vld [tilespmem:s0+$0x0];
	v11 =	vadd.s32 v5, v15;
	v25 =	vshll.u32 v13, $0x7;
	v24 =	vand.u32 $0xFFFFFF80, v23  }
0x33d: {  	v15 =	vadd.s32 v5, v21;
	v21 =	vld [tilespmem:s0+$0xFFFFFF00];
	v23 =	vand.u32 $0x7F, v23;
	v24 =	vadd.s32 v25, v24  }
0x33e: {  	v29 =	vand.u32 $0xFFFFFF80, v31;
	v26 =	vadd.s32 v4, v20;
	v22 =	vld.idx.msk [tilespmem:v22+s24+$0x0], $0xffff;
	v24 =	vor.u32 v23, v24  }
0x33f: {  	v28 =	vadd.s32 v4, v14;
	v25 =	vand.u32 $0xFFFFFF80, v26;
	v26 =	vand.u32 $0x7F, v26;
	v23 =	vld.idx.msk [tilespmem:v19+s24+$0x0], $0xffff  }
0x340: {  	s7 =	simm.s32 $0x10500;
	s0 =	simm.s32 $0x4;
	v19 =	vld.idx.msk [tilespmem:v63+s24+$0x0], $0xffff;
	[tilespmem:v27+s25+$0x0] =	vst.idx.msk $0xffff, v30;
	v27 =	vand.u32 $0x7F, v31;
	v31 =	vshll.u32 v16, $0x7;
	v30 =	vand.u32 $0xFFFFFF80, v28  }
.LBB2_62:
0x341: {  	v32 =	vld [tilespmem:s7+$0x80];
	v29 =	vadd.s32 v31, v29;
	v28 =	vand.u32 $0x7F, v28;
	v31 =	vshll.u32 v17, $0x7;
	s3 =	sadd.s32 $0x200, s3  }
0x342: {  	s0 =	sadd.s32 $0x4, s0;
	v33 =	vshll.u32 v21, $0x7;
	v30 =	vadd.s32 v31, v30;
	v31 =	vshll.u32 v10, $0x6;
	v10 =	vld [tilespmem:s3+$0x80]  }
0x343: {  	p3 =	slt.u32 s0, $0x7C;
	v27 =	vor.u32 v27, v29;
	v25 =	vadd.s32 v33, v25;
	v24 =	vld.idx.msk [tilespmem:v24+s24+$0x0], $0xffff;
	v13 =	vadd.s32 v13, v31  }
0x344: {  	v33 =	vor.u32 v28, v30;
	v29 =	vld [tilespmem:s3+$0xFFFFFF00];
	v26 =	vor.u32 v26, v25;
	v25 =	vadd.s32 v5, v13  }
0x345: {  	v30 =	vshll.u32 v20, $0x6;
	v20 =	vshll.u32 v12, $0x6;
	v28 =	vshll.u32 v14, $0x6;
	v12 =	vld [tilespmem:s3+$0xFFFFFF80];
	[tilespmem:v18+s25+$0x0] =	vst.idx.msk $0xffff, v23  }
0x346: {  	v20 =	vadd.s32 v16, v20;
	v18 =	vadd.s32 v21, v30;
	v21 =	vadd.s32 v17, v28;
	v14 =	vld [tilespmem:s3+$0x0];
	v13 =	vmovc v32  }
0x347: {  	v20 =	vadd.s32 v5, v20;
	v18 =	vadd.s32 v5, v18;
	v16 =	vld [tilespmem:s7+$0xFFFFFF80];
	v23 =	vadd.s32 v4, v10  }
.Ltmp34:
0x348: {  	v32 =	vadd.s32 v5, v21;
	v30 =	vshll.u32 v13, $0x7;
	v17 =	vld [tilespmem:s7+$0x0];
	v28 =	vand.u32 $0xFFFFFF80, v23;
	[tilespmem:v11+s25+$0x0] =	vst.idx.msk $0xffff, v22;
	v11 =	vmovc v20;
	(pc) =	sbr.rel @p3 .LBB2_62-.Ltmp34, $4  }
0x349: {  	v31 =	vand.u32 $0x7F, v23;
	v21 =	vld [tilespmem:s7+$0xFFFFFF00];
	v22 =	vadd.s32 v4, v29;
	v23 =	vadd.s32 v30, v28;
	[tilespmem:v25+s25+$0x0] =	vst.idx.msk $0xffff, v24  }
0x34a: {  	v20 =	vmovc v29;
	v25 =	vand.u32 $0xFFFFFF80, v22;
	v30 =	vadd.s32 v4, v12;
	v24 =	vor.u32 v31, v23;
	v23 =	vld.idx.msk [tilespmem:v26+s24+$0x0], $0xffff  }
0x34b: {  	v26 =	vand.u32 $0x7F, v22;
	v29 =	vand.u32 $0xFFFFFF80, v30;
	v28 =	vadd.s32 v4, v14;
	v22 =	vld.idx.msk [tilespmem:v27+s24+$0x0], $0xffff;
	[tilespmem:v15+s25+$0x0] =	vst.idx.msk $0xffff, v19  }
0x34c: {  	s7 =	sadd.s32 $0x200, s7;
	v27 =	vand.u32 $0x7F, v30;
	v15 =	vmovc v32;
	v31 =	vshll.u32 v16, $0x7;
	v30 =	vand.u32 $0xFFFFFF80, v28;
	v19 =	vld.idx.msk [tilespmem:v33+s24+$0x0], $0xffff  }
0x34d: {  	_ = 	snop  }
0x34e: {  	v29 =	vadd.s32 v31, v29;
	v28 =	vand.u32 $0x7F, v28;
	v32 =	vshll.u32 v21, $0x7  }
0x34f: {  	v31 =	vshll.u32 v17, $0x7;
	v27 =	vor.u32 v27, v29;
	v25 =	vadd.s32 v32, v25  }
0x350: {  	v10 =	vshll.u32 v10, $0x6;
	v25 =	vor.u32 v26, v25;
	v26 =	vadd.s32 v31, v30  }
0x351: {  	v10 =	vadd.s32 v13, v10;
	v13 =	vor.u32 v28, v26  }
0x352: {  	v12 =	vshll.u32 v12, $0x6  }
0x353: {  	v24 =	vld.idx.msk [tilespmem:v24+s24+$0x0], $0xffff;
	v20 =	vshll.u32 v20, $0x6;
	v12 =	vadd.s32 v16, v12;
	v10 =	vadd.s32 v5, v10  }
0x354: {  	v14 =	vshll.u32 v14, $0x6;
	v20 =	vadd.s32 v21, v20;
	v12 =	vadd.s32 v5, v12;
	v63 =	vld.idx.msk [tilespmem:v27+s24+$0x0], $0xffff  }
0x355: {  	v14 =	vadd.s32 v17, v14;
	v62 =	vadd.s32 v5, v20;
	[tilespmem:v18+s25+$0x0] =	vst.idx.msk $0xffff, v23;
	v20 =	vld.idx.msk [tilespmem:v25+s24+$0x0], $0xffff  }
0x356: {  	v14 =	vadd.s32 v5, v14;
	[tilespmem:v11+s25+$0x0] =	vst.idx.msk $0xffff, v22;
	v11 =	vld.idx.msk [tilespmem:v13+s24+$0x0], $0xffff  }
0x357: {  	[tilespmem:v15+s25+$0x0] =	vst.idx.msk $0xffff, v19  }
0x358: {  	[tilespmem:v10+s25+$0x0] =	vst.idx.msk $0xffff, v24  }
0x359: {  	[tilespmem:v12+s25+$0x0] =	vst.idx.msk $0xffff, v63  }
0x35a: {  	[tilespmem:v62+s25+$0x0] =	vst.idx.msk $0xffff, v20  }
0x35b: {  	s7 =	simm.s32 $0x14100;
	[tilespmem:v14+s25+$0x0] =	vst.idx.msk $0xffff, v11  }
0x35c: {  	s3 =	simm.s32 $0x10100;
	v31 =	vld [tilespmem:s7+$0x80]  }
0x35d: {  	v30 =	vld [tilespmem:s3+$0x80]  }
0x35e: {  	v28 =	vld [tilespmem:s7+$0xFFFFFF00]  }
0x35f: {  	v10 =	vld [tilespmem:s7+$0x0]  }
0x360: {  	v11 =	vld [tilespmem:s3+$0xFFFFFF80];
	_ =	sdelay $0x1  }
0x361: {  	v29 =	vld [tilespmem:s7+$0xFFFFFF80]  }
0x362: {  	p4 =	por $0x1, $0x1  }
.Ltmp35:
0x363: {  	v12 =	vadd.s32 v6, v31;
	v14 =	vshll.u32 v30, $0x7;
	v15 =	vadd.s32 v6, v28;
	(pc) =	sbr.rel @!p4 .LBB2_64-.Ltmp35, $4  }
0x364: {  	v32 =	vadd.s32 v6, v10;
	v35 =	vshll.u32 v11, $0x7;
	v13 =	vand.u32 $0xFFFFFF80, v12  }
0x365: {  	v12 =	vand.u32 $0x7F, v12;
	v23 =	vand.u32 $0xFFFFFF80, v15;
	v13 =	vadd.s32 v14, v13  }
0x366: {  	v25 =	vand.u32 $0x7F, v15;
	v14 =	vadd.s32 v6, v29;
	v22 =	vor.u32 v12, v13;
	v12 =	vld [tilespmem:s3+$0x0]  }
0x367: {  	s0 =	simm.s32 $0x10300;
	p3 =	por $0x0, $0x0;
	v34 =	vand.u32 $0xFFFFFF80, v32;
	v33 =	vand.u32 $0xFFFFFF80, v14;
	v13 =	vld [tilespmem:s3+$0xFFFFFF00];
	v27 =	vand.u32 $0x7F, v14  }
0x368: {  	_ =	sdelay $0x1  }
0x369: {  	v19 =	vld [tilespmem:s0+$0x80];
	v14 =	vadd.s32 v35, v33;
	v15 =	vand.u32 $0x7F, v32;
	s9 =	simm.s32 $0x14300;
	v20 =	vshll.u32 v31, $0x6  }
0x36a: {  	v17 =	vld [tilespmem:s9+$0x80];
	v21 =	vor.u32 v27, v14;
	v14 =	vadd.s32 v30, v20;
	v16 =	vshll.u32 v12, $0x7  }
0x36b: {  	v26 =	vld [tilespmem:s9+$0xFFFFFF00];
	v63 =	vadd.s32 v7, v14;
	v18 =	vshll.u32 v13, $0x7;
	v16 =	vadd.s32 v16, v34  }
0x36c: {  	v18 =	vadd.s32 v18, v23;
	v62 =	vor.u32 v15, v16;
	v16 =	vshll.u32 v10, $0x6;
	v10 =	vld [tilespmem:s9+$0x0]  }
0x36d: {  	v14 =	vshll.u32 v28, $0x6;
	v15 =	vshll.u32 v29, $0x6;
	v20 =	vor.u32 v25, v18;
	v18 =	vld [tilespmem:s9+$0xFFFFFF80]  }
0x36e: {  	v13 =	vadd.s32 v13, v14;
	v24 =	vshll.u32 v19, $0x7;
	v14 =	vadd.s32 v11, v15;
	v11 =	vld [tilespmem:s0+$0xFFFFFF80]  }
0x36f: {  	p6 =	por $0x1, $0x1;
	v27 =	vld.idx.msk [tilespmem:v22+s24+$0x0], $0xffff;
	v15 =	vadd.s32 v12, v16;
	v22 =	vadd.s32 v6, v17;
	v16 =	vadd.s32 v7, v13  }
.Ltmp36:
0x370: {  	v12 =	vld [tilespmem:s0+$0x0];
	v25 =	vadd.s32 v6, v26;
	v14 =	vadd.s32 v7, v14;
	v23 =	vand.u32 $0xFFFFFF80, v22;
	(pc) =	sbr.rel @!p6 .LBB2_66-.Ltmp36, $4  }
0x371: {  	v13 =	vld [tilespmem:s0+$0xFFFFFF00];
	v15 =	vadd.s32 v7, v15;
	v22 =	vand.u32 $0x7F, v22;
	v24 =	vadd.s32 v24, v23  }
0x372: {  	v21 =	vld.idx.msk [tilespmem:v21+s24+$0x0], $0xffff;
	v23 =	vand.u32 $0xFFFFFF80, v25;
	v25 =	vand.u32 $0x7F, v25;
	v22 =	vor.u32 v22, v24  }
0x373: {  	v32 =	vadd.s32 v6, v10;
	v28 =	vadd.s32 v6, v18;
	v24 =	vld.idx.msk [tilespmem:v20+s24+$0x0], $0xffff;
	v35 =	vshll.u32 v11, $0x7  }
0x374: {  	s12 =	simm.s32 $0x4;
	s8 =	simm.s32 $0x10500;
	p5 =	por $0x1, $0x1;
	[tilespmem:v63+s25+$0x0] =	vst.idx.msk $0xffff, v27;
	v34 =	vand.u32 $0xFFFFFF80, v32;
	v20 =	vld.idx.msk [tilespmem:v62+s24+$0x0], $0xffff;
	v33 =	vand.u32 $0xFFFFFF80, v28;
	v27 =	vand.u32 $0x7F, v28  }
.LBB2_67:
0x375: {  	v28 =	vld [tilespmem:s8+$0x80];
	v29 =	vadd.s32 v35, v33;
	v30 =	vand.u32 $0x7F, v32;
	v31 =	vshll.u32 v12, $0x7;
	s9 =	sadd.s32 $0x200, s9  }
0x376: {  	s12 =	sadd.s32 $0x4, s12;
	v33 =	vshll.u32 v17, $0x6;
	v32 =	vshll.u32 v13, $0x7;
	v31 =	vadd.s32 v31, v34;
	v17 =	vld [tilespmem:s9+$0x80]  }
0x377: {  	p6 =	slt.u32 s12, $0x7C;
	v27 =	vor.u32 v27, v29;
	v19 =	vadd.s32 v19, v33;
	v23 =	vadd.s32 v32, v23;
	v22 =	vld.idx.msk [tilespmem:v22+s24+$0x0], $0xffff  }
0x378: {  	v30 =	vor.u32 v30, v31;
	v29 =	vld [tilespmem:s9+$0xFFFFFF00];
	v25 =	vor.u32 v25, v23;
	v23 =	vadd.s32 v7, v19  }
0x379: {  	v32 =	vshll.u32 v26, $0x6;
	v26 =	vshll.u32 v18, $0x6;
	v31 =	vshll.u32 v10, $0x6;
	v18 =	vld [tilespmem:s9+$0xFFFFFF80];
	[tilespmem:v16+s25+$0x0] =	vst.idx.msk $0xffff, v24  }
0x37a: {  	v13 =	vadd.s32 v13, v32;
	v24 =	vadd.s32 v11, v26;
	v26 =	vadd.s32 v12, v31;
	v10 =	vld [tilespmem:s9+$0x0];
	v19 =	vmovc v28  }
0x37b: {  	v16 =	vadd.s32 v7, v13;
	v13 =	vadd.s32 v7, v24;
	v11 =	vld [tilespmem:s8+$0xFFFFFF80];
	v28 =	vadd.s32 v6, v17  }
.Ltmp37:
0x37c: {  	v36 =	vadd.s32 v7, v26;
	v31 =	vshll.u32 v19, $0x7;
	v12 =	vld [tilespmem:s8+$0x0];
	v24 =	vand.u32 $0xFFFFFF80, v28;
	[tilespmem:v14+s25+$0x0] =	vst.idx.msk $0xffff, v21;
	v14 =	vmovc v13;
	(pc) =	sbr.rel @p6 .LBB2_67-.Ltmp37, $4  }
0x37d: {  	v32 =	vand.u32 $0x7F, v28;
	v13 =	vld [tilespmem:s8+$0xFFFFFF00];
	v21 =	vadd.s32 v6, v29;
	v24 =	vadd.s32 v31, v24;
	[tilespmem:v23+s25+$0x0] =	vst.idx.msk $0xffff, v22  }
0x37e: {  	v26 =	vmovc v29;
	v23 =	vand.u32 $0xFFFFFF80, v21;
	v28 =	vadd.s32 v6, v18;
	v22 =	vor.u32 v32, v24;
	v24 =	vld.idx.msk [tilespmem:v25+s24+$0x0], $0xffff  }
0x37f: {  	v25 =	vand.u32 $0x7F, v21;
	v33 =	vand.u32 $0xFFFFFF80, v28;
	v32 =	vadd.s32 v6, v10;
	v21 =	vld.idx.msk [tilespmem:v27+s24+$0x0], $0xffff;
	[tilespmem:v15+s25+$0x0] =	vst.idx.msk $0xffff, v20  }
0x380: {  	s8 =	sadd.s32 $0x200, s8;
	v27 =	vand.u32 $0x7F, v28;
	v15 =	vmovc v36;
	v35 =	vshll.u32 v11, $0x7;
	v34 =	vand.u32 $0xFFFFFF80, v32;
	v20 =	vld.idx.msk [tilespmem:v30+s24+$0x0], $0xffff  }
0x381: {  	v31 =	vmovc v17;
	v30 =	vmov v19;
	v28 =	vmov v26;
	v29 =	vmov v18  }
.LBB2_69:
0x382: {  	v17 =	vshll.u32 v13, $0x7;
	v18 =	vadd.s32 v35, v33  }
0x383: {  	v17 =	vadd.s32 v17, v23;
	v23 =	vshll.u32 v12, $0x7;
	v18 =	vor.u32 v27, v18  }
0x384: {  	v19 =	vand.u32 $0x7F, v32;
	v17 =	vor.u32 v25, v17;
	v23 =	vadd.s32 v23, v34  }
0x385: {  	v25 =	vshll.u32 v31, $0x6;
	v19 =	vor.u32 v19, v23  }
0x386: {  	v26 =	vshll.u32 v29, $0x6;
	v10 =	vshll.u32 v10, $0x6;
	v25 =	vadd.s32 v30, v25  }
0x387: {  	v22 =	vld.idx.msk [tilespmem:v22+s24+$0x0], $0xffff;
	v11 =	vadd.s32 v11, v26;
	v23 =	vadd.s32 v7, v25;
	v25 =	vshll.u32 v28, $0x6  }
0x388: {  	v10 =	vadd.s32 v12, v10;
	v11 =	vadd.s32 v7, v11;
	v13 =	vadd.s32 v13, v25;
	v12 =	vld.idx.msk [tilespmem:v18+s24+$0x0], $0xffff  }
0x389: {  	[tilespmem:v16+s25+$0x0] =	vst.idx.msk @p5 $0xffff, v24;
	v13 =	vadd.s32 v7, v13;
	v17 =	vld.idx.msk [tilespmem:v17+s24+$0x0], $0xffff  }
0x38a: {  	v10 =	vadd.s32 v7, v10;
	[tilespmem:v14+s25+$0x0] =	vst.idx.msk @p5 $0xffff, v21;
	v14 =	vld.idx.msk [tilespmem:v19+s24+$0x0], $0xffff  }
0x38b: {  	[tilespmem:v15+s25+$0x0] =	vst.idx.msk @p5 $0xffff, v20  }
0x38c: {  	[tilespmem:v23+s25+$0x0] =	vst.idx.msk $0xffff, v22  }
0x38d: {  	[tilespmem:v11+s25+$0x0] =	vst.idx.msk $0xffff, v12  }
0x38e: {  	[tilespmem:v13+s25+$0x0] =	vst.idx.msk $0xffff, v17  }
0x38f: {  	[tilespmem:v10+s25+$0x0] =	vst.idx.msk $0xffff, v14  }
0x390: {  	v32 =	vld [tilespmem:s7+$0x80]  }
0x391: {  	v30 =	vld [tilespmem:s3+$0x80];
	_ =	sdelay $0x1  }
0x392: {  	v28 =	vld [tilespmem:s7+$0xFFFFFF00]  }
0x393: {  	v10 =	vld [tilespmem:s7+$0x0]  }
0x394: {  	v11 =	vld [tilespmem:s3+$0xFFFFFF80];
	v12 =	vadd.s32 v8, v32  }
0x395: {  	v29 =	vld [tilespmem:s7+$0xFFFFFF80];
	v14 =	vshll.u32 v30, $0x7;
	v13 =	vand.u32 $0xFFFFFF80, v12  }
0x396: {  	v12 =	vand.u32 $0x7F, v12;
	v13 =	vadd.s32 v14, v13  }
.Ltmp38:
0x397: {  	v22 =	vor.u32 v12, v13;
	v13 =	vld [tilespmem:s3+$0xFFFFFF00];
	(pc) =	sbr.rel @!p4 .LBB2_70-.Ltmp38, $4  }
0x398: {  	v12 =	vld [tilespmem:s3+$0x0]  }
0x399: {  	v15 =	vadd.s32 v8, v28;
	v31 =	vadd.s32 v8, v10;
	v35 =	vshll.u32 v11, $0x7  }
0x39a: {  	v24 =	vand.u32 $0xFFFFFF80, v15;
	v25 =	vand.u32 $0x7F, v15;
	v14 =	vadd.s32 v8, v29  }
0x39b: {  	v34 =	vand.u32 $0xFFFFFF80, v31;
	v33 =	vand.u32 $0xFFFFFF80, v14;
	v27 =	vand.u32 $0x7F, v14  }
0x39c: {  	_ =	sdelay $0x1  }
0x39d: {  	v19 =	vld [tilespmem:s0+$0x80];
	s3 =	simm.s32 $0x14300  }
0x39e: {  	v14 =	vadd.s32 v35, v33;
	v15 =	vand.u32 $0x7F, v31;
	v18 =	vshll.u32 v13, $0x7;
	v17 =	vld [tilespmem:s3+$0x80]  }
0x39f: {  	v20 =	vshll.u32 v32, $0x6;
	v16 =	vshll.u32 v12, $0x7;
	v21 =	vor.u32 v27, v14;
	v27 =	vld.idx.msk [tilespmem:v22+s24+$0x0], $0xffff  }
0x3a0: {  	v18 =	vadd.s32 v18, v24;
	v14 =	vadd.s32 v30, v20;
	v26 =	vld [tilespmem:s3+$0xFFFFFF00];
	v16 =	vadd.s32 v16, v34  }
0x3a1: {  	v20 =	vor.u32 v25, v18;
	v63 =	vadd.s32 v9, v14;
	v18 =	vld [tilespmem:s3+$0xFFFFFF80];
	v14 =	vshll.u32 v28, $0x6  }
0x3a2: {  	v30 =	vor.u32 v15, v16;
	v15 =	vshll.u32 v29, $0x6;
	v16 =	vshll.u32 v10, $0x6;
	v10 =	vld [tilespmem:s3+$0x0]  }
0x3a3: {  	v13 =	vadd.s32 v13, v14;
	v14 =	vadd.s32 v11, v15;
	v15 =	vadd.s32 v12, v16;
	v11 =	vld [tilespmem:s0+$0xFFFFFF80]  }
0x3a4: {  	p4 =	por $0x1, $0x1;
	v16 =	vadd.s32 v9, v13;
	v12 =	vld [tilespmem:s0+$0x0];
	v14 =	vadd.s32 v9, v14;
	v22 =	vadd.s32 v8, v17  }
.Ltmp39:
0x3a5: {  	v13 =	vld [tilespmem:s0+$0xFFFFFF00];
	v24 =	vshll.u32 v19, $0x7;
	v15 =	vadd.s32 v9, v15;
	v23 =	vand.u32 $0xFFFFFF80, v22;
	(pc) =	sbr.rel @!p4 .LBB2_72-.Ltmp39, $4  }
0x3a6: {  	v25 =	vadd.s32 v8, v26;
	v22 =	vand.u32 $0x7F, v22;
	v23 =	vadd.s32 v24, v23  }
0x3a7: {  	v21 =	vld.idx.msk [tilespmem:v21+s24+$0x0], $0xffff;
	v28 =	vadd.s32 v8, v18;
	v24 =	vand.u32 $0xFFFFFF80, v25;
	v22 =	vor.u32 v22, v23  }
0x3a8: {  	v25 =	vand.u32 $0x7F, v25;
	v33 =	vand.u32 $0xFFFFFF80, v28;
	v31 =	vadd.s32 v8, v10;
	v23 =	vld.idx.msk [tilespmem:v20+s24+$0x0], $0xffff  }
0x3a9: {  	s7 =	simm.s32 $0x10500;
	p3 =	por $0x1, $0x1;
	s0 =	simm.s32 $0x4;
	[tilespmem:v63+s25+$0x0] =	vst.idx.msk $0xffff, v27;
	v27 =	vand.u32 $0x7F, v28;
	v35 =	vshll.u32 v11, $0x7;
	v34 =	vand.u32 $0xFFFFFF80, v31;
	v20 =	vld.idx.msk [tilespmem:v30+s24+$0x0], $0xffff  }
.LBB2_73:
0x3aa: {  	v28 =	vld [tilespmem:s7+$0x80];
	v29 =	vadd.s32 v35, v33;
	v30 =	vand.u32 $0x7F, v31;
	v31 =	vshll.u32 v12, $0x7;
	s3 =	sadd.s32 $0x200, s3  }
0x3ab: {  	s0 =	sadd.s32 $0x4, s0;
	v33 =	vshll.u32 v17, $0x6;
	v32 =	vshll.u32 v13, $0x7;
	v31 =	vadd.s32 v31, v34;
	v17 =	vld [tilespmem:s3+$0x80]  }
0x3ac: {  	p4 =	slt.u32 s0, $0x7C;
	v27 =	vor.u32 v27, v29;
	v19 =	vadd.s32 v19, v33;
	v24 =	vadd.s32 v32, v24;
	v22 =	vld.idx.msk [tilespmem:v22+s24+$0x0], $0xffff  }
0x3ad: {  	v30 =	vor.u32 v30, v31;
	v29 =	vld [tilespmem:s3+$0xFFFFFF00];
	v25 =	vor.u32 v25, v24;
	v24 =	vadd.s32 v9, v19  }
0x3ae: {  	v32 =	vshll.u32 v26, $0x6;
	v26 =	vshll.u32 v18, $0x6;
	v31 =	vshll.u32 v10, $0x6;
	v18 =	vld [tilespmem:s3+$0xFFFFFF80];
	[tilespmem:v16+s25+$0x0] =	vst.idx.msk $0xffff, v23  }
0x3af: {  	v13 =	vadd.s32 v13, v32;
	v23 =	vadd.s32 v11, v26;
	v26 =	vadd.s32 v12, v31;
	v10 =	vld [tilespmem:s3+$0x0];
	v19 =	vmovc v28  }
0x3b0: {  	v16 =	vadd.s32 v9, v13;
	v13 =	vadd.s32 v9, v23;
	v11 =	vld [tilespmem:s7+$0xFFFFFF80];
	v28 =	vadd.s32 v8, v17  }
.Ltmp40:
0x3b1: {  	v32 =	vadd.s32 v9, v26;
	v31 =	vshll.u32 v19, $0x7;
	v12 =	vld [tilespmem:s7+$0x0];
	v23 =	vand.u32 $0xFFFFFF80, v28;
	[tilespmem:v14+s25+$0x0] =	vst.idx.msk $0xffff, v21;
	v14 =	vmovc v13;
	(pc) =	sbr.rel @p4 .LBB2_73-.Ltmp40, $4  }
0x3b2: {  	v33 =	vand.u32 $0x7F, v28;
	v13 =	vld [tilespmem:s7+$0xFFFFFF00];
	v21 =	vadd.s32 v8, v29;
	v23 =	vadd.s32 v31, v23;
	[tilespmem:v24+s25+$0x0] =	vst.idx.msk $0xffff, v22  }
0x3b3: {  	v26 =	vmovc v29;
	v24 =	vand.u32 $0xFFFFFF80, v21;
	v28 =	vadd.s32 v8, v18;
	v22 =	vor.u32 v33, v23;
	v23 =	vld.idx.msk [tilespmem:v25+s24+$0x0], $0xffff  }
0x3b4: {  	v25 =	vand.u32 $0x7F, v21;
	v33 =	vand.u32 $0xFFFFFF80, v28;
	v31 =	vadd.s32 v8, v10;
	v21 =	vld.idx.msk [tilespmem:v27+s24+$0x0], $0xffff;
	[tilespmem:v15+s25+$0x0] =	vst.idx.msk $0xffff, v20  }
0x3b5: {  	s7 =	sadd.s32 $0x200, s7;
	v27 =	vand.u32 $0x7F, v28;
	v15 =	vmovc v32;
	v35 =	vshll.u32 v11, $0x7;
	v34 =	vand.u32 $0xFFFFFF80, v31;
	v20 =	vld.idx.msk [tilespmem:v30+s24+$0x0], $0xffff  }
.Ltmp41:
0x3b6: {  	(pc) =	sbr.rel .LBB2_75-.Ltmp41, $2  }
0x3b7: {  	_ =	sdelay $0x2  }
0x3b8: {  	v32 =	vmovc v17;
	v30 =	vmov v19;
	v28 =	vmov v26;
	v29 =	vmov v18  }
.LBB2_10:
.Ltmp42:
0x3b9: {  	(pc) =	sbr.rel .LBB2_15-.Ltmp42, $2  }
0x3ba: {  	_ =	sdelay $0x2  }
0x3bb: {  	p5 =	por $0x0, $0x0  }
.LBB2_16:
.Ltmp43:
0x3bc: {  	(pc) =	sbr.rel .LBB2_21-.Ltmp43, $2  }
0x3bd: {  	_ =	sdelay $0x2  }
0x3be: {  	_ = 	snop  }
.LBB2_28:
.Ltmp44:
0x3bf: {  	(pc) =	sbr.rel .LBB2_33-.Ltmp44, $2  }
0x3c0: {  	_ =	sdelay $0x2  }
0x3c1: {  	p5 =	por $0x0, $0x0  }
.LBB2_34:
.Ltmp45:
0x3c2: {  	(pc) =	sbr.rel .LBB2_39-.Ltmp45, $2  }
0x3c3: {  	_ =	sdelay $0x2  }
0x3c4: {  	_ = 	snop  }
.LBB2_46:
.Ltmp46:
0x3c5: {  	(pc) =	sbr.rel .LBB2_51-.Ltmp46, $2  }
0x3c6: {  	_ =	sdelay $0x2  }
0x3c7: {  	p5 =	por $0x0, $0x0  }
.LBB2_52:
.Ltmp47:
0x3c8: {  	(pc) =	sbr.rel .LBB2_57-.Ltmp47, $2  }
0x3c9: {  	_ =	sdelay $0x2  }
0x3ca: {  	_ = 	snop  }
.LBB2_64:
.Ltmp48:
0x3cb: {  	(pc) =	sbr.rel .LBB2_69-.Ltmp48, $2  }
0x3cc: {  	_ =	sdelay $0x2  }
0x3cd: {  	p5 =	por $0x0, $0x0  }
.LBB2_12:
.Ltmp49:
0x3ce: {  	(pc) =	sbr.rel .LBB2_15-.Ltmp49, $2  }
0x3cf: {  	_ =	sdelay $0x2  }
0x3d0: {  	v31 =	vmovc v17;
	v30 =	vmov v19;
	v28 =	vmov v26;
	v29 =	vmov v18  }
.LBB2_18:
.Ltmp50:
0x3d1: {  	(pc) =	sbr.rel .LBB2_21-.Ltmp50, $2  }
0x3d2: {  	_ =	sdelay $0x2  }
0x3d3: {  	v32 =	vmovc v17;
	v30 =	vmov v19;
	v28 =	vmov v26;
	v29 =	vmov v18  }
.LBB2_30:
.Ltmp51:
0x3d4: {  	(pc) =	sbr.rel .LBB2_33-.Ltmp51, $2  }
0x3d5: {  	_ =	sdelay $0x2  }
0x3d6: {  	v31 =	vmovc v17;
	v30 =	vmov v19;
	v28 =	vmov v26;
	v29 =	vmov v18  }
.LBB2_36:
.Ltmp52:
0x3d7: {  	(pc) =	sbr.rel .LBB2_39-.Ltmp52, $2  }
0x3d8: {  	_ =	sdelay $0x2  }
0x3d9: {  	v32 =	vmovc v17;
	v30 =	vmov v19;
	v28 =	vmov v26;
	v29 =	vmov v18  }
.LBB2_48:
.Ltmp53:
0x3da: {  	(pc) =	sbr.rel .LBB2_51-.Ltmp53, $2  }
0x3db: {  	_ =	sdelay $0x2  }
0x3dc: {  	v31 =	vmovc v17;
	v30 =	vmov v19;
	v28 =	vmov v26;
	v29 =	vmov v18  }
.LBB2_54:
.Ltmp54:
0x3dd: {  	(pc) =	sbr.rel .LBB2_57-.Ltmp54, $2  }
0x3de: {  	_ =	sdelay $0x2  }
0x3df: {  	v32 =	vmovc v17;
	v30 =	vmov v19;
	v28 =	vmov v26;
	v29 =	vmov v18  }
.LBB2_66:
.Ltmp55:
0x3e0: {  	(pc) =	sbr.rel .LBB2_69-.Ltmp55, $2  }
0x3e1: {  	_ =	sdelay $0x2  }
0x3e2: {  	v31 =	vmovc v17;
	v30 =	vmov v19;
	v28 =	vmov v26;
	v29 =	vmov v18  }
.LBB2_72:
.Ltmp56:
0x3e3: {  	(pc) =	sbr.rel .LBB2_75-.Ltmp56, $2  }
0x3e4: {  	_ =	sdelay $0x2  }
0x3e5: {  	v32 =	vmovc v17;
	v30 =	vmov v19;
	v28 =	vmov v26;
	v29 =	vmov v18  }
.LBB2_78:
0x3e6: {  	_ =	sfence.sel $0x180000  }
0x3e7: {  	[bflag:$0x0] =	sbarrier.arrive $0xFFFF  }
0x3e8: {  	_ =	strace $0x90000047  }
0x3e9: {  	s0 =	stileid.u32;
	[bflag:$0x2] =	sbarrier.arrive $0xFFFF  }
0x3ea: {  	p0 =	sne.s32 s0, $0x0;
	s0 =	rddreg [dreg:$0x3]  }
0x3eb: {  	s0 =	sadd.s32 @!p0 $0x100000, s0  }
0x3ec: {  	[sflag:s0] =	ssyncadd.tile.s32 @!p0 $0x1;
	_ =	shalt  }
.Lfunc_end2:
_tile_overlayer_lowered:
.L_overlay_start_2:
0x3ed: {  	(tag) =	ssettag $0x2  }
0x3ee: {  	s0 =	rddreg [dreg:$0x0];
	s2 =	stileid.u32  }
0x3ef: {  	s1 =	rddreg [dreg:$0x1];
	p0 =	sne.s32 s2, $0x0  }
0x3f0: {  	s3 =	rddreg [dreg:$0x2];
	[bflag:$0x3] =	sbarrier.arrive $0xFFFF;
	s2 =	simm.s32 @!p0 $0x1C09  }
0x3f1: {  	[timem:s3], [sflag:s2] =	dma.local @!p0 [hbm:s0], s1  }
0x3f2: {  	s0 =	simm.s32 @!p0 $0x9  }
0x3f3: {  	_ =	swait.ge @!p0 [sflag:s0], s1  }
0x3f4: {  	s1 =	ssub.s32 @!p0 $0x0, s1;
	[sflag:s0] =	ssyncset.done @!p0 $0x0  }
0x3f5: {  	[sflag:s0] =	ssyncadd.s32 @!p0 s1  }
0x3f6: {  	[bflag:$0x3] =	sbarrier.arrive $0xFFFF  }
0x3f7: {  	_ =	shalt  }

// kernel: kernel.7.cloned.1.call-start
scs
__scs_entry_jumppad:
0x0: {  	(pc) =	sbr.rel $0x88, $3  }
0x1: {  	(tag) =	ssettag $0x0;
	lr =	simm.s32 $0x1  }
0x2: {  	[smem:$0x3F9F] =	sst lr;
	_ =	strace $0xD0000000  }
0x3: {  	_ = 	snop  }
0x4: {  	_ = 	snop  }
0x5: {  	_ = 	snop  }
0x6: {  	_ = 	snop  }
0x7: {  	_ = 	snop  }
__scs_overlays_trampoline_lowered:
0x8: {  	[smem:$0x3FAE] =	sst s0  }
0x9: {  	[smem:$0x3FAF] =	sst s1  }
0xa: {  	[smem:$0x3FB0] =	sst s2  }
0xb: {  	[smem:$0x3FB1] =	sst s3  }
0xc: {  	[smem:$0x3FB2] =	sst s4  }
0xd: {  	[smem:$0x3FB3] =	sst s5  }
0xe: {  	[smem:$0x3FB4] =	sst s6  }
0xf: {  	[smem:$0x3FB5] =	sst s7  }
0x10: {  	[smem:$0x3FB6] =	sst s8  }
0x11: {  	[smem:$0x3FB7] =	sst s9;
	s0 =	simm.s32 @!p0 $0x0  }
0x12: {  	s1 =	sld [smem:$0x3F9D];
	s0 =	simm.s32 @p0 $0x1  }
0x13: {  	[smem:$0x3FB8] =	sst s0;
	s0 =	simm.s32 @!p1 $0x0  }
0x14: {  	s2 =	sld [smem:$0x3F9C];
	s0 =	simm.s32 @p1 $0x1  }
0x15: {  	[smem:$0x3FB9] =	sst s0;
	s0 =	simm.s32 @!p2 $0x0  }
0x16: {  	s3 =	sld [smem:$0x3FDB];
	s0 =	simm.s32 @p2 $0x1  }
0x17: {  	s4 =	simm.s32 $0x1BF5;
	[smem:$0x3FBB] =	sst s0  }
0x18: {  	s0 =	sld [smem:$0x3F9E];
	_ =	swait.ge [sflag:s4], $0x0  }
0x19: {  	s7 =	sld [smem:$0x3F9F]  }
0x1a: {  	s8 =	sadd.s32 $0xFFFFE003, lr  }
0x1b: {  	s9 =	sadd.s32 $0xFFFFFEF7, lr;
	s5 =	simm.s32 $0xFFFFFFFF;
	p2 =	slt.u32 s8, $0xFFFFF086  }
0x1c: {  	p1 =	slt.u32 s9, $0xF7A;
	s5 =	simm.s32 @!p2 $0x0  }
0x1d: {  	s5 =	simm.s32 @p1 $0x1;
	p0 =	seq.s32 s7, s2  }
0x1e: {  	s7 =	smul.u32 @!p0 $0xF7A, s2;
	p2 =	seq.s32 @!p0 s5, $0x0  }
0x1f: {  	s9 =	smul.u32 $0xF7A, s1;
	s8 =	simm.s32 @!p0 $0x1BF5;
	p2 =	por !p2, p0  }
0x20: {  	[sflag:s8] =	ssyncset.s32 @!p0 $0xFFFFF086;
	s6 =	sadd.s32 @!p0 s3, s7;
	s7 =	simm.s32 @!p0 $0x108  }
0x21: {  	s3 =	sadd.s32 s3, s9;
	s6 =	sadd.s32 @!p0 $0x88, s6;
	s7 =	simm.s32 @p2 $0x1082  }
0x22: {  	[simem:s7], [sflag:s8] =	dma.local @!p0 [hbm:s6], $0xF7A  }
0x23: {  	s9 =	sor.u32 $0xD0000000, s2;
	s6 =	simm.s32 $0x108;
	_ =	swait.ge @!p0 [sflag:s8], $0x0  }
0x24: {  	s3 =	sadd.s32 $0x88, s3;
	s6 =	simm.s32 @!p1 $0x1082;
	[sflag:s4] =	ssyncset.s32 $0xFFFFF086  }
0x25: {  	[simem:s6], [sflag:s4] =	dma.local [hbm:s3], $0xF7A  }
0x26: {  	[smem:$0x3F9F] =	sst s1;
	(tag) =	ssettag s2;
	_ =	strace s9  }
0x27: {  	s1 =	sld [smem:$0x3FAF]  }
0x28: {  	s2 =	sld [smem:$0x3FB0]  }
0x29: {  	s4 =	sld [smem:$0x3FB2]  }
0x2a: {  	p0 =	seq.s32 s5, $0x0;
	s5 =	sld [smem:$0x3FB3]  }
0x2b: {  	s6 =	sld [smem:$0x3FB4]  }
0x2c: {  	s7 =	sld [smem:$0x3FB5]  }
0x2d: {  	s3 =	simm.s32 $0x108;
	s8 =	sld [smem:$0x3FB6]  }
0x2e: {  	s3 =	simm.s32 @!p0 $0x1082;
	s9 =	sld [smem:$0x3FB7]  }
0x2f: {  	lr =	sadd.s32 s0, s3;
	s0 =	sld [smem:$0x3FAE]  }
0x30: {  	s3 =	sld [smem:$0x3FB1]  }
0x31: {  	[smem:$0x3FBA] =	sst s10  }
0x32: {  	s10 =	sld [smem:$0x3FB8];
	_ =	sdelay $0x3  }
0x33: {  	p0 =	seq.s32 s10, $0x1;
	s10 =	sld [smem:$0x3FBA];
	_ =	sdelay $0x3  }
0x34: {  	[smem:$0x3FBA] =	sst s10  }
0x35: {  	s10 =	sld [smem:$0x3FB9];
	_ =	sdelay $0x3  }
0x36: {  	p1 =	seq.s32 s10, $0x1;
	s10 =	sld [smem:$0x3FBA];
	_ =	sdelay $0x3  }
0x37: {  	[smem:$0x3FBA] =	sst s10  }
0x38: {  	s10 =	sld [smem:$0x3FBB]  }
0x39: {  	_ = 	snop;
	(pc) =	sbr.ind lr, $3  }
0x3a: {  	_ = 	snop  }
0x3b: {  	_ = 	snop  }
0x3c: {  	p2 =	seq.s32 s10, $0x1;
	s10 =	sld [smem:$0x3FBA]  }
0x3d: {  	_ =	shalt  }
0x3e: {  	_ =	shalt  }
0x3f: {  	_ =	shalt  }
0x40: {  	_ =	shalt  }
0x41: {  	_ =	shalt  }
0x42: {  	_ =	shalt  }
0x43: {  	_ =	shalt  }
0x44: {  	_ =	shalt  }
0x45: {  	_ =	shalt  }
0x46: {  	_ =	shalt  }
0x47: {  	_ =	shalt  }
0x48: {  	_ =	shalt  }
0x49: {  	_ =	shalt  }
0x4a: {  	_ =	shalt  }
0x4b: {  	_ =	shalt  }
0x4c: {  	_ =	shalt  }
0x4d: {  	_ =	shalt  }
0x4e: {  	_ =	shalt  }
0x4f: {  	_ =	shalt  }
0x50: {  	_ =	shalt  }
0x51: {  	_ =	shalt  }
0x52: {  	_ =	shalt  }
0x53: {  	_ =	shalt  }
0x54: {  	_ =	shalt  }
0x55: {  	_ =	shalt  }
0x56: {  	_ =	shalt  }
0x57: {  	_ =	shalt  }
0x58: {  	_ =	shalt  }
0x59: {  	_ =	shalt  }
0x5a: {  	_ =	shalt  }
0x5b: {  	_ =	shalt  }
0x5c: {  	_ =	shalt  }
0x5d: {  	_ =	shalt  }
0x5e: {  	_ =	shalt  }
0x5f: {  	_ =	shalt  }
0x60: {  	_ =	shalt  }
0x61: {  	_ =	shalt  }
0x62: {  	_ =	shalt  }
0x63: {  	_ =	shalt  }
0x64: {  	_ =	shalt  }
0x65: {  	_ =	shalt  }
0x66: {  	_ =	shalt  }
0x67: {  	_ =	shalt  }
0x68: {  	_ =	shalt  }
0x69: {  	_ =	shalt  }
0x6a: {  	_ =	shalt  }
0x6b: {  	_ =	shalt  }
0x6c: {  	_ =	shalt  }
0x6d: {  	_ =	shalt  }
0x6e: {  	_ =	shalt  }
0x6f: {  	_ =	shalt  }
0x70: {  	_ =	shalt  }
0x71: {  	_ =	shalt  }
0x72: {  	_ =	shalt  }
0x73: {  	_ =	shalt  }
0x74: {  	_ =	shalt  }
0x75: {  	_ =	shalt  }
0x76: {  	_ =	shalt  }
0x77: {  	_ =	shalt  }
0x78: {  	_ =	shalt  }
0x79: {  	_ =	shalt  }
0x7a: {  	_ =	shalt  }
0x7b: {  	_ =	shalt  }
0x7c: {  	_ =	shalt  }
0x7d: {  	_ =	shalt  }
0x7e: {  	_ =	shalt  }
0x7f: {  	_ =	shalt  }
0x80: {  	_ =	shalt  }
0x81: {  	_ =	shalt  }
0x82: {  	_ =	shalt  }
0x83: {  	_ =	shalt  }
0x84: {  	_ =	shalt  }
0x85: {  	_ =	shalt  }
0x86: {  	_ =	shalt  }
0x87: {  	_ =	shalt  }
.Lfunc_end0:
.L_simem_size_0:
called_computation.1_lowered:
.L_overlay_start_0:
0x88: {  	s2 =	sld [smem:$0x3FD9]  }
0x89: {  	s3 =	sld [smem:$0x3FFE];
	_ =	sdelay $0x1  }
0x8a: {  	s1 =	srdreg.scid  }
0x8b: {  	s0 =	sand.u32 $0x1, s1  }
0x8c: {  	s17 =	sshll.u32 s0, $0xA;
	s2 =	sadd.s32 s3, s2  }
0x8d: {  	s2 =	sadd.s32 s2, s17  }
0x8e: {  	[smem:$0x3FC6] =	sst s2  }
0x8f: {  	_ = 	snop  }
0x90: {  	s2 =	sld [smem:$0x3FC9]  }
0x91: {  	s18 =	sld [smem:$0x3FD0];
	(tm) =	ssettm $0x1  }
0x92: {  	s4 =	sld [smem:$0x3FFB];
	_ =	sdelay $0x3  }
0x93: {  	_ =	strace s4  }
0x94: {  	s4 =	sld [smem:$0x3FFC];
	_ =	sdelay $0x3  }
0x95: {  	_ =	strace s4  }
0x96: {  	s4 =	sld [smem:$0x3FFD];
	_ =	sdelay $0x3  }
0x97: {  	_ =	strace s4  }
0x98: {  	_ =	strace $0x8FFFFFFF  }
0x99: {  	s19 =	sld [smem:$0x3FDB];
	_ =	sdelay $0x1  }
0x9a: {  	s5 =	simm.s32 $_scs_section_size  }
0x9b: {  	s6 =	simm.s32 $_size__tile_overlayer_lowered;
	s7 =	simm.s32 $_tile_overlayer_lowered  }
0x9c: {  	s22 =	simm.s32 $0x1BFF;
	s21 =	sshll.u32 s7, $0x1;
	s4 =	sadd.s32 s5, s19  }
0x9d: {  	s8 =	simm.s32 $0x0;
	s20 =	sshll.u32 s6, $0x1;
	s6 =	sadd.s32 s21, s4  }
0x9e: {  	[timem:s8], [sflag:s22] =	dma.local [hbm:s6], s20  }
0x9f: {  	_ =	swait.ge [sflag:s22], s20  }
0xa0: {  	s5 =	ssub.s32 $0x0, s20;
	[sflag:s22] =	ssyncset.done $0x0  }
0xa1: {  	[sflag:s22] =	ssyncadd.s32 s5;
	_ =	sdelay $0x1  }
0xa2: {  	s23 =	simm.s32 $0x1B8B  }
0xa3: {  	_ =	swait.ge [sflag:s23], $0x1  }
0xa4: {  	[sflag:s23] =	ssyncset.done $0x0  }
0xa5: {  	s25 =	simm.s32 $0x1B8E;
	s24 =	sld [smem:$0x3FFE];
	[sflag:s23] =	ssyncadd.s32 $0xFFFFFFFF  }
0xa6: {  	s26 =	simm.s32 $execute0_lowered;
	[smem:$0x3FD2] =	sst s25  }
0xa7: {  	s6 =	sshll.u32 s26, $0x1;
	_ =	strace $0x80000049;
	[dreg:$0x1] =	wrdreg $0xFFFFFFFF  }
0xa8: {  	s28 =	simm.s32 $_size_execute0_lowered;
	s4 =	sadd.s32 s4, s6;
	[dreg:$0x0] =	wrdreg $0x0  }
0xa9: {  	s6 =	sshll.u32 s28, $0x1;
	[dreg:$0x2] =	wrdreg s4  }
0xaa: {  	[dreg:$0x3] =	wrdreg s6  }
0xab: {  	[dreg:$0x4] =	wrdreg $0xC0  }
0xac: {  	_ =	task [dreg:s8], $0x5FFFF  }
0xad: {  	[dreg:$0x1] =	wrdreg $0xFFFFFFFF  }
0xae: {  	[dreg:$0x0] =	wrdreg $0x60  }
0xaf: {  	[dreg:$0x2] =	wrdreg s2  }
0xb0: {  	[dreg:$0x3] =	wrdreg s24  }
0xb1: {  	[dreg:$0x4] =	wrdreg s18  }
0xb2: {  	[dreg:$0x5] =	wrdreg $0x9  }
0xb3: {  	_ =	task.clear_ibuf [dreg:s8], $0x6FFFF;
	_ =	strace $0x90000049  }
0xb4: {  	s29 =	simm.s32 $0x9;
	_ =	strace $0x8000004B  }
0xb5: {  	_ =	swait.ge [sflag:s29], $0x1  }
0xb6: {  	[sflag:s29] =	ssyncadd.s32 $0xFFFFFFFF  }
0xb7: {  	_ =	strace $0x9000004B  }
0xb8: {  	_ =	sfence  }
0xb9: {  	s30 =	sld [smem:$0x0];
	_ =	sdelay $0x2  }
0xba: {  	s31 =	sshll.u32 s1, $0xD;
	s1 =	sshrl.u32 s1, $0x2  }
0xbb: {  	s3 =	sand.u32 $0x4000, s31;
	s1 =	sadd.s32 s1, s30  }
0xbc: {  	s0 =	sor.u32 s3, s0;
	s1 =	sshll.u32 s1, $0x11  }
0xbd: {  	s0 =	sor.u32 s1, s0  }
0xbe: {  	s0 =	sadd.s32 $0x8F2B, s0  }
0xbf: {  	[sflag:s0] =	ssyncadd.remote.s32 $0x1  }
0xc0: {  	_ =	sfence.sel $0xFFFF  }
0xc1: {  	[dreg:$0x0] =	wrdreg $0xFFFFFFFF;
	(pc) =	sbr.abs _section_cstart, $3  }
0xc2: {  	[dreg:$0x1] =	wrdreg $0xFFFFFFFF  }
0xc3: {  	_ =	task.clear_ibuf [dreg:s8], $0x2FFFF;
	_ =	strace $0x9FFFFFFF  }
0xc4: {  	(tm) =	ssettm $0x7FFFFFFF  }
0xc5: {  	_ =	shalt  }
tec
execute0_lowered:
.L_overlay_start_1:
0x0: {  	(tag) =	ssettag $0x1  }
0x1: {  	s1 =	rddreg [dreg:$0x0]  }
0x2: {  	s0 =	rddreg [dreg:$0x1]  }
0x3: {  	s3 =	rddreg [dreg:$0x2]  }
0x4: {  	s2 =	srdreg.scid;
	s4 =	stileid.u32  }
0x5: {  	s6 =	simm.s32 $0x0;
	s11 =	simm.s32 $0x9;
	s12 =	simm.s32 $0x80  }
0x6: {  	s14 =	simm.s32 $0x400;
	s16 =	simm.s32 $0x4400;
	s19 =	simm.s32 $0x8400  }
0x7: {  	s20 =	simm.s32 $0x1;
	s21 =	simm.s32 $0x10400;
	s22 =	simm.s32 $0x8000  }
0x8: {  	s24 =	simm.s32 $0x380;
	s28 =	simm.s32 $0x12400;
	s29 =	simm.s32 $0x3  }
0x9: {  	s30 =	simm.s32 $0x14400;
	s31 =	simm.s32 $0x4;
	s2 =	sand.u32 $0x1, s2  }
0xa: {  	s7 =	simm.s32 $0x0;
	s4 =	sshll.u32 s4, $0xB;
	s5 =	sshll.u32 s2, $0xA  }
0xb: {  	[smem:$0x7FF] =	sst s6;
	s2 =	ssub.s32 $0x2, s2;
	s5 =	sor.u32 s5, s4  }
0xc: {  	s6 =	sadd.s32 $0x800, s0;
	s25 =	sshrl.u32 s2, $0x1;
	s4 =	sshrl.u32 s5, $0x3  }
0xd: {  	s9 =	sadd.s32 $0x8000, s3;
	s0 =	ssub.s32 s2, s25;
	s4 =	sadd.s32 s1, s4  }
0xe: {  	_ =	strace $0x8000004A;
	s0 =	smax.u32 s0, $0x1;
	[dreg:$0x4] =	wrdreg s4  }
0xf: {  	s25 =	simm.s32 $0xC400;
	s26 =	sadd.s32 $0x10, s4;
	[dreg:$0x6] =	wrdreg s0  }
0x10: {  	v0 =	vlaneseq.u32;
	s0 =	simm.s32 $0x16400;
	[dreg:$0x5] =	wrdreg s26;
	s26 =	simm.s32 $0x2  }
.LBB2_1:
0x11: {  	[dreg:$0x7] =	wrdreg s7  }
0x12: {  	s2 =	simm.s32 $0x0;
	s4 =	rddreg [dreg:$0x4]  }
0x13: {  	[tilespmem:s2], [sflag:$0x9] =	stream.linear.gather [hbm4b:s4+s2], $0x80, $0x38;
	[tilespmem:$0x18400] =	vst v63  }
0x14: {  	_ =	swait.ge [sflag:s11], $0x80  }
0x15: {  	[sflag:s11] =	ssyncset.done $0x0  }
0x16: {  	[sflag:s11] =	ssyncadd.s32 $0xFFFFFF80  }
0x17: {  	v1 =	vld [tilespmem:$0x0]  }
0x18: {  	v2 =	vld [tilespmem:$0x10]  }
0x19: {  	v3 =	vld [tilespmem:$0x20]  }
0x1a: {  	v4 =	vld [tilespmem:$0x30]  }
0x1b: {  	v5 =	vld [tilespmem:$0x40]  }
0x1c: {  	v6 =	vld [tilespmem:$0x50];
	v1 =	vshrl.u32 v1, $0x1  }
0x1d: {  	[tilespmem:$0x200] =	vst v1;
	v1 =	vshrl.u32 v2, $0x1;
	v2 =	vld [tilespmem:$0x60]  }
0x1e: {  	[tilespmem:$0x210] =	vst v1;
	v1 =	vshrl.u32 v3, $0x1;
	v3 =	vld [tilespmem:$0x70]  }
0x1f: {  	[tilespmem:$0x220] =	vst v1;
	v1 =	vshrl.u32 v4, $0x1  }
0x20: {  	[tilespmem:$0x230] =	vst v1;
	v1 =	vshrl.u32 v5, $0x1  }
0x21: {  	[tilespmem:$0x240] =	vst v1;
	v1 =	vshrl.u32 v6, $0x1  }
0x22: {  	[tilespmem:$0x250] =	vst v1;
	v1 =	vshrl.u32 v2, $0x1  }
0x23: {  	[tilespmem:$0x260] =	vst v1;
	v1 =	vshrl.u32 v3, $0x1  }
0x24: {  	s17 =	simm.s32 $0x200;
	[tilespmem:$0x270] =	vst v1  }
0x25: {  	[tilespmem:s14], [sflag:$0x1] =	stream.indirect.gather [hbm4b:s6+s12], $0x80, s17, s12, $0xb8;
	[tilespmem:$0x18400] =	vst v63  }
0x26: {  	s18 =	rddreg [dreg:$0x5]  }
0x27: {  	[tilespmem:s12], [sflag:$0x9] =	stream.linear.gather [hbm4b:s18+s2], $0x80, $0x38;
	[tilespmem:$0x18400] =	vst v63  }
0x28: {  	_ =	swait.ge [sflag:s11], $0x80  }
0x29: {  	[sflag:s11] =	ssyncset.done $0x0  }
0x2a: {  	[sflag:s11] =	ssyncadd.s32 $0xFFFFFF80  }
0x2b: {  	v1 =	vld [tilespmem:$0x80]  }
0x2c: {  	v2 =	vld [tilespmem:$0x90]  }
0x2d: {  	v3 =	vld [tilespmem:$0xA0]  }
0x2e: {  	v61 =	vld [tilespmem:$0xB0]  }
0x2f: {  	v62 =	vld [tilespmem:$0xC0]  }
0x30: {  	v63 =	vld [tilespmem:$0xD0];
	v1 =	vshrl.u32 v1, $0x1  }
0x31: {  	[tilespmem:$0x280] =	vst v1;
	v1 =	vshrl.u32 v2, $0x1;
	v2 =	vld [tilespmem:$0xE0]  }
0x32: {  	[tilespmem:$0x290] =	vst v1;
	v1 =	vshrl.u32 v3, $0x1;
	v3 =	vld [tilespmem:$0xF0]  }
0x33: {  	[tilespmem:$0x2A0] =	vst v1;
	v1 =	vshrl.u32 v61, $0x1  }
0x34: {  	[tilespmem:$0x2B0] =	vst v1;
	v1 =	vshrl.u32 v62, $0x1  }
0x35: {  	[tilespmem:$0x2C0] =	vst v1;
	v1 =	vshrl.u32 v63, $0x1  }
0x36: {  	[tilespmem:$0x2D0] =	vst v1;
	v1 =	vshrl.u32 v2, $0x1  }
0x37: {  	[tilespmem:$0x2E0] =	vst v1;
	v1 =	vshrl.u32 v3, $0x1  }
0x38: {  	s23 =	simm.s32 $0x280;
	s10 =	simm.s32 $0x0;
	[tilespmem:$0x2F0] =	vst v1  }
0x39: {  	[tilespmem:s16], [sflag:$0x2] =	stream.indirect.gather [hbm4b:s6+s12], $0x80, s23, s12, $0xb8;
	[tilespmem:$0x18400] =	vst v63  }
.LBB2_2:
0x3a: {  	s7 =	sshll.u32 s10, $0x2  }
0x3b: {  	s13 =	sor.u32 $0x2, s7  }
0x3c: {  	s2 =	sshll.u32 s13, $0x7  }
0x3d: {  	p0 =	seq.s32 s10, $0x0;
	s4 =	sshll.u32 s10, $0xE;
	s2 =	sand.u32 $0x300, s2  }
0x3e: {  	s8 =	simm.s32 @!p0 $0x7;
	s15 =	sand.u32 $0xF8000, s4;
	s2 =	sor.u32 s2, s5  }
0x3f: {  	_ =	swait.ge @!p0 [sflag:s8], $0x2000;
	s2 =	sor.u32 s15, s2  }
0x40: {  	s18 =	simm.s32 $0x0;
	[sflag:s8] =	ssyncset.done @!p0 $0x0;
	s2 =	sshrl.u32 s2, $0x3  }
0x41: {  	s23 =	simm.s32 $0x100;
	[sflag:s8] =	ssyncadd.s32 @!p0 $0xFFFFE000;
	s2 =	sadd.s32 s1, s2  }
0x42: {  	[tilespmem:s23], [sflag:$0x9] =	stream.linear.gather [hbm4b:s2+s18], $0x80, $0x38;
	[tilespmem:$0x18400] =	vst v63  }
0x43: {  	_ =	swait.ge [sflag:s11], $0x80  }
0x44: {  	[sflag:s11] =	ssyncset.done $0x0  }
0x45: {  	[sflag:s11] =	ssyncadd.s32 $0xFFFFFF80  }
0x46: {  	v1 =	vld [tilespmem:$0x100]  }
0x47: {  	v2 =	vld [tilespmem:$0x110]  }
0x48: {  	v3 =	vld [tilespmem:$0x120]  }
0x49: {  	v4 =	vld [tilespmem:$0x130]  }
0x4a: {  	v5 =	vld [tilespmem:$0x140]  }
0x4b: {  	v6 =	vld [tilespmem:$0x150];
	v1 =	vshrl.u32 v1, $0x1  }
0x4c: {  	[tilespmem:$0x300] =	vst v1;
	v1 =	vshrl.u32 v2, $0x1;
	v2 =	vld [tilespmem:$0x160]  }
0x4d: {  	[tilespmem:$0x310] =	vst v1;
	v1 =	vshrl.u32 v3, $0x1;
	v3 =	vld [tilespmem:$0x170]  }
0x4e: {  	[tilespmem:$0x320] =	vst v1;
	v1 =	vshrl.u32 v4, $0x1  }
0x4f: {  	[tilespmem:$0x330] =	vst v1;
	v1 =	vshrl.u32 v5, $0x1  }
0x50: {  	[tilespmem:$0x340] =	vst v1;
	v1 =	vshrl.u32 v6, $0x1  }
0x51: {  	[tilespmem:$0x350] =	vst v1;
	v1 =	vshrl.u32 v2, $0x1  }
0x52: {  	[tilespmem:$0x360] =	vst v1;
	v1 =	vshrl.u32 v3, $0x1  }
0x53: {  	s17 =	simm.s32 $0x300;
	[tilespmem:$0x370] =	vst v1  }
0x54: {  	[tilespmem:s19], [sflag:$0x3] =	stream.indirect.gather [hbm4b:s6+s12], $0x80, s17, s12, $0xb8;
	[tilespmem:$0x18400] =	vst v63  }
0x55: {  	_ =	swait.ge [sflag:s20], $0x4000  }
0x56: {  	[sflag:s20] =	ssyncset.done $0x0  }
0x57: {  	s18 =	sand.u32 $0x70, s18;
	[sflag:s20] =	ssyncadd.s32 $0xFFFFC000  }
0x58: {  	v1 =	vld [tilespmem:s18+$0x0];
	_ =	sdelay $0x1  }
0x59: {  	s23 =	simm.s32 $0x0  }
0x5a: {  	s8 =	sand.u32 $0xC, s23  }
0x5b: {  	s17 =	sor.u32 $0x3, s8  }
0x5c: {  	v5 =	vor.u32 s18, v0;
	v2 =	vadd.s32 s17, v0;
	v1 =	vshll.u32 v1, $0x6  }
0x5d: {  	v3 =	vshll.u32 v5, $0x7;
	v2 =	vand.u32 $0xF, v2;
	s18 =	sand.u32 $0x30, s23;
	v1 =	vand.u32 $0x40, v1  }
0x5e: {  	s2 =	simm.s32 $0x4;
	v4 =	vadd.s32 s8, v0;
	s17 =	simm.s32 $0x1;
	s23 =	sor.u32 $0x1, s8;
	v6 =	vor.u32 s18, v2;
	v1 =	vor.u32 v3, v1  }
0x5f: {  	v4 =	vand.u32 $0xF, v4;
	s4 =	sand.u32 $0x70, s17;
	s17 =	sand.u32 $0xC, s2;
	s8 =	sor.u32 $0x2, s8;
	v2 =	vadd.s32 s23, v0;
	v7 =	vor.u32 v6, v1  }
0x60: {  	v14 =	vadd.s32 s17, v0;
	v2 =	vand.u32 $0xF, v2;
	v3 =	vadd.s32 s8, v0  }
0x61: {  	v8 =	vld [tilespmem:s4+$0x0];
	v4 =	vor.u32 s18, v4;
	v2 =	vor.u32 s18, v2;
	v3 =	vand.u32 $0xF, v3  }
0x62: {  	v9 =	vor.u32 v4, v1;
	v11 =	vor.u32 v2, v1;
	v3 =	vor.u32 s18, v3  }
0x63: {  	v2 =	vshll.u32 v2, $0x7;
	v6 =	vshll.u32 v6, $0x7;
	v13 =	vor.u32 v3, v1  }
0x64: {  	v1 =	vshll.u32 v4, $0x7;
	v4 =	vshll.u32 v3, $0x7;
	v3 =	vor.u32 v5, v2;
	v12 =	vld.idx.msk [tilespmem:v7+s14+$0x0], $0xffff  }
0x65: {  	s18 =	sor.u32 $0x3, s17;
	v1 =	vor.u32 v5, v1;
	v2 =	vor.u32 v5, v4;
	v4 =	vor.u32 s4, v0  }
0x66: {  	v5 =	vor.u32 v5, v6;
	v7 =	vshll.u32 v8, $0x6;
	v8 =	vadd.s32 s18, v0  }
0x67: {  	s23 =	sor.u32 $0x1, s17;
	s8 =	sand.u32 $0x30, s2;
	v10 =	vshll.u32 v4, $0x7;
	v6 =	vand.u32 $0x40, v7;
	v8 =	vand.u32 $0xF, v8;
	v7 =	vld.idx.msk [tilespmem:v9+s14+$0x0], $0xffff  }
0x68: {  	v15 =	vadd.s32 s23, v0;
	s17 =	sor.u32 $0x2, s17;
	v10 =	vor.u32 v10, v6;
	v6 =	vor.u32 s8, v8;
	v8 =	vld.idx.msk [tilespmem:v11+s14+$0x0], $0xffff  }
0x69: {  	v16 =	vadd.s32 s17, v0;
	v9 =	vld.idx.msk [tilespmem:v13+s14+$0x0], $0xffff;
	v11 =	vor.u32 v6, v10;
	v12 =	vmul.f32 $8.000000000e+00, v12  }
0x6a: {  	v14 =	vand.u32 $0xF, v14;
	v15 =	vand.u32 $0xF, v15;
	s4 =	simm.s32 $0x2;
	v13 =	vand.u32 $0xF, v16  }
.LBB2_3:
0x6b: {  	s17 =	sand.u32 $0x70, s4;
	v14 =	vor.u32 s8, v14;
	v15 =	vor.u32 s8, v15;
	v13 =	vor.u32 s8, v13;
	[tilespmem:v5+s21+$0x0] =	vst.idx.msk $0xffff, v12  }
0x6c: {  	v5 =	vld [tilespmem:s17+$0x0];
	v12 =	vor.u32 v14, v10;
	v16 =	vor.u32 v15, v10;
	v17 =	vor.u32 v13, v10  }
0x6d: {  	v7 =	vmul.f32 $8.000000000e+00, v7;
	v10 =	vshll.u32 v15, $0x7;
	v8 =	vmul.f32 $8.000000000e+00, v8  }
0x6e: {  	s2 =	sadd.s32 $0x4, s2;
	v14 =	vshll.u32 v14, $0x7;
	v13 =	vshll.u32 v13, $0x7;
	v9 =	vmul.f32 $8.000000000e+00, v9;
	v15 =	vld.idx.msk [tilespmem:v11+s14+$0x0], $0xffff  }
0x6f: {  	s8 =	sand.u32 $0xC, s2;
	p1 =	slt.u32 s2, $0x1FC;
	v10 =	vor.u32 v4, v10;
	v13 =	vor.u32 v4, v13;
	v11 =	vor.u32 v4, v14  }
0x70: {  	v6 =	vshll.u32 v6, $0x7;
	v18 =	vadd.s32 s8, v0;
	s18 =	sor.u32 $0x2, s8;
	v14 =	vor.u32 s17, v0;
	s17 =	sor.u32 $0x1, s8;
	s8 =	sor.u32 $0x3, s8;
	[tilespmem:v1+s21+$0x0] =	vst.idx.msk $0xffff, v7;
	v1 =	vmovc v11  }
.Ltmp0:
0x71: {  	v19 =	vadd.s32 s8, v0;
	v11 =	vshll.u32 v5, $0x6;
	v7 =	vld.idx.msk [tilespmem:v12+s14+$0x0], $0xffff;
	v5 =	vor.u32 v4, v6;
	[tilespmem:v3+s21+$0x0] =	vst.idx.msk $0xffff, v8;
	(pc) =	sbr.rel @p1 .LBB2_3-.Ltmp0, $4  }
0x72: {  	s8 =	sand.u32 $0x30, s2;
	v6 =	vshll.u32 v14, $0x7;
	v3 =	vmovc v10;
	v12 =	vand.u32 $0x40, v11;
	v11 =	vand.u32 $0xF, v19;
	v8 =	vld.idx.msk [tilespmem:v16+s14+$0x0], $0xffff;
	[tilespmem:v2+s21+$0x0] =	vst.idx.msk $0xffff, v9  }
0x73: {  	v4 =	vmovc v14;
	v16 =	vadd.s32 s17, v0;
	v2 =	vmovc v13;
	v10 =	vor.u32 v6, v12;
	v6 =	vor.u32 s8, v11;
	v9 =	vld.idx.msk [tilespmem:v17+s14+$0x0], $0xffff  }
0x74: {  	v13 =	vadd.s32 s18, v0;
	v12 =	vmul.f32 $8.000000000e+00, v15;
	v11 =	vor.u32 v6, v10  }
0x75: {  	s4 =	sadd.s32 $0x1, s4;
	v14 =	vand.u32 $0xF, v18;
	v15 =	vand.u32 $0xF, v16;
	v13 =	vand.u32 $0xF, v13  }
0x76: {  	v14 =	vor.u32 s8, v14  }
0x77: {  	v15 =	vor.u32 s8, v15;
	v16 =	vor.u32 v14, v10  }
0x78: {  	v13 =	vor.u32 s8, v13;
	v17 =	vor.u32 v15, v10  }
0x79: {  	v10 =	vor.u32 v13, v10;
	_ =	sdelay $0x1  }
0x7a: {  	v11 =	vld.idx.msk [tilespmem:v11+s14+$0x0], $0xffff  }
0x7b: {  	v6 =	vshll.u32 v6, $0x7;
	v16 =	vld.idx.msk [tilespmem:v16+s14+$0x0], $0xffff  }
0x7c: {  	v7 =	vmul.f32 $8.000000000e+00, v7;
	v14 =	vshll.u32 v14, $0x7;
	v6 =	vor.u32 v4, v6;
	v17 =	vld.idx.msk [tilespmem:v17+s14+$0x0], $0xffff  }
0x7d: {  	[tilespmem:v5+s21+$0x0] =	vst.idx.msk $0xffff, v12;
	v5 =	vshll.u32 v15, $0x7;
	v8 =	vmul.f32 $8.000000000e+00, v8;
	v12 =	vor.u32 v4, v14;
	v10 =	vld.idx.msk [tilespmem:v10+s14+$0x0], $0xffff  }
0x7e: {  	v13 =	vshll.u32 v13, $0x7;
	v9 =	vmul.f32 $8.000000000e+00, v9;
	v5 =	vor.u32 v4, v5;
	[tilespmem:v1+s21+$0x0] =	vst.idx.msk $0xffff, v7  }
0x7f: {  	v1 =	vor.u32 v4, v13;
	[tilespmem:v3+s21+$0x0] =	vst.idx.msk $0xffff, v8;
	v3 =	vmul.f32 $8.000000000e+00, v11  }
0x80: {  	[tilespmem:v2+s21+$0x0] =	vst.idx.msk $0xffff, v9;
	v2 =	vmul.f32 $8.000000000e+00, v16  }
0x81: {  	s2 =	sshll.u32 s10, $0x14;
	[tilespmem:v6+s21+$0x0] =	vst.idx.msk $0xffff, v3;
	v3 =	vmul.f32 $8.000000000e+00, v17  }
0x82: {  	s2 =	sor.u32 s5, s2;
	v4 =	vmul.f32 $8.000000000e+00, v10;
	[tilespmem:v12+s21+$0x0] =	vst.idx.msk $0xffff, v2  }
0x83: {  	s4 =	sshrl.u32 s2, $0x3;
	[tilespmem:v5+s21+$0x0] =	vst.idx.msk $0xffff, v3  }
0x84: {  	s2 =	sadd.s32 s3, s4;
	[tilespmem:v1+s21+$0x0] =	vst.idx.msk $0xffff, v4  }
0x85: {  	[hbm4b:s2+s14] =	stream.strided.scatter [tilespmem:s21], [sflag:$0x5], $0x2000, s22, s14, $0x38;
	[tilespmem:$0x18400] =	vst v63  }
0x86: {  	s2 =	sor.u32 $0x3, s7  }
0x87: {  	s17 =	sshll.u32 s2, $0x7  }
0x88: {  	s8 =	sand.u32 $0x380, s17  }
0x89: {  	s17 =	simm.s32 @!p0 $0x8;
	s8 =	sor.u32 s8, s5  }
0x8a: {  	_ =	swait.ge @!p0 [sflag:s17], $0x2000;
	s8 =	sor.u32 s15, s8  }
0x8b: {  	s18 =	simm.s32 $0x0;
	[sflag:s17] =	ssyncset.done @!p0 $0x0;
	s8 =	sshrl.u32 s8, $0x3  }
0x8c: {  	s23 =	simm.s32 $0x180;
	[sflag:s17] =	ssyncadd.s32 @!p0 $0xFFFFE000;
	s8 =	sadd.s32 s1, s8  }
0x8d: {  	[tilespmem:s23], [sflag:$0x9] =	stream.linear.gather [hbm4b:s8+s18], $0x80, $0x38;
	[tilespmem:$0x18400] =	vst v63  }
0x8e: {  	_ =	swait.ge [sflag:s11], $0x80  }
0x8f: {  	[sflag:s11] =	ssyncset.done $0x0  }
0x90: {  	[sflag:s11] =	ssyncadd.s32 $0xFFFFFF80  }
0x91: {  	v1 =	vld [tilespmem:$0x180]  }
0x92: {  	v2 =	vld [tilespmem:$0x190]  }
0x93: {  	v3 =	vld [tilespmem:$0x1A0]  }
0x94: {  	v4 =	vld [tilespmem:$0x1B0]  }
0x95: {  	v5 =	vld [tilespmem:$0x1C0]  }
0x96: {  	v6 =	vld [tilespmem:$0x1D0];
	v1 =	vshrl.u32 v1, $0x1  }
0x97: {  	[tilespmem:$0x380] =	vst v1;
	v1 =	vshrl.u32 v2, $0x1;
	v2 =	vld [tilespmem:$0x1E0]  }
0x98: {  	[tilespmem:$0x390] =	vst v1;
	v1 =	vshrl.u32 v3, $0x1;
	v3 =	vld [tilespmem:$0x1F0]  }
0x99: {  	[tilespmem:$0x3A0] =	vst v1;
	v1 =	vshrl.u32 v4, $0x1  }
0x9a: {  	[tilespmem:$0x3B0] =	vst v1;
	v1 =	vshrl.u32 v5, $0x1  }
0x9b: {  	[tilespmem:$0x3C0] =	vst v1;
	v1 =	vshrl.u32 v6, $0x1  }
0x9c: {  	[tilespmem:$0x3D0] =	vst v1;
	v1 =	vshrl.u32 v2, $0x1  }
0x9d: {  	[tilespmem:$0x3E0] =	vst v1;
	v1 =	vshrl.u32 v3, $0x1  }
0x9e: {  	[tilespmem:$0x3F0] =	vst v1  }
0x9f: {  	[tilespmem:s25], [sflag:$0x4] =	stream.indirect.gather [hbm4b:s6+s12], $0x80, s24, s12, $0xb8;
	[tilespmem:$0x18400] =	vst v63  }
0xa0: {  	_ =	swait.ge [sflag:s26], $0x4000  }
0xa1: {  	[sflag:s26] =	ssyncset.done $0x0  }
0xa2: {  	s15 =	sand.u32 $0x70, s18;
	[sflag:s26] =	ssyncadd.s32 $0xFFFFC000  }
0xa3: {  	v1 =	vld [tilespmem:s15+$0x80];
	_ =	sdelay $0x1  }
0xa4: {  	s23 =	simm.s32 $0x0  }
0xa5: {  	s17 =	sand.u32 $0xC, s23  }
0xa6: {  	s18 =	sor.u32 $0x3, s17  }
0xa7: {  	v5 =	vor.u32 s15, v0;
	v2 =	vadd.s32 s18, v0;
	v1 =	vshll.u32 v1, $0x6  }
0xa8: {  	s8 =	sand.u32 $0x30, s23;
	v3 =	vshll.u32 v5, $0x7;
	v2 =	vand.u32 $0xF, v2;
	v1 =	vand.u32 $0x40, v1  }
0xa9: {  	s23 =	sor.u32 $0x1, s17;
	v4 =	vadd.s32 s17, v0;
	v6 =	vor.u32 s8, v2;
	v1 =	vor.u32 v3, v1  }
0xaa: {  	s17 =	sor.u32 $0x2, s17;
	v4 =	vand.u32 $0xF, v4;
	s18 =	simm.s32 $0x1;
	v2 =	vadd.s32 s23, v0;
	v7 =	vor.u32 v6, v1  }
0xab: {  	v4 =	vor.u32 s8, v4;
	s23 =	sand.u32 $0x70, s18;
	v2 =	vand.u32 $0xF, v2;
	v3 =	vadd.s32 s17, v0  }
0xac: {  	v2 =	vor.u32 s8, v2;
	v8 =	vld [tilespmem:s23+$0x80];
	v3 =	vand.u32 $0xF, v3;
	v9 =	vor.u32 v4, v1  }
0xad: {  	s15 =	simm.s32 $0x4;
	v11 =	vor.u32 v2, v1;
	v2 =	vshll.u32 v2, $0x7;
	v3 =	vor.u32 s8, v3  }
0xae: {  	v6 =	vshll.u32 v6, $0x7;
	s8 =	sand.u32 $0xC, s15;
	v13 =	vor.u32 v3, v1;
	v1 =	vshll.u32 v4, $0x7  }
0xaf: {  	v4 =	vshll.u32 v3, $0x7;
	v3 =	vor.u32 v5, v2;
	v14 =	vadd.s32 s8, v0;
	v12 =	vld.idx.msk [tilespmem:v7+s16+$0x0], $0xffff  }
0xb0: {  	s18 =	sor.u32 $0x3, s8;
	v1 =	vor.u32 v5, v1;
	v2 =	vor.u32 v5, v4;
	v4 =	vor.u32 s23, v0  }
0xb1: {  	v5 =	vor.u32 v5, v6;
	v7 =	vshll.u32 v8, $0x6;
	v8 =	vadd.s32 s18, v0  }
0xb2: {  	s17 =	sand.u32 $0x30, s15;
	s23 =	sor.u32 $0x1, s8;
	v10 =	vshll.u32 v4, $0x7;
	v6 =	vand.u32 $0x40, v7;
	v8 =	vand.u32 $0xF, v8;
	v7 =	vld.idx.msk [tilespmem:v9+s16+$0x0], $0xffff  }
0xb3: {  	s8 =	sor.u32 $0x2, s8;
	v15 =	vadd.s32 s23, v0;
	v10 =	vor.u32 v10, v6;
	v6 =	vor.u32 s17, v8;
	v8 =	vld.idx.msk [tilespmem:v11+s16+$0x0], $0xffff  }
0xb4: {  	v16 =	vadd.s32 s8, v0;
	v9 =	vld.idx.msk [tilespmem:v13+s16+$0x0], $0xffff;
	v11 =	vor.u32 v6, v10;
	v12 =	vmul.f32 $8.000000000e+00, v12  }
0xb5: {  	v14 =	vand.u32 $0xF, v14;
	s8 =	simm.s32 $0x2;
	v15 =	vand.u32 $0xF, v15;
	v13 =	vand.u32 $0xF, v16  }
.LBB2_5:
0xb6: {  	s18 =	sand.u32 $0x70, s8;
	v14 =	vor.u32 s17, v14;
	v15 =	vor.u32 s17, v15;
	v13 =	vor.u32 s17, v13;
	[tilespmem:v5+s28+$0x0] =	vst.idx.msk $0xffff, v12  }
0xb7: {  	v5 =	vld [tilespmem:s18+$0x80];
	v12 =	vor.u32 v14, v10;
	v16 =	vor.u32 v15, v10;
	v17 =	vor.u32 v13, v10  }
0xb8: {  	v7 =	vmul.f32 $8.000000000e+00, v7;
	v10 =	vshll.u32 v15, $0x7;
	v8 =	vmul.f32 $8.000000000e+00, v8  }
0xb9: {  	s15 =	sadd.s32 $0x4, s15;
	v14 =	vshll.u32 v14, $0x7;
	v13 =	vshll.u32 v13, $0x7;
	v9 =	vmul.f32 $8.000000000e+00, v9;
	v15 =	vld.idx.msk [tilespmem:v11+s16+$0x0], $0xffff  }
0xba: {  	s17 =	sand.u32 $0xC, s15;
	p0 =	slt.u32 s15, $0x1FC;
	v10 =	vor.u32 v4, v10;
	v13 =	vor.u32 v4, v13;
	v11 =	vor.u32 v4, v14  }
0xbb: {  	v6 =	vshll.u32 v6, $0x7;
	v18 =	vadd.s32 s17, v0;
	s23 =	sor.u32 $0x2, s17;
	v14 =	vor.u32 s18, v0;
	s18 =	sor.u32 $0x1, s17;
	s17 =	sor.u32 $0x3, s17;
	[tilespmem:v1+s28+$0x0] =	vst.idx.msk $0xffff, v7;
	v1 =	vmovc v11  }
.Ltmp1:
0xbc: {  	v19 =	vadd.s32 s17, v0;
	v11 =	vshll.u32 v5, $0x6;
	v7 =	vld.idx.msk [tilespmem:v12+s16+$0x0], $0xffff;
	v5 =	vor.u32 v4, v6;
	[tilespmem:v3+s28+$0x0] =	vst.idx.msk $0xffff, v8;
	(pc) =	sbr.rel @p0 .LBB2_5-.Ltmp1, $4  }
0xbd: {  	s17 =	sand.u32 $0x30, s15;
	v6 =	vshll.u32 v14, $0x7;
	v3 =	vmovc v10;
	v12 =	vand.u32 $0x40, v11;
	v11 =	vand.u32 $0xF, v19;
	v8 =	vld.idx.msk [tilespmem:v16+s16+$0x0], $0xffff;
	[tilespmem:v2+s28+$0x0] =	vst.idx.msk $0xffff, v9  }
0xbe: {  	v4 =	vmovc v14;
	v16 =	vadd.s32 s18, v0;
	v2 =	vmovc v13;
	v10 =	vor.u32 v6, v12;
	v6 =	vor.u32 s17, v11;
	v9 =	vld.idx.msk [tilespmem:v17+s16+$0x0], $0xffff  }
0xbf: {  	v13 =	vadd.s32 s23, v0;
	v12 =	vmul.f32 $8.000000000e+00, v15;
	v11 =	vor.u32 v6, v10  }
0xc0: {  	s8 =	sadd.s32 $0x1, s8;
	v14 =	vand.u32 $0xF, v18;
	v15 =	vand.u32 $0xF, v16;
	v13 =	vand.u32 $0xF, v13  }
0xc1: {  	v14 =	vor.u32 s17, v14  }
0xc2: {  	v15 =	vor.u32 s17, v15;
	v16 =	vor.u32 v14, v10  }
0xc3: {  	v13 =	vor.u32 s17, v13;
	v17 =	vor.u32 v15, v10  }
0xc4: {  	v10 =	vor.u32 v13, v10;
	_ =	sdelay $0x1  }
0xc5: {  	v11 =	vld.idx.msk [tilespmem:v11+s16+$0x0], $0xffff  }
0xc6: {  	v6 =	vshll.u32 v6, $0x7;
	v16 =	vld.idx.msk [tilespmem:v16+s16+$0x0], $0xffff  }
0xc7: {  	v7 =	vmul.f32 $8.000000000e+00, v7;
	v14 =	vshll.u32 v14, $0x7;
	v6 =	vor.u32 v4, v6;
	v17 =	vld.idx.msk [tilespmem:v17+s16+$0x0], $0xffff  }
0xc8: {  	[tilespmem:v5+s28+$0x0] =	vst.idx.msk $0xffff, v12;
	v5 =	vshll.u32 v15, $0x7;
	v8 =	vmul.f32 $8.000000000e+00, v8;
	v12 =	vor.u32 v4, v14;
	v10 =	vld.idx.msk [tilespmem:v10+s16+$0x0], $0xffff  }
0xc9: {  	v13 =	vshll.u32 v13, $0x7;
	v9 =	vmul.f32 $8.000000000e+00, v9;
	v5 =	vor.u32 v4, v5;
	[tilespmem:v1+s28+$0x0] =	vst.idx.msk $0xffff, v7  }
0xca: {  	v1 =	vor.u32 v4, v13;
	[tilespmem:v3+s28+$0x0] =	vst.idx.msk $0xffff, v8;
	v3 =	vmul.f32 $8.000000000e+00, v11  }
0xcb: {  	[tilespmem:v2+s28+$0x0] =	vst.idx.msk $0xffff, v9;
	v2 =	vmul.f32 $8.000000000e+00, v16  }
0xcc: {  	[tilespmem:v6+s28+$0x0] =	vst.idx.msk $0xffff, v3;
	v3 =	vmul.f32 $8.000000000e+00, v17  }
0xcd: {  	v4 =	vmul.f32 $8.000000000e+00, v10;
	[tilespmem:v12+s28+$0x0] =	vst.idx.msk $0xffff, v2  }
0xce: {  	[tilespmem:v5+s28+$0x0] =	vst.idx.msk $0xffff, v3  }
0xcf: {  	s4 =	sadd.s32 s4, s9;
	p0 =	seq.s32 s10, $0x31;
	[tilespmem:v1+s28+$0x0] =	vst.idx.msk $0xffff, v4  }
0xd0: {  	[hbm4b:s4+s14] =	stream.strided.scatter [tilespmem:s28], [sflag:$0x6], $0x2000, s22, s14, $0x38;
	[tilespmem:$0x18400] =	vst v63  }
0xd1: {  	s4 =	sadd.s32 @!p0 $0x4, s7  }
0xd2: {  	s8 =	sshll.u32 @!p0 s4, $0x7;
	s4 =	sshll.u32 @!p0 s4, $0xC  }
0xd3: {  	s8 =	sand.u32 @!p0 $0x200, s8;
	s4 =	sand.u32 @!p0 $0x1F8000, s4  }
0xd4: {  	s15 =	simm.s32 @!p0 $0x5;
	s4 =	sor.u32 @!p0 s4, s8  }
0xd5: {  	_ =	swait.ge @!p0 [sflag:s15], $0x2000;
	s4 =	sor.u32 @!p0 s5, s4  }
0xd6: {  	[sflag:s15] =	ssyncset.done @!p0 $0x0;
	s4 =	sshrl.u32 @!p0 s4, $0x3  }
0xd7: {  	[sflag:s15] =	ssyncadd.s32 @!p0 $0xFFFFE000;
	s8 =	simm.s32 @!p0 $0x0;
	s4 =	sadd.s32 @!p0 s1, s4  }
0xd8: {  	[tilespmem:s8], [sflag:$0x9] =	stream.linear.gather @!p0 [hbm4b:s4+s8], $0x80, $0x38;
	[tilespmem:$0x18400] =	vst v63  }
0xd9: {  	s4 =	simm.s32 @!p0 $0x9  }
0xda: {  	_ =	swait.ge @!p0 [sflag:s4], $0x80  }
0xdb: {  	[sflag:s4] =	ssyncset.done @!p0 $0x0  }
0xdc: {  	[sflag:s4] =	ssyncadd.s32 @!p0 $0xFFFFFF80  }
0xdd: {  	v1 =	vld @!p0 [tilespmem:$0x0]  }
0xde: {  	v2 =	vld @!p0 [tilespmem:$0x10]  }
0xdf: {  	v3 =	vld @!p0 [tilespmem:$0x20]  }
0xe0: {  	v4 =	vld @!p0 [tilespmem:$0x30]  }
0xe1: {  	v5 =	vld @!p0 [tilespmem:$0x40]  }
0xe2: {  	v6 =	vld @!p0 [tilespmem:$0x50];
	v1 =	vshrl.u32 @!p0 v1, $0x1  }
0xe3: {  	[tilespmem:$0x200] =	vst @!p0 v1;
	v1 =	vshrl.u32 @!p0 v2, $0x1;
	v2 =	vld @!p0 [tilespmem:$0x60]  }
0xe4: {  	[tilespmem:$0x210] =	vst @!p0 v1;
	v1 =	vshrl.u32 @!p0 v3, $0x1;
	v3 =	vld @!p0 [tilespmem:$0x70]  }
0xe5: {  	[tilespmem:$0x220] =	vst @!p0 v1;
	v1 =	vshrl.u32 @!p0 v4, $0x1  }
0xe6: {  	[tilespmem:$0x230] =	vst @!p0 v1;
	v1 =	vshrl.u32 @!p0 v5, $0x1  }
0xe7: {  	[tilespmem:$0x240] =	vst @!p0 v1;
	v1 =	vshrl.u32 @!p0 v6, $0x1  }
0xe8: {  	[tilespmem:$0x250] =	vst @!p0 v1;
	v1 =	vshrl.u32 @!p0 v2, $0x1  }
0xe9: {  	[tilespmem:$0x260] =	vst @!p0 v1;
	v1 =	vshrl.u32 @!p0 v3, $0x1  }
0xea: {  	s15 =	simm.s32 @!p0 $0x400;
	s8 =	simm.s32 @!p0 $0x200;
	s4 =	simm.s32 @!p0 $0x80;
	[tilespmem:$0x270] =	vst @!p0 v1  }
0xeb: {  	[tilespmem:s15], [sflag:$0x1] =	stream.indirect.gather @!p0 [hbm4b:s6+s4], $0x80, s8, s4, $0xb8;
	[tilespmem:$0x18400] =	vst v63  }
0xec: {  	_ =	swait.ge [sflag:s29], $0x4000  }
0xed: {  	s17 =	simm.s32 $0x0;
	[sflag:s29] =	ssyncset.done $0x0  }
0xee: {  	s4 =	sand.u32 $0x70, s17;
	[sflag:s29] =	ssyncadd.s32 $0xFFFFC000  }
0xef: {  	v1 =	vld [tilespmem:s4+$0x100];
	_ =	sdelay $0x1  }
0xf0: {  	s18 =	simm.s32 $0x0  }
0xf1: {  	s15 =	sand.u32 $0xC, s18  }
0xf2: {  	s23 =	sor.u32 $0x3, s15  }
0xf3: {  	v5 =	vor.u32 s4, v0;
	v2 =	vadd.s32 s23, v0;
	v1 =	vshll.u32 v1, $0x6  }
0xf4: {  	s18 =	sand.u32 $0x30, s18;
	v3 =	vshll.u32 v5, $0x7;
	v2 =	vand.u32 $0xF, v2;
	v1 =	vand.u32 $0x40, v1  }
0xf5: {  	v4 =	vadd.s32 s15, v0;
	s23 =	sor.u32 $0x1, s15;
	v6 =	vor.u32 s18, v2;
	v1 =	vor.u32 v3, v1  }
0xf6: {  	s17 =	simm.s32 $0x1;
	s15 =	sor.u32 $0x2, s15;
	v4 =	vand.u32 $0xF, v4;
	v2 =	vadd.s32 s23, v0;
	s4 =	simm.s32 $0x4;
	v7 =	vor.u32 v6, v1  }
0xf7: {  	s8 =	sand.u32 $0x70, s17;
	v4 =	vor.u32 s18, v4;
	v2 =	vand.u32 $0xF, v2;
	s17 =	sand.u32 $0xC, s4;
	v3 =	vadd.s32 s15, v0  }
0xf8: {  	v8 =	vld [tilespmem:s8+$0x100];
	v2 =	vor.u32 s18, v2;
	v14 =	vadd.s32 s17, v0;
	v3 =	vand.u32 $0xF, v3  }
0xf9: {  	v9 =	vor.u32 v4, v1;
	v11 =	vor.u32 v2, v1;
	v3 =	vor.u32 s18, v3  }
0xfa: {  	v2 =	vshll.u32 v2, $0x7;
	v6 =	vshll.u32 v6, $0x7;
	v13 =	vor.u32 v3, v1  }
0xfb: {  	v1 =	vshll.u32 v4, $0x7;
	v4 =	vshll.u32 v3, $0x7;
	v3 =	vor.u32 v5, v2;
	v12 =	vld.idx.msk [tilespmem:v7+s19+$0x0], $0xffff  }
0xfc: {  	s18 =	sor.u32 $0x3, s17;
	v1 =	vor.u32 v5, v1;
	v2 =	vor.u32 v5, v4;
	v4 =	vor.u32 s8, v0  }
0xfd: {  	v5 =	vor.u32 v5, v6;
	v7 =	vshll.u32 v8, $0x6;
	v8 =	vadd.s32 s18, v0  }
0xfe: {  	s23 =	sor.u32 $0x1, s17;
	s15 =	sand.u32 $0x30, s4;
	v10 =	vshll.u32 v4, $0x7;
	v6 =	vand.u32 $0x40, v7;
	v8 =	vand.u32 $0xF, v8;
	v7 =	vld.idx.msk [tilespmem:v9+s19+$0x0], $0xffff  }
0xff: {  	v15 =	vadd.s32 s23, v0;
	s17 =	sor.u32 $0x2, s17;
	v10 =	vor.u32 v10, v6;
	v6 =	vor.u32 s15, v8;
	v8 =	vld.idx.msk [tilespmem:v11+s19+$0x0], $0xffff  }
0x100: {  	v16 =	vadd.s32 s17, v0;
	v9 =	vld.idx.msk [tilespmem:v13+s19+$0x0], $0xffff;
	v11 =	vor.u32 v6, v10;
	v12 =	vmul.f32 $8.000000000e+00, v12  }
0x101: {  	v14 =	vand.u32 $0xF, v14;
	v15 =	vand.u32 $0xF, v15;
	s8 =	simm.s32 $0x2;
	v13 =	vand.u32 $0xF, v16  }
.LBB2_7:
0x102: {  	s17 =	sand.u32 $0x70, s8;
	v14 =	vor.u32 s15, v14;
	v15 =	vor.u32 s15, v15;
	v13 =	vor.u32 s15, v13;
	[tilespmem:v5+s30+$0x0] =	vst.idx.msk $0xffff, v12  }
0x103: {  	v5 =	vld [tilespmem:s17+$0x100];
	v12 =	vor.u32 v14, v10;
	v16 =	vor.u32 v15, v10;
	v17 =	vor.u32 v13, v10  }
0x104: {  	v7 =	vmul.f32 $8.000000000e+00, v7;
	v10 =	vshll.u32 v15, $0x7;
	v8 =	vmul.f32 $8.000000000e+00, v8  }
0x105: {  	s4 =	sadd.s32 $0x4, s4;
	v14 =	vshll.u32 v14, $0x7;
	v13 =	vshll.u32 v13, $0x7;
	v9 =	vmul.f32 $8.000000000e+00, v9;
	v15 =	vld.idx.msk [tilespmem:v11+s19+$0x0], $0xffff  }
0x106: {  	s15 =	sand.u32 $0xC, s4;
	p1 =	slt.u32 s4, $0x1FC;
	v10 =	vor.u32 v4, v10;
	v13 =	vor.u32 v4, v13;
	v11 =	vor.u32 v4, v14  }
0x107: {  	v6 =	vshll.u32 v6, $0x7;
	v18 =	vadd.s32 s15, v0;
	s18 =	sor.u32 $0x2, s15;
	v14 =	vor.u32 s17, v0;
	s17 =	sor.u32 $0x1, s15;
	s15 =	sor.u32 $0x3, s15;
	[tilespmem:v1+s30+$0x0] =	vst.idx.msk $0xffff, v7;
	v1 =	vmovc v11  }
.Ltmp2:
0x108: {  	v19 =	vadd.s32 s15, v0;
	v11 =	vshll.u32 v5, $0x6;
	v7 =	vld.idx.msk [tilespmem:v12+s19+$0x0], $0xffff;
	v5 =	vor.u32 v4, v6;
	[tilespmem:v3+s30+$0x0] =	vst.idx.msk $0xffff, v8;
	(pc) =	sbr.rel @p1 .LBB2_7-.Ltmp2, $4  }
0x109: {  	s15 =	sand.u32 $0x30, s4;
	v6 =	vshll.u32 v14, $0x7;
	v3 =	vmovc v10;
	v12 =	vand.u32 $0x40, v11;
	v11 =	vand.u32 $0xF, v19;
	v8 =	vld.idx.msk [tilespmem:v16+s19+$0x0], $0xffff;
	[tilespmem:v2+s30+$0x0] =	vst.idx.msk $0xffff, v9  }
0x10a: {  	v4 =	vmovc v14;
	v16 =	vadd.s32 s17, v0;
	v2 =	vmovc v13;
	v10 =	vor.u32 v6, v12;
	v6 =	vor.u32 s15, v11;
	v9 =	vld.idx.msk [tilespmem:v17+s19+$0x0], $0xffff  }
0x10b: {  	v13 =	vadd.s32 s18, v0;
	v12 =	vmul.f32 $8.000000000e+00, v15;
	v11 =	vor.u32 v6, v10  }
0x10c: {  	s8 =	sadd.s32 $0x1, s8;
	v14 =	vand.u32 $0xF, v18;
	v15 =	vand.u32 $0xF, v16;
	v13 =	vand.u32 $0xF, v13  }
0x10d: {  	v14 =	vor.u32 s15, v14  }
0x10e: {  	v15 =	vor.u32 s15, v15;
	v16 =	vor.u32 v14, v10  }
0x10f: {  	v13 =	vor.u32 s15, v13;
	v17 =	vor.u32 v15, v10  }
0x110: {  	v10 =	vor.u32 v13, v10;
	_ =	sdelay $0x1  }
0x111: {  	v11 =	vld.idx.msk [tilespmem:v11+s19+$0x0], $0xffff  }
0x112: {  	v6 =	vshll.u32 v6, $0x7;
	v16 =	vld.idx.msk [tilespmem:v16+s19+$0x0], $0xffff  }
0x113: {  	v7 =	vmul.f32 $8.000000000e+00, v7;
	v14 =	vshll.u32 v14, $0x7;
	v6 =	vor.u32 v4, v6;
	v17 =	vld.idx.msk [tilespmem:v17+s19+$0x0], $0xffff  }
0x114: {  	[tilespmem:v5+s30+$0x0] =	vst.idx.msk $0xffff, v12;
	v5 =	vshll.u32 v15, $0x7;
	v8 =	vmul.f32 $8.000000000e+00, v8;
	v12 =	vor.u32 v4, v14;
	v10 =	vld.idx.msk [tilespmem:v10+s19+$0x0], $0xffff  }
0x115: {  	v13 =	vshll.u32 v13, $0x7;
	v9 =	vmul.f32 $8.000000000e+00, v9;
	v5 =	vor.u32 v4, v5;
	[tilespmem:v1+s30+$0x0] =	vst.idx.msk $0xffff, v7  }
0x116: {  	v1 =	vor.u32 v4, v13;
	[tilespmem:v3+s30+$0x0] =	vst.idx.msk $0xffff, v8;
	v3 =	vmul.f32 $8.000000000e+00, v11  }
0x117: {  	[tilespmem:v2+s30+$0x0] =	vst.idx.msk $0xffff, v9;
	v2 =	vmul.f32 $8.000000000e+00, v16  }
0x118: {  	s4 =	sshll.u32 s13, $0x12;
	[tilespmem:v6+s30+$0x0] =	vst.idx.msk $0xffff, v3;
	v3 =	vmul.f32 $8.000000000e+00, v17  }
0x119: {  	s4 =	sor.u32 s5, s4;
	v4 =	vmul.f32 $8.000000000e+00, v10;
	[tilespmem:v12+s30+$0x0] =	vst.idx.msk $0xffff, v2  }
0x11a: {  	s4 =	sshrl.u32 s4, $0x3;
	[tilespmem:v5+s30+$0x0] =	vst.idx.msk $0xffff, v3  }
0x11b: {  	s4 =	sadd.s32 s3, s4;
	[tilespmem:v1+s30+$0x0] =	vst.idx.msk $0xffff, v4  }
0x11c: {  	[hbm4b:s4+s14] =	stream.strided.scatter [tilespmem:s30], [sflag:$0x7], $0x2000, s22, s14, $0x38;
	[tilespmem:$0x18400] =	vst v63  }
0x11d: {  	s4 =	sadd.s32 @!p0 $0x5, s7  }
0x11e: {  	s7 =	sshll.u32 @!p0 s4, $0x7;
	s4 =	sshll.u32 @!p0 s4, $0xC  }
0x11f: {  	s8 =	simm.s32 @!p0 $0x6;
	s7 =	sand.u32 @!p0 $0x280, s7;
	s4 =	sand.u32 @!p0 $0x1F8000, s4  }
0x120: {  	_ =	swait.ge @!p0 [sflag:s8], $0x2000;
	s4 =	sor.u32 @!p0 s4, s7  }
0x121: {  	[sflag:s8] =	ssyncset.done @!p0 $0x0;
	s4 =	sor.u32 @!p0 s5, s4  }
0x122: {  	[sflag:s8] =	ssyncadd.s32 @!p0 $0xFFFFE000;
	s4 =	sshrl.u32 @!p0 s4, $0x3  }
0x123: {  	s7 =	simm.s32 @!p0 $0x0;
	s8 =	simm.s32 @!p0 $0x80;
	s4 =	sadd.s32 @!p0 s1, s4  }
0x124: {  	[tilespmem:s8], [sflag:$0x9] =	stream.linear.gather @!p0 [hbm4b:s4+s7], $0x80, $0x38;
	[tilespmem:$0x18400] =	vst v63  }
0x125: {  	s4 =	simm.s32 @!p0 $0x9  }
0x126: {  	_ =	swait.ge @!p0 [sflag:s4], $0x80  }
0x127: {  	[sflag:s4] =	ssyncset.done @!p0 $0x0  }
0x128: {  	[sflag:s4] =	ssyncadd.s32 @!p0 $0xFFFFFF80  }
0x129: {  	v1 =	vld @!p0 [tilespmem:$0x80]  }
0x12a: {  	v2 =	vld @!p0 [tilespmem:$0x90]  }
0x12b: {  	v3 =	vld @!p0 [tilespmem:$0xA0]  }
0x12c: {  	v4 =	vld @!p0 [tilespmem:$0xB0]  }
0x12d: {  	v5 =	vld @!p0 [tilespmem:$0xC0]  }
0x12e: {  	v6 =	vld @!p0 [tilespmem:$0xD0];
	v1 =	vshrl.u32 @!p0 v1, $0x1  }
0x12f: {  	[tilespmem:$0x280] =	vst @!p0 v1;
	v1 =	vshrl.u32 @!p0 v2, $0x1;
	v2 =	vld @!p0 [tilespmem:$0xE0]  }
0x130: {  	[tilespmem:$0x290] =	vst @!p0 v1;
	v1 =	vshrl.u32 @!p0 v3, $0x1;
	v3 =	vld @!p0 [tilespmem:$0xF0]  }
0x131: {  	[tilespmem:$0x2A0] =	vst @!p0 v1;
	v1 =	vshrl.u32 @!p0 v4, $0x1  }
0x132: {  	[tilespmem:$0x2B0] =	vst @!p0 v1;
	v1 =	vshrl.u32 @!p0 v5, $0x1  }
0x133: {  	[tilespmem:$0x2C0] =	vst @!p0 v1;
	v1 =	vshrl.u32 @!p0 v6, $0x1  }
0x134: {  	[tilespmem:$0x2D0] =	vst @!p0 v1;
	v1 =	vshrl.u32 @!p0 v2, $0x1  }
0x135: {  	[tilespmem:$0x2E0] =	vst @!p0 v1;
	v1 =	vshrl.u32 @!p0 v3, $0x1  }
0x136: {  	s7 =	simm.s32 @!p0 $0x4400;
	s4 =	simm.s32 @!p0 $0x280;
	[tilespmem:$0x2F0] =	vst @!p0 v1  }
0x137: {  	[tilespmem:s7], [sflag:$0x2] =	stream.indirect.gather @!p0 [hbm4b:s6+s8], $0x80, s4, s8, $0xb8;
	[tilespmem:$0x18400] =	vst v63  }
0x138: {  	_ =	swait.ge [sflag:s31], $0x4000  }
0x139: {  	s13 =	simm.s32 $0x0;
	[sflag:s31] =	ssyncset.done $0x0  }
0x13a: {  	s4 =	sand.u32 $0x70, s13;
	[sflag:s31] =	ssyncadd.s32 $0xFFFFC000  }
0x13b: {  	v1 =	vld [tilespmem:s4+$0x180];
	_ =	sdelay $0x1  }
0x13c: {  	s15 =	simm.s32 $0x0  }
0x13d: {  	s17 =	sand.u32 $0xC, s15  }
0x13e: {  	s18 =	sor.u32 $0x3, s17  }
0x13f: {  	v2 =	vadd.s32 s18, v0;
	v5 =	vor.u32 s4, v0;
	v1 =	vshll.u32 v1, $0x6  }
0x140: {  	s23 =	sand.u32 $0x30, s15;
	v2 =	vand.u32 $0xF, v2;
	v3 =	vshll.u32 v5, $0x7;
	v1 =	vand.u32 $0x40, v1  }
0x141: {  	v4 =	vadd.s32 s17, v0;
	v6 =	vor.u32 s23, v2;
	s13 =	sor.u32 $0x1, s17;
	v1 =	vor.u32 v3, v1  }
0x142: {  	s15 =	simm.s32 $0x1;
	v4 =	vand.u32 $0xF, v4;
	s8 =	sor.u32 $0x2, s17;
	v2 =	vadd.s32 s13, v0;
	s4 =	simm.s32 $0x4;
	v7 =	vor.u32 v6, v1  }
0x143: {  	v4 =	vor.u32 s23, v4;
	s7 =	sand.u32 $0x70, s15;
	v2 =	vand.u32 $0xF, v2;
	s17 =	sand.u32 $0xC, s4;
	v3 =	vadd.s32 s8, v0  }
0x144: {  	v2 =	vor.u32 s23, v2;
	v8 =	vld [tilespmem:s7+$0x180];
	v14 =	vadd.s32 s17, v0;
	v3 =	vand.u32 $0xF, v3  }
0x145: {  	v9 =	vor.u32 v4, v1;
	v11 =	vor.u32 v2, v1;
	v3 =	vor.u32 s23, v3  }
0x146: {  	v2 =	vshll.u32 v2, $0x7;
	v6 =	vshll.u32 v6, $0x7;
	v13 =	vor.u32 v3, v1  }
0x147: {  	v1 =	vshll.u32 v4, $0x7;
	v4 =	vshll.u32 v3, $0x7;
	v3 =	vor.u32 v5, v2;
	v12 =	vld.idx.msk [tilespmem:v7+s25+$0x0], $0xffff  }
0x148: {  	s18 =	sor.u32 $0x3, s17;
	v1 =	vor.u32 v5, v1;
	v2 =	vor.u32 v5, v4;
	v4 =	vor.u32 s7, v0  }
0x149: {  	v5 =	vor.u32 v5, v6;
	v7 =	vshll.u32 v8, $0x6;
	v8 =	vadd.s32 s18, v0  }
0x14a: {  	s13 =	sor.u32 $0x2, s17;
	s8 =	sand.u32 $0x30, s4;
	v10 =	vshll.u32 v4, $0x7;
	v6 =	vand.u32 $0x40, v7;
	v8 =	vand.u32 $0xF, v8;
	v7 =	vld.idx.msk [tilespmem:v9+s25+$0x0], $0xffff  }
0x14b: {  	v16 =	vadd.s32 s13, v0;
	s23 =	sor.u32 $0x1, s17;
	v10 =	vor.u32 v10, v6;
	v6 =	vor.u32 s8, v8;
	v8 =	vld.idx.msk [tilespmem:v11+s25+$0x0], $0xffff  }
0x14c: {  	v15 =	vadd.s32 s23, v0;
	v9 =	vld.idx.msk [tilespmem:v13+s25+$0x0], $0xffff;
	v11 =	vor.u32 v6, v10;
	v12 =	vmul.f32 $8.000000000e+00, v12  }
0x14d: {  	v14 =	vand.u32 $0xF, v14;
	v15 =	vand.u32 $0xF, v15;
	s7 =	simm.s32 $0x2;
	v13 =	vand.u32 $0xF, v16  }
.LBB2_9:
0x14e: {  	s13 =	sand.u32 $0x70, s7;
	v14 =	vor.u32 s8, v14;
	v15 =	vor.u32 s8, v15;
	v13 =	vor.u32 s8, v13;
	[tilespmem:v5+s0+$0x0] =	vst.idx.msk $0xffff, v12  }
0x14f: {  	v5 =	vld [tilespmem:s13+$0x180];
	v12 =	vor.u32 v14, v10;
	v16 =	vor.u32 v15, v10;
	v17 =	vor.u32 v13, v10  }
0x150: {  	v7 =	vmul.f32 $8.000000000e+00, v7;
	v10 =	vshll.u32 v15, $0x7;
	v8 =	vmul.f32 $8.000000000e+00, v8  }
0x151: {  	s4 =	sadd.s32 $0x4, s4;
	v14 =	vshll.u32 v14, $0x7;
	v13 =	vshll.u32 v13, $0x7;
	v9 =	vmul.f32 $8.000000000e+00, v9;
	v15 =	vld.idx.msk [tilespmem:v11+s25+$0x0], $0xffff  }
0x152: {  	s8 =	sand.u32 $0xC, s4;
	p0 =	slt.u32 s4, $0x1FC;
	v10 =	vor.u32 v4, v10;
	v13 =	vor.u32 v4, v13;
	v11 =	vor.u32 v4, v14  }
0x153: {  	v6 =	vshll.u32 v6, $0x7;
	v18 =	vadd.s32 s8, v0;
	s15 =	sor.u32 $0x2, s8;
	v14 =	vor.u32 s13, v0;
	s13 =	sor.u32 $0x1, s8;
	s8 =	sor.u32 $0x3, s8;
	[tilespmem:v1+s0+$0x0] =	vst.idx.msk $0xffff, v7;
	v1 =	vmovc v11  }
.Ltmp3:
0x154: {  	v19 =	vadd.s32 s8, v0;
	v11 =	vshll.u32 v5, $0x6;
	v7 =	vld.idx.msk [tilespmem:v12+s25+$0x0], $0xffff;
	v5 =	vor.u32 v4, v6;
	[tilespmem:v3+s0+$0x0] =	vst.idx.msk $0xffff, v8;
	(pc) =	sbr.rel @p0 .LBB2_9-.Ltmp3, $4  }
0x155: {  	s8 =	sand.u32 $0x30, s4;
	v6 =	vshll.u32 v14, $0x7;
	v3 =	vmovc v10;
	v12 =	vand.u32 $0x40, v11;
	v11 =	vand.u32 $0xF, v19;
	v8 =	vld.idx.msk [tilespmem:v16+s25+$0x0], $0xffff;
	[tilespmem:v2+s0+$0x0] =	vst.idx.msk $0xffff, v9  }
0x156: {  	v4 =	vmovc v14;
	v16 =	vadd.s32 s13, v0;
	v2 =	vmovc v13;
	v10 =	vor.u32 v6, v12;
	v6 =	vor.u32 s8, v11;
	v9 =	vld.idx.msk [tilespmem:v17+s25+$0x0], $0xffff  }
0x157: {  	v13 =	vadd.s32 s15, v0;
	v12 =	vmul.f32 $8.000000000e+00, v15;
	v11 =	vor.u32 v6, v10  }
0x158: {  	s7 =	sadd.s32 $0x1, s7;
	v14 =	vand.u32 $0xF, v18;
	v15 =	vand.u32 $0xF, v16;
	v13 =	vand.u32 $0xF, v13  }
0x159: {  	v14 =	vor.u32 s8, v14  }
0x15a: {  	v15 =	vor.u32 s8, v15;
	v16 =	vor.u32 v14, v10  }
0x15b: {  	v13 =	vor.u32 s8, v13;
	v17 =	vor.u32 v15, v10  }
0x15c: {  	v60 =	vor.u32 v13, v10;
	_ =	sdelay $0x1  }
0x15d: {  	v11 =	vld.idx.msk [tilespmem:v11+s25+$0x0], $0xffff  }
0x15e: {  	v6 =	vshll.u32 v6, $0x7;
	v16 =	vld.idx.msk [tilespmem:v16+s25+$0x0], $0xffff  }
0x15f: {  	v7 =	vmul.f32 $8.000000000e+00, v7;
	v14 =	vshll.u32 v14, $0x7;
	v6 =	vor.u32 v4, v6;
	v17 =	vld.idx.msk [tilespmem:v17+s25+$0x0], $0xffff  }
0x160: {  	[tilespmem:v5+s0+$0x0] =	vst.idx.msk $0xffff, v12;
	v61 =	vshll.u32 v15, $0x7;
	v8 =	vmul.f32 $8.000000000e+00, v8;
	v62 =	vor.u32 v4, v14;
	v10 =	vld.idx.msk [tilespmem:v60+s25+$0x0], $0xffff  }
0x161: {  	v13 =	vshll.u32 v13, $0x7;
	v9 =	vmul.f32 $8.000000000e+00, v9;
	v5 =	vor.u32 v4, v61;
	[tilespmem:v1+s0+$0x0] =	vst.idx.msk $0xffff, v7  }
0x162: {  	s10 =	sadd.s32 $0x1, s10;
	v1 =	vor.u32 v4, v13;
	[tilespmem:v3+s0+$0x0] =	vst.idx.msk $0xffff, v8;
	v3 =	vmul.f32 $8.000000000e+00, v11  }
0x163: {  	p0 =	sne.s32 s10, $0x32;
	[tilespmem:v2+s0+$0x0] =	vst.idx.msk $0xffff, v9;
	v2 =	vmul.f32 $8.000000000e+00, v16  }
.Ltmp4:
0x164: {  	s2 =	sshll.u32 s2, $0x12;
	[tilespmem:v6+s0+$0x0] =	vst.idx.msk $0xffff, v3;
	v3 =	vmul.f32 $8.000000000e+00, v17;
	(pc) =	sbr.rel @p0 .LBB2_2-.Ltmp4, $4  }
0x165: {  	s2 =	sor.u32 s5, s2;
	v63 =	vmul.f32 $8.000000000e+00, v10;
	[tilespmem:v62+s0+$0x0] =	vst.idx.msk $0xffff, v2  }
0x166: {  	s2 =	sshrl.u32 s2, $0x3;
	[tilespmem:v5+s0+$0x0] =	vst.idx.msk $0xffff, v3  }
0x167: {  	s2 =	sadd.s32 s3, s2;
	[tilespmem:v1+s0+$0x0] =	vst.idx.msk $0xffff, v63  }
0x168: {  	[hbm4b:s2+s14] =	stream.strided.scatter [tilespmem:s0], [sflag:$0x8], $0x2000, s22, s14, $0x38;
	[tilespmem:$0x18400] =	vst v63  }
0x169: {  	s2 =	simm.s32 $0x5  }
0x16a: {  	_ =	swait.ge [sflag:s2], $0x2000  }
0x16b: {  	[sflag:s2] =	ssyncset.done $0x0  }
0x16c: {  	s17 =	simm.s32 $0x6;
	[sflag:s2] =	ssyncadd.s32 $0xFFFFE000  }
0x16d: {  	_ =	swait.ge [sflag:s17], $0x2000  }
0x16e: {  	[sflag:s17] =	ssyncset.done $0x0  }
0x16f: {  	s18 =	simm.s32 $0x7;
	[sflag:s17] =	ssyncadd.s32 $0xFFFFE000  }
0x170: {  	_ =	swait.ge [sflag:s18], $0x2000  }
0x171: {  	[sflag:s18] =	ssyncset.done $0x0  }
0x172: {  	s4 =	simm.s32 $0x8;
	[sflag:s18] =	ssyncadd.s32 $0xFFFFE000  }
0x173: {  	_ =	swait.ge [sflag:s4], $0x2000  }
0x174: {  	s7 =	rddreg [dreg:$0x7]  }
0x175: {  	s23 =	rddreg [dreg:$0x6];
	s7 =	sadd.s32 $0x1, s7  }
0x176: {  	p0 =	sne.s32 s7, s23  }
.Ltmp5:
0x177: {  	_ = 	snop;
	(pc) =	sbr.rel @p0 .LBB2_1-.Ltmp5, $3  }
0x178: {  	_ =	sdelay $0x1  }
0x179: {  	[sflag:s4] =	ssyncset.done $0x0  }
0x17a: {  	[sflag:s4] =	ssyncadd.s32 $0xFFFFE000  }
0x17b: {  	_ =	sfence.sel $0x180000  }
0x17c: {  	[bflag:$0x0] =	sbarrier.arrive $0xFFFF  }
0x17d: {  	_ =	strace $0x9000004A  }
0x17e: {  	s0 =	stileid.u32;
	[bflag:$0x2] =	sbarrier.arrive $0xFFFF  }
0x17f: {  	p0 =	sne.s32 s0, $0x0;
	s0 =	rddreg [dreg:$0x3]  }
0x180: {  	s0 =	sadd.s32 @!p0 $0x100000, s0  }
0x181: {  	[sflag:s0] =	ssyncadd.tile.s32 @!p0 $0x1;
	_ =	shalt  }
.Lfunc_end2:
_tile_overlayer_lowered:
.L_overlay_start_2:
0x182: {  	(tag) =	ssettag $0x2  }
0x183: {  	s0 =	rddreg [dreg:$0x0];
	s2 =	stileid.u32  }
0x184: {  	s1 =	rddreg [dreg:$0x1];
	p0 =	sne.s32 s2, $0x0  }
0x185: {  	s3 =	rddreg [dreg:$0x2];
	[bflag:$0x3] =	sbarrier.arrive $0xFFFF;
	s2 =	simm.s32 @!p0 $0x1C09  }
0x186: {  	[timem:s3], [sflag:s2] =	dma.local @!p0 [hbm:s0], s1  }
0x187: {  	s0 =	simm.s32 @!p0 $0x9  }
0x188: {  	_ =	swait.ge @!p0 [sflag:s0], s1  }
0x189: {  	s1 =	ssub.s32 @!p0 $0x0, s1;
	[sflag:s0] =	ssyncset.done @!p0 $0x0  }
0x18a: {  	[sflag:s0] =	ssyncadd.s32 @!p0 s1  }
0x18b: {  	[bflag:$0x3] =	sbarrier.arrive $0xFFFF  }
0x18c: {  	_ =	shalt  }

</sc_bundles>
